<compile_context>
chip_gen: v7x
topology: tpu7x:2x2x1
jax: 0.10.2.dev20260603
libtpu: 0.0.44.dev20260713+nightly
codegen_flags: <defaults>
</compile_context>

<pallas_src>
import functools

import jax
import jax.numpy as jnp
from jax import lax
from jax.experimental import pallas as pl
from jax.experimental.pallas import tpu as pltpu
from jax.experimental.pallas import tpu_sc as plsc

R, B, D, K, TOPK = 1024, 32, 128, 16, 4
BD = B * D

RBLK = 128


CBLK2 = 256
NJB = R // CBLK2


def _tc_gram_body(hfull_ref, s_ref, hhi_ref, hlo_ref):
    i = pl.program_id(0)
    jb = pl.program_id(1)

    @pl.when((i == 0) & (jb == 0))
    def _split():
        hf = hfull_ref[...]
        hi = hf.astype(jnp.bfloat16)
        hhi_ref[...] = hi
        hlo_ref[...] = (hf - hi.astype(jnp.float32)).astype(jnp.bfloat16)

    @pl.when(jb >= i // 2)
    def _compute():
        lhs_hi = hhi_ref[pl.ds(i * RBLK, RBLK), :]
        lhs_lo = hlo_ref[pl.ds(i * RBLK, RBLK), :]
        rhs_hi = hhi_ref[pl.ds(jb * CBLK2, CBLK2), :]
        rhs_lo = hlo_ref[pl.ds(jb * CBLK2, CBLK2), :]
        dn = (((1,), (1,)), ((), ()))
        s_ref[...] = (
            lax.dot_general(lhs_hi, rhs_hi, dn,
                            preferred_element_type=jnp.float32)
            + lax.dot_general(lhs_hi, rhs_lo, dn,
                              preferred_element_type=jnp.float32)
            + lax.dot_general(lhs_lo, rhs_hi, dn,
                              preferred_element_type=jnp.float32))


def _tc_gram(h1):
    return pl.pallas_call(
        _tc_gram_body,
        grid=(R // RBLK, NJB),
        in_specs=[
            pl.BlockSpec((R, BD), lambda i, jb: (0, 0)),
        ],
        out_specs=pl.BlockSpec(
            (RBLK, CBLK2), lambda i, jb: (i, jnp.maximum(jb, i // 2))),
        out_shape=jax.ShapeDtypeStruct((R, R), jnp.float32),
        scratch_shapes=[
            pltpu.VMEM((R, BD), jnp.bfloat16),
            pltpu.VMEM((R, BD), jnp.bfloat16),
        ],
    )(h1)


NW = 32
RW = R // NW
CH = 2
NCHUNK = RW // CH


def _sc_select_gather():
    mesh = plsc.VectorSubcoreMesh(core_axis_name="c", subcore_axis_name="s")

    @functools.partial(
        pl.kernel,
        mesh=mesh,
        out_type=jax.ShapeDtypeStruct((R, BD), jnp.float32),
        compiler_params=pltpu.CompilerParams(use_tc_tiling_on_sc=False,
                                             needs_layout_passes=False),
        scratch_types=[
            pltpu.VMEM((RW, K), jnp.int32),
            pltpu.VMEM((CH * K,), jnp.int32),
            pltpu.VMEM((CH * K,), jnp.int32),
            pltpu.VMEM((CH * K,), jnp.int32),
            pltpu.VMEM((CH * K,), jnp.int32),
            pltpu.VMEM((CH * K, 16), jnp.float32),
            pltpu.VMEM((CH * K, 16), jnp.float32),
            pltpu.VMEM((CH * K,), jnp.int32),
            pltpu.VMEM((16,), jnp.int32),
            pltpu.VMEM((16,), jnp.int32),
            pltpu.VMEM((CH * TOPK, BD), jnp.float32),
            pltpu.VMEM((CH * TOPK, BD), jnp.float32),
            pltpu.VMEM((CH, BD), jnp.float32),
            pltpu.VMEM((CH, BD), jnp.float32),
            pltpu.SemaphoreType.DMA,
            pltpu.SemaphoreType.DMA,
            pltpu.SemaphoreType.DMA,
            pltpu.SemaphoreType.DMA,
            pltpu.SemaphoreType.DMA,
            pltpu.SemaphoreType.DMA,
        ],
    )
    def body(s16_hbm, nbr_hbm, h_hbm, hbar_hbm,
             nbr_v, si_v0, si_v1, fl_v0, fl_v1, sbuf0, sbuf1,
             sel_v, idx_v0, idx_v1,
             rows_v0, rows_v1, acc_v0, acc_v1,
             ss_sem0, ss_sem1, g_sem0, g_sem1, o_sem0, o_sem1):
        si_v = (si_v0, si_v1)
        fl_v = (fl_v0, fl_v1)
        sbuf = (sbuf0, sbuf1)
        idx_v = (idx_v0, idx_v1)
        rows_v = (rows_v0, rows_v1)
        acc_v = (acc_v0, acc_v1)
        ss_sem = (ss_sem0, ss_sem1)
        g_sem = (g_sem0, g_sem1)
        o_sem = (o_sem0, o_sem1)

        cid = lax.axis_index("c")
        sid = lax.axis_index("s")
        wid = sid * 2 + cid
        base = wid * RW
        pltpu.sync_copy(nbr_hbm.at[pl.ds(base, RW)], nbr_v)

        lanes = lax.iota(jnp.int32, 16)
        perm = ((lanes & 7) >> 2) * K + (lanes & 3)

        def start_sims(c):
            b = c % 2
            for rr in range(CH):
                cand = nbr_v[c * CH + rr, :]
                rv = jnp.full((16,), base + c * CH + rr, jnp.int32)
                mn = jnp.minimum(rv, cand)
                mx = jnp.maximum(rv, cand)
                f = mn * R + mx
                si_v[b][pl.ds(rr * K, K)] = f >> 4
                fl_v[b][pl.ds(rr * K, K)] = f & 15
            return pltpu.async_copy(
                s16_hbm.at[si_v[b]], sbuf[b], ss_sem[b])

        def start_gather(c):
            b = c % 2
            for rr in range(CH):
                cand = nbr_v[c * CH + rr, :]
                srow = (rr * K) + lanes
                scol = fl_v[b][pl.ds(rr * K, K)]
                sims = plsc.load_gather(sbuf[b], [srow, scol])
                _, order = plsc.sort_key_val(sims, cand, descending=True)
                sel_v[pl.ds(rr * K, K)] = order
            idx_v[b][...] = plsc.load_gather(sel_v, [perm])
            return pltpu.async_copy(
                h_hbm.at[idx_v[b].at[pl.ds(0, CH * TOPK)]],
                rows_v[b], g_sem[b])

        def accum_and_out(c):
            b = c % 2
            rb_v, ac_v = rows_v[b], acc_v[b]

            def accum(j, _):
                off = j * 16
                for rr in range(CH):
                    rb = rr * TOPK
                    acc = (rb_v[rb, pl.ds(off, 16)]
                           + rb_v[rb + 1, pl.ds(off, 16)]
                           + rb_v[rb + 2, pl.ds(off, 16)]
                           + rb_v[rb + 3, pl.ds(off, 16)])
                    ac_v[rr, pl.ds(off, 16)] = acc * 0.25
                return 0
            lax.fori_loop(0, BD // 16, accum, 0)
            return pltpu.async_copy(
                ac_v, hbar_hbm.at[pl.ds(base + c * CH, CH)], o_sem[b])

        s_dma = [None] * NCHUNK
        g_dma = [None] * NCHUNK
        o_dma = [None] * NCHUNK
        s_dma[0] = start_sims(0)
        s_dma[0].wait()
        s_dma[1] = start_sims(1)
        g_dma[0] = start_gather(0)
        for c in range(NCHUNK):
            if c + 1 < NCHUNK:
                s_dma[c + 1].wait()
                if c + 2 < NCHUNK:
                    s_dma[c + 2] = start_sims(c + 2)
                g_dma[c + 1] = start_gather(c + 1)
            g_dma[c].wait()
            if c >= 2:
                o_dma[c - 2].wait()
            o_dma[c] = accum_and_out(c)
        o_dma[NCHUNK - 2].wait()
        o_dma[NCHUNK - 1].wait()

    return body


CBLK = 4096


def _tc_merge_body(h2_ref, hbar_ref, wm_ref, wmsg_ref, bmsg_ref, bmrg_ref,
                   out_ref):
    wm1 = wm_ref[:, :D]
    wm2 = wm_ref[:, D:]
    w_eff = lax.dot_general(wm2, wmsg_ref[...], (((1,), (0,)), ((), ())),
                            preferred_element_type=jnp.float32)
    b_eff = bmrg_ref[...] + lax.dot_general(
        bmsg_ref[...], wm2, (((1,), (1,)), ((), ())),
        preferred_element_type=jnp.float32)
    dn = (((1,), (1,)), ((), ()))
    out_ref[...] = (lax.dot_general(h2_ref[...], wm1, dn,
                                    preferred_element_type=jnp.float32)
                    + lax.dot_general(hbar_ref[...], w_eff, dn,
                                      preferred_element_type=jnp.float32)
                    + b_eff)


def _tc_merge(h2, hbar2, w_merge, w_msg, b_msg, b_merge):
    return pl.pallas_call(
        _tc_merge_body,
        grid=(R * B // CBLK,),
        in_specs=[
            pl.BlockSpec((CBLK, D), lambda i: (i, 0)),
            pl.BlockSpec((CBLK, D), lambda i: (i, 0)),
            pl.BlockSpec((D, 2 * D), lambda i: (0, 0)),
            pl.BlockSpec((D, D), lambda i: (0, 0)),
            pl.BlockSpec((1, D), lambda i: (0, 0)),
            pl.BlockSpec((1, D), lambda i: (0, 0)),
        ],
        out_specs=pl.BlockSpec((CBLK, D), lambda i: (i, 0)),
        out_shape=jax.ShapeDtypeStruct((R * B, D), jnp.float32),
    )(h2, hbar2, w_merge, w_msg, b_msg, b_merge)


def kernel(h_by_region, neighbor_indices, W_msg, b_msg, W_merge, b_merge):
    h1 = h_by_region.reshape(R, BD)
    h2 = h_by_region.reshape(R * B, D)
    s = _tc_gram(h1)
    hbar = _sc_select_gather()(s.reshape(R * R // 16, 16),
                               neighbor_indices, h1)
    out = _tc_merge(h2, hbar.reshape(R * B, D), W_merge, W_msg,
                    b_msg.reshape(1, D), b_merge.reshape(1, D))
    return out.reshape(R, B, D)

# --- scband reference (transcript-rebuilt; emitter-appended) ---
"""Pipeline reference for scband-sparse-message-passing-20890720927772 (READ-ONLY COPY).

The authoritative reference and input builder live on the scoring server;
editing this copy changes nothing except your own understanding.
"""

import jax, jax.numpy as jnp
import numpy as np

R, B, D, K, TOPK = 1024, 32, 128, 16, 4


def setup_inputs(seed: int = 0) -> dict:
    key = jax.random.key(seed)
    k1, k2, k3, k4, k5, k6 = jax.random.split(key, 6)
    h_by_region = jax.random.normal(k1, (R, B, D), dtype=jnp.float32)
    # list[list[int]] of K neighbors per region, materialized as an int matrix
    neighbor_indices = jax.random.randint(k2, (R, K), 0, R, dtype=jnp.int32)
    # nn.Linear(d_model, d_model) -> weight [D, D], bias [D]
    W_msg = jax.random.normal(k3, (D, D), dtype=jnp.float32) * (1.0 / np.sqrt(D))
    b_msg = jax.random.normal(k4, (D,), dtype=jnp.float32) * (1.0 / np.sqrt(D))
    # nn.Linear(2*d_model, d_model) -> weight [D, 2D], bias [D]
    W_merge = jax.random.normal(k5, (D, 2 * D), dtype=jnp.float32) * (1.0 / np.sqrt(2 * D))
    b_merge = jax.random.normal(k6, (D,), dtype=jnp.float32) * (1.0 / np.sqrt(2 * D))
    return {
        "h_by_region": h_by_region,
        "neighbor_indices": neighbor_indices,
        "W_msg": W_msg,
        "b_msg": b_msg,
        "W_merge": W_merge,
        "b_merge": b_merge,
    }


def reference(h_by_region, neighbor_indices, W_msg, b_msg, W_merge, b_merge):
    # Gather candidate neighbor features: [R, K, B, D]
    nbh = jnp.take(h_by_region, neighbor_indices, axis=0)
    # sim = (h[r] * h[j]).mean(dim=-1).mean() for each candidate j -> [R, K]
    sims = (h_by_region[:, None, :, :] * nbh).mean(axis=-1).mean(axis=-1)
    # Select top-k neighbors by similarity (K=16 > top_k=4, so the branch always fires)
    _, top_idx = jax.lax.top_k(sims, TOPK)                      # [R, TOPK]
    sel = jnp.take_along_axis(neighbor_indices, top_idx, axis=1)  # [R, TOPK]
    sel_h = jnp.take(h_by_region, sel, axis=0)                  # [R, TOPK, B, D]
    # msg linear applied to each selected neighbor, then mean over neighbors
    msgs = sel_h @ W_msg.T + b_msg                              # [R, TOPK, B, D]
    m = msgs.mean(axis=1)                                       # [R, B, D]
    # merge(cat([h_r, m], -1))
    cat = jnp.concatenate([h_by_region, m], axis=-1)            # [R, B, 2D]
    out = cat @ W_merge.T + b_merge                             # [R, B, D]
    # aux avg_fanin is a python float (== TOPK); only the tensor output is returned
    return out

if __name__ == "__main__":
    import jax
    _d = setup_inputs()
    print(jax.jit(kernel)(*tuple(_d.values())))

</pallas_src>

<mosaic_0001>
#map = affine_map<(d0, d1) -> (0, 0)>
module attributes {stable_mosaic.version = 14 : i64} {
  func.func @body(%arg0: i32, %arg1: i32, %arg2: memref<65536x16xf32, #tpu.memory_space<hbm>>, %arg3: memref<1024x16xi32, #tpu.memory_space<hbm>>, %arg4: memref<1024x4096xf32, #tpu.memory_space<hbm>>, %arg5: memref<1024x4096xf32, #tpu.memory_space<hbm>>, %arg6: memref<32x16xi32, #tpu.memory_space<vmem>>, %arg7: memref<32xi32, #tpu.memory_space<vmem>>, %arg8: memref<32xi32, #tpu.memory_space<vmem>>, %arg9: memref<32xi32, #tpu.memory_space<vmem>>, %arg10: memref<32xi32, #tpu.memory_space<vmem>>, %arg11: memref<32x16xf32, #tpu.memory_space<vmem>>, %arg12: memref<32x16xf32, #tpu.memory_space<vmem>>, %arg13: memref<32xi32, #tpu.memory_space<vmem>>, %arg14: memref<16xi32, #tpu.memory_space<vmem>>, %arg15: memref<16xi32, #tpu.memory_space<vmem>>, %arg16: memref<8x4096xf32, #tpu.memory_space<vmem>>, %arg17: memref<8x4096xf32, #tpu.memory_space<vmem>>, %arg18: memref<2x4096xf32, #tpu.memory_space<vmem>>, %arg19: memref<2x4096xf32, #tpu.memory_space<vmem>>, %arg20: memref<!tpu.dma_semaphore, #tpu.memory_space<semaphore_mem>>, %arg21: memref<!tpu.dma_semaphore, #tpu.memory_space<semaphore_mem>>, %arg22: memref<!tpu.dma_semaphore, #tpu.memory_space<semaphore_mem>>, %arg23: memref<!tpu.dma_semaphore, #tpu.memory_space<semaphore_mem>>, %arg24: memref<!tpu.dma_semaphore, #tpu.memory_space<semaphore_mem>>, %arg25: memref<!tpu.dma_semaphore, #tpu.memory_space<semaphore_mem>>) attributes {dimension_semantics = [#tpu.dimension_semantics<core_parallel>, #tpu.dimension_semantics<subcore_parallel>], iteration_bounds = array<i64: 2, 16>, scalar_prefetch = 0 : i64, scratch_operands = 20 : i64, tpu.core_type = #tpu.core_type<sc_vector_subcore>, window_params = [{transform_indices = #map}, {transform_indices = #map}, {transform_indices = #map}, {transform_indices = #map}]} {
    %mul3A = arith.constant 2 : i32
    %mul3A_0 = arith.muli %arg1, %mul3A : i32
    %add3A = arith.addi %mul3A_0, %arg0 : i32
    %mul3A_1 = arith.constant 32 : i32
    %mul3A_2 = arith.muli %add3A, %mul3A_1 : i32
    "tpu.region"() ({
      %run_scoped3A = tpu.sem_alloc : memref<!tpu.dma_semaphore, #tpu.memory_space<semaphore_mem>>
      %dma_start3A_1892 = arith.constant 0 : i32
      %dma_start3A_1893 = tpu.memref_slice %arg3[%mul3A_2, %dma_start3A_1892] : memref<1024x16xi32, #tpu.memory_space<hbm>> -> memref<32x16xi32, #tpu.memory_space<hbm>>
      %dma_start3A_1894 = arith.constant 0 : i32
      %dma_start3A_1895 = tpu.memref_slice %arg3[%mul3A_2, %dma_start3A_1894] : memref<1024x16xi32, #tpu.memory_space<hbm>> -> memref<32x16xi32, #tpu.memory_space<hbm>>
      tpu.enqueue_dma source(%dma_start3A_1895 : memref<32x16xi32, #tpu.memory_space<hbm>>) target(%arg6 : memref<32x16xi32, #tpu.memory_space<vmem>>) target_semaphore(%run_scoped3A : memref<!tpu.dma_semaphore, #tpu.memory_space<semaphore_mem>>)
      %dma_wait3A_1896 = arith.constant 0 : i32
      %dma_wait3A_1897 = tpu.memref_slice %arg3[%mul3A_2, %dma_wait3A_1896] : memref<1024x16xi32, #tpu.memory_space<hbm>> -> memref<32x16xi32, #tpu.memory_space<hbm>>
      %dma_wait3A_1898 = arith.constant 0 : i32
      %dma_wait3A_1899 = tpu.memref_slice %arg3[%mul3A_2, %dma_wait3A_1898] : memref<1024x16xi32, #tpu.memory_space<hbm>> -> memref<32x16xi32, #tpu.memory_space<hbm>>
      tpu.wait_dma2 semaphore(%run_scoped3A : memref<!tpu.dma_semaphore, #tpu.memory_space<semaphore_mem>>) src(%dma_wait3A_1899 : memref<32x16xi32, #tpu.memory_space<hbm>>) dst(%arg6 : memref<32x16xi32, #tpu.memory_space<vmem>>)
      tpu.yield
    }) : () -> ()
    %iota3A = tpu.iota {dimensions = array<i32: 0>} : vector<16xi32>
    %and3A = arith.constant 7 : i32
    %and3A_3 = vector.broadcast %and3A : i32 to vector<16xi32>
    %and3A_4 = arith.andi %iota3A, %and3A_3 : vector<16xi32>
    %shift_right_arithmetic3A = arith.constant 2 : i32
    %shift_right_arithmetic3A_5 = vector.broadcast %shift_right_arithmetic3A : i32 to vector<16xi32>
    %shift_right_arithmetic3A_6 = arith.shrsi %and3A_4, %shift_right_arithmetic3A_5 : vector<16xi32>
    %mul3A_7 = arith.constant 16 : i32
    %mul3A_8 = vector.broadcast %mul3A_7 : i32 to vector<16xi32>
    %mul3A_9 = arith.muli %shift_right_arithmetic3A_6, %mul3A_8 : vector<16xi32>
    %and3A_10 = arith.constant 3 : i32
    %and3A_11 = vector.broadcast %and3A_10 : i32 to vector<16xi32>
    %and3A_12 = arith.andi %iota3A, %and3A_11 : vector<16xi32>
    %add3A_13 = arith.addi %mul3A_9, %and3A_12 : vector<16xi32>
    %get3A = arith.constant 0 : i32
    %get3A_14 = arith.index_cast %get3A : i32 to index
    %get3A_15 = arith.constant 0 : index
    %get3A_16 = tpu.vector_load %arg6[%get3A_14, %get3A_15] {strides = array<i32>} : memref<32x16xi32, #tpu.memory_space<vmem>>, vector<16xi32>,
    %add3A_17 = arith.constant 0 : i32
    %add3A_18 = arith.addi %mul3A_2, %add3A_17 : i32
    %add3A_19 = arith.constant 0 : i32
    %add3A_20 = arith.addi %add3A_18, %add3A_19 : i32
    %broadcast_in_dim3A = vector.broadcast %add3A_20 : i32 to vector<16xi32>
    %min3A = arith.minsi %broadcast_in_dim3A, %get3A_16 : vector<16xi32>
    %max3A = arith.maxsi %broadcast_in_dim3A, %get3A_16 : vector<16xi32>
    %mul3A_21 = arith.constant 1024 : i32
    %mul3A_22 = vector.broadcast %mul3A_21 : i32 to vector<16xi32>
    %mul3A_23 = arith.muli %min3A, %mul3A_22 : vector<16xi32>
    %add3A_24 = arith.addi %mul3A_23, %max3A : vector<16xi32>
    %shift_right_arithmetic3A_25 = arith.constant 4 : i32
    %shift_right_arithmetic3A_26 = vector.broadcast %shift_right_arithmetic3A_25 : i32 to vector<16xi32>
    %shift_right_arithmetic3A_27 = arith.shrsi %add3A_24, %shift_right_arithmetic3A_26 : vector<16xi32>
    %swap3A = arith.constant 0 : index
    %swap3A_28 = tpu.vector_load %arg7[%swap3A] {strides = array<i32>} : memref<32xi32, #tpu.memory_space<vmem>>, vector<16xi32>,
    tpu.vector_store %arg7[%swap3A], %shift_right_arithmetic3A_27 {strides = array<i32>} : memref<32xi32, #tpu.memory_space<vmem>>, vector<16xi32>,
    %and3A_29 = arith.constant 15 : i32
    %and3A_30 = vector.broadcast %and3A_29 : i32 to vector<16xi32>
    %and3A_31 = arith.andi %add3A_24, %and3A_30 : vector<16xi32>
    %swap3A_32 = arith.constant 0 : index
    %swap3A_33 = tpu.vector_load %arg9[%swap3A_32] {strides = array<i32>} : memref<32xi32, #tpu.memory_space<vmem>>, vector<16xi32>,
    tpu.vector_store %arg9[%swap3A_32], %and3A_31 {strides = array<i32>} : memref<32xi32, #tpu.memory_space<vmem>>, vector<16xi32>,
    %get3A_34 = arith.constant 1 : i32
    %get3A_35 = arith.index_cast %get3A_34 : i32 to index
    %get3A_36 = arith.constant 0 : index
    %get3A_37 = tpu.vector_load %arg6[%get3A_35, %get3A_36] {strides = array<i32>} : memref<32x16xi32, #tpu.memory_space<vmem>>, vector<16xi32>,
    %add3A_38 = arith.constant 0 : i32
    %add3A_39 = arith.addi %mul3A_2, %add3A_38 : i32
    %add3A_40 = arith.constant 1 : i32
    %add3A_41 = arith.addi %add3A_39, %add3A_40 : i32
    %broadcast_in_dim3A_42 = vector.broadcast %add3A_41 : i32 to vector<16xi32>
    %min3A_43 = arith.minsi %broadcast_in_dim3A_42, %get3A_37 : vector<16xi32>
    %max3A_44 = arith.maxsi %broadcast_in_dim3A_42, %get3A_37 : vector<16xi32>
    %mul3A_45 = arith.constant 1024 : i32
    %mul3A_46 = vector.broadcast %mul3A_45 : i32 to vector<16xi32>
    %mul3A_47 = arith.muli %min3A_43, %mul3A_46 : vector<16xi32>
    %add3A_48 = arith.addi %mul3A_47, %max3A_44 : vector<16xi32>
    %shift_right_arithmetic3A_49 = arith.constant 4 : i32
    %shift_right_arithmetic3A_50 = vector.broadcast %shift_right_arithmetic3A_49 : i32 to vector<16xi32>
    %shift_right_arithmetic3A_51 = arith.shrsi %add3A_48, %shift_right_arithmetic3A_50 : vector<16xi32>
    %swap3A_52 = arith.constant 16 : index
    %swap3A_53 = tpu.vector_load %arg7[%swap3A_52] {strides = array<i32>} : memref<32xi32, #tpu.memory_space<vmem>>, vector<16xi32>,
    tpu.vector_store %arg7[%swap3A_52], %shift_right_arithmetic3A_51 {strides = array<i32>} : memref<32xi32, #tpu.memory_space<vmem>>, vector<16xi32>,
    %and3A_54 = arith.constant 15 : i32
    %and3A_55 = vector.broadcast %and3A_54 : i32 to vector<16xi32>
    %and3A_56 = arith.andi %add3A_48, %and3A_55 : vector<16xi32>
    %swap3A_57 = arith.constant 16 : index
    %swap3A_58 = tpu.vector_load %arg9[%swap3A_57] {strides = array<i32>} : memref<32xi32, #tpu.memory_space<vmem>>, vector<16xi32>,
    tpu.vector_store %arg9[%swap3A_57], %and3A_56 {strides = array<i32>} : memref<32xi32, #tpu.memory_space<vmem>>, vector<16xi32>,
    %dma_start3A = arith.constant 0 : i32
    %dma_start3A_59 = arith.constant 0 : i32
    %dma_start3A_60 = tpu.memref_slice %arg2[%dma_start3A, %dma_start3A_59] : memref<65536x16xf32, #tpu.memory_space<hbm>> -> memref<65536x16xf32, #tpu.memory_space<hbm>>
    tpu.enqueue_indirect_dma source(%dma_start3A_60 : memref<65536x16xf32, #tpu.memory_space<hbm>>) target(%arg11 : memref<32x16xf32, #tpu.memory_space<vmem>>) offsets(%arg7 : memref<32xi32, #tpu.memory_space<vmem>>) semaphore(%arg20 : memref<!tpu.dma_semaphore, #tpu.memory_space<semaphore_mem>>)
    %dma_wait3A = arith.constant 0 : i32
    %dma_wait3A_61 = arith.constant 0 : i32
    %dma_wait3A_62 = tpu.memref_slice %arg2[%dma_wait3A, %dma_wait3A_61] : memref<65536x16xf32, #tpu.memory_space<hbm>> -> memref<65536x16xf32, #tpu.memory_space<hbm>>
    tpu.wait_indirect_dma semaphore(%arg20 : memref<!tpu.dma_semaphore, #tpu.memory_space<semaphore_mem>>) src(%dma_wait3A_62 : memref<65536x16xf32, #tpu.memory_space<hbm>>) dst(%arg11 : memref<32x16xf32, #tpu.memory_space<vmem>>)
    %get3A_63 = arith.constant 2 : i32
    %get3A_64 = arith.index_cast %get3A_63 : i32 to index
    %get3A_65 = arith.constant 0 : index
    %get3A_66 = tpu.vector_load %arg6[%get3A_64, %get3A_65] {strides = array<i32>} : memref<32x16xi32, #tpu.memory_space<vmem>>, vector<16xi32>,
    %add3A_67 = arith.constant 2 : i32
    %add3A_68 = arith.addi %mul3A_2, %add3A_67 : i32
    %add3A_69 = arith.constant 0 : i32
    %add3A_70 = arith.addi %add3A_68, %add3A_69 : i32
    %broadcast_in_dim3A_71 = vector.broadcast %add3A_70 : i32 to vector<16xi32>
    %min3A_72 = arith.minsi %broadcast_in_dim3A_71, %get3A_66 : vector<16xi32>
    %max3A_73 = arith.maxsi %broadcast_in_dim3A_71, %get3A_66 : vector<16xi32>
    %mul3A_74 = arith.constant 1024 : i32
    %mul3A_75 = vector.broadcast %mul3A_74 : i32 to vector<16xi32>
    %mul3A_76 = arith.muli %min3A_72, %mul3A_75 : vector<16xi32>
    %add3A_77 = arith.addi %mul3A_76, %max3A_73 : vector<16xi32>
    %shift_right_arithmetic3A_78 = arith.constant 4 : i32
    %shift_right_arithmetic3A_79 = vector.broadcast %shift_right_arithmetic3A_78 : i32 to vector<16xi32>
    %shift_right_arithmetic3A_80 = arith.shrsi %add3A_77, %shift_right_arithmetic3A_79 : vector<16xi32>
    %swap3A_81 = arith.constant 0 : index
    %swap3A_82 = tpu.vector_load %arg8[%swap3A_81] {strides = array<i32>} : memref<32xi32, #tpu.memory_space<vmem>>, vector<16xi32>,
    tpu.vector_store %arg8[%swap3A_81], %shift_right_arithmetic3A_80 {strides = array<i32>} : memref<32xi32, #tpu.memory_space<vmem>>, vector<16xi32>,
    %and3A_83 = arith.constant 15 : i32
    %and3A_84 = vector.broadcast %and3A_83 : i32 to vector<16xi32>
    %and3A_85 = arith.andi %add3A_77, %and3A_84 : vector<16xi32>
    %swap3A_86 = arith.constant 0 : index
    %swap3A_87 = tpu.vector_load %arg10[%swap3A_86] {strides = array<i32>} : memref<32xi32, #tpu.memory_space<vmem>>, vector<16xi32>,
    tpu.vector_store %arg10[%swap3A_86], %and3A_85 {strides = array<i32>} : memref<32xi32, #tpu.memory_space<vmem>>, vector<16xi32>,
    %get3A_88 = arith.constant 3 : i32
    %get3A_89 = arith.index_cast %get3A_88 : i32 to index
    %get3A_90 = arith.constant 0 : index
    %get3A_91 = tpu.vector_load %arg6[%get3A_89, %get3A_90] {strides = array<i32>} : memref<32x16xi32, #tpu.memory_space<vmem>>, vector<16xi32>,
    %add3A_92 = arith.constant 2 : i32
    %add3A_93 = arith.addi %mul3A_2, %add3A_92 : i32
    %add3A_94 = arith.constant 1 : i32
    %add3A_95 = arith.addi %add3A_93, %add3A_94 : i32
    %broadcast_in_dim3A_96 = vector.broadcast %add3A_95 : i32 to vector<16xi32>
    %min3A_97 = arith.minsi %broadcast_in_dim3A_96, %get3A_91 : vector<16xi32>
    %max3A_98 = arith.maxsi %broadcast_in_dim3A_96, %get3A_91 : vector<16xi32>
    %mul3A_99 = arith.constant 1024 : i32
    %mul3A_100 = vector.broadcast %mul3A_99 : i32 to vector<16xi32>
    %mul3A_101 = arith.muli %min3A_97, %mul3A_100 : vector<16xi32>
    %add3A_102 = arith.addi %mul3A_101, %max3A_98 : vector<16xi32>
    %shift_right_arithmetic3A_103 = arith.constant 4 : i32
    %shift_right_arithmetic3A_104 = vector.broadcast %shift_right_arithmetic3A_103 : i32 to vector<16xi32>
    %shift_right_arithmetic3A_105 = arith.shrsi %add3A_102, %shift_right_arithmetic3A_104 : vector<16xi32>
    %swap3A_106 = arith.constant 16 : index
    %swap3A_107 = tpu.vector_load %arg8[%swap3A_106] {strides = array<i32>} : memref<32xi32, #tpu.memory_space<vmem>>, vector<16xi32>,
    tpu.vector_store %arg8[%swap3A_106], %shift_right_arithmetic3A_105 {strides = array<i32>} : memref<32xi32, #tpu.memory_space<vmem>>, vector<16xi32>,
    %and3A_108 = arith.constant 15 : i32
    %and3A_109 = vector.broadcast %and3A_108 : i32 to vector<16xi32>
    %and3A_110 = arith.andi %add3A_102, %and3A_109 : vector<16xi32>
    %swap3A_111 = arith.constant 16 : index
    %swap3A_112 = tpu.vector_load %arg10[%swap3A_111] {strides = array<i32>} : memref<32xi32, #tpu.memory_space<vmem>>, vector<16xi32>,
    tpu.vector_store %arg10[%swap3A_111], %and3A_110 {strides = array<i32>} : memref<32xi32, #tpu.memory_space<vmem>>, vector<16xi32>,
    %dma_start3A_113 = arith.constant 0 : i32
    %dma_start3A_114 = arith.constant 0 : i32
    %dma_start3A_115 = tpu.memref_slice %arg2[%dma_start3A_113, %dma_start3A_114] : memref<65536x16xf32, #tpu.memory_space<hbm>> -> memref<65536x16xf32, #tpu.memory_space<hbm>>
    tpu.enqueue_indirect_dma source(%dma_start3A_115 : memref<65536x16xf32, #tpu.memory_space<hbm>>) target(%arg12 : memref<32x16xf32, #tpu.memory_space<vmem>>) offsets(%arg8 : memref<32xi32, #tpu.memory_space<vmem>>) semaphore(%arg21 : memref<!tpu.dma_semaphore, #tpu.memory_space<semaphore_mem>>)
    %get3A_116 = arith.constant 0 : i32
    %get3A_117 = arith.index_cast %get3A_116 : i32 to index
    %get3A_118 = arith.constant 0 : index
    %get3A_119 = tpu.vector_load %arg6[%get3A_117, %get3A_118] {strides = array<i32>} : memref<32x16xi32, #tpu.memory_space<vmem>>, vector<16xi32>,
    %add3A_120 = arith.constant 0 : i32
    %add3A_121 = vector.broadcast %add3A_120 : i32 to vector<16xi32>
    %add3A_122 = arith.addi %add3A_121, %iota3A : vector<16xi32>
    %get3A_123 = arith.constant 0 : index
    %get3A_124 = tpu.vector_load %arg9[%get3A_123] {strides = array<i32>} : memref<32xi32, #tpu.memory_space<vmem>>, vector<16xi32>,
    %gather3A = tpu.vector_load_idx %arg11[%add3A_122, %get3A_124] : memref<32x16xf32, #tpu.memory_space<vmem>>[vector<16xi32>, vector<16xi32>], vector<16xf32>,
    %masked_sort3A = arith.constant dense<true> : vector<16xi1>
    %masked_sort3A_125, %masked_sort3A_126, %masked_sort3A_127 = tpu.sort %gather3A, %get3A_119 masked %masked_sort3A {descending = true} : (vector<16xf32>, vector<16xi32>, vector<16xi1>) -> (vector<16xi1>, vector<16xf32>, vector<16xi32>)
    %swap3A_128 = arith.constant 0 : index
    %swap3A_129 = tpu.vector_load %arg13[%swap3A_128] {strides = array<i32>} : memref<32xi32, #tpu.memory_space<vmem>>, vector<16xi32>,
    tpu.vector_store %arg13[%swap3A_128], %masked_sort3A_127 {strides = array<i32>} : memref<32xi32, #tpu.memory_space<vmem>>, vector<16xi32>,
    %get3A_130 = arith.constant 1 : i32
    %get3A_131 = arith.index_cast %get3A_130 : i32 to index
    %get3A_132 = arith.constant 0 : index
    %get3A_133 = tpu.vector_load %arg6[%get3A_131, %get3A_132] {strides = array<i32>} : memref<32x16xi32, #tpu.memory_space<vmem>>, vector<16xi32>,
    %add3A_134 = arith.constant 16 : i32
    %add3A_135 = vector.broadcast %add3A_134 : i32 to vector<16xi32>
    %add3A_136 = arith.addi %add3A_135, %iota3A : vector<16xi32>
    %get3A_137 = arith.constant 16 : index
    %get3A_138 = tpu.vector_load %arg9[%get3A_137] {strides = array<i32>} : memref<32xi32, #tpu.memory_space<vmem>>, vector<16xi32>,
    %gather3A_139 = tpu.vector_load_idx %arg11[%add3A_136, %get3A_138] : memref<32x16xf32, #tpu.memory_space<vmem>>[vector<16xi32>, vector<16xi32>], vector<16xf32>,
    %masked_sort3A_140 = arith.constant dense<true> : vector<16xi1>
    %masked_sort3A_141, %masked_sort3A_142, %masked_sort3A_143 = tpu.sort %gather3A_139, %get3A_133 masked %masked_sort3A_140 {descending = true} : (vector<16xf32>, vector<16xi32>, vector<16xi1>) -> (vector<16xi1>, vector<16xf32>, vector<16xi32>)
    %swap3A_144 = arith.constant 16 : index
    %swap3A_145 = tpu.vector_load %arg13[%swap3A_144] {strides = array<i32>} : memref<32xi32, #tpu.memory_space<vmem>>, vector<16xi32>,
    tpu.vector_store %arg13[%swap3A_144], %masked_sort3A_143 {strides = array<i32>} : memref<32xi32, #tpu.memory_space<vmem>>, vector<16xi32>,
    %gather3A_146 = tpu.vector_load_idx %arg13[%add3A_13] : memref<32xi32, #tpu.memory_space<vmem>>[vector<16xi32>], vector<16xi32>,
    %swap3A_147 = arith.constant 0 : index
    %swap3A_148 = tpu.vector_load %arg14[%swap3A_147] {strides = array<i32>} : memref<16xi32, #tpu.memory_space<vmem>>, vector<16xi32>,
    tpu.vector_store %arg14[%swap3A_147], %gather3A_146 {strides = array<i32>} : memref<16xi32, #tpu.memory_space<vmem>>, vector<16xi32>,
    %dma_start3A_149 = arith.constant 0 : i32
    %dma_start3A_150 = tpu.memref_slice %arg14[%dma_start3A_149] : memref<16xi32, #tpu.memory_space<vmem>> -> memref<8xi32, #tpu.memory_space<vmem>>
    %dma_start3A_151 = arith.constant 0 : i32
    %dma_start3A_152 = arith.constant 0 : i32
    %dma_start3A_153 = tpu.memref_slice %arg4[%dma_start3A_151, %dma_start3A_152] : memref<1024x4096xf32, #tpu.memory_space<hbm>> -> memref<1024x4096xf32, #tpu.memory_space<hbm>>
    tpu.enqueue_indirect_dma source(%dma_start3A_153 : memref<1024x4096xf32, #tpu.memory_space<hbm>>) target(%arg16 : memref<8x4096xf32, #tpu.memory_space<vmem>>) offsets(%dma_start3A_150 : memref<8xi32, #tpu.memory_space<vmem>>) semaphore(%arg22 : memref<!tpu.dma_semaphore, #tpu.memory_space<semaphore_mem>>)
    %dma_wait3A_154 = arith.constant 0 : i32
    %dma_wait3A_155 = arith.constant 0 : i32
    %dma_wait3A_156 = tpu.memref_slice %arg2[%dma_wait3A_154, %dma_wait3A_155] : memref<65536x16xf32, #tpu.memory_space<hbm>> -> memref<65536x16xf32, #tpu.memory_space<hbm>>
    tpu.wait_indirect_dma semaphore(%arg21 : memref<!tpu.dma_semaphore, #tpu.memory_space<semaphore_mem>>) src(%dma_wait3A_156 : memref<65536x16xf32, #tpu.memory_space<hbm>>) dst(%arg12 : memref<32x16xf32, #tpu.memory_space<vmem>>)
    %get3A_157 = arith.constant 4 : i32
    %get3A_158 = arith.index_cast %get3A_157 : i32 to index
    %get3A_159 = arith.constant 0 : index
    %get3A_160 = tpu.vector_load %arg6[%get3A_158, %get3A_159] {strides = array<i32>} : memref<32x16xi32, #tpu.memory_space<vmem>>, vector<16xi32>,
    %add3A_161 = arith.constant 4 : i32
    %add3A_162 = arith.addi %mul3A_2, %add3A_161 : i32
    %add3A_163 = arith.constant 0 : i32
    %add3A_164 = arith.addi %add3A_162, %add3A_163 : i32
    %broadcast_in_dim3A_165 = vector.broadcast %add3A_164 : i32 to vector<16xi32>
    %min3A_166 = arith.minsi %broadcast_in_dim3A_165, %get3A_160 : vector<16xi32>
    %max3A_167 = arith.maxsi %broadcast_in_dim3A_165, %get3A_160 : vector<16xi32>
    %mul3A_168 = arith.constant 1024 : i32
    %mul3A_169 = vector.broadcast %mul3A_168 : i32 to vector<16xi32>
    %mul3A_170 = arith.muli %min3A_166, %mul3A_169 : vector<16xi32>
    %add3A_171 = arith.addi %mul3A_170, %max3A_167 : vector<16xi32>
    %shift_right_arithmetic3A_172 = arith.constant 4 : i32
    %shift_right_arithmetic3A_173 = vector.broadcast %shift_right_arithmetic3A_172 : i32 to vector<16xi32>
    %shift_right_arithmetic3A_174 = arith.shrsi %add3A_171, %shift_right_arithmetic3A_173 : vector<16xi32>
    %swap3A_175 = arith.constant 0 : index
    %swap3A_176 = tpu.vector_load %arg7[%swap3A_175] {strides = array<i32>} : memref<32xi32, #tpu.memory_space<vmem>>, vector<16xi32>,
    tpu.vector_store %arg7[%swap3A_175], %shift_right_arithmetic3A_174 {strides = array<i32>} : memref<32xi32, #tpu.memory_space<vmem>>, vector<16xi32>,
    %and3A_177 = arith.constant 15 : i32
    %and3A_178 = vector.broadcast %and3A_177 : i32 to vector<16xi32>
    %and3A_179 = arith.andi %add3A_171, %and3A_178 : vector<16xi32>
    %swap3A_180 = arith.constant 0 : index
    %swap3A_181 = tpu.vector_load %arg9[%swap3A_180] {strides = array<i32>} : memref<32xi32, #tpu.memory_space<vmem>>, vector<16xi32>,
    tpu.vector_store %arg9[%swap3A_180], %and3A_179 {strides = array<i32>} : memref<32xi32, #tpu.memory_space<vmem>>, vector<16xi32>,
    %get3A_182 = arith.constant 5 : i32
    %get3A_183 = arith.index_cast %get3A_182 : i32 to index
    %get3A_184 = arith.constant 0 : index
    %get3A_185 = tpu.vector_load %arg6[%get3A_183, %get3A_184] {strides = array<i32>} : memref<32x16xi32, #tpu.memory_space<vmem>>, vector<16xi32>,
    %add3A_186 = arith.constant 4 : i32
    %add3A_187 = arith.addi %mul3A_2, %add3A_186 : i32
    %add3A_188 = arith.constant 1 : i32
    %add3A_189 = arith.addi %add3A_187, %add3A_188 : i32
    %broadcast_in_dim3A_190 = vector.broadcast %add3A_189 : i32 to vector<16xi32>
    %min3A_191 = arith.minsi %broadcast_in_dim3A_190, %get3A_185 : vector<16xi32>
    %max3A_192 = arith.maxsi %broadcast_in_dim3A_190, %get3A_185 : vector<16xi32>
    %mul3A_193 = arith.constant 1024 : i32
    %mul3A_194 = vector.broadcast %mul3A_193 : i32 to vector<16xi32>
    %mul3A_195 = arith.muli %min3A_191, %mul3A_194 : vector<16xi32>
    %add3A_196 = arith.addi %mul3A_195, %max3A_192 : vector<16xi32>
    %shift_right_arithmetic3A_197 = arith.constant 4 : i32
    %shift_right_arithmetic3A_198 = vector.broadcast %shift_right_arithmetic3A_197 : i32 to vector<16xi32>
    %shift_right_arithmetic3A_199 = arith.shrsi %add3A_196, %shift_right_arithmetic3A_198 : vector<16xi32>
    %swap3A_200 = arith.constant 16 : index
    %swap3A_201 = tpu.vector_load %arg7[%swap3A_200] {strides = array<i32>} : memref<32xi32, #tpu.memory_space<vmem>>, vector<16xi32>,
    tpu.vector_store %arg7[%swap3A_200], %shift_right_arithmetic3A_199 {strides = array<i32>} : memref<32xi32, #tpu.memory_space<vmem>>, vector<16xi32>,
    %and3A_202 = arith.constant 15 : i32
    %and3A_203 = vector.broadcast %and3A_202 : i32 to vector<16xi32>
    %and3A_204 = arith.andi %add3A_196, %and3A_203 : vector<16xi32>
    %swap3A_205 = arith.constant 16 : index
    %swap3A_206 = tpu.vector_load %arg9[%swap3A_205] {strides = array<i32>} : memref<32xi32, #tpu.memory_space<vmem>>, vector<16xi32>,
    tpu.vector_store %arg9[%swap3A_205], %and3A_204 {strides = array<i32>} : memref<32xi32, #tpu.memory_space<vmem>>, vector<16xi32>,
    %dma_start3A_207 = arith.constant 0 : i32
    %dma_start3A_208 = arith.constant 0 : i32
    %dma_start3A_209 = tpu.memref_slice %arg2[%dma_start3A_207, %dma_start3A_208] : memref<65536x16xf32, #tpu.memory_space<hbm>> -> memref<65536x16xf32, #tpu.memory_space<hbm>>
    tpu.enqueue_indirect_dma source(%dma_start3A_209 : memref<65536x16xf32, #tpu.memory_space<hbm>>) target(%arg11 : memref<32x16xf32, #tpu.memory_space<vmem>>) offsets(%arg7 : memref<32xi32, #tpu.memory_space<vmem>>) semaphore(%arg20 : memref<!tpu.dma_semaphore, #tpu.memory_space<semaphore_mem>>)
    %get3A_210 = arith.constant 2 : i32
    %get3A_211 = arith.index_cast %get3A_210 : i32 to index
    %get3A_212 = arith.constant 0 : index
    %get3A_213 = tpu.vector_load %arg6[%get3A_211, %get3A_212] {strides = array<i32>} : memref<32x16xi32, #tpu.memory_space<vmem>>, vector<16xi32>,
    %add3A_214 = arith.constant 0 : i32
    %add3A_215 = vector.broadcast %add3A_214 : i32 to vector<16xi32>
    %add3A_216 = arith.addi %add3A_215, %iota3A : vector<16xi32>
    %get3A_217 = arith.constant 0 : index
    %get3A_218 = tpu.vector_load %arg10[%get3A_217] {strides = array<i32>} : memref<32xi32, #tpu.memory_space<vmem>>, vector<16xi32>,
    %gather3A_219 = tpu.vector_load_idx %arg12[%add3A_216, %get3A_218] : memref<32x16xf32, #tpu.memory_space<vmem>>[vector<16xi32>, vector<16xi32>], vector<16xf32>,
    %masked_sort3A_220 = arith.constant dense<true> : vector<16xi1>
    %masked_sort3A_221, %masked_sort3A_222, %masked_sort3A_223 = tpu.sort %gather3A_219, %get3A_213 masked %masked_sort3A_220 {descending = true} : (vector<16xf32>, vector<16xi32>, vector<16xi1>) -> (vector<16xi1>, vector<16xf32>, vector<16xi32>)
    %swap3A_224 = arith.constant 0 : index
    %swap3A_225 = tpu.vector_load %arg13[%swap3A_224] {strides = array<i32>} : memref<32xi32, #tpu.memory_space<vmem>>, vector<16xi32>,
    tpu.vector_store %arg13[%swap3A_224], %masked_sort3A_223 {strides = array<i32>} : memref<32xi32, #tpu.memory_space<vmem>>, vector<16xi32>,
    %get3A_226 = arith.constant 3 : i32
    %get3A_227 = arith.index_cast %get3A_226 : i32 to index
    %get3A_228 = arith.constant 0 : index
    %get3A_229 = tpu.vector_load %arg6[%get3A_227, %get3A_228] {strides = array<i32>} : memref<32x16xi32, #tpu.memory_space<vmem>>, vector<16xi32>,
    %add3A_230 = arith.constant 16 : i32
    %add3A_231 = vector.broadcast %add3A_230 : i32 to vector<16xi32>
    %add3A_232 = arith.addi %add3A_231, %iota3A : vector<16xi32>
    %get3A_233 = arith.constant 16 : index
    %get3A_234 = tpu.vector_load %arg10[%get3A_233] {strides = array<i32>} : memref<32xi32, #tpu.memory_space<vmem>>, vector<16xi32>,
    %gather3A_235 = tpu.vector_load_idx %arg12[%add3A_232, %get3A_234] : memref<32x16xf32, #tpu.memory_space<vmem>>[vector<16xi32>, vector<16xi32>], vector<16xf32>,
    %masked_sort3A_236 = arith.constant dense<true> : vector<16xi1>
    %masked_sort3A_237, %masked_sort3A_238, %masked_sort3A_239 = tpu.sort %gather3A_235, %get3A_229 masked %masked_sort3A_236 {descending = true} : (vector<16xf32>, vector<16xi32>, vector<16xi1>) -> (vector<16xi1>, vector<16xf32>, vector<16xi32>)
    %swap3A_240 = arith.constant 16 : index
    %swap3A_241 = tpu.vector_load %arg13[%swap3A_240] {strides = array<i32>} : memref<32xi32, #tpu.memory_space<vmem>>, vector<16xi32>,
    tpu.vector_store %arg13[%swap3A_240], %masked_sort3A_239 {strides = array<i32>} : memref<32xi32, #tpu.memory_space<vmem>>, vector<16xi32>,
    %gather3A_242 = tpu.vector_load_idx %arg13[%add3A_13] : memref<32xi32, #tpu.memory_space<vmem>>[vector<16xi32>], vector<16xi32>,
    %swap3A_243 = arith.constant 0 : index
    %swap3A_244 = tpu.vector_load %arg15[%swap3A_243] {strides = array<i32>} : memref<16xi32, #tpu.memory_space<vmem>>, vector<16xi32>,
    tpu.vector_store %arg15[%swap3A_243], %gather3A_242 {strides = array<i32>} : memref<16xi32, #tpu.memory_space<vmem>>, vector<16xi32>,
    %dma_start3A_245 = arith.constant 0 : i32
    %dma_start3A_246 = tpu.memref_slice %arg15[%dma_start3A_245] : memref<16xi32, #tpu.memory_space<vmem>> -> memref<8xi32, #tpu.memory_space<vmem>>
    %dma_start3A_247 = arith.constant 0 : i32
    %dma_start3A_248 = arith.constant 0 : i32
    %dma_start3A_249 = tpu.memref_slice %arg4[%dma_start3A_247, %dma_start3A_248] : memref<1024x4096xf32, #tpu.memory_space<hbm>> -> memref<1024x4096xf32, #tpu.memory_space<hbm>>
    tpu.enqueue_indirect_dma source(%dma_start3A_249 : memref<1024x4096xf32, #tpu.memory_space<hbm>>) target(%arg17 : memref<8x4096xf32, #tpu.memory_space<vmem>>) offsets(%dma_start3A_246 : memref<8xi32, #tpu.memory_space<vmem>>) semaphore(%arg23 : memref<!tpu.dma_semaphore, #tpu.memory_space<semaphore_mem>>)
    %dma_wait3A_250 = arith.constant 0 : i32
    %dma_wait3A_251 = tpu.memref_slice %arg14[%dma_wait3A_250] : memref<16xi32, #tpu.memory_space<vmem>> -> memref<8xi32, #tpu.memory_space<vmem>>
    %dma_wait3A_252 = arith.constant 0 : i32
    %dma_wait3A_253 = arith.constant 0 : i32
    %dma_wait3A_254 = tpu.memref_slice %arg4[%dma_wait3A_252, %dma_wait3A_253] : memref<1024x4096xf32, #tpu.memory_space<hbm>> -> memref<1024x4096xf32, #tpu.memory_space<hbm>>
    tpu.wait_indirect_dma semaphore(%arg22 : memref<!tpu.dma_semaphore, #tpu.memory_space<semaphore_mem>>) src(%dma_wait3A_254 : memref<1024x4096xf32, #tpu.memory_space<hbm>>) dst(%arg16 : memref<8x4096xf32, #tpu.memory_space<vmem>>)
    %scan3A = arith.constant 0 : i32
    %scan3A_255 = arith.constant 0 : i32
    %scan3A_256 = arith.constant 256 : i32
    %scan3A_257 = arith.addi %scan3A_255, %scan3A_256 : i32
    %scan3A_258 = arith.constant 1 : i32
    %scan3A_259 = scf.for %scan3A_1892 = %scan3A_255 to %scan3A_257 step %scan3A_258 iter_args(%scan3A_1893 = %scan3A) -> (i32)  : i32 {
      %mul3A_1894 = arith.constant 16 : i32
      %mul3A_1895 = arith.muli %scan3A_1892, %mul3A_1894 : i32
      %get3A_1896 = arith.constant 0 : i32
      %get3A_1897 = arith.index_cast %get3A_1896 : i32 to index
      %get3A_1898 = arith.index_cast %mul3A_1895 : i32 to index
      %get3A_1899 = tpu.vector_load %arg16[%get3A_1897, %get3A_1898] {strides = array<i32>} : memref<8x4096xf32, #tpu.memory_space<vmem>>, vector<16xf32>,
      %get3A_1900 = arith.constant 1 : i32
      %get3A_1901 = arith.index_cast %get3A_1900 : i32 to index
      %get3A_1902 = arith.index_cast %mul3A_1895 : i32 to index
      %get3A_1903 = tpu.vector_load %arg16[%get3A_1901, %get3A_1902] {strides = array<i32>} : memref<8x4096xf32, #tpu.memory_space<vmem>>, vector<16xf32>,
      %add3A_1904 = arith.addf %get3A_1899, %get3A_1903 : vector<16xf32>
      %get3A_1905 = arith.constant 2 : i32
      %get3A_1906 = arith.index_cast %get3A_1905 : i32 to index
      %get3A_1907 = arith.index_cast %mul3A_1895 : i32 to index
      %get3A_1908 = tpu.vector_load %arg16[%get3A_1906, %get3A_1907] {strides = array<i32>} : memref<8x4096xf32, #tpu.memory_space<vmem>>, vector<16xf32>,
      %add3A_1909 = arith.addf %add3A_1904, %get3A_1908 : vector<16xf32>
      %get3A_1910 = arith.constant 3 : i32
      %get3A_1911 = arith.index_cast %get3A_1910 : i32 to index
      %get3A_1912 = arith.index_cast %mul3A_1895 : i32 to index
      %get3A_1913 = tpu.vector_load %arg16[%get3A_1911, %get3A_1912] {strides = array<i32>} : memref<8x4096xf32, #tpu.memory_space<vmem>>, vector<16xf32>,
      %add3A_1914 = arith.addf %add3A_1909, %get3A_1913 : vector<16xf32>
      %mul3A_1915 = arith.constant 2.500000e-01 : f32
      %mul3A_1916 = vector.broadcast %mul3A_1915 : f32 to vector<16xf32>
      %mul3A_1917 = arith.mulf %add3A_1914, %mul3A_1916 : vector<16xf32>
      %swap3A_1918 = arith.constant 0 : i32
      %swap3A_1919 = arith.index_cast %swap3A_1918 : i32 to index
      %swap3A_1920 = arith.index_cast %mul3A_1895 : i32 to index
      %swap3A_1921 = tpu.vector_load %arg18[%swap3A_1919, %swap3A_1920] {strides = array<i32>} : memref<2x4096xf32, #tpu.memory_space<vmem>>, vector<16xf32>,
      tpu.vector_store %arg18[%swap3A_1919, %swap3A_1920], %mul3A_1917 {strides = array<i32>} : memref<2x4096xf32, #tpu.memory_space<vmem>>, vector<16xf32>,
      %get3A_1922 = arith.constant 4 : i32
      %get3A_1923 = arith.index_cast %get3A_1922 : i32 to index
      %get3A_1924 = arith.index_cast %mul3A_1895 : i32 to index
      %get3A_1925 = tpu.vector_load %arg16[%get3A_1923, %get3A_1924] {strides = array<i32>} : memref<8x4096xf32, #tpu.memory_space<vmem>>, vector<16xf32>,
      %get3A_1926 = arith.constant 5 : i32
      %get3A_1927 = arith.index_cast %get3A_1926 : i32 to index
      %get3A_1928 = arith.index_cast %mul3A_1895 : i32 to index
      %get3A_1929 = tpu.vector_load %arg16[%get3A_1927, %get3A_1928] {strides = array<i32>} : memref<8x4096xf32, #tpu.memory_space<vmem>>, vector<16xf32>,
      %add3A_1930 = arith.addf %get3A_1925, %get3A_1929 : vector<16xf32>
      %get3A_1931 = arith.constant 6 : i32
      %get3A_1932 = arith.index_cast %get3A_1931 : i32 to index
      %get3A_1933 = arith.index_cast %mul3A_1895 : i32 to index
      %get3A_1934 = tpu.vector_load %arg16[%get3A_1932, %get3A_1933] {strides = array<i32>} : memref<8x4096xf32, #tpu.memory_space<vmem>>, vector<16xf32>,
      %add3A_1935 = arith.addf %add3A_1930, %get3A_1934 : vector<16xf32>
      %get3A_1936 = arith.constant 7 : i32
      %get3A_1937 = arith.index_cast %get3A_1936 : i32 to index
      %get3A_1938 = arith.index_cast %mul3A_1895 : i32 to index
      %get3A_1939 = tpu.vector_load %arg16[%get3A_1937, %get3A_1938] {strides = array<i32>} : memref<8x4096xf32, #tpu.memory_space<vmem>>, vector<16xf32>,
      %add3A_1940 = arith.addf %add3A_1935, %get3A_1939 : vector<16xf32>
      %mul3A_1941 = arith.constant 2.500000e-01 : f32
      %mul3A_1942 = vector.broadcast %mul3A_1941 : f32 to vector<16xf32>
      %mul3A_1943 = arith.mulf %add3A_1940, %mul3A_1942 : vector<16xf32>
      %swap3A_1944 = arith.constant 1 : i32
      %swap3A_1945 = arith.index_cast %swap3A_1944 : i32 to index
      %swap3A_1946 = arith.index_cast %mul3A_1895 : i32 to index
      %swap3A_1947 = tpu.vector_load %arg18[%swap3A_1945, %swap3A_1946] {strides = array<i32>} : memref<2x4096xf32, #tpu.memory_space<vmem>>, vector<16xf32>,
      tpu.vector_store %arg18[%swap3A_1945, %swap3A_1946], %mul3A_1943 {strides = array<i32>} : memref<2x4096xf32, #tpu.memory_space<vmem>>, vector<16xf32>,
      %scan3A_1948 = arith.constant 0 : i32
      scf.yield %scan3A_1948 : i32
    }
    %scan3A_260 = arith.constant 256 : i32
    %add3A_261 = arith.constant 0 : i32
    %add3A_262 = arith.addi %mul3A_2, %add3A_261 : i32
    %dma_start3A_263 = arith.constant 0 : i32
    %dma_start3A_264 = tpu.memref_slice %arg5[%add3A_262, %dma_start3A_263] : memref<1024x4096xf32, #tpu.memory_space<hbm>> -> memref<2x4096xf32, #tpu.memory_space<hbm>>
    %dma_start3A_265 = arith.constant 0 : i32
    %dma_start3A_266 = tpu.memref_slice %arg5[%add3A_262, %dma_start3A_265] : memref<1024x4096xf32, #tpu.memory_space<hbm>> -> memref<2x4096xf32, #tpu.memory_space<hbm>>
    tpu.enqueue_dma source(%arg18 : memref<2x4096xf32, #tpu.memory_space<vmem>>) target(%dma_start3A_266 : memref<2x4096xf32, #tpu.memory_space<hbm>>) target_semaphore(%arg24 : memref<!tpu.dma_semaphore, #tpu.memory_space<semaphore_mem>>)
    %dma_wait3A_267 = arith.constant 0 : i32
    %dma_wait3A_268 = arith.constant 0 : i32
    %dma_wait3A_269 = tpu.memref_slice %arg2[%dma_wait3A_267, %dma_wait3A_268] : memref<65536x16xf32, #tpu.memory_space<hbm>> -> memref<65536x16xf32, #tpu.memory_space<hbm>>
    tpu.wait_indirect_dma semaphore(%arg20 : memref<!tpu.dma_semaphore, #tpu.memory_space<semaphore_mem>>) src(%dma_wait3A_269 : memref<65536x16xf32, #tpu.memory_space<hbm>>) dst(%arg11 : memref<32x16xf32, #tpu.memory_space<vmem>>)
    %get3A_270 = arith.constant 6 : i32
    %get3A_271 = arith.index_cast %get3A_270 : i32 to index
    %get3A_272 = arith.constant 0 : index
    %get3A_273 = tpu.vector_load %arg6[%get3A_271, %get3A_272] {strides = array<i32>} : memref<32x16xi32, #tpu.memory_space<vmem>>, vector<16xi32>,
    %add3A_274 = arith.constant 6 : i32
    %add3A_275 = arith.addi %mul3A_2, %add3A_274 : i32
    %add3A_276 = arith.constant 0 : i32
    %add3A_277 = arith.addi %add3A_275, %add3A_276 : i32
    %broadcast_in_dim3A_278 = vector.broadcast %add3A_277 : i32 to vector<16xi32>
    %min3A_279 = arith.minsi %broadcast_in_dim3A_278, %get3A_273 : vector<16xi32>
    %max3A_280 = arith.maxsi %broadcast_in_dim3A_278, %get3A_273 : vector<16xi32>
    %mul3A_281 = arith.constant 1024 : i32
    %mul3A_282 = vector.broadcast %mul3A_281 : i32 to vector<16xi32>
    %mul3A_283 = arith.muli %min3A_279, %mul3A_282 : vector<16xi32>
    %add3A_284 = arith.addi %mul3A_283, %max3A_280 : vector<16xi32>
    %shift_right_arithmetic3A_285 = arith.constant 4 : i32
    %shift_right_arithmetic3A_286 = vector.broadcast %shift_right_arithmetic3A_285 : i32 to vector<16xi32>
    %shift_right_arithmetic3A_287 = arith.shrsi %add3A_284, %shift_right_arithmetic3A_286 : vector<16xi32>
    %swap3A_288 = arith.constant 0 : index
    %swap3A_289 = tpu.vector_load %arg8[%swap3A_288] {strides = array<i32>} : memref<32xi32, #tpu.memory_space<vmem>>, vector<16xi32>,
    tpu.vector_store %arg8[%swap3A_288], %shift_right_arithmetic3A_287 {strides = array<i32>} : memref<32xi32, #tpu.memory_space<vmem>>, vector<16xi32>,
    %and3A_290 = arith.constant 15 : i32
    %and3A_291 = vector.broadcast %and3A_290 : i32 to vector<16xi32>
    %and3A_292 = arith.andi %add3A_284, %and3A_291 : vector<16xi32>
    %swap3A_293 = arith.constant 0 : index
    %swap3A_294 = tpu.vector_load %arg10[%swap3A_293] {strides = array<i32>} : memref<32xi32, #tpu.memory_space<vmem>>, vector<16xi32>,
    tpu.vector_store %arg10[%swap3A_293], %and3A_292 {strides = array<i32>} : memref<32xi32, #tpu.memory_space<vmem>>, vector<16xi32>,
    %get3A_295 = arith.constant 7 : i32
    %get3A_296 = arith.index_cast %get3A_295 : i32 to index
    %get3A_297 = arith.constant 0 : index
    %get3A_298 = tpu.vector_load %arg6[%get3A_296, %get3A_297] {strides = array<i32>} : memref<32x16xi32, #tpu.memory_space<vmem>>, vector<16xi32>,
    %add3A_299 = arith.constant 6 : i32
    %add3A_300 = arith.addi %mul3A_2, %add3A_299 : i32
    %add3A_301 = arith.constant 1 : i32
    %add3A_302 = arith.addi %add3A_300, %add3A_301 : i32
    %broadcast_in_dim3A_303 = vector.broadcast %add3A_302 : i32 to vector<16xi32>
    %min3A_304 = arith.minsi %broadcast_in_dim3A_303, %get3A_298 : vector<16xi32>
    %max3A_305 = arith.maxsi %broadcast_in_dim3A_303, %get3A_298 : vector<16xi32>
    %mul3A_306 = arith.constant 1024 : i32
    %mul3A_307 = vector.broadcast %mul3A_306 : i32 to vector<16xi32>
    %mul3A_308 = arith.muli %min3A_304, %mul3A_307 : vector<16xi32>
    %add3A_309 = arith.addi %mul3A_308, %max3A_305 : vector<16xi32>
    %shift_right_arithmetic3A_310 = arith.constant 4 : i32
    %shift_right_arithmetic3A_311 = vector.broadcast %shift_right_arithmetic3A_310 : i32 to vector<16xi32>
    %shift_right_arithmetic3A_312 = arith.shrsi %add3A_309, %shift_right_arithmetic3A_311 : vector<16xi32>
    %swap3A_313 = arith.constant 16 : index
    %swap3A_314 = tpu.vector_load %arg8[%swap3A_313] {strides = array<i32>} : memref<32xi32, #tpu.memory_space<vmem>>, vector<16xi32>,
    tpu.vector_store %arg8[%swap3A_313], %shift_right_arithmetic3A_312 {strides = array<i32>} : memref<32xi32, #tpu.memory_space<vmem>>, vector<16xi32>,
    %and3A_315 = arith.constant 15 : i32
    %and3A_316 = vector.broadcast %and3A_315 : i32 to vector<16xi32>
    %and3A_317 = arith.andi %add3A_309, %and3A_316 : vector<16xi32>
    %swap3A_318 = arith.constant 16 : index
    %swap3A_319 = tpu.vector_load %arg10[%swap3A_318] {strides = array<i32>} : memref<32xi32, #tpu.memory_space<vmem>>, vector<16xi32>,
    tpu.vector_store %arg10[%swap3A_318], %and3A_317 {strides = array<i32>} : memref<32xi32, #tpu.memory_space<vmem>>, vector<16xi32>,
    %dma_start3A_320 = arith.constant 0 : i32
    %dma_start3A_321 = arith.constant 0 : i32
    %dma_start3A_322 = tpu.memref_slice %arg2[%dma_start3A_320, %dma_start3A_321] : memref<65536x16xf32, #tpu.memory_space<hbm>> -> memref<65536x16xf32, #tpu.memory_space<hbm>>
    tpu.enqueue_indirect_dma source(%dma_start3A_322 : memref<65536x16xf32, #tpu.memory_space<hbm>>) target(%arg12 : memref<32x16xf32, #tpu.memory_space<vmem>>) offsets(%arg8 : memref<32xi32, #tpu.memory_space<vmem>>) semaphore(%arg21 : memref<!tpu.dma_semaphore, #tpu.memory_space<semaphore_mem>>)
    %get3A_323 = arith.constant 4 : i32
    %get3A_324 = arith.index_cast %get3A_323 : i32 to index
    %get3A_325 = arith.constant 0 : index
    %get3A_326 = tpu.vector_load %arg6[%get3A_324, %get3A_325] {strides = array<i32>} : memref<32x16xi32, #tpu.memory_space<vmem>>, vector<16xi32>,
    %add3A_327 = arith.constant 0 : i32
    %add3A_328 = vector.broadcast %add3A_327 : i32 to vector<16xi32>
    %add3A_329 = arith.addi %add3A_328, %iota3A : vector<16xi32>
    %get3A_330 = arith.constant 0 : index
    %get3A_331 = tpu.vector_load %arg9[%get3A_330] {strides = array<i32>} : memref<32xi32, #tpu.memory_space<vmem>>, vector<16xi32>,
    %gather3A_332 = tpu.vector_load_idx %arg11[%add3A_329, %get3A_331] : memref<32x16xf32, #tpu.memory_space<vmem>>[vector<16xi32>, vector<16xi32>], vector<16xf32>,
    %masked_sort3A_333 = arith.constant dense<true> : vector<16xi1>
    %masked_sort3A_334, %masked_sort3A_335, %masked_sort3A_336 = tpu.sort %gather3A_332, %get3A_326 masked %masked_sort3A_333 {descending = true} : (vector<16xf32>, vector<16xi32>, vector<16xi1>) -> (vector<16xi1>, vector<16xf32>, vector<16xi32>)
    %swap3A_337 = arith.constant 0 : index
    %swap3A_338 = tpu.vector_load %arg13[%swap3A_337] {strides = array<i32>} : memref<32xi32, #tpu.memory_space<vmem>>, vector<16xi32>,
    tpu.vector_store %arg13[%swap3A_337], %masked_sort3A_336 {strides = array<i32>} : memref<32xi32, #tpu.memory_space<vmem>>, vector<16xi32>,
    %get3A_339 = arith.constant 5 : i32
    %get3A_340 = arith.index_cast %get3A_339 : i32 to index
    %get3A_341 = arith.constant 0 : index
    %get3A_342 = tpu.vector_load %arg6[%get3A_340, %get3A_341] {strides = array<i32>} : memref<32x16xi32, #tpu.memory_space<vmem>>, vector<16xi32>,
    %add3A_343 = arith.constant 16 : i32
    %add3A_344 = vector.broadcast %add3A_343 : i32 to vector<16xi32>
    %add3A_345 = arith.addi %add3A_344, %iota3A : vector<16xi32>
    %get3A_346 = arith.constant 16 : index
    %get3A_347 = tpu.vector_load %arg9[%get3A_346] {strides = array<i32>} : memref<32xi32, #tpu.memory_space<vmem>>, vector<16xi32>,
    %gather3A_348 = tpu.vector_load_idx %arg11[%add3A_345, %get3A_347] : memref<32x16xf32, #tpu.memory_space<vmem>>[vector<16xi32>, vector<16xi32>], vector<16xf32>,
    %masked_sort3A_349 = arith.constant dense<true> : vector<16xi1>
    %masked_sort3A_350, %masked_sort3A_351, %masked_sort3A_352 = tpu.sort %gather3A_348, %get3A_342 masked %masked_sort3A_349 {descending = true} : (vector<16xf32>, vector<16xi32>, vector<16xi1>) -> (vector<16xi1>, vector<16xf32>, vector<16xi32>)
    %swap3A_353 = arith.constant 16 : index
    %swap3A_354 = tpu.vector_load %arg13[%swap3A_353] {strides = array<i32>} : memref<32xi32, #tpu.memory_space<vmem>>, vector<16xi32>,
    tpu.vector_store %arg13[%swap3A_353], %masked_sort3A_352 {strides = array<i32>} : memref<32xi32, #tpu.memory_space<vmem>>, vector<16xi32>,
    %gather3A_355 = tpu.vector_load_idx %arg13[%add3A_13] : memref<32xi32, #tpu.memory_space<vmem>>[vector<16xi32>], vector<16xi32>,
    %swap3A_356 = arith.constant 0 : index
    %swap3A_357 = tpu.vector_load %arg14[%swap3A_356] {strides = array<i32>} : memref<16xi32, #tpu.memory_space<vmem>>, vector<16xi32>,
    tpu.vector_store %arg14[%swap3A_356], %gather3A_355 {strides = array<i32>} : memref<16xi32, #tpu.memory_space<vmem>>, vector<16xi32>,
    %dma_start3A_358 = arith.constant 0 : i32
    %dma_start3A_359 = tpu.memref_slice %arg14[%dma_start3A_358] : memref<16xi32, #tpu.memory_space<vmem>> -> memref<8xi32, #tpu.memory_space<vmem>>
    %dma_start3A_360 = arith.constant 0 : i32
    %dma_start3A_361 = arith.constant 0 : i32
    %dma_start3A_362 = tpu.memref_slice %arg4[%dma_start3A_360, %dma_start3A_361] : memref<1024x4096xf32, #tpu.memory_space<hbm>> -> memref<1024x4096xf32, #tpu.memory_space<hbm>>
    tpu.enqueue_indirect_dma source(%dma_start3A_362 : memref<1024x4096xf32, #tpu.memory_space<hbm>>) target(%arg16 : memref<8x4096xf32, #tpu.memory_space<vmem>>) offsets(%dma_start3A_359 : memref<8xi32, #tpu.memory_space<vmem>>) semaphore(%arg22 : memref<!tpu.dma_semaphore, #tpu.memory_space<semaphore_mem>>)
    %dma_wait3A_363 = arith.constant 0 : i32
    %dma_wait3A_364 = tpu.memref_slice %arg15[%dma_wait3A_363] : memref<16xi32, #tpu.memory_space<vmem>> -> memref<8xi32, #tpu.memory_space<vmem>>
    %dma_wait3A_365 = arith.constant 0 : i32
    %dma_wait3A_366 = arith.constant 0 : i32
    %dma_wait3A_367 = tpu.memref_slice %arg4[%dma_wait3A_365, %dma_wait3A_366] : memref<1024x4096xf32, #tpu.memory_space<hbm>> -> memref<1024x4096xf32, #tpu.memory_space<hbm>>
    tpu.wait_indirect_dma semaphore(%arg23 : memref<!tpu.dma_semaphore, #tpu.memory_space<semaphore_mem>>) src(%dma_wait3A_367 : memref<1024x4096xf32, #tpu.memory_space<hbm>>) dst(%arg17 : memref<8x4096xf32, #tpu.memory_space<vmem>>)
    %scan3A_368 = arith.constant 0 : i32
    %scan3A_369 = arith.constant 0 : i32
    %scan3A_370 = arith.constant 256 : i32
    %scan3A_371 = arith.addi %scan3A_369, %scan3A_370 : i32
    %scan3A_372 = arith.constant 1 : i32
    %scan3A_373 = scf.for %scan3A_1892 = %scan3A_369 to %scan3A_371 step %scan3A_372 iter_args(%scan3A_1893 = %scan3A_368) -> (i32)  : i32 {
      %mul3A_1894 = arith.constant 16 : i32
      %mul3A_1895 = arith.muli %scan3A_1892, %mul3A_1894 : i32
      %get3A_1896 = arith.constant 0 : i32
      %get3A_1897 = arith.index_cast %get3A_1896 : i32 to index
      %get3A_1898 = arith.index_cast %mul3A_1895 : i32 to index
      %get3A_1899 = tpu.vector_load %arg17[%get3A_1897, %get3A_1898] {strides = array<i32>} : memref<8x4096xf32, #tpu.memory_space<vmem>>, vector<16xf32>,
      %get3A_1900 = arith.constant 1 : i32
      %get3A_1901 = arith.index_cast %get3A_1900 : i32 to index
      %get3A_1902 = arith.index_cast %mul3A_1895 : i32 to index
      %get3A_1903 = tpu.vector_load %arg17[%get3A_1901, %get3A_1902] {strides = array<i32>} : memref<8x4096xf32, #tpu.memory_space<vmem>>, vector<16xf32>,
      %add3A_1904 = arith.addf %get3A_1899, %get3A_1903 : vector<16xf32>
      %get3A_1905 = arith.constant 2 : i32
      %get3A_1906 = arith.index_cast %get3A_1905 : i32 to index
      %get3A_1907 = arith.index_cast %mul3A_1895 : i32 to index
      %get3A_1908 = tpu.vector_load %arg17[%get3A_1906, %get3A_1907] {strides = array<i32>} : memref<8x4096xf32, #tpu.memory_space<vmem>>, vector<16xf32>,
      %add3A_1909 = arith.addf %add3A_1904, %get3A_1908 : vector<16xf32>
      %get3A_1910 = arith.constant 3 : i32
      %get3A_1911 = arith.index_cast %get3A_1910 : i32 to index
      %get3A_1912 = arith.index_cast %mul3A_1895 : i32 to index
      %get3A_1913 = tpu.vector_load %arg17[%get3A_1911, %get3A_1912] {strides = array<i32>} : memref<8x4096xf32, #tpu.memory_space<vmem>>, vector<16xf32>,
      %add3A_1914 = arith.addf %add3A_1909, %get3A_1913 : vector<16xf32>
      %mul3A_1915 = arith.constant 2.500000e-01 : f32
      %mul3A_1916 = vector.broadcast %mul3A_1915 : f32 to vector<16xf32>
      %mul3A_1917 = arith.mulf %add3A_1914, %mul3A_1916 : vector<16xf32>
      %swap3A_1918 = arith.constant 0 : i32
      %swap3A_1919 = arith.index_cast %swap3A_1918 : i32 to index
      %swap3A_1920 = arith.index_cast %mul3A_1895 : i32 to index
      %swap3A_1921 = tpu.vector_load %arg19[%swap3A_1919, %swap3A_1920] {strides = array<i32>} : memref<2x4096xf32, #tpu.memory_space<vmem>>, vector<16xf32>,
      tpu.vector_store %arg19[%swap3A_1919, %swap3A_1920], %mul3A_1917 {strides = array<i32>} : memref<2x4096xf32, #tpu.memory_space<vmem>>, vector<16xf32>,
      %get3A_1922 = arith.constant 4 : i32
      %get3A_1923 = arith.index_cast %get3A_1922 : i32 to index
      %get3A_1924 = arith.index_cast %mul3A_1895 : i32 to index
      %get3A_1925 = tpu.vector_load %arg17[%get3A_1923, %get3A_1924] {strides = array<i32>} : memref<8x4096xf32, #tpu.memory_space<vmem>>, vector<16xf32>,
      %get3A_1926 = arith.constant 5 : i32
      %get3A_1927 = arith.index_cast %get3A_1926 : i32 to index
      %get3A_1928 = arith.index_cast %mul3A_1895 : i32 to index
      %get3A_1929 = tpu.vector_load %arg17[%get3A_1927, %get3A_1928] {strides = array<i32>} : memref<8x4096xf32, #tpu.memory_space<vmem>>, vector<16xf32>,
      %add3A_1930 = arith.addf %get3A_1925, %get3A_1929 : vector<16xf32>
      %get3A_1931 = arith.constant 6 : i32
      %get3A_1932 = arith.index_cast %get3A_1931 : i32 to index
      %get3A_1933 = arith.index_cast %mul3A_1895 : i32 to index
      %get3A_1934 = tpu.vector_load %arg17[%get3A_1932, %get3A_1933] {strides = array<i32>} : memref<8x4096xf32, #tpu.memory_space<vmem>>, vector<16xf32>,
      %add3A_1935 = arith.addf %add3A_1930, %get3A_1934 : vector<16xf32>
      %get3A_1936 = arith.constant 7 : i32
      %get3A_1937 = arith.index_cast %get3A_1936 : i32 to index
      %get3A_1938 = arith.index_cast %mul3A_1895 : i32 to index
      %get3A_1939 = tpu.vector_load %arg17[%get3A_1937, %get3A_1938] {strides = array<i32>} : memref<8x4096xf32, #tpu.memory_space<vmem>>, vector<16xf32>,
      %add3A_1940 = arith.addf %add3A_1935, %get3A_1939 : vector<16xf32>
      %mul3A_1941 = arith.constant 2.500000e-01 : f32
      %mul3A_1942 = vector.broadcast %mul3A_1941 : f32 to vector<16xf32>
      %mul3A_1943 = arith.mulf %add3A_1940, %mul3A_1942 : vector<16xf32>
      %swap3A_1944 = arith.constant 1 : i32
      %swap3A_1945 = arith.index_cast %swap3A_1944 : i32 to index
      %swap3A_1946 = arith.index_cast %mul3A_1895 : i32 to index
      %swap3A_1947 = tpu.vector_load %arg19[%swap3A_1945, %swap3A_1946] {strides = array<i32>} : memref<2x4096xf32, #tpu.memory_space<vmem>>, vector<16xf32>,
      tpu.vector_store %arg19[%swap3A_1945, %swap3A_1946], %mul3A_1943 {strides = array<i32>} : memref<2x4096xf32, #tpu.memory_space<vmem>>, vector<16xf32>,
      %scan3A_1948 = arith.constant 0 : i32
      scf.yield %scan3A_1948 : i32
    }
    %scan3A_374 = arith.constant 256 : i32
    %add3A_375 = arith.constant 2 : i32
    %add3A_376 = arith.addi %mul3A_2, %add3A_375 : i32
    %dma_start3A_377 = arith.constant 0 : i32
    %dma_start3A_378 = tpu.memref_slice %arg5[%add3A_376, %dma_start3A_377] : memref<1024x4096xf32, #tpu.memory_space<hbm>> -> memref<2x4096xf32, #tpu.memory_space<hbm>>
    %dma_start3A_379 = arith.constant 0 : i32
    %dma_start3A_380 = tpu.memref_slice %arg5[%add3A_376, %dma_start3A_379] : memref<1024x4096xf32, #tpu.memory_space<hbm>> -> memref<2x4096xf32, #tpu.memory_space<hbm>>
    tpu.enqueue_dma source(%arg19 : memref<2x4096xf32, #tpu.memory_space<vmem>>) target(%dma_start3A_380 : memref<2x4096xf32, #tpu.memory_space<hbm>>) target_semaphore(%arg25 : memref<!tpu.dma_semaphore, #tpu.memory_space<semaphore_mem>>)
    %dma_wait3A_381 = arith.constant 0 : i32
    %dma_wait3A_382 = arith.constant 0 : i32
    %dma_wait3A_383 = tpu.memref_slice %arg2[%dma_wait3A_381, %dma_wait3A_382] : memref<65536x16xf32, #tpu.memory_space<hbm>> -> memref<65536x16xf32, #tpu.memory_space<hbm>>
    tpu.wait_indirect_dma semaphore(%arg21 : memref<!tpu.dma_semaphore, #tpu.memory_space<semaphore_mem>>) src(%dma_wait3A_383 : memref<65536x16xf32, #tpu.memory_space<hbm>>) dst(%arg12 : memref<32x16xf32, #tpu.memory_space<vmem>>)
    %get3A_384 = arith.constant 8 : i32
    %get3A_385 = arith.index_cast %get3A_384 : i32 to index
    %get3A_386 = arith.constant 0 : index
    %get3A_387 = tpu.vector_load %arg6[%get3A_385, %get3A_386] {strides = array<i32>} : memref<32x16xi32, #tpu.memory_space<vmem>>, vector<16xi32>,
    %add3A_388 = arith.constant 8 : i32
    %add3A_389 = arith.addi %mul3A_2, %add3A_388 : i32
    %add3A_390 = arith.constant 0 : i32
    %add3A_391 = arith.addi %add3A_389, %add3A_390 : i32
    %broadcast_in_dim3A_392 = vector.broadcast %add3A_391 : i32 to vector<16xi32>
    %min3A_393 = arith.minsi %broadcast_in_dim3A_392, %get3A_387 : vector<16xi32>
    %max3A_394 = arith.maxsi %broadcast_in_dim3A_392, %get3A_387 : vector<16xi32>
    %mul3A_395 = arith.constant 1024 : i32
    %mul3A_396 = vector.broadcast %mul3A_395 : i32 to vector<16xi32>
    %mul3A_397 = arith.muli %min3A_393, %mul3A_396 : vector<16xi32>
    %add3A_398 = arith.addi %mul3A_397, %max3A_394 : vector<16xi32>
    %shift_right_arithmetic3A_399 = arith.constant 4 : i32
    %shift_right_arithmetic3A_400 = vector.broadcast %shift_right_arithmetic3A_399 : i32 to vector<16xi32>
    %shift_right_arithmetic3A_401 = arith.shrsi %add3A_398, %shift_right_arithmetic3A_400 : vector<16xi32>
    %swap3A_402 = arith.constant 0 : index
    %swap3A_403 = tpu.vector_load %arg7[%swap3A_402] {strides = array<i32>} : memref<32xi32, #tpu.memory_space<vmem>>, vector<16xi32>,
    tpu.vector_store %arg7[%swap3A_402], %shift_right_arithmetic3A_401 {strides = array<i32>} : memref<32xi32, #tpu.memory_space<vmem>>, vector<16xi32>,
    %and3A_404 = arith.constant 15 : i32
    %and3A_405 = vector.broadcast %and3A_404 : i32 to vector<16xi32>
    %and3A_406 = arith.andi %add3A_398, %and3A_405 : vector<16xi32>
    %swap3A_407 = arith.constant 0 : index
    %swap3A_408 = tpu.vector_load %arg9[%swap3A_407] {strides = array<i32>} : memref<32xi32, #tpu.memory_space<vmem>>, vector<16xi32>,
    tpu.vector_store %arg9[%swap3A_407], %and3A_406 {strides = array<i32>} : memref<32xi32, #tpu.memory_space<vmem>>, vector<16xi32>,
    %get3A_409 = arith.constant 9 : i32
    %get3A_410 = arith.index_cast %get3A_409 : i32 to index
    %get3A_411 = arith.constant 0 : index
    %get3A_412 = tpu.vector_load %arg6[%get3A_410, %get3A_411] {strides = array<i32>} : memref<32x16xi32, #tpu.memory_space<vmem>>, vector<16xi32>,
    %add3A_413 = arith.constant 8 : i32
    %add3A_414 = arith.addi %mul3A_2, %add3A_413 : i32
    %add3A_415 = arith.constant 1 : i32
    %add3A_416 = arith.addi %add3A_414, %add3A_415 : i32
    %broadcast_in_dim3A_417 = vector.broadcast %add3A_416 : i32 to vector<16xi32>
    %min3A_418 = arith.minsi %broadcast_in_dim3A_417, %get3A_412 : vector<16xi32>
    %max3A_419 = arith.maxsi %broadcast_in_dim3A_417, %get3A_412 : vector<16xi32>
    %mul3A_420 = arith.constant 1024 : i32
    %mul3A_421 = vector.broadcast %mul3A_420 : i32 to vector<16xi32>
    %mul3A_422 = arith.muli %min3A_418, %mul3A_421 : vector<16xi32>
    %add3A_423 = arith.addi %mul3A_422, %max3A_419 : vector<16xi32>
    %shift_right_arithmetic3A_424 = arith.constant 4 : i32
    %shift_right_arithmetic3A_425 = vector.broadcast %shift_right_arithmetic3A_424 : i32 to vector<16xi32>
    %shift_right_arithmetic3A_426 = arith.shrsi %add3A_423, %shift_right_arithmetic3A_425 : vector<16xi32>
    %swap3A_427 = arith.constant 16 : index
    %swap3A_428 = tpu.vector_load %arg7[%swap3A_427] {strides = array<i32>} : memref<32xi32, #tpu.memory_space<vmem>>, vector<16xi32>,
    tpu.vector_store %arg7[%swap3A_427], %shift_right_arithmetic3A_426 {strides = array<i32>} : memref<32xi32, #tpu.memory_space<vmem>>, vector<16xi32>,
    %and3A_429 = arith.constant 15 : i32
    %and3A_430 = vector.broadcast %and3A_429 : i32 to vector<16xi32>
    %and3A_431 = arith.andi %add3A_423, %and3A_430 : vector<16xi32>
    %swap3A_432 = arith.constant 16 : index
    %swap3A_433 = tpu.vector_load %arg9[%swap3A_432] {strides = array<i32>} : memref<32xi32, #tpu.memory_space<vmem>>, vector<16xi32>,
    tpu.vector_store %arg9[%swap3A_432], %and3A_431 {strides = array<i32>} : memref<32xi32, #tpu.memory_space<vmem>>, vector<16xi32>,
    %dma_start3A_434 = arith.constant 0 : i32
    %dma_start3A_435 = arith.constant 0 : i32
    %dma_start3A_436 = tpu.memref_slice %arg2[%dma_start3A_434, %dma_start3A_435] : memref<65536x16xf32, #tpu.memory_space<hbm>> -> memref<65536x16xf32, #tpu.memory_space<hbm>>
    tpu.enqueue_indirect_dma source(%dma_start3A_436 : memref<65536x16xf32, #tpu.memory_space<hbm>>) target(%arg11 : memref<32x16xf32, #tpu.memory_space<vmem>>) offsets(%arg7 : memref<32xi32, #tpu.memory_space<vmem>>) semaphore(%arg20 : memref<!tpu.dma_semaphore, #tpu.memory_space<semaphore_mem>>)
    %get3A_437 = arith.constant 6 : i32
    %get3A_438 = arith.index_cast %get3A_437 : i32 to index
    %get3A_439 = arith.constant 0 : index
    %get3A_440 = tpu.vector_load %arg6[%get3A_438, %get3A_439] {strides = array<i32>} : memref<32x16xi32, #tpu.memory_space<vmem>>, vector<16xi32>,
    %add3A_441 = arith.constant 0 : i32
    %add3A_442 = vector.broadcast %add3A_441 : i32 to vector<16xi32>
    %add3A_443 = arith.addi %add3A_442, %iota3A : vector<16xi32>
    %get3A_444 = arith.constant 0 : index
    %get3A_445 = tpu.vector_load %arg10[%get3A_444] {strides = array<i32>} : memref<32xi32, #tpu.memory_space<vmem>>, vector<16xi32>,
    %gather3A_446 = tpu.vector_load_idx %arg12[%add3A_443, %get3A_445] : memref<32x16xf32, #tpu.memory_space<vmem>>[vector<16xi32>, vector<16xi32>], vector<16xf32>,
    %masked_sort3A_447 = arith.constant dense<true> : vector<16xi1>
    %masked_sort3A_448, %masked_sort3A_449, %masked_sort3A_450 = tpu.sort %gather3A_446, %get3A_440 masked %masked_sort3A_447 {descending = true} : (vector<16xf32>, vector<16xi32>, vector<16xi1>) -> (vector<16xi1>, vector<16xf32>, vector<16xi32>)
    %swap3A_451 = arith.constant 0 : index
    %swap3A_452 = tpu.vector_load %arg13[%swap3A_451] {strides = array<i32>} : memref<32xi32, #tpu.memory_space<vmem>>, vector<16xi32>,
    tpu.vector_store %arg13[%swap3A_451], %masked_sort3A_450 {strides = array<i32>} : memref<32xi32, #tpu.memory_space<vmem>>, vector<16xi32>,
    %get3A_453 = arith.constant 7 : i32
    %get3A_454 = arith.index_cast %get3A_453 : i32 to index
    %get3A_455 = arith.constant 0 : index
    %get3A_456 = tpu.vector_load %arg6[%get3A_454, %get3A_455] {strides = array<i32>} : memref<32x16xi32, #tpu.memory_space<vmem>>, vector<16xi32>,
    %add3A_457 = arith.constant 16 : i32
    %add3A_458 = vector.broadcast %add3A_457 : i32 to vector<16xi32>
    %add3A_459 = arith.addi %add3A_458, %iota3A : vector<16xi32>
    %get3A_460 = arith.constant 16 : index
    %get3A_461 = tpu.vector_load %arg10[%get3A_460] {strides = array<i32>} : memref<32xi32, #tpu.memory_space<vmem>>, vector<16xi32>,
    %gather3A_462 = tpu.vector_load_idx %arg12[%add3A_459, %get3A_461] : memref<32x16xf32, #tpu.memory_space<vmem>>[vector<16xi32>, vector<16xi32>], vector<16xf32>,
    %masked_sort3A_463 = arith.constant dense<true> : vector<16xi1>
    %masked_sort3A_464, %masked_sort3A_465, %masked_sort3A_466 = tpu.sort %gather3A_462, %get3A_456 masked %masked_sort3A_463 {descending = true} : (vector<16xf32>, vector<16xi32>, vector<16xi1>) -> (vector<16xi1>, vector<16xf32>, vector<16xi32>)
    %swap3A_467 = arith.constant 16 : index
    %swap3A_468 = tpu.vector_load %arg13[%swap3A_467] {strides = array<i32>} : memref<32xi32, #tpu.memory_space<vmem>>, vector<16xi32>,
    tpu.vector_store %arg13[%swap3A_467], %masked_sort3A_466 {strides = array<i32>} : memref<32xi32, #tpu.memory_space<vmem>>, vector<16xi32>,
    %gather3A_469 = tpu.vector_load_idx %arg13[%add3A_13] : memref<32xi32, #tpu.memory_space<vmem>>[vector<16xi32>], vector<16xi32>,
    %swap3A_470 = arith.constant 0 : index
    %swap3A_471 = tpu.vector_load %arg15[%swap3A_470] {strides = array<i32>} : memref<16xi32, #tpu.memory_space<vmem>>, vector<16xi32>,
    tpu.vector_store %arg15[%swap3A_470], %gather3A_469 {strides = array<i32>} : memref<16xi32, #tpu.memory_space<vmem>>, vector<16xi32>,
    %dma_start3A_472 = arith.constant 0 : i32
    %dma_start3A_473 = tpu.memref_slice %arg15[%dma_start3A_472] : memref<16xi32, #tpu.memory_space<vmem>> -> memref<8xi32, #tpu.memory_space<vmem>>
    %dma_start3A_474 = arith.constant 0 : i32
    %dma_start3A_475 = arith.constant 0 : i32
    %dma_start3A_476 = tpu.memref_slice %arg4[%dma_start3A_474, %dma_start3A_475] : memref<1024x4096xf32, #tpu.memory_space<hbm>> -> memref<1024x4096xf32, #tpu.memory_space<hbm>>
    tpu.enqueue_indirect_dma source(%dma_start3A_476 : memref<1024x4096xf32, #tpu.memory_space<hbm>>) target(%arg17 : memref<8x4096xf32, #tpu.memory_space<vmem>>) offsets(%dma_start3A_473 : memref<8xi32, #tpu.memory_space<vmem>>) semaphore(%arg23 : memref<!tpu.dma_semaphore, #tpu.memory_space<semaphore_mem>>)
    %dma_wait3A_477 = arith.constant 0 : i32
    %dma_wait3A_478 = tpu.memref_slice %arg14[%dma_wait3A_477] : memref<16xi32, #tpu.memory_space<vmem>> -> memref<8xi32, #tpu.memory_space<vmem>>
    %dma_wait3A_479 = arith.constant 0 : i32
    %dma_wait3A_480 = arith.constant 0 : i32
    %dma_wait3A_481 = tpu.memref_slice %arg4[%dma_wait3A_479, %dma_wait3A_480] : memref<1024x4096xf32, #tpu.memory_space<hbm>> -> memref<1024x4096xf32, #tpu.memory_space<hbm>>
    tpu.wait_indirect_dma semaphore(%arg22 : memref<!tpu.dma_semaphore, #tpu.memory_space<semaphore_mem>>) src(%dma_wait3A_481 : memref<1024x4096xf32, #tpu.memory_space<hbm>>) dst(%arg16 : memref<8x4096xf32, #tpu.memory_space<vmem>>)
    %dma_wait3A_482 = arith.constant 0 : i32
    %dma_wait3A_483 = tpu.memref_slice %arg5[%add3A_262, %dma_wait3A_482] : memref<1024x4096xf32, #tpu.memory_space<hbm>> -> memref<2x4096xf32, #tpu.memory_space<hbm>>
    %dma_wait3A_484 = arith.constant 0 : i32
    %dma_wait3A_485 = tpu.memref_slice %arg5[%add3A_262, %dma_wait3A_484] : memref<1024x4096xf32, #tpu.memory_space<hbm>> -> memref<2x4096xf32, #tpu.memory_space<hbm>>
    tpu.wait_dma2 semaphore(%arg24 : memref<!tpu.dma_semaphore, #tpu.memory_space<semaphore_mem>>) src(%arg18 : memref<2x4096xf32, #tpu.memory_space<vmem>>) dst(%dma_wait3A_485 : memref<2x4096xf32, #tpu.memory_space<hbm>>)
    %scan3A_486 = arith.constant 0 : i32
    %scan3A_487 = arith.constant 0 : i32
    %scan3A_488 = arith.constant 256 : i32
    %scan3A_489 = arith.addi %scan3A_487, %scan3A_488 : i32
    %scan3A_490 = arith.constant 1 : i32
    %scan3A_491 = scf.for %scan3A_1892 = %scan3A_487 to %scan3A_489 step %scan3A_490 iter_args(%scan3A_1893 = %scan3A_486) -> (i32)  : i32 {
      %mul3A_1894 = arith.constant 16 : i32
      %mul3A_1895 = arith.muli %scan3A_1892, %mul3A_1894 : i32
      %get3A_1896 = arith.constant 0 : i32
      %get3A_1897 = arith.index_cast %get3A_1896 : i32 to index
      %get3A_1898 = arith.index_cast %mul3A_1895 : i32 to index
      %get3A_1899 = tpu.vector_load %arg16[%get3A_1897, %get3A_1898] {strides = array<i32>} : memref<8x4096xf32, #tpu.memory_space<vmem>>, vector<16xf32>,
      %get3A_1900 = arith.constant 1 : i32
      %get3A_1901 = arith.index_cast %get3A_1900 : i32 to index
      %get3A_1902 = arith.index_cast %mul3A_1895 : i32 to index
      %get3A_1903 = tpu.vector_load %arg16[%get3A_1901, %get3A_1902] {strides = array<i32>} : memref<8x4096xf32, #tpu.memory_space<vmem>>, vector<16xf32>,
      %add3A_1904 = arith.addf %get3A_1899, %get3A_1903 : vector<16xf32>
      %get3A_1905 = arith.constant 2 : i32
      %get3A_1906 = arith.index_cast %get3A_1905 : i32 to index
      %get3A_1907 = arith.index_cast %mul3A_1895 : i32 to index
      %get3A_1908 = tpu.vector_load %arg16[%get3A_1906, %get3A_1907] {strides = array<i32>} : memref<8x4096xf32, #tpu.memory_space<vmem>>, vector<16xf32>,
      %add3A_1909 = arith.addf %add3A_1904, %get3A_1908 : vector<16xf32>
      %get3A_1910 = arith.constant 3 : i32
      %get3A_1911 = arith.index_cast %get3A_1910 : i32 to index
      %get3A_1912 = arith.index_cast %mul3A_1895 : i32 to index
      %get3A_1913 = tpu.vector_load %arg16[%get3A_1911, %get3A_1912] {strides = array<i32>} : memref<8x4096xf32, #tpu.memory_space<vmem>>, vector<16xf32>,
      %add3A_1914 = arith.addf %add3A_1909, %get3A_1913 : vector<16xf32>
      %mul3A_1915 = arith.constant 2.500000e-01 : f32
      %mul3A_1916 = vector.broadcast %mul3A_1915 : f32 to vector<16xf32>
      %mul3A_1917 = arith.mulf %add3A_1914, %mul3A_1916 : vector<16xf32>
      %swap3A_1918 = arith.constant 0 : i32
      %swap3A_1919 = arith.index_cast %swap3A_1918 : i32 to index
      %swap3A_1920 = arith.index_cast %mul3A_1895 : i32 to index
      %swap3A_1921 = tpu.vector_load %arg18[%swap3A_1919, %swap3A_1920] {strides = array<i32>} : memref<2x4096xf32, #tpu.memory_space<vmem>>, vector<16xf32>,
      tpu.vector_store %arg18[%swap3A_1919, %swap3A_1920], %mul3A_1917 {strides = array<i32>} : memref<2x4096xf32, #tpu.memory_space<vmem>>, vector<16xf32>,
      %get3A_1922 = arith.constant 4 : i32
      %get3A_1923 = arith.index_cast %get3A_1922 : i32 to index
      %get3A_1924 = arith.index_cast %mul3A_1895 : i32 to index
      %get3A_1925 = tpu.vector_load %arg16[%get3A_1923, %get3A_1924] {strides = array<i32>} : memref<8x4096xf32, #tpu.memory_space<vmem>>, vector<16xf32>,
      %get3A_1926 = arith.constant 5 : i32
      %get3A_1927 = arith.index_cast %get3A_1926 : i32 to index
      %get3A_1928 = arith.index_cast %mul3A_1895 : i32 to index
      %get3A_1929 = tpu.vector_load %arg16[%get3A_1927, %get3A_1928] {strides = array<i32>} : memref<8x4096xf32, #tpu.memory_space<vmem>>, vector<16xf32>,
      %add3A_1930 = arith.addf %get3A_1925, %get3A_1929 : vector<16xf32>
      %get3A_1931 = arith.constant 6 : i32
      %get3A_1932 = arith.index_cast %get3A_1931 : i32 to index
      %get3A_1933 = arith.index_cast %mul3A_1895 : i32 to index
      %get3A_1934 = tpu.vector_load %arg16[%get3A_1932, %get3A_1933] {strides = array<i32>} : memref<8x4096xf32, #tpu.memory_space<vmem>>, vector<16xf32>,
      %add3A_1935 = arith.addf %add3A_1930, %get3A_1934 : vector<16xf32>
      %get3A_1936 = arith.constant 7 : i32
      %get3A_1937 = arith.index_cast %get3A_1936 : i32 to index
      %get3A_1938 = arith.index_cast %mul3A_1895 : i32 to index
      %get3A_1939 = tpu.vector_load %arg16[%get3A_1937, %get3A_1938] {strides = array<i32>} : memref<8x4096xf32, #tpu.memory_space<vmem>>, vector<16xf32>,
      %add3A_1940 = arith.addf %add3A_1935, %get3A_1939 : vector<16xf32>
      %mul3A_1941 = arith.constant 2.500000e-01 : f32
      %mul3A_1942 = vector.broadcast %mul3A_1941 : f32 to vector<16xf32>
      %mul3A_1943 = arith.mulf %add3A_1940, %mul3A_1942 : vector<16xf32>
      %swap3A_1944 = arith.constant 1 : i32
      %swap3A_1945 = arith.index_cast %swap3A_1944 : i32 to index
      %swap3A_1946 = arith.index_cast %mul3A_1895 : i32 to index
      %swap3A_1947 = tpu.vector_load %arg18[%swap3A_1945, %swap3A_1946] {strides = array<i32>} : memref<2x4096xf32, #tpu.memory_space<vmem>>, vector<16xf32>,
      tpu.vector_store %arg18[%swap3A_1945, %swap3A_1946], %mul3A_1943 {strides = array<i32>} : memref<2x4096xf32, #tpu.memory_space<vmem>>, vector<16xf32>,
      %scan3A_1948 = arith.constant 0 : i32
      scf.yield %scan3A_1948 : i32
    }
    %scan3A_492 = arith.constant 256 : i32
    %add3A_493 = arith.constant 4 : i32
    %add3A_494 = arith.addi %mul3A_2, %add3A_493 : i32
    %dma_start3A_495 = arith.constant 0 : i32
    %dma_start3A_496 = tpu.memref_slice %arg5[%add3A_494, %dma_start3A_495] : memref<1024x4096xf32, #tpu.memory_space<hbm>> -> memref<2x4096xf32, #tpu.memory_space<hbm>>
    %dma_start3A_497 = arith.constant 0 : i32
    %dma_start3A_498 = tpu.memref_slice %arg5[%add3A_494, %dma_start3A_497] : memref<1024x4096xf32, #tpu.memory_space<hbm>> -> memref<2x4096xf32, #tpu.memory_space<hbm>>
    tpu.enqueue_dma source(%arg18 : memref<2x4096xf32, #tpu.memory_space<vmem>>) target(%dma_start3A_498 : memref<2x4096xf32, #tpu.memory_space<hbm>>) target_semaphore(%arg24 : memref<!tpu.dma_semaphore, #tpu.memory_space<semaphore_mem>>)
    %dma_wait3A_499 = arith.constant 0 : i32
    %dma_wait3A_500 = arith.constant 0 : i32
    %dma_wait3A_501 = tpu.memref_slice %arg2[%dma_wait3A_499, %dma_wait3A_500] : memref<65536x16xf32, #tpu.memory_space<hbm>> -> memref<65536x16xf32, #tpu.memory_space<hbm>>
    tpu.wait_indirect_dma semaphore(%arg20 : memref<!tpu.dma_semaphore, #tpu.memory_space<semaphore_mem>>) src(%dma_wait3A_501 : memref<65536x16xf32, #tpu.memory_space<hbm>>) dst(%arg11 : memref<32x16xf32, #tpu.memory_space<vmem>>)
    %get3A_502 = arith.constant 10 : i32
    %get3A_503 = arith.index_cast %get3A_502 : i32 to index
    %get3A_504 = arith.constant 0 : index
    %get3A_505 = tpu.vector_load %arg6[%get3A_503, %get3A_504] {strides = array<i32>} : memref<32x16xi32, #tpu.memory_space<vmem>>, vector<16xi32>,
    %add3A_506 = arith.constant 10 : i32
    %add3A_507 = arith.addi %mul3A_2, %add3A_506 : i32
    %add3A_508 = arith.constant 0 : i32
    %add3A_509 = arith.addi %add3A_507, %add3A_508 : i32
    %broadcast_in_dim3A_510 = vector.broadcast %add3A_509 : i32 to vector<16xi32>
    %min3A_511 = arith.minsi %broadcast_in_dim3A_510, %get3A_505 : vector<16xi32>
    %max3A_512 = arith.maxsi %broadcast_in_dim3A_510, %get3A_505 : vector<16xi32>
    %mul3A_513 = arith.constant 1024 : i32
    %mul3A_514 = vector.broadcast %mul3A_513 : i32 to vector<16xi32>
    %mul3A_515 = arith.muli %min3A_511, %mul3A_514 : vector<16xi32>
    %add3A_516 = arith.addi %mul3A_515, %max3A_512 : vector<16xi32>
    %shift_right_arithmetic3A_517 = arith.constant 4 : i32
    %shift_right_arithmetic3A_518 = vector.broadcast %shift_right_arithmetic3A_517 : i32 to vector<16xi32>
    %shift_right_arithmetic3A_519 = arith.shrsi %add3A_516, %shift_right_arithmetic3A_518 : vector<16xi32>
    %swap3A_520 = arith.constant 0 : index
    %swap3A_521 = tpu.vector_load %arg8[%swap3A_520] {strides = array<i32>} : memref<32xi32, #tpu.memory_space<vmem>>, vector<16xi32>,
    tpu.vector_store %arg8[%swap3A_520], %shift_right_arithmetic3A_519 {strides = array<i32>} : memref<32xi32, #tpu.memory_space<vmem>>, vector<16xi32>,
    %and3A_522 = arith.constant 15 : i32
    %and3A_523 = vector.broadcast %and3A_522 : i32 to vector<16xi32>
    %and3A_524 = arith.andi %add3A_516, %and3A_523 : vector<16xi32>
    %swap3A_525 = arith.constant 0 : index
    %swap3A_526 = tpu.vector_load %arg10[%swap3A_525] {strides = array<i32>} : memref<32xi32, #tpu.memory_space<vmem>>, vector<16xi32>,
    tpu.vector_store %arg10[%swap3A_525], %and3A_524 {strides = array<i32>} : memref<32xi32, #tpu.memory_space<vmem>>, vector<16xi32>,
    %get3A_527 = arith.constant 11 : i32
    %get3A_528 = arith.index_cast %get3A_527 : i32 to index
    %get3A_529 = arith.constant 0 : index
    %get3A_530 = tpu.vector_load %arg6[%get3A_528, %get3A_529] {strides = array<i32>} : memref<32x16xi32, #tpu.memory_space<vmem>>, vector<16xi32>,
    %add3A_531 = arith.constant 10 : i32
    %add3A_532 = arith.addi %mul3A_2, %add3A_531 : i32
    %add3A_533 = arith.constant 1 : i32
    %add3A_534 = arith.addi %add3A_532, %add3A_533 : i32
    %broadcast_in_dim3A_535 = vector.broadcast %add3A_534 : i32 to vector<16xi32>
    %min3A_536 = arith.minsi %broadcast_in_dim3A_535, %get3A_530 : vector<16xi32>
    %max3A_537 = arith.maxsi %broadcast_in_dim3A_535, %get3A_530 : vector<16xi32>
    %mul3A_538 = arith.constant 1024 : i32
    %mul3A_539 = vector.broadcast %mul3A_538 : i32 to vector<16xi32>
    %mul3A_540 = arith.muli %min3A_536, %mul3A_539 : vector<16xi32>
    %add3A_541 = arith.addi %mul3A_540, %max3A_537 : vector<16xi32>
    %shift_right_arithmetic3A_542 = arith.constant 4 : i32
    %shift_right_arithmetic3A_543 = vector.broadcast %shift_right_arithmetic3A_542 : i32 to vector<16xi32>
    %shift_right_arithmetic3A_544 = arith.shrsi %add3A_541, %shift_right_arithmetic3A_543 : vector<16xi32>
    %swap3A_545 = arith.constant 16 : index
    %swap3A_546 = tpu.vector_load %arg8[%swap3A_545] {strides = array<i32>} : memref<32xi32, #tpu.memory_space<vmem>>, vector<16xi32>,
    tpu.vector_store %arg8[%swap3A_545], %shift_right_arithmetic3A_544 {strides = array<i32>} : memref<32xi32, #tpu.memory_space<vmem>>, vector<16xi32>,
    %and3A_547 = arith.constant 15 : i32
    %and3A_548 = vector.broadcast %and3A_547 : i32 to vector<16xi32>
    %and3A_549 = arith.andi %add3A_541, %and3A_548 : vector<16xi32>
    %swap3A_550 = arith.constant 16 : index
    %swap3A_551 = tpu.vector_load %arg10[%swap3A_550] {strides = array<i32>} : memref<32xi32, #tpu.memory_space<vmem>>, vector<16xi32>,
    tpu.vector_store %arg10[%swap3A_550], %and3A_549 {strides = array<i32>} : memref<32xi32, #tpu.memory_space<vmem>>, vector<16xi32>,
    %dma_start3A_552 = arith.constant 0 : i32
    %dma_start3A_553 = arith.constant 0 : i32
    %dma_start3A_554 = tpu.memref_slice %arg2[%dma_start3A_552, %dma_start3A_553] : memref<65536x16xf32, #tpu.memory_space<hbm>> -> memref<65536x16xf32, #tpu.memory_space<hbm>>
    tpu.enqueue_indirect_dma source(%dma_start3A_554 : memref<65536x16xf32, #tpu.memory_space<hbm>>) target(%arg12 : memref<32x16xf32, #tpu.memory_space<vmem>>) offsets(%arg8 : memref<32xi32, #tpu.memory_space<vmem>>) semaphore(%arg21 : memref<!tpu.dma_semaphore, #tpu.memory_space<semaphore_mem>>)
    %get3A_555 = arith.constant 8 : i32
    %get3A_556 = arith.index_cast %get3A_555 : i32 to index
    %get3A_557 = arith.constant 0 : index
    %get3A_558 = tpu.vector_load %arg6[%get3A_556, %get3A_557] {strides = array<i32>} : memref<32x16xi32, #tpu.memory_space<vmem>>, vector<16xi32>,
    %add3A_559 = arith.constant 0 : i32
    %add3A_560 = vector.broadcast %add3A_559 : i32 to vector<16xi32>
    %add3A_561 = arith.addi %add3A_560, %iota3A : vector<16xi32>
    %get3A_562 = arith.constant 0 : index
    %get3A_563 = tpu.vector_load %arg9[%get3A_562] {strides = array<i32>} : memref<32xi32, #tpu.memory_space<vmem>>, vector<16xi32>,
    %gather3A_564 = tpu.vector_load_idx %arg11[%add3A_561, %get3A_563] : memref<32x16xf32, #tpu.memory_space<vmem>>[vector<16xi32>, vector<16xi32>], vector<16xf32>,
    %masked_sort3A_565 = arith.constant dense<true> : vector<16xi1>
    %masked_sort3A_566, %masked_sort3A_567, %masked_sort3A_568 = tpu.sort %gather3A_564, %get3A_558 masked %masked_sort3A_565 {descending = true} : (vector<16xf32>, vector<16xi32>, vector<16xi1>) -> (vector<16xi1>, vector<16xf32>, vector<16xi32>)
    %swap3A_569 = arith.constant 0 : index
    %swap3A_570 = tpu.vector_load %arg13[%swap3A_569] {strides = array<i32>} : memref<32xi32, #tpu.memory_space<vmem>>, vector<16xi32>,
    tpu.vector_store %arg13[%swap3A_569], %masked_sort3A_568 {strides = array<i32>} : memref<32xi32, #tpu.memory_space<vmem>>, vector<16xi32>,
    %get3A_571 = arith.constant 9 : i32
    %get3A_572 = arith.index_cast %get3A_571 : i32 to index
    %get3A_573 = arith.constant 0 : index
    %get3A_574 = tpu.vector_load %arg6[%get3A_572, %get3A_573] {strides = array<i32>} : memref<32x16xi32, #tpu.memory_space<vmem>>, vector<16xi32>,
    %add3A_575 = arith.constant 16 : i32
    %add3A_576 = vector.broadcast %add3A_575 : i32 to vector<16xi32>
    %add3A_577 = arith.addi %add3A_576, %iota3A : vector<16xi32>
    %get3A_578 = arith.constant 16 : index
    %get3A_579 = tpu.vector_load %arg9[%get3A_578] {strides = array<i32>} : memref<32xi32, #tpu.memory_space<vmem>>, vector<16xi32>,
    %gather3A_580 = tpu.vector_load_idx %arg11[%add3A_577, %get3A_579] : memref<32x16xf32, #tpu.memory_space<vmem>>[vector<16xi32>, vector<16xi32>], vector<16xf32>,
    %masked_sort3A_581 = arith.constant dense<true> : vector<16xi1>
    %masked_sort3A_582, %masked_sort3A_583, %masked_sort3A_584 = tpu.sort %gather3A_580, %get3A_574 masked %masked_sort3A_581 {descending = true} : (vector<16xf32>, vector<16xi32>, vector<16xi1>) -> (vector<16xi1>, vector<16xf32>, vector<16xi32>)
    %swap3A_585 = arith.constant 16 : index
    %swap3A_586 = tpu.vector_load %arg13[%swap3A_585] {strides = array<i32>} : memref<32xi32, #tpu.memory_space<vmem>>, vector<16xi32>,
    tpu.vector_store %arg13[%swap3A_585], %masked_sort3A_584 {strides = array<i32>} : memref<32xi32, #tpu.memory_space<vmem>>, vector<16xi32>,
    %gather3A_587 = tpu.vector_load_idx %arg13[%add3A_13] : memref<32xi32, #tpu.memory_space<vmem>>[vector<16xi32>], vector<16xi32>,
    %swap3A_588 = arith.constant 0 : index
    %swap3A_589 = tpu.vector_load %arg14[%swap3A_588] {strides = array<i32>} : memref<16xi32, #tpu.memory_space<vmem>>, vector<16xi32>,
    tpu.vector_store %arg14[%swap3A_588], %gather3A_587 {strides = array<i32>} : memref<16xi32, #tpu.memory_space<vmem>>, vector<16xi32>,
    %dma_start3A_590 = arith.constant 0 : i32
    %dma_start3A_591 = tpu.memref_slice %arg14[%dma_start3A_590] : memref<16xi32, #tpu.memory_space<vmem>> -> memref<8xi32, #tpu.memory_space<vmem>>
    %dma_start3A_592 = arith.constant 0 : i32
    %dma_start3A_593 = arith.constant 0 : i32
    %dma_start3A_594 = tpu.memref_slice %arg4[%dma_start3A_592, %dma_start3A_593] : memref<1024x4096xf32, #tpu.memory_space<hbm>> -> memref<1024x4096xf32, #tpu.memory_space<hbm>>
    tpu.enqueue_indirect_dma source(%dma_start3A_594 : memref<1024x4096xf32, #tpu.memory_space<hbm>>) target(%arg16 : memref<8x4096xf32, #tpu.memory_space<vmem>>) offsets(%dma_start3A_591 : memref<8xi32, #tpu.memory_space<vmem>>) semaphore(%arg22 : memref<!tpu.dma_semaphore, #tpu.memory_space<semaphore_mem>>)
    %dma_wait3A_595 = arith.constant 0 : i32
    %dma_wait3A_596 = tpu.memref_slice %arg15[%dma_wait3A_595] : memref<16xi32, #tpu.memory_space<vmem>> -> memref<8xi32, #tpu.memory_space<vmem>>
    %dma_wait3A_597 = arith.constant 0 : i32
    %dma_wait3A_598 = arith.constant 0 : i32
    %dma_wait3A_599 = tpu.memref_slice %arg4[%dma_wait3A_597, %dma_wait3A_598] : memref<1024x4096xf32, #tpu.memory_space<hbm>> -> memref<1024x4096xf32, #tpu.memory_space<hbm>>
    tpu.wait_indirect_dma semaphore(%arg23 : memref<!tpu.dma_semaphore, #tpu.memory_space<semaphore_mem>>) src(%dma_wait3A_599 : memref<1024x4096xf32, #tpu.memory_space<hbm>>) dst(%arg17 : memref<8x4096xf32, #tpu.memory_space<vmem>>)
    %dma_wait3A_600 = arith.constant 0 : i32
    %dma_wait3A_601 = tpu.memref_slice %arg5[%add3A_376, %dma_wait3A_600] : memref<1024x4096xf32, #tpu.memory_space<hbm>> -> memref<2x4096xf32, #tpu.memory_space<hbm>>
    %dma_wait3A_602 = arith.constant 0 : i32
    %dma_wait3A_603 = tpu.memref_slice %arg5[%add3A_376, %dma_wait3A_602] : memref<1024x4096xf32, #tpu.memory_space<hbm>> -> memref<2x4096xf32, #tpu.memory_space<hbm>>
    tpu.wait_dma2 semaphore(%arg25 : memref<!tpu.dma_semaphore, #tpu.memory_space<semaphore_mem>>) src(%arg19 : memref<2x4096xf32, #tpu.memory_space<vmem>>) dst(%dma_wait3A_603 : memref<2x4096xf32, #tpu.memory_space<hbm>>)
    %scan3A_604 = arith.constant 0 : i32
    %scan3A_605 = arith.constant 0 : i32
    %scan3A_606 = arith.constant 256 : i32
    %scan3A_607 = arith.addi %scan3A_605, %scan3A_606 : i32
    %scan3A_608 = arith.constant 1 : i32
    %scan3A_609 = scf.for %scan3A_1892 = %scan3A_605 to %scan3A_607 step %scan3A_608 iter_args(%scan3A_1893 = %scan3A_604) -> (i32)  : i32 {
      %mul3A_1894 = arith.constant 16 : i32
      %mul3A_1895 = arith.muli %scan3A_1892, %mul3A_1894 : i32
      %get3A_1896 = arith.constant 0 : i32
      %get3A_1897 = arith.index_cast %get3A_1896 : i32 to index
      %get3A_1898 = arith.index_cast %mul3A_1895 : i32 to index
      %get3A_1899 = tpu.vector_load %arg17[%get3A_1897, %get3A_1898] {strides = array<i32>} : memref<8x4096xf32, #tpu.memory_space<vmem>>, vector<16xf32>,
      %get3A_1900 = arith.constant 1 : i32
      %get3A_1901 = arith.index_cast %get3A_1900 : i32 to index
      %get3A_1902 = arith.index_cast %mul3A_1895 : i32 to index
      %get3A_1903 = tpu.vector_load %arg17[%get3A_1901, %get3A_1902] {strides = array<i32>} : memref<8x4096xf32, #tpu.memory_space<vmem>>, vector<16xf32>,
      %add3A_1904 = arith.addf %get3A_1899, %get3A_1903 : vector<16xf32>
      %get3A_1905 = arith.constant 2 : i32
      %get3A_1906 = arith.index_cast %get3A_1905 : i32 to index
      %get3A_1907 = arith.index_cast %mul3A_1895 : i32 to index
      %get3A_1908 = tpu.vector_load %arg17[%get3A_1906, %get3A_1907] {strides = array<i32>} : memref<8x4096xf32, #tpu.memory_space<vmem>>, vector<16xf32>,
      %add3A_1909 = arith.addf %add3A_1904, %get3A_1908 : vector<16xf32>
      %get3A_1910 = arith.constant 3 : i32
      %get3A_1911 = arith.index_cast %get3A_1910 : i32 to index
      %get3A_1912 = arith.index_cast %mul3A_1895 : i32 to index
      %get3A_1913 = tpu.vector_load %arg17[%get3A_1911, %get3A_1912] {strides = array<i32>} : memref<8x4096xf32, #tpu.memory_space<vmem>>, vector<16xf32>,
      %add3A_1914 = arith.addf %add3A_1909, %get3A_1913 : vector<16xf32>
      %mul3A_1915 = arith.constant 2.500000e-01 : f32
      %mul3A_1916 = vector.broadcast %mul3A_1915 : f32 to vector<16xf32>
      %mul3A_1917 = arith.mulf %add3A_1914, %mul3A_1916 : vector<16xf32>
      %swap3A_1918 = arith.constant 0 : i32
      %swap3A_1919 = arith.index_cast %swap3A_1918 : i32 to index
      %swap3A_1920 = arith.index_cast %mul3A_1895 : i32 to index
      %swap3A_1921 = tpu.vector_load %arg19[%swap3A_1919, %swap3A_1920] {strides = array<i32>} : memref<2x4096xf32, #tpu.memory_space<vmem>>, vector<16xf32>,
      tpu.vector_store %arg19[%swap3A_1919, %swap3A_1920], %mul3A_1917 {strides = array<i32>} : memref<2x4096xf32, #tpu.memory_space<vmem>>, vector<16xf32>,
      %get3A_1922 = arith.constant 4 : i32
      %get3A_1923 = arith.index_cast %get3A_1922 : i32 to index
      %get3A_1924 = arith.index_cast %mul3A_1895 : i32 to index
      %get3A_1925 = tpu.vector_load %arg17[%get3A_1923, %get3A_1924] {strides = array<i32>} : memref<8x4096xf32, #tpu.memory_space<vmem>>, vector<16xf32>,
      %get3A_1926 = arith.constant 5 : i32
      %get3A_1927 = arith.index_cast %get3A_1926 : i32 to index
      %get3A_1928 = arith.index_cast %mul3A_1895 : i32 to index
      %get3A_1929 = tpu.vector_load %arg17[%get3A_1927, %get3A_1928] {strides = array<i32>} : memref<8x4096xf32, #tpu.memory_space<vmem>>, vector<16xf32>,
      %add3A_1930 = arith.addf %get3A_1925, %get3A_1929 : vector<16xf32>
      %get3A_1931 = arith.constant 6 : i32
      %get3A_1932 = arith.index_cast %get3A_1931 : i32 to index
      %get3A_1933 = arith.index_cast %mul3A_1895 : i32 to index
      %get3A_1934 = tpu.vector_load %arg17[%get3A_1932, %get3A_1933] {strides = array<i32>} : memref<8x4096xf32, #tpu.memory_space<vmem>>, vector<16xf32>,
      %add3A_1935 = arith.addf %add3A_1930, %get3A_1934 : vector<16xf32>
      %get3A_1936 = arith.constant 7 : i32
      %get3A_1937 = arith.index_cast %get3A_1936 : i32 to index
      %get3A_1938 = arith.index_cast %mul3A_1895 : i32 to index
      %get3A_1939 = tpu.vector_load %arg17[%get3A_1937, %get3A_1938] {strides = array<i32>} : memref<8x4096xf32, #tpu.memory_space<vmem>>, vector<16xf32>,
      %add3A_1940 = arith.addf %add3A_1935, %get3A_1939 : vector<16xf32>
      %mul3A_1941 = arith.constant 2.500000e-01 : f32
      %mul3A_1942 = vector.broadcast %mul3A_1941 : f32 to vector<16xf32>
      %mul3A_1943 = arith.mulf %add3A_1940, %mul3A_1942 : vector<16xf32>
      %swap3A_1944 = arith.constant 1 : i32
      %swap3A_1945 = arith.index_cast %swap3A_1944 : i32 to index
      %swap3A_1946 = arith.index_cast %mul3A_1895 : i32 to index
      %swap3A_1947 = tpu.vector_load %arg19[%swap3A_1945, %swap3A_1946] {strides = array<i32>} : memref<2x4096xf32, #tpu.memory_space<vmem>>, vector<16xf32>,
      tpu.vector_store %arg19[%swap3A_1945, %swap3A_1946], %mul3A_1943 {strides = array<i32>} : memref<2x4096xf32, #tpu.memory_space<vmem>>, vector<16xf32>,
      %scan3A_1948 = arith.constant 0 : i32
      scf.yield %scan3A_1948 : i32
    }
    %scan3A_610 = arith.constant 256 : i32
    %add3A_611 = arith.constant 6 : i32
    %add3A_612 = arith.addi %mul3A_2, %add3A_611 : i32
    %dma_start3A_613 = arith.constant 0 : i32
    %dma_start3A_614 = tpu.memref_slice %arg5[%add3A_612, %dma_start3A_613] : memref<1024x4096xf32, #tpu.memory_space<hbm>> -> memref<2x4096xf32, #tpu.memory_space<hbm>>
    %dma_start3A_615 = arith.constant 0 : i32
    %dma_start3A_616 = tpu.memref_slice %arg5[%add3A_612, %dma_start3A_615] : memref<1024x4096xf32, #tpu.memory_space<hbm>> -> memref<2x4096xf32, #tpu.memory_space<hbm>>
    tpu.enqueue_dma source(%arg19 : memref<2x4096xf32, #tpu.memory_space<vmem>>) target(%dma_start3A_616 : memref<2x4096xf32, #tpu.memory_space<hbm>>) target_semaphore(%arg25 : memref<!tpu.dma_semaphore, #tpu.memory_space<semaphore_mem>>)
    %dma_wait3A_617 = arith.constant 0 : i32
    %dma_wait3A_618 = arith.constant 0 : i32
    %dma_wait3A_619 = tpu.memref_slice %arg2[%dma_wait3A_617, %dma_wait3A_618] : memref<65536x16xf32, #tpu.memory_space<hbm>> -> memref<65536x16xf32, #tpu.memory_space<hbm>>
    tpu.wait_indirect_dma semaphore(%arg21 : memref<!tpu.dma_semaphore, #tpu.memory_space<semaphore_mem>>) src(%dma_wait3A_619 : memref<65536x16xf32, #tpu.memory_space<hbm>>) dst(%arg12 : memref<32x16xf32, #tpu.memory_space<vmem>>)
    %get3A_620 = arith.constant 12 : i32
    %get3A_621 = arith.index_cast %get3A_620 : i32 to index
    %get3A_622 = arith.constant 0 : index
    %get3A_623 = tpu.vector_load %arg6[%get3A_621, %get3A_622] {strides = array<i32>} : memref<32x16xi32, #tpu.memory_space<vmem>>, vector<16xi32>,
    %add3A_624 = arith.constant 12 : i32
    %add3A_625 = arith.addi %mul3A_2, %add3A_624 : i32
    %add3A_626 = arith.constant 0 : i32
    %add3A_627 = arith.addi %add3A_625, %add3A_626 : i32
    %broadcast_in_dim3A_628 = vector.broadcast %add3A_627 : i32 to vector<16xi32>
    %min3A_629 = arith.minsi %broadcast_in_dim3A_628, %get3A_623 : vector<16xi32>
    %max3A_630 = arith.maxsi %broadcast_in_dim3A_628, %get3A_623 : vector<16xi32>
    %mul3A_631 = arith.constant 1024 : i32
    %mul3A_632 = vector.broadcast %mul3A_631 : i32 to vector<16xi32>
    %mul3A_633 = arith.muli %min3A_629, %mul3A_632 : vector<16xi32>
    %add3A_634 = arith.addi %mul3A_633, %max3A_630 : vector<16xi32>
    %shift_right_arithmetic3A_635 = arith.constant 4 : i32
    %shift_right_arithmetic3A_636 = vector.broadcast %shift_right_arithmetic3A_635 : i32 to vector<16xi32>
    %shift_right_arithmetic3A_637 = arith.shrsi %add3A_634, %shift_right_arithmetic3A_636 : vector<16xi32>
    %swap3A_638 = arith.constant 0 : index
    %swap3A_639 = tpu.vector_load %arg7[%swap3A_638] {strides = array<i32>} : memref<32xi32, #tpu.memory_space<vmem>>, vector<16xi32>,
    tpu.vector_store %arg7[%swap3A_638], %shift_right_arithmetic3A_637 {strides = array<i32>} : memref<32xi32, #tpu.memory_space<vmem>>, vector<16xi32>,
    %and3A_640 = arith.constant 15 : i32
    %and3A_641 = vector.broadcast %and3A_640 : i32 to vector<16xi32>
    %and3A_642 = arith.andi %add3A_634, %and3A_641 : vector<16xi32>
    %swap3A_643 = arith.constant 0 : index
    %swap3A_644 = tpu.vector_load %arg9[%swap3A_643] {strides = array<i32>} : memref<32xi32, #tpu.memory_space<vmem>>, vector<16xi32>,
    tpu.vector_store %arg9[%swap3A_643], %and3A_642 {strides = array<i32>} : memref<32xi32, #tpu.memory_space<vmem>>, vector<16xi32>,
    %get3A_645 = arith.constant 13 : i32
    %get3A_646 = arith.index_cast %get3A_645 : i32 to index
    %get3A_647 = arith.constant 0 : index
    %get3A_648 = tpu.vector_load %arg6[%get3A_646, %get3A_647] {strides = array<i32>} : memref<32x16xi32, #tpu.memory_space<vmem>>, vector<16xi32>,
    %add3A_649 = arith.constant 12 : i32
    %add3A_650 = arith.addi %mul3A_2, %add3A_649 : i32
    %add3A_651 = arith.constant 1 : i32
    %add3A_652 = arith.addi %add3A_650, %add3A_651 : i32
    %broadcast_in_dim3A_653 = vector.broadcast %add3A_652 : i32 to vector<16xi32>
    %min3A_654 = arith.minsi %broadcast_in_dim3A_653, %get3A_648 : vector<16xi32>
    %max3A_655 = arith.maxsi %broadcast_in_dim3A_653, %get3A_648 : vector<16xi32>
    %mul3A_656 = arith.constant 1024 : i32
    %mul3A_657 = vector.broadcast %mul3A_656 : i32 to vector<16xi32>
    %mul3A_658 = arith.muli %min3A_654, %mul3A_657 : vector<16xi32>
    %add3A_659 = arith.addi %mul3A_658, %max3A_655 : vector<16xi32>
    %shift_right_arithmetic3A_660 = arith.constant 4 : i32
    %shift_right_arithmetic3A_661 = vector.broadcast %shift_right_arithmetic3A_660 : i32 to vector<16xi32>
    %shift_right_arithmetic3A_662 = arith.shrsi %add3A_659, %shift_right_arithmetic3A_661 : vector<16xi32>
    %swap3A_663 = arith.constant 16 : index
    %swap3A_664 = tpu.vector_load %arg7[%swap3A_663] {strides = array<i32>} : memref<32xi32, #tpu.memory_space<vmem>>, vector<16xi32>,
    tpu.vector_store %arg7[%swap3A_663], %shift_right_arithmetic3A_662 {strides = array<i32>} : memref<32xi32, #tpu.memory_space<vmem>>, vector<16xi32>,
    %and3A_665 = arith.constant 15 : i32
    %and3A_666 = vector.broadcast %and3A_665 : i32 to vector<16xi32>
    %and3A_667 = arith.andi %add3A_659, %and3A_666 : vector<16xi32>
    %swap3A_668 = arith.constant 16 : index
    %swap3A_669 = tpu.vector_load %arg9[%swap3A_668] {strides = array<i32>} : memref<32xi32, #tpu.memory_space<vmem>>, vector<16xi32>,
    tpu.vector_store %arg9[%swap3A_668], %and3A_667 {strides = array<i32>} : memref<32xi32, #tpu.memory_space<vmem>>, vector<16xi32>,
    %dma_start3A_670 = arith.constant 0 : i32
    %dma_start3A_671 = arith.constant 0 : i32
    %dma_start3A_672 = tpu.memref_slice %arg2[%dma_start3A_670, %dma_start3A_671] : memref<65536x16xf32, #tpu.memory_space<hbm>> -> memref<65536x16xf32, #tpu.memory_space<hbm>>
    tpu.enqueue_indirect_dma source(%dma_start3A_672 : memref<65536x16xf32, #tpu.memory_space<hbm>>) target(%arg11 : memref<32x16xf32, #tpu.memory_space<vmem>>) offsets(%arg7 : memref<32xi32, #tpu.memory_space<vmem>>) semaphore(%arg20 : memref<!tpu.dma_semaphore, #tpu.memory_space<semaphore_mem>>)
    %get3A_673 = arith.constant 10 : i32
    %get3A_674 = arith.index_cast %get3A_673 : i32 to index
    %get3A_675 = arith.constant 0 : index
    %get3A_676 = tpu.vector_load %arg6[%get3A_674, %get3A_675] {strides = array<i32>} : memref<32x16xi32, #tpu.memory_space<vmem>>, vector<16xi32>,
    %add3A_677 = arith.constant 0 : i32
    %add3A_678 = vector.broadcast %add3A_677 : i32 to vector<16xi32>
    %add3A_679 = arith.addi %add3A_678, %iota3A : vector<16xi32>
    %get3A_680 = arith.constant 0 : index
    %get3A_681 = tpu.vector_load %arg10[%get3A_680] {strides = array<i32>} : memref<32xi32, #tpu.memory_space<vmem>>, vector<16xi32>,
    %gather3A_682 = tpu.vector_load_idx %arg12[%add3A_679, %get3A_681] : memref<32x16xf32, #tpu.memory_space<vmem>>[vector<16xi32>, vector<16xi32>], vector<16xf32>,
    %masked_sort3A_683 = arith.constant dense<true> : vector<16xi1>
    %masked_sort3A_684, %masked_sort3A_685, %masked_sort3A_686 = tpu.sort %gather3A_682, %get3A_676 masked %masked_sort3A_683 {descending = true} : (vector<16xf32>, vector<16xi32>, vector<16xi1>) -> (vector<16xi1>, vector<16xf32>, vector<16xi32>)
    %swap3A_687 = arith.constant 0 : index
    %swap3A_688 = tpu.vector_load %arg13[%swap3A_687] {strides = array<i32>} : memref<32xi32, #tpu.memory_space<vmem>>, vector<16xi32>,
    tpu.vector_store %arg13[%swap3A_687], %masked_sort3A_686 {strides = array<i32>} : memref<32xi32, #tpu.memory_space<vmem>>, vector<16xi32>,
    %get3A_689 = arith.constant 11 : i32
    %get3A_690 = arith.index_cast %get3A_689 : i32 to index
    %get3A_691 = arith.constant 0 : index
    %get3A_692 = tpu.vector_load %arg6[%get3A_690, %get3A_691] {strides = array<i32>} : memref<32x16xi32, #tpu.memory_space<vmem>>, vector<16xi32>,
    %add3A_693 = arith.constant 16 : i32
    %add3A_694 = vector.broadcast %add3A_693 : i32 to vector<16xi32>
    %add3A_695 = arith.addi %add3A_694, %iota3A : vector<16xi32>
    %get3A_696 = arith.constant 16 : index
    %get3A_697 = tpu.vector_load %arg10[%get3A_696] {strides = array<i32>} : memref<32xi32, #tpu.memory_space<vmem>>, vector<16xi32>,
    %gather3A_698 = tpu.vector_load_idx %arg12[%add3A_695, %get3A_697] : memref<32x16xf32, #tpu.memory_space<vmem>>[vector<16xi32>, vector<16xi32>], vector<16xf32>,
    %masked_sort3A_699 = arith.constant dense<true> : vector<16xi1>
    %masked_sort3A_700, %masked_sort3A_701, %masked_sort3A_702 = tpu.sort %gather3A_698, %get3A_692 masked %masked_sort3A_699 {descending = true} : (vector<16xf32>, vector<16xi32>, vector<16xi1>) -> (vector<16xi1>, vector<16xf32>, vector<16xi32>)
    %swap3A_703 = arith.constant 16 : index
    %swap3A_704 = tpu.vector_load %arg13[%swap3A_703] {strides = array<i32>} : memref<32xi32, #tpu.memory_space<vmem>>, vector<16xi32>,
    tpu.vector_store %arg13[%swap3A_703], %masked_sort3A_702 {strides = array<i32>} : memref<32xi32, #tpu.memory_space<vmem>>, vector<16xi32>,
    %gather3A_705 = tpu.vector_load_idx %arg13[%add3A_13] : memref<32xi32, #tpu.memory_space<vmem>>[vector<16xi32>], vector<16xi32>,
    %swap3A_706 = arith.constant 0 : index
    %swap3A_707 = tpu.vector_load %arg15[%swap3A_706] {strides = array<i32>} : memref<16xi32, #tpu.memory_space<vmem>>, vector<16xi32>,
    tpu.vector_store %arg15[%swap3A_706], %gather3A_705 {strides = array<i32>} : memref<16xi32, #tpu.memory_space<vmem>>, vector<16xi32>,
    %dma_start3A_708 = arith.constant 0 : i32
    %dma_start3A_709 = tpu.memref_slice %arg15[%dma_start3A_708] : memref<16xi32, #tpu.memory_space<vmem>> -> memref<8xi32, #tpu.memory_space<vmem>>
    %dma_start3A_710 = arith.constant 0 : i32
    %dma_start3A_711 = arith.constant 0 : i32
    %dma_start3A_712 = tpu.memref_slice %arg4[%dma_start3A_710, %dma_start3A_711] : memref<1024x4096xf32, #tpu.memory_space<hbm>> -> memref<1024x4096xf32, #tpu.memory_space<hbm>>
    tpu.enqueue_indirect_dma source(%dma_start3A_712 : memref<1024x4096xf32, #tpu.memory_space<hbm>>) target(%arg17 : memref<8x4096xf32, #tpu.memory_space<vmem>>) offsets(%dma_start3A_709 : memref<8xi32, #tpu.memory_space<vmem>>) semaphore(%arg23 : memref<!tpu.dma_semaphore, #tpu.memory_space<semaphore_mem>>)
    %dma_wait3A_713 = arith.constant 0 : i32
    %dma_wait3A_714 = tpu.memref_slice %arg14[%dma_wait3A_713] : memref<16xi32, #tpu.memory_space<vmem>> -> memref<8xi32, #tpu.memory_space<vmem>>
    %dma_wait3A_715 = arith.constant 0 : i32
    %dma_wait3A_716 = arith.constant 0 : i32
    %dma_wait3A_717 = tpu.memref_slice %arg4[%dma_wait3A_715, %dma_wait3A_716] : memref<1024x4096xf32, #tpu.memory_space<hbm>> -> memref<1024x4096xf32, #tpu.memory_space<hbm>>
    tpu.wait_indirect_dma semaphore(%arg22 : memref<!tpu.dma_semaphore, #tpu.memory_space<semaphore_mem>>) src(%dma_wait3A_717 : memref<1024x4096xf32, #tpu.memory_space<hbm>>) dst(%arg16 : memref<8x4096xf32, #tpu.memory_space<vmem>>)
    %dma_wait3A_718 = arith.constant 0 : i32
    %dma_wait3A_719 = tpu.memref_slice %arg5[%add3A_494, %dma_wait3A_718] : memref<1024x4096xf32, #tpu.memory_space<hbm>> -> memref<2x4096xf32, #tpu.memory_space<hbm>>
    %dma_wait3A_720 = arith.constant 0 : i32
    %dma_wait3A_721 = tpu.memref_slice %arg5[%add3A_494, %dma_wait3A_720] : memref<1024x4096xf32, #tpu.memory_space<hbm>> -> memref<2x4096xf32, #tpu.memory_space<hbm>>
    tpu.wait_dma2 semaphore(%arg24 : memref<!tpu.dma_semaphore, #tpu.memory_space<semaphore_mem>>) src(%arg18 : memref<2x4096xf32, #tpu.memory_space<vmem>>) dst(%dma_wait3A_721 : memref<2x4096xf32, #tpu.memory_space<hbm>>)
    %scan3A_722 = arith.constant 0 : i32
    %scan3A_723 = arith.constant 0 : i32
    %scan3A_724 = arith.constant 256 : i32
    %scan3A_725 = arith.addi %scan3A_723, %scan3A_724 : i32
    %scan3A_726 = arith.constant 1 : i32
    %scan3A_727 = scf.for %scan3A_1892 = %scan3A_723 to %scan3A_725 step %scan3A_726 iter_args(%scan3A_1893 = %scan3A_722) -> (i32)  : i32 {
      %mul3A_1894 = arith.constant 16 : i32
      %mul3A_1895 = arith.muli %scan3A_1892, %mul3A_1894 : i32
      %get3A_1896 = arith.constant 0 : i32
      %get3A_1897 = arith.index_cast %get3A_1896 : i32 to index
      %get3A_1898 = arith.index_cast %mul3A_1895 : i32 to index
      %get3A_1899 = tpu.vector_load %arg16[%get3A_1897, %get3A_1898] {strides = array<i32>} : memref<8x4096xf32, #tpu.memory_space<vmem>>, vector<16xf32>,
      %get3A_1900 = arith.constant 1 : i32
      %get3A_1901 = arith.index_cast %get3A_1900 : i32 to index
      %get3A_1902 = arith.index_cast %mul3A_1895 : i32 to index
      %get3A_1903 = tpu.vector_load %arg16[%get3A_1901, %get3A_1902] {strides = array<i32>} : memref<8x4096xf32, #tpu.memory_space<vmem>>, vector<16xf32>,
      %add3A_1904 = arith.addf %get3A_1899, %get3A_1903 : vector<16xf32>
      %get3A_1905 = arith.constant 2 : i32
      %get3A_1906 = arith.index_cast %get3A_1905 : i32 to index
      %get3A_1907 = arith.index_cast %mul3A_1895 : i32 to index
      %get3A_1908 = tpu.vector_load %arg16[%get3A_1906, %get3A_1907] {strides = array<i32>} : memref<8x4096xf32, #tpu.memory_space<vmem>>, vector<16xf32>,
      %add3A_1909 = arith.addf %add3A_1904, %get3A_1908 : vector<16xf32>
      %get3A_1910 = arith.constant 3 : i32
      %get3A_1911 = arith.index_cast %get3A_1910 : i32 to index
      %get3A_1912 = arith.index_cast %mul3A_1895 : i32 to index
      %get3A_1913 = tpu.vector_load %arg16[%get3A_1911, %get3A_1912] {strides = array<i32>} : memref<8x4096xf32, #tpu.memory_space<vmem>>, vector<16xf32>,
      %add3A_1914 = arith.addf %add3A_1909, %get3A_1913 : vector<16xf32>
      %mul3A_1915 = arith.constant 2.500000e-01 : f32
      %mul3A_1916 = vector.broadcast %mul3A_1915 : f32 to vector<16xf32>
      %mul3A_1917 = arith.mulf %add3A_1914, %mul3A_1916 : vector<16xf32>
      %swap3A_1918 = arith.constant 0 : i32
      %swap3A_1919 = arith.index_cast %swap3A_1918 : i32 to index
      %swap3A_1920 = arith.index_cast %mul3A_1895 : i32 to index
      %swap3A_1921 = tpu.vector_load %arg18[%swap3A_1919, %swap3A_1920] {strides = array<i32>} : memref<2x4096xf32, #tpu.memory_space<vmem>>, vector<16xf32>,
      tpu.vector_store %arg18[%swap3A_1919, %swap3A_1920], %mul3A_1917 {strides = array<i32>} : memref<2x4096xf32, #tpu.memory_space<vmem>>, vector<16xf32>,
      %get3A_1922 = arith.constant 4 : i32
      %get3A_1923 = arith.index_cast %get3A_1922 : i32 to index
      %get3A_1924 = arith.index_cast %mul3A_1895 : i32 to index
      %get3A_1925 = tpu.vector_load %arg16[%get3A_1923, %get3A_1924] {strides = array<i32>} : memref<8x4096xf32, #tpu.memory_space<vmem>>, vector<16xf32>,
      %get3A_1926 = arith.constant 5 : i32
      %get3A_1927 = arith.index_cast %get3A_1926 : i32 to index
      %get3A_1928 = arith.index_cast %mul3A_1895 : i32 to index
      %get3A_1929 = tpu.vector_load %arg16[%get3A_1927, %get3A_1928] {strides = array<i32>} : memref<8x4096xf32, #tpu.memory_space<vmem>>, vector<16xf32>,
      %add3A_1930 = arith.addf %get3A_1925, %get3A_1929 : vector<16xf32>
      %get3A_1931 = arith.constant 6 : i32
      %get3A_1932 = arith.index_cast %get3A_1931 : i32 to index
      %get3A_1933 = arith.index_cast %mul3A_1895 : i32 to index
      %get3A_1934 = tpu.vector_load %arg16[%get3A_1932, %get3A_1933] {strides = array<i32>} : memref<8x4096xf32, #tpu.memory_space<vmem>>, vector<16xf32>,
      %add3A_1935 = arith.addf %add3A_1930, %get3A_1934 : vector<16xf32>
      %get3A_1936 = arith.constant 7 : i32
      %get3A_1937 = arith.index_cast %get3A_1936 : i32 to index
      %get3A_1938 = arith.index_cast %mul3A_1895 : i32 to index
      %get3A_1939 = tpu.vector_load %arg16[%get3A_1937, %get3A_1938] {strides = array<i32>} : memref<8x4096xf32, #tpu.memory_space<vmem>>, vector<16xf32>,
      %add3A_1940 = arith.addf %add3A_1935, %get3A_1939 : vector<16xf32>
      %mul3A_1941 = arith.constant 2.500000e-01 : f32
      %mul3A_1942 = vector.broadcast %mul3A_1941 : f32 to vector<16xf32>
      %mul3A_1943 = arith.mulf %add3A_1940, %mul3A_1942 : vector<16xf32>
      %swap3A_1944 = arith.constant 1 : i32
      %swap3A_1945 = arith.index_cast %swap3A_1944 : i32 to index
      %swap3A_1946 = arith.index_cast %mul3A_1895 : i32 to index
      %swap3A_1947 = tpu.vector_load %arg18[%swap3A_1945, %swap3A_1946] {strides = array<i32>} : memref<2x4096xf32, #tpu.memory_space<vmem>>, vector<16xf32>,
      tpu.vector_store %arg18[%swap3A_1945, %swap3A_1946], %mul3A_1943 {strides = array<i32>} : memref<2x4096xf32, #tpu.memory_space<vmem>>, vector<16xf32>,
      %scan3A_1948 = arith.constant 0 : i32
      scf.yield %scan3A_1948 : i32
    }
    %scan3A_728 = arith.constant 256 : i32
    %add3A_729 = arith.constant 8 : i32
    %add3A_730 = arith.addi %mul3A_2, %add3A_729 : i32
    %dma_start3A_731 = arith.constant 0 : i32
    %dma_start3A_732 = tpu.memref_slice %arg5[%add3A_730, %dma_start3A_731] : memref<1024x4096xf32, #tpu.memory_space<hbm>> -> memref<2x4096xf32, #tpu.memory_space<hbm>>
    %dma_start3A_733 = arith.constant 0 : i32
    %dma_start3A_734 = tpu.memref_slice %arg5[%add3A_730, %dma_start3A_733] : memref<1024x4096xf32, #tpu.memory_space<hbm>> -> memref<2x4096xf32, #tpu.memory_space<hbm>>
    tpu.enqueue_dma source(%arg18 : memref<2x4096xf32, #tpu.memory_space<vmem>>) target(%dma_start3A_734 : memref<2x4096xf32, #tpu.memory_space<hbm>>) target_semaphore(%arg24 : memref<!tpu.dma_semaphore, #tpu.memory_space<semaphore_mem>>)
    %dma_wait3A_735 = arith.constant 0 : i32
    %dma_wait3A_736 = arith.constant 0 : i32
    %dma_wait3A_737 = tpu.memref_slice %arg2[%dma_wait3A_735, %dma_wait3A_736] : memref<65536x16xf32, #tpu.memory_space<hbm>> -> memref<65536x16xf32, #tpu.memory_space<hbm>>
    tpu.wait_indirect_dma semaphore(%arg20 : memref<!tpu.dma_semaphore, #tpu.memory_space<semaphore_mem>>) src(%dma_wait3A_737 : memref<65536x16xf32, #tpu.memory_space<hbm>>) dst(%arg11 : memref<32x16xf32, #tpu.memory_space<vmem>>)
    %get3A_738 = arith.constant 14 : i32
    %get3A_739 = arith.index_cast %get3A_738 : i32 to index
    %get3A_740 = arith.constant 0 : index
    %get3A_741 = tpu.vector_load %arg6[%get3A_739, %get3A_740] {strides = array<i32>} : memref<32x16xi32, #tpu.memory_space<vmem>>, vector<16xi32>,
    %add3A_742 = arith.constant 14 : i32
    %add3A_743 = arith.addi %mul3A_2, %add3A_742 : i32
    %add3A_744 = arith.constant 0 : i32
    %add3A_745 = arith.addi %add3A_743, %add3A_744 : i32
    %broadcast_in_dim3A_746 = vector.broadcast %add3A_745 : i32 to vector<16xi32>
    %min3A_747 = arith.minsi %broadcast_in_dim3A_746, %get3A_741 : vector<16xi32>
    %max3A_748 = arith.maxsi %broadcast_in_dim3A_746, %get3A_741 : vector<16xi32>
    %mul3A_749 = arith.constant 1024 : i32
    %mul3A_750 = vector.broadcast %mul3A_749 : i32 to vector<16xi32>
    %mul3A_751 = arith.muli %min3A_747, %mul3A_750 : vector<16xi32>
    %add3A_752 = arith.addi %mul3A_751, %max3A_748 : vector<16xi32>
    %shift_right_arithmetic3A_753 = arith.constant 4 : i32
    %shift_right_arithmetic3A_754 = vector.broadcast %shift_right_arithmetic3A_753 : i32 to vector<16xi32>
    %shift_right_arithmetic3A_755 = arith.shrsi %add3A_752, %shift_right_arithmetic3A_754 : vector<16xi32>
    %swap3A_756 = arith.constant 0 : index
    %swap3A_757 = tpu.vector_load %arg8[%swap3A_756] {strides = array<i32>} : memref<32xi32, #tpu.memory_space<vmem>>, vector<16xi32>,
    tpu.vector_store %arg8[%swap3A_756], %shift_right_arithmetic3A_755 {strides = array<i32>} : memref<32xi32, #tpu.memory_space<vmem>>, vector<16xi32>,
    %and3A_758 = arith.constant 15 : i32
    %and3A_759 = vector.broadcast %and3A_758 : i32 to vector<16xi32>
    %and3A_760 = arith.andi %add3A_752, %and3A_759 : vector<16xi32>
    %swap3A_761 = arith.constant 0 : index
    %swap3A_762 = tpu.vector_load %arg10[%swap3A_761] {strides = array<i32>} : memref<32xi32, #tpu.memory_space<vmem>>, vector<16xi32>,
    tpu.vector_store %arg10[%swap3A_761], %and3A_760 {strides = array<i32>} : memref<32xi32, #tpu.memory_space<vmem>>, vector<16xi32>,
    %get3A_763 = arith.constant 15 : i32
    %get3A_764 = arith.index_cast %get3A_763 : i32 to index
    %get3A_765 = arith.constant 0 : index
    %get3A_766 = tpu.vector_load %arg6[%get3A_764, %get3A_765] {strides = array<i32>} : memref<32x16xi32, #tpu.memory_space<vmem>>, vector<16xi32>,
    %add3A_767 = arith.constant 14 : i32
    %add3A_768 = arith.addi %mul3A_2, %add3A_767 : i32
    %add3A_769 = arith.constant 1 : i32
    %add3A_770 = arith.addi %add3A_768, %add3A_769 : i32
    %broadcast_in_dim3A_771 = vector.broadcast %add3A_770 : i32 to vector<16xi32>
    %min3A_772 = arith.minsi %broadcast_in_dim3A_771, %get3A_766 : vector<16xi32>
    %max3A_773 = arith.maxsi %broadcast_in_dim3A_771, %get3A_766 : vector<16xi32>
    %mul3A_774 = arith.constant 1024 : i32
    %mul3A_775 = vector.broadcast %mul3A_774 : i32 to vector<16xi32>
    %mul3A_776 = arith.muli %min3A_772, %mul3A_775 : vector<16xi32>
    %add3A_777 = arith.addi %mul3A_776, %max3A_773 : vector<16xi32>
    %shift_right_arithmetic3A_778 = arith.constant 4 : i32
    %shift_right_arithmetic3A_779 = vector.broadcast %shift_right_arithmetic3A_778 : i32 to vector<16xi32>
    %shift_right_arithmetic3A_780 = arith.shrsi %add3A_777, %shift_right_arithmetic3A_779 : vector<16xi32>
    %swap3A_781 = arith.constant 16 : index
    %swap3A_782 = tpu.vector_load %arg8[%swap3A_781] {strides = array<i32>} : memref<32xi32, #tpu.memory_space<vmem>>, vector<16xi32>,
    tpu.vector_store %arg8[%swap3A_781], %shift_right_arithmetic3A_780 {strides = array<i32>} : memref<32xi32, #tpu.memory_space<vmem>>, vector<16xi32>,
    %and3A_783 = arith.constant 15 : i32
    %and3A_784 = vector.broadcast %and3A_783 : i32 to vector<16xi32>
    %and3A_785 = arith.andi %add3A_777, %and3A_784 : vector<16xi32>
    %swap3A_786 = arith.constant 16 : index
    %swap3A_787 = tpu.vector_load %arg10[%swap3A_786] {strides = array<i32>} : memref<32xi32, #tpu.memory_space<vmem>>, vector<16xi32>,
    tpu.vector_store %arg10[%swap3A_786], %and3A_785 {strides = array<i32>} : memref<32xi32, #tpu.memory_space<vmem>>, vector<16xi32>,
    %dma_start3A_788 = arith.constant 0 : i32
    %dma_start3A_789 = arith.constant 0 : i32
    %dma_start3A_790 = tpu.memref_slice %arg2[%dma_start3A_788, %dma_start3A_789] : memref<65536x16xf32, #tpu.memory_space<hbm>> -> memref<65536x16xf32, #tpu.memory_space<hbm>>
    tpu.enqueue_indirect_dma source(%dma_start3A_790 : memref<65536x16xf32, #tpu.memory_space<hbm>>) target(%arg12 : memref<32x16xf32, #tpu.memory_space<vmem>>) offsets(%arg8 : memref<32xi32, #tpu.memory_space<vmem>>) semaphore(%arg21 : memref<!tpu.dma_semaphore, #tpu.memory_space<semaphore_mem>>)
    %get3A_791 = arith.constant 12 : i32
    %get3A_792 = arith.index_cast %get3A_791 : i32 to index
    %get3A_793 = arith.constant 0 : index
    %get3A_794 = tpu.vector_load %arg6[%get3A_792, %get3A_793] {strides = array<i32>} : memref<32x16xi32, #tpu.memory_space<vmem>>, vector<16xi32>,
    %add3A_795 = arith.constant 0 : i32
    %add3A_796 = vector.broadcast %add3A_795 : i32 to vector<16xi32>
    %add3A_797 = arith.addi %add3A_796, %iota3A : vector<16xi32>
    %get3A_798 = arith.constant 0 : index
    %get3A_799 = tpu.vector_load %arg9[%get3A_798] {strides = array<i32>} : memref<32xi32, #tpu.memory_space<vmem>>, vector<16xi32>,
    %gather3A_800 = tpu.vector_load_idx %arg11[%add3A_797, %get3A_799] : memref<32x16xf32, #tpu.memory_space<vmem>>[vector<16xi32>, vector<16xi32>], vector<16xf32>,
    %masked_sort3A_801 = arith.constant dense<true> : vector<16xi1>
    %masked_sort3A_802, %masked_sort3A_803, %masked_sort3A_804 = tpu.sort %gather3A_800, %get3A_794 masked %masked_sort3A_801 {descending = true} : (vector<16xf32>, vector<16xi32>, vector<16xi1>) -> (vector<16xi1>, vector<16xf32>, vector<16xi32>)
    %swap3A_805 = arith.constant 0 : index
    %swap3A_806 = tpu.vector_load %arg13[%swap3A_805] {strides = array<i32>} : memref<32xi32, #tpu.memory_space<vmem>>, vector<16xi32>,
    tpu.vector_store %arg13[%swap3A_805], %masked_sort3A_804 {strides = array<i32>} : memref<32xi32, #tpu.memory_space<vmem>>, vector<16xi32>,
    %get3A_807 = arith.constant 13 : i32
    %get3A_808 = arith.index_cast %get3A_807 : i32 to index
    %get3A_809 = arith.constant 0 : index
    %get3A_810 = tpu.vector_load %arg6[%get3A_808, %get3A_809] {strides = array<i32>} : memref<32x16xi32, #tpu.memory_space<vmem>>, vector<16xi32>,
    %add3A_811 = arith.constant 16 : i32
    %add3A_812 = vector.broadcast %add3A_811 : i32 to vector<16xi32>
    %add3A_813 = arith.addi %add3A_812, %iota3A : vector<16xi32>
    %get3A_814 = arith.constant 16 : index
    %get3A_815 = tpu.vector_load %arg9[%get3A_814] {strides = array<i32>} : memref<32xi32, #tpu.memory_space<vmem>>, vector<16xi32>,
    %gather3A_816 = tpu.vector_load_idx %arg11[%add3A_813, %get3A_815] : memref<32x16xf32, #tpu.memory_space<vmem>>[vector<16xi32>, vector<16xi32>], vector<16xf32>,
    %masked_sort3A_817 = arith.constant dense<true> : vector<16xi1>
    %masked_sort3A_818, %masked_sort3A_819, %masked_sort3A_820 = tpu.sort %gather3A_816, %get3A_810 masked %masked_sort3A_817 {descending = true} : (vector<16xf32>, vector<16xi32>, vector<16xi1>) -> (vector<16xi1>, vector<16xf32>, vector<16xi32>)
    %swap3A_821 = arith.constant 16 : index
    %swap3A_822 = tpu.vector_load %arg13[%swap3A_821] {strides = array<i32>} : memref<32xi32, #tpu.memory_space<vmem>>, vector<16xi32>,
    tpu.vector_store %arg13[%swap3A_821], %masked_sort3A_820 {strides = array<i32>} : memref<32xi32, #tpu.memory_space<vmem>>, vector<16xi32>,
    %gather3A_823 = tpu.vector_load_idx %arg13[%add3A_13] : memref<32xi32, #tpu.memory_space<vmem>>[vector<16xi32>], vector<16xi32>,
    %swap3A_824 = arith.constant 0 : index
    %swap3A_825 = tpu.vector_load %arg14[%swap3A_824] {strides = array<i32>} : memref<16xi32, #tpu.memory_space<vmem>>, vector<16xi32>,
    tpu.vector_store %arg14[%swap3A_824], %gather3A_823 {strides = array<i32>} : memref<16xi32, #tpu.memory_space<vmem>>, vector<16xi32>,
    %dma_start3A_826 = arith.constant 0 : i32
    %dma_start3A_827 = tpu.memref_slice %arg14[%dma_start3A_826] : memref<16xi32, #tpu.memory_space<vmem>> -> memref<8xi32, #tpu.memory_space<vmem>>
    %dma_start3A_828 = arith.constant 0 : i32
    %dma_start3A_829 = arith.constant 0 : i32
    %dma_start3A_830 = tpu.memref_slice %arg4[%dma_start3A_828, %dma_start3A_829] : memref<1024x4096xf32, #tpu.memory_space<hbm>> -> memref<1024x4096xf32, #tpu.memory_space<hbm>>
    tpu.enqueue_indirect_dma source(%dma_start3A_830 : memref<1024x4096xf32, #tpu.memory_space<hbm>>) target(%arg16 : memref<8x4096xf32, #tpu.memory_space<vmem>>) offsets(%dma_start3A_827 : memref<8xi32, #tpu.memory_space<vmem>>) semaphore(%arg22 : memref<!tpu.dma_semaphore, #tpu.memory_space<semaphore_mem>>)
    %dma_wait3A_831 = arith.constant 0 : i32
    %dma_wait3A_832 = tpu.memref_slice %arg15[%dma_wait3A_831] : memref<16xi32, #tpu.memory_space<vmem>> -> memref<8xi32, #tpu.memory_space<vmem>>
    %dma_wait3A_833 = arith.constant 0 : i32
    %dma_wait3A_834 = arith.constant 0 : i32
    %dma_wait3A_835 = tpu.memref_slice %arg4[%dma_wait3A_833, %dma_wait3A_834] : memref<1024x4096xf32, #tpu.memory_space<hbm>> -> memref<1024x4096xf32, #tpu.memory_space<hbm>>
    tpu.wait_indirect_dma semaphore(%arg23 : memref<!tpu.dma_semaphore, #tpu.memory_space<semaphore_mem>>) src(%dma_wait3A_835 : memref<1024x4096xf32, #tpu.memory_space<hbm>>) dst(%arg17 : memref<8x4096xf32, #tpu.memory_space<vmem>>)
    %dma_wait3A_836 = arith.constant 0 : i32
    %dma_wait3A_837 = tpu.memref_slice %arg5[%add3A_612, %dma_wait3A_836] : memref<1024x4096xf32, #tpu.memory_space<hbm>> -> memref<2x4096xf32, #tpu.memory_space<hbm>>
    %dma_wait3A_838 = arith.constant 0 : i32
    %dma_wait3A_839 = tpu.memref_slice %arg5[%add3A_612, %dma_wait3A_838] : memref<1024x4096xf32, #tpu.memory_space<hbm>> -> memref<2x4096xf32, #tpu.memory_space<hbm>>
    tpu.wait_dma2 semaphore(%arg25 : memref<!tpu.dma_semaphore, #tpu.memory_space<semaphore_mem>>) src(%arg19 : memref<2x4096xf32, #tpu.memory_space<vmem>>) dst(%dma_wait3A_839 : memref<2x4096xf32, #tpu.memory_space<hbm>>)
    %scan3A_840 = arith.constant 0 : i32
    %scan3A_841 = arith.constant 0 : i32
    %scan3A_842 = arith.constant 256 : i32
    %scan3A_843 = arith.addi %scan3A_841, %scan3A_842 : i32
    %scan3A_844 = arith.constant 1 : i32
    %scan3A_845 = scf.for %scan3A_1892 = %scan3A_841 to %scan3A_843 step %scan3A_844 iter_args(%scan3A_1893 = %scan3A_840) -> (i32)  : i32 {
      %mul3A_1894 = arith.constant 16 : i32
      %mul3A_1895 = arith.muli %scan3A_1892, %mul3A_1894 : i32
      %get3A_1896 = arith.constant 0 : i32
      %get3A_1897 = arith.index_cast %get3A_1896 : i32 to index
      %get3A_1898 = arith.index_cast %mul3A_1895 : i32 to index
      %get3A_1899 = tpu.vector_load %arg17[%get3A_1897, %get3A_1898] {strides = array<i32>} : memref<8x4096xf32, #tpu.memory_space<vmem>>, vector<16xf32>,
      %get3A_1900 = arith.constant 1 : i32
      %get3A_1901 = arith.index_cast %get3A_1900 : i32 to index
      %get3A_1902 = arith.index_cast %mul3A_1895 : i32 to index
      %get3A_1903 = tpu.vector_load %arg17[%get3A_1901, %get3A_1902] {strides = array<i32>} : memref<8x4096xf32, #tpu.memory_space<vmem>>, vector<16xf32>,
      %add3A_1904 = arith.addf %get3A_1899, %get3A_1903 : vector<16xf32>
      %get3A_1905 = arith.constant 2 : i32
      %get3A_1906 = arith.index_cast %get3A_1905 : i32 to index
      %get3A_1907 = arith.index_cast %mul3A_1895 : i32 to index
      %get3A_1908 = tpu.vector_load %arg17[%get3A_1906, %get3A_1907] {strides = array<i32>} : memref<8x4096xf32, #tpu.memory_space<vmem>>, vector<16xf32>,
      %add3A_1909 = arith.addf %add3A_1904, %get3A_1908 : vector<16xf32>
      %get3A_1910 = arith.constant 3 : i32
      %get3A_1911 = arith.index_cast %get3A_1910 : i32 to index
      %get3A_1912 = arith.index_cast %mul3A_1895 : i32 to index
      %get3A_1913 = tpu.vector_load %arg17[%get3A_1911, %get3A_1912] {strides = array<i32>} : memref<8x4096xf32, #tpu.memory_space<vmem>>, vector<16xf32>,
      %add3A_1914 = arith.addf %add3A_1909, %get3A_1913 : vector<16xf32>
      %mul3A_1915 = arith.constant 2.500000e-01 : f32
      %mul3A_1916 = vector.broadcast %mul3A_1915 : f32 to vector<16xf32>
      %mul3A_1917 = arith.mulf %add3A_1914, %mul3A_1916 : vector<16xf32>
      %swap3A_1918 = arith.constant 0 : i32
      %swap3A_1919 = arith.index_cast %swap3A_1918 : i32 to index
      %swap3A_1920 = arith.index_cast %mul3A_1895 : i32 to index
      %swap3A_1921 = tpu.vector_load %arg19[%swap3A_1919, %swap3A_1920] {strides = array<i32>} : memref<2x4096xf32, #tpu.memory_space<vmem>>, vector<16xf32>,
      tpu.vector_store %arg19[%swap3A_1919, %swap3A_1920], %mul3A_1917 {strides = array<i32>} : memref<2x4096xf32, #tpu.memory_space<vmem>>, vector<16xf32>,
      %get3A_1922 = arith.constant 4 : i32
      %get3A_1923 = arith.index_cast %get3A_1922 : i32 to index
      %get3A_1924 = arith.index_cast %mul3A_1895 : i32 to index
      %get3A_1925 = tpu.vector_load %arg17[%get3A_1923, %get3A_1924] {strides = array<i32>} : memref<8x4096xf32, #tpu.memory_space<vmem>>, vector<16xf32>,
      %get3A_1926 = arith.constant 5 : i32
      %get3A_1927 = arith.index_cast %get3A_1926 : i32 to index
      %get3A_1928 = arith.index_cast %mul3A_1895 : i32 to index
      %get3A_1929 = tpu.vector_load %arg17[%get3A_1927, %get3A_1928] {strides = array<i32>} : memref<8x4096xf32, #tpu.memory_space<vmem>>, vector<16xf32>,
      %add3A_1930 = arith.addf %get3A_1925, %get3A_1929 : vector<16xf32>
      %get3A_1931 = arith.constant 6 : i32
      %get3A_1932 = arith.index_cast %get3A_1931 : i32 to index
      %get3A_1933 = arith.index_cast %mul3A_1895 : i32 to index
      %get3A_1934 = tpu.vector_load %arg17[%get3A_1932, %get3A_1933] {strides = array<i32>} : memref<8x4096xf32, #tpu.memory_space<vmem>>, vector<16xf32>,
      %add3A_1935 = arith.addf %add3A_1930, %get3A_1934 : vector<16xf32>
      %get3A_1936 = arith.constant 7 : i32
      %get3A_1937 = arith.index_cast %get3A_1936 : i32 to index
      %get3A_1938 = arith.index_cast %mul3A_1895 : i32 to index
      %get3A_1939 = tpu.vector_load %arg17[%get3A_1937, %get3A_1938] {strides = array<i32>} : memref<8x4096xf32, #tpu.memory_space<vmem>>, vector<16xf32>,
      %add3A_1940 = arith.addf %add3A_1935, %get3A_1939 : vector<16xf32>
      %mul3A_1941 = arith.constant 2.500000e-01 : f32
      %mul3A_1942 = vector.broadcast %mul3A_1941 : f32 to vector<16xf32>
      %mul3A_1943 = arith.mulf %add3A_1940, %mul3A_1942 : vector<16xf32>
      %swap3A_1944 = arith.constant 1 : i32
      %swap3A_1945 = arith.index_cast %swap3A_1944 : i32 to index
      %swap3A_1946 = arith.index_cast %mul3A_1895 : i32 to index
      %swap3A_1947 = tpu.vector_load %arg19[%swap3A_1945, %swap3A_1946] {strides = array<i32>} : memref<2x4096xf32, #tpu.memory_space<vmem>>, vector<16xf32>,
      tpu.vector_store %arg19[%swap3A_1945, %swap3A_1946], %mul3A_1943 {strides = array<i32>} : memref<2x4096xf32, #tpu.memory_space<vmem>>, vector<16xf32>,
      %scan3A_1948 = arith.constant 0 : i32
      scf.yield %scan3A_1948 : i32
    }
    %scan3A_846 = arith.constant 256 : i32
    %add3A_847 = arith.constant 10 : i32
    %add3A_848 = arith.addi %mul3A_2, %add3A_847 : i32
    %dma_start3A_849 = arith.constant 0 : i32
    %dma_start3A_850 = tpu.memref_slice %arg5[%add3A_848, %dma_start3A_849] : memref<1024x4096xf32, #tpu.memory_space<hbm>> -> memref<2x4096xf32, #tpu.memory_space<hbm>>
    %dma_start3A_851 = arith.constant 0 : i32
    %dma_start3A_852 = tpu.memref_slice %arg5[%add3A_848, %dma_start3A_851] : memref<1024x4096xf32, #tpu.memory_space<hbm>> -> memref<2x4096xf32, #tpu.memory_space<hbm>>
    tpu.enqueue_dma source(%arg19 : memref<2x4096xf32, #tpu.memory_space<vmem>>) target(%dma_start3A_852 : memref<2x4096xf32, #tpu.memory_space<hbm>>) target_semaphore(%arg25 : memref<!tpu.dma_semaphore, #tpu.memory_space<semaphore_mem>>)
    %dma_wait3A_853 = arith.constant 0 : i32
    %dma_wait3A_854 = arith.constant 0 : i32
    %dma_wait3A_855 = tpu.memref_slice %arg2[%dma_wait3A_853, %dma_wait3A_854] : memref<65536x16xf32, #tpu.memory_space<hbm>> -> memref<65536x16xf32, #tpu.memory_space<hbm>>
    tpu.wait_indirect_dma semaphore(%arg21 : memref<!tpu.dma_semaphore, #tpu.memory_space<semaphore_mem>>) src(%dma_wait3A_855 : memref<65536x16xf32, #tpu.memory_space<hbm>>) dst(%arg12 : memref<32x16xf32, #tpu.memory_space<vmem>>)
    %get3A_856 = arith.constant 16 : i32
    %get3A_857 = arith.index_cast %get3A_856 : i32 to index
    %get3A_858 = arith.constant 0 : index
    %get3A_859 = tpu.vector_load %arg6[%get3A_857, %get3A_858] {strides = array<i32>} : memref<32x16xi32, #tpu.memory_space<vmem>>, vector<16xi32>,
    %add3A_860 = arith.constant 16 : i32
    %add3A_861 = arith.addi %mul3A_2, %add3A_860 : i32
    %add3A_862 = arith.constant 0 : i32
    %add3A_863 = arith.addi %add3A_861, %add3A_862 : i32
    %broadcast_in_dim3A_864 = vector.broadcast %add3A_863 : i32 to vector<16xi32>
    %min3A_865 = arith.minsi %broadcast_in_dim3A_864, %get3A_859 : vector<16xi32>
    %max3A_866 = arith.maxsi %broadcast_in_dim3A_864, %get3A_859 : vector<16xi32>
    %mul3A_867 = arith.constant 1024 : i32
    %mul3A_868 = vector.broadcast %mul3A_867 : i32 to vector<16xi32>
    %mul3A_869 = arith.muli %min3A_865, %mul3A_868 : vector<16xi32>
    %add3A_870 = arith.addi %mul3A_869, %max3A_866 : vector<16xi32>
    %shift_right_arithmetic3A_871 = arith.constant 4 : i32
    %shift_right_arithmetic3A_872 = vector.broadcast %shift_right_arithmetic3A_871 : i32 to vector<16xi32>
    %shift_right_arithmetic3A_873 = arith.shrsi %add3A_870, %shift_right_arithmetic3A_872 : vector<16xi32>
    %swap3A_874 = arith.constant 0 : index
    %swap3A_875 = tpu.vector_load %arg7[%swap3A_874] {strides = array<i32>} : memref<32xi32, #tpu.memory_space<vmem>>, vector<16xi32>,
    tpu.vector_store %arg7[%swap3A_874], %shift_right_arithmetic3A_873 {strides = array<i32>} : memref<32xi32, #tpu.memory_space<vmem>>, vector<16xi32>,
    %and3A_876 = arith.constant 15 : i32
    %and3A_877 = vector.broadcast %and3A_876 : i32 to vector<16xi32>
    %and3A_878 = arith.andi %add3A_870, %and3A_877 : vector<16xi32>
    %swap3A_879 = arith.constant 0 : index
    %swap3A_880 = tpu.vector_load %arg9[%swap3A_879] {strides = array<i32>} : memref<32xi32, #tpu.memory_space<vmem>>, vector<16xi32>,
    tpu.vector_store %arg9[%swap3A_879], %and3A_878 {strides = array<i32>} : memref<32xi32, #tpu.memory_space<vmem>>, vector<16xi32>,
    %get3A_881 = arith.constant 17 : i32
    %get3A_882 = arith.index_cast %get3A_881 : i32 to index
    %get3A_883 = arith.constant 0 : index
    %get3A_884 = tpu.vector_load %arg6[%get3A_882, %get3A_883] {strides = array<i32>} : memref<32x16xi32, #tpu.memory_space<vmem>>, vector<16xi32>,
    %add3A_885 = arith.constant 16 : i32
    %add3A_886 = arith.addi %mul3A_2, %add3A_885 : i32
    %add3A_887 = arith.constant 1 : i32
    %add3A_888 = arith.addi %add3A_886, %add3A_887 : i32
    %broadcast_in_dim3A_889 = vector.broadcast %add3A_888 : i32 to vector<16xi32>
    %min3A_890 = arith.minsi %broadcast_in_dim3A_889, %get3A_884 : vector<16xi32>
    %max3A_891 = arith.maxsi %broadcast_in_dim3A_889, %get3A_884 : vector<16xi32>
    %mul3A_892 = arith.constant 1024 : i32
    %mul3A_893 = vector.broadcast %mul3A_892 : i32 to vector<16xi32>
    %mul3A_894 = arith.muli %min3A_890, %mul3A_893 : vector<16xi32>
    %add3A_895 = arith.addi %mul3A_894, %max3A_891 : vector<16xi32>
    %shift_right_arithmetic3A_896 = arith.constant 4 : i32
    %shift_right_arithmetic3A_897 = vector.broadcast %shift_right_arithmetic3A_896 : i32 to vector<16xi32>
    %shift_right_arithmetic3A_898 = arith.shrsi %add3A_895, %shift_right_arithmetic3A_897 : vector<16xi32>
    %swap3A_899 = arith.constant 16 : index
    %swap3A_900 = tpu.vector_load %arg7[%swap3A_899] {strides = array<i32>} : memref<32xi32, #tpu.memory_space<vmem>>, vector<16xi32>,
    tpu.vector_store %arg7[%swap3A_899], %shift_right_arithmetic3A_898 {strides = array<i32>} : memref<32xi32, #tpu.memory_space<vmem>>, vector<16xi32>,
    %and3A_901 = arith.constant 15 : i32
    %and3A_902 = vector.broadcast %and3A_901 : i32 to vector<16xi32>
    %and3A_903 = arith.andi %add3A_895, %and3A_902 : vector<16xi32>
    %swap3A_904 = arith.constant 16 : index
    %swap3A_905 = tpu.vector_load %arg9[%swap3A_904] {strides = array<i32>} : memref<32xi32, #tpu.memory_space<vmem>>, vector<16xi32>,
    tpu.vector_store %arg9[%swap3A_904], %and3A_903 {strides = array<i32>} : memref<32xi32, #tpu.memory_space<vmem>>, vector<16xi32>,
    %dma_start3A_906 = arith.constant 0 : i32
    %dma_start3A_907 = arith.constant 0 : i32
    %dma_start3A_908 = tpu.memref_slice %arg2[%dma_start3A_906, %dma_start3A_907] : memref<65536x16xf32, #tpu.memory_space<hbm>> -> memref<65536x16xf32, #tpu.memory_space<hbm>>
    tpu.enqueue_indirect_dma source(%dma_start3A_908 : memref<65536x16xf32, #tpu.memory_space<hbm>>) target(%arg11 : memref<32x16xf32, #tpu.memory_space<vmem>>) offsets(%arg7 : memref<32xi32, #tpu.memory_space<vmem>>) semaphore(%arg20 : memref<!tpu.dma_semaphore, #tpu.memory_space<semaphore_mem>>)
    %get3A_909 = arith.constant 14 : i32
    %get3A_910 = arith.index_cast %get3A_909 : i32 to index
    %get3A_911 = arith.constant 0 : index
    %get3A_912 = tpu.vector_load %arg6[%get3A_910, %get3A_911] {strides = array<i32>} : memref<32x16xi32, #tpu.memory_space<vmem>>, vector<16xi32>,
    %add3A_913 = arith.constant 0 : i32
    %add3A_914 = vector.broadcast %add3A_913 : i32 to vector<16xi32>
    %add3A_915 = arith.addi %add3A_914, %iota3A : vector<16xi32>
    %get3A_916 = arith.constant 0 : index
    %get3A_917 = tpu.vector_load %arg10[%get3A_916] {strides = array<i32>} : memref<32xi32, #tpu.memory_space<vmem>>, vector<16xi32>,
    %gather3A_918 = tpu.vector_load_idx %arg12[%add3A_915, %get3A_917] : memref<32x16xf32, #tpu.memory_space<vmem>>[vector<16xi32>, vector<16xi32>], vector<16xf32>,
    %masked_sort3A_919 = arith.constant dense<true> : vector<16xi1>
    %masked_sort3A_920, %masked_sort3A_921, %masked_sort3A_922 = tpu.sort %gather3A_918, %get3A_912 masked %masked_sort3A_919 {descending = true} : (vector<16xf32>, vector<16xi32>, vector<16xi1>) -> (vector<16xi1>, vector<16xf32>, vector<16xi32>)
    %swap3A_923 = arith.constant 0 : index
    %swap3A_924 = tpu.vector_load %arg13[%swap3A_923] {strides = array<i32>} : memref<32xi32, #tpu.memory_space<vmem>>, vector<16xi32>,
    tpu.vector_store %arg13[%swap3A_923], %masked_sort3A_922 {strides = array<i32>} : memref<32xi32, #tpu.memory_space<vmem>>, vector<16xi32>,
    %get3A_925 = arith.constant 15 : i32
    %get3A_926 = arith.index_cast %get3A_925 : i32 to index
    %get3A_927 = arith.constant 0 : index
    %get3A_928 = tpu.vector_load %arg6[%get3A_926, %get3A_927] {strides = array<i32>} : memref<32x16xi32, #tpu.memory_space<vmem>>, vector<16xi32>,
    %add3A_929 = arith.constant 16 : i32
    %add3A_930 = vector.broadcast %add3A_929 : i32 to vector<16xi32>
    %add3A_931 = arith.addi %add3A_930, %iota3A : vector<16xi32>
    %get3A_932 = arith.constant 16 : index
    %get3A_933 = tpu.vector_load %arg10[%get3A_932] {strides = array<i32>} : memref<32xi32, #tpu.memory_space<vmem>>, vector<16xi32>,
    %gather3A_934 = tpu.vector_load_idx %arg12[%add3A_931, %get3A_933] : memref<32x16xf32, #tpu.memory_space<vmem>>[vector<16xi32>, vector<16xi32>], vector<16xf32>,
    %masked_sort3A_935 = arith.constant dense<true> : vector<16xi1>
    %masked_sort3A_936, %masked_sort3A_937, %masked_sort3A_938 = tpu.sort %gather3A_934, %get3A_928 masked %masked_sort3A_935 {descending = true} : (vector<16xf32>, vector<16xi32>, vector<16xi1>) -> (vector<16xi1>, vector<16xf32>, vector<16xi32>)
    %swap3A_939 = arith.constant 16 : index
    %swap3A_940 = tpu.vector_load %arg13[%swap3A_939] {strides = array<i32>} : memref<32xi32, #tpu.memory_space<vmem>>, vector<16xi32>,
    tpu.vector_store %arg13[%swap3A_939], %masked_sort3A_938 {strides = array<i32>} : memref<32xi32, #tpu.memory_space<vmem>>, vector<16xi32>,
    %gather3A_941 = tpu.vector_load_idx %arg13[%add3A_13] : memref<32xi32, #tpu.memory_space<vmem>>[vector<16xi32>], vector<16xi32>,
    %swap3A_942 = arith.constant 0 : index
    %swap3A_943 = tpu.vector_load %arg15[%swap3A_942] {strides = array<i32>} : memref<16xi32, #tpu.memory_space<vmem>>, vector<16xi32>,
    tpu.vector_store %arg15[%swap3A_942], %gather3A_941 {strides = array<i32>} : memref<16xi32, #tpu.memory_space<vmem>>, vector<16xi32>,
    %dma_start3A_944 = arith.constant 0 : i32
    %dma_start3A_945 = tpu.memref_slice %arg15[%dma_start3A_944] : memref<16xi32, #tpu.memory_space<vmem>> -> memref<8xi32, #tpu.memory_space<vmem>>
    %dma_start3A_946 = arith.constant 0 : i32
    %dma_start3A_947 = arith.constant 0 : i32
    %dma_start3A_948 = tpu.memref_slice %arg4[%dma_start3A_946, %dma_start3A_947] : memref<1024x4096xf32, #tpu.memory_space<hbm>> -> memref<1024x4096xf32, #tpu.memory_space<hbm>>
    tpu.enqueue_indirect_dma source(%dma_start3A_948 : memref<1024x4096xf32, #tpu.memory_space<hbm>>) target(%arg17 : memref<8x4096xf32, #tpu.memory_space<vmem>>) offsets(%dma_start3A_945 : memref<8xi32, #tpu.memory_space<vmem>>) semaphore(%arg23 : memref<!tpu.dma_semaphore, #tpu.memory_space<semaphore_mem>>)
    %dma_wait3A_949 = arith.constant 0 : i32
    %dma_wait3A_950 = tpu.memref_slice %arg14[%dma_wait3A_949] : memref<16xi32, #tpu.memory_space<vmem>> -> memref<8xi32, #tpu.memory_space<vmem>>
    %dma_wait3A_951 = arith.constant 0 : i32
    %dma_wait3A_952 = arith.constant 0 : i32
    %dma_wait3A_953 = tpu.memref_slice %arg4[%dma_wait3A_951, %dma_wait3A_952] : memref<1024x4096xf32, #tpu.memory_space<hbm>> -> memref<1024x4096xf32, #tpu.memory_space<hbm>>
    tpu.wait_indirect_dma semaphore(%arg22 : memref<!tpu.dma_semaphore, #tpu.memory_space<semaphore_mem>>) src(%dma_wait3A_953 : memref<1024x4096xf32, #tpu.memory_space<hbm>>) dst(%arg16 : memref<8x4096xf32, #tpu.memory_space<vmem>>)
    %dma_wait3A_954 = arith.constant 0 : i32
    %dma_wait3A_955 = tpu.memref_slice %arg5[%add3A_730, %dma_wait3A_954] : memref<1024x4096xf32, #tpu.memory_space<hbm>> -> memref<2x4096xf32, #tpu.memory_space<hbm>>
    %dma_wait3A_956 = arith.constant 0 : i32
    %dma_wait3A_957 = tpu.memref_slice %arg5[%add3A_730, %dma_wait3A_956] : memref<1024x4096xf32, #tpu.memory_space<hbm>> -> memref<2x4096xf32, #tpu.memory_space<hbm>>
    tpu.wait_dma2 semaphore(%arg24 : memref<!tpu.dma_semaphore, #tpu.memory_space<semaphore_mem>>) src(%arg18 : memref<2x4096xf32, #tpu.memory_space<vmem>>) dst(%dma_wait3A_957 : memref<2x4096xf32, #tpu.memory_space<hbm>>)
    %scan3A_958 = arith.constant 0 : i32
    %scan3A_959 = arith.constant 0 : i32
    %scan3A_960 = arith.constant 256 : i32
    %scan3A_961 = arith.addi %scan3A_959, %scan3A_960 : i32
    %scan3A_962 = arith.constant 1 : i32
    %scan3A_963 = scf.for %scan3A_1892 = %scan3A_959 to %scan3A_961 step %scan3A_962 iter_args(%scan3A_1893 = %scan3A_958) -> (i32)  : i32 {
      %mul3A_1894 = arith.constant 16 : i32
      %mul3A_1895 = arith.muli %scan3A_1892, %mul3A_1894 : i32
      %get3A_1896 = arith.constant 0 : i32
      %get3A_1897 = arith.index_cast %get3A_1896 : i32 to index
      %get3A_1898 = arith.index_cast %mul3A_1895 : i32 to index
      %get3A_1899 = tpu.vector_load %arg16[%get3A_1897, %get3A_1898] {strides = array<i32>} : memref<8x4096xf32, #tpu.memory_space<vmem>>, vector<16xf32>,
      %get3A_1900 = arith.constant 1 : i32
      %get3A_1901 = arith.index_cast %get3A_1900 : i32 to index
      %get3A_1902 = arith.index_cast %mul3A_1895 : i32 to index
      %get3A_1903 = tpu.vector_load %arg16[%get3A_1901, %get3A_1902] {strides = array<i32>} : memref<8x4096xf32, #tpu.memory_space<vmem>>, vector<16xf32>,
      %add3A_1904 = arith.addf %get3A_1899, %get3A_1903 : vector<16xf32>
      %get3A_1905 = arith.constant 2 : i32
      %get3A_1906 = arith.index_cast %get3A_1905 : i32 to index
      %get3A_1907 = arith.index_cast %mul3A_1895 : i32 to index
      %get3A_1908 = tpu.vector_load %arg16[%get3A_1906, %get3A_1907] {strides = array<i32>} : memref<8x4096xf32, #tpu.memory_space<vmem>>, vector<16xf32>,
      %add3A_1909 = arith.addf %add3A_1904, %get3A_1908 : vector<16xf32>
      %get3A_1910 = arith.constant 3 : i32
      %get3A_1911 = arith.index_cast %get3A_1910 : i32 to index
      %get3A_1912 = arith.index_cast %mul3A_1895 : i32 to index
      %get3A_1913 = tpu.vector_load %arg16[%get3A_1911, %get3A_1912] {strides = array<i32>} : memref<8x4096xf32, #tpu.memory_space<vmem>>, vector<16xf32>,
      %add3A_1914 = arith.addf %add3A_1909, %get3A_1913 : vector<16xf32>
      %mul3A_1915 = arith.constant 2.500000e-01 : f32
      %mul3A_1916 = vector.broadcast %mul3A_1915 : f32 to vector<16xf32>
      %mul3A_1917 = arith.mulf %add3A_1914, %mul3A_1916 : vector<16xf32>
      %swap3A_1918 = arith.constant 0 : i32
      %swap3A_1919 = arith.index_cast %swap3A_1918 : i32 to index
      %swap3A_1920 = arith.index_cast %mul3A_1895 : i32 to index
      %swap3A_1921 = tpu.vector_load %arg18[%swap3A_1919, %swap3A_1920] {strides = array<i32>} : memref<2x4096xf32, #tpu.memory_space<vmem>>, vector<16xf32>,
      tpu.vector_store %arg18[%swap3A_1919, %swap3A_1920], %mul3A_1917 {strides = array<i32>} : memref<2x4096xf32, #tpu.memory_space<vmem>>, vector<16xf32>,
      %get3A_1922 = arith.constant 4 : i32
      %get3A_1923 = arith.index_cast %get3A_1922 : i32 to index
      %get3A_1924 = arith.index_cast %mul3A_1895 : i32 to index
      %get3A_1925 = tpu.vector_load %arg16[%get3A_1923, %get3A_1924] {strides = array<i32>} : memref<8x4096xf32, #tpu.memory_space<vmem>>, vector<16xf32>,
      %get3A_1926 = arith.constant 5 : i32
      %get3A_1927 = arith.index_cast %get3A_1926 : i32 to index
      %get3A_1928 = arith.index_cast %mul3A_1895 : i32 to index
      %get3A_1929 = tpu.vector_load %arg16[%get3A_1927, %get3A_1928] {strides = array<i32>} : memref<8x4096xf32, #tpu.memory_space<vmem>>, vector<16xf32>,
      %add3A_1930 = arith.addf %get3A_1925, %get3A_1929 : vector<16xf32>
      %get3A_1931 = arith.constant 6 : i32
      %get3A_1932 = arith.index_cast %get3A_1931 : i32 to index
      %get3A_1933 = arith.index_cast %mul3A_1895 : i32 to index
      %get3A_1934 = tpu.vector_load %arg16[%get3A_1932, %get3A_1933] {strides = array<i32>} : memref<8x4096xf32, #tpu.memory_space<vmem>>, vector<16xf32>,
      %add3A_1935 = arith.addf %add3A_1930, %get3A_1934 : vector<16xf32>
      %get3A_1936 = arith.constant 7 : i32
      %get3A_1937 = arith.index_cast %get3A_1936 : i32 to index
      %get3A_1938 = arith.index_cast %mul3A_1895 : i32 to index
      %get3A_1939 = tpu.vector_load %arg16[%get3A_1937, %get3A_1938] {strides = array<i32>} : memref<8x4096xf32, #tpu.memory_space<vmem>>, vector<16xf32>,
      %add3A_1940 = arith.addf %add3A_1935, %get3A_1939 : vector<16xf32>
      %mul3A_1941 = arith.constant 2.500000e-01 : f32
      %mul3A_1942 = vector.broadcast %mul3A_1941 : f32 to vector<16xf32>
      %mul3A_1943 = arith.mulf %add3A_1940, %mul3A_1942 : vector<16xf32>
      %swap3A_1944 = arith.constant 1 : i32
      %swap3A_1945 = arith.index_cast %swap3A_1944 : i32 to index
      %swap3A_1946 = arith.index_cast %mul3A_1895 : i32 to index
      %swap3A_1947 = tpu.vector_load %arg18[%swap3A_1945, %swap3A_1946] {strides = array<i32>} : memref<2x4096xf32, #tpu.memory_space<vmem>>, vector<16xf32>,
      tpu.vector_store %arg18[%swap3A_1945, %swap3A_1946], %mul3A_1943 {strides = array<i32>} : memref<2x4096xf32, #tpu.memory_space<vmem>>, vector<16xf32>,
      %scan3A_1948 = arith.constant 0 : i32
      scf.yield %scan3A_1948 : i32
    }
    %scan3A_964 = arith.constant 256 : i32
    %add3A_965 = arith.constant 12 : i32
    %add3A_966 = arith.addi %mul3A_2, %add3A_965 : i32
    %dma_start3A_967 = arith.constant 0 : i32
    %dma_start3A_968 = tpu.memref_slice %arg5[%add3A_966, %dma_start3A_967] : memref<1024x4096xf32, #tpu.memory_space<hbm>> -> memref<2x4096xf32, #tpu.memory_space<hbm>>
    %dma_start3A_969 = arith.constant 0 : i32
    %dma_start3A_970 = tpu.memref_slice %arg5[%add3A_966, %dma_start3A_969] : memref<1024x4096xf32, #tpu.memory_space<hbm>> -> memref<2x4096xf32, #tpu.memory_space<hbm>>
    tpu.enqueue_dma source(%arg18 : memref<2x4096xf32, #tpu.memory_space<vmem>>) target(%dma_start3A_970 : memref<2x4096xf32, #tpu.memory_space<hbm>>) target_semaphore(%arg24 : memref<!tpu.dma_semaphore, #tpu.memory_space<semaphore_mem>>)
    %dma_wait3A_971 = arith.constant 0 : i32
    %dma_wait3A_972 = arith.constant 0 : i32
    %dma_wait3A_973 = tpu.memref_slice %arg2[%dma_wait3A_971, %dma_wait3A_972] : memref<65536x16xf32, #tpu.memory_space<hbm>> -> memref<65536x16xf32, #tpu.memory_space<hbm>>
    tpu.wait_indirect_dma semaphore(%arg20 : memref<!tpu.dma_semaphore, #tpu.memory_space<semaphore_mem>>) src(%dma_wait3A_973 : memref<65536x16xf32, #tpu.memory_space<hbm>>) dst(%arg11 : memref<32x16xf32, #tpu.memory_space<vmem>>)
    %get3A_974 = arith.constant 18 : i32
    %get3A_975 = arith.index_cast %get3A_974 : i32 to index
    %get3A_976 = arith.constant 0 : index
    %get3A_977 = tpu.vector_load %arg6[%get3A_975, %get3A_976] {strides = array<i32>} : memref<32x16xi32, #tpu.memory_space<vmem>>, vector<16xi32>,
    %add3A_978 = arith.constant 18 : i32
    %add3A_979 = arith.addi %mul3A_2, %add3A_978 : i32
    %add3A_980 = arith.constant 0 : i32
    %add3A_981 = arith.addi %add3A_979, %add3A_980 : i32
    %broadcast_in_dim3A_982 = vector.broadcast %add3A_981 : i32 to vector<16xi32>
    %min3A_983 = arith.minsi %broadcast_in_dim3A_982, %get3A_977 : vector<16xi32>
    %max3A_984 = arith.maxsi %broadcast_in_dim3A_982, %get3A_977 : vector<16xi32>
    %mul3A_985 = arith.constant 1024 : i32
    %mul3A_986 = vector.broadcast %mul3A_985 : i32 to vector<16xi32>
    %mul3A_987 = arith.muli %min3A_983, %mul3A_986 : vector<16xi32>
    %add3A_988 = arith.addi %mul3A_987, %max3A_984 : vector<16xi32>
    %shift_right_arithmetic3A_989 = arith.constant 4 : i32
    %shift_right_arithmetic3A_990 = vector.broadcast %shift_right_arithmetic3A_989 : i32 to vector<16xi32>
    %shift_right_arithmetic3A_991 = arith.shrsi %add3A_988, %shift_right_arithmetic3A_990 : vector<16xi32>
    %swap3A_992 = arith.constant 0 : index
    %swap3A_993 = tpu.vector_load %arg8[%swap3A_992] {strides = array<i32>} : memref<32xi32, #tpu.memory_space<vmem>>, vector<16xi32>,
    tpu.vector_store %arg8[%swap3A_992], %shift_right_arithmetic3A_991 {strides = array<i32>} : memref<32xi32, #tpu.memory_space<vmem>>, vector<16xi32>,
    %and3A_994 = arith.constant 15 : i32
    %and3A_995 = vector.broadcast %and3A_994 : i32 to vector<16xi32>
    %and3A_996 = arith.andi %add3A_988, %and3A_995 : vector<16xi32>
    %swap3A_997 = arith.constant 0 : index
    %swap3A_998 = tpu.vector_load %arg10[%swap3A_997] {strides = array<i32>} : memref<32xi32, #tpu.memory_space<vmem>>, vector<16xi32>,
    tpu.vector_store %arg10[%swap3A_997], %and3A_996 {strides = array<i32>} : memref<32xi32, #tpu.memory_space<vmem>>, vector<16xi32>,
    %get3A_999 = arith.constant 19 : i32
    %get3A_1000 = arith.index_cast %get3A_999 : i32 to index
    %get3A_1001 = arith.constant 0 : index
    %get3A_1002 = tpu.vector_load %arg6[%get3A_1000, %get3A_1001] {strides = array<i32>} : memref<32x16xi32, #tpu.memory_space<vmem>>, vector<16xi32>,
    %add3A_1003 = arith.constant 18 : i32
    %add3A_1004 = arith.addi %mul3A_2, %add3A_1003 : i32
    %add3A_1005 = arith.constant 1 : i32
    %add3A_1006 = arith.addi %add3A_1004, %add3A_1005 : i32
    %broadcast_in_dim3A_1007 = vector.broadcast %add3A_1006 : i32 to vector<16xi32>
    %min3A_1008 = arith.minsi %broadcast_in_dim3A_1007, %get3A_1002 : vector<16xi32>
    %max3A_1009 = arith.maxsi %broadcast_in_dim3A_1007, %get3A_1002 : vector<16xi32>
    %mul3A_1010 = arith.constant 1024 : i32
    %mul3A_1011 = vector.broadcast %mul3A_1010 : i32 to vector<16xi32>
    %mul3A_1012 = arith.muli %min3A_1008, %mul3A_1011 : vector<16xi32>
    %add3A_1013 = arith.addi %mul3A_1012, %max3A_1009 : vector<16xi32>
    %shift_right_arithmetic3A_1014 = arith.constant 4 : i32
    %shift_right_arithmetic3A_1015 = vector.broadcast %shift_right_arithmetic3A_1014 : i32 to vector<16xi32>
    %shift_right_arithmetic3A_1016 = arith.shrsi %add3A_1013, %shift_right_arithmetic3A_1015 : vector<16xi32>
    %swap3A_1017 = arith.constant 16 : index
    %swap3A_1018 = tpu.vector_load %arg8[%swap3A_1017] {strides = array<i32>} : memref<32xi32, #tpu.memory_space<vmem>>, vector<16xi32>,
    tpu.vector_store %arg8[%swap3A_1017], %shift_right_arithmetic3A_1016 {strides = array<i32>} : memref<32xi32, #tpu.memory_space<vmem>>, vector<16xi32>,
    %and3A_1019 = arith.constant 15 : i32
    %and3A_1020 = vector.broadcast %and3A_1019 : i32 to vector<16xi32>
    %and3A_1021 = arith.andi %add3A_1013, %and3A_1020 : vector<16xi32>
    %swap3A_1022 = arith.constant 16 : index
    %swap3A_1023 = tpu.vector_load %arg10[%swap3A_1022] {strides = array<i32>} : memref<32xi32, #tpu.memory_space<vmem>>, vector<16xi32>,
    tpu.vector_store %arg10[%swap3A_1022], %and3A_1021 {strides = array<i32>} : memref<32xi32, #tpu.memory_space<vmem>>, vector<16xi32>,
    %dma_start3A_1024 = arith.constant 0 : i32
    %dma_start3A_1025 = arith.constant 0 : i32
    %dma_start3A_1026 = tpu.memref_slice %arg2[%dma_start3A_1024, %dma_start3A_1025] : memref<65536x16xf32, #tpu.memory_space<hbm>> -> memref<65536x16xf32, #tpu.memory_space<hbm>>
    tpu.enqueue_indirect_dma source(%dma_start3A_1026 : memref<65536x16xf32, #tpu.memory_space<hbm>>) target(%arg12 : memref<32x16xf32, #tpu.memory_space<vmem>>) offsets(%arg8 : memref<32xi32, #tpu.memory_space<vmem>>) semaphore(%arg21 : memref<!tpu.dma_semaphore, #tpu.memory_space<semaphore_mem>>)
    %get3A_1027 = arith.constant 16 : i32
    %get3A_1028 = arith.index_cast %get3A_1027 : i32 to index
    %get3A_1029 = arith.constant 0 : index
    %get3A_1030 = tpu.vector_load %arg6[%get3A_1028, %get3A_1029] {strides = array<i32>} : memref<32x16xi32, #tpu.memory_space<vmem>>, vector<16xi32>,
    %add3A_1031 = arith.constant 0 : i32
    %add3A_1032 = vector.broadcast %add3A_1031 : i32 to vector<16xi32>
    %add3A_1033 = arith.addi %add3A_1032, %iota3A : vector<16xi32>
    %get3A_1034 = arith.constant 0 : index
    %get3A_1035 = tpu.vector_load %arg9[%get3A_1034] {strides = array<i32>} : memref<32xi32, #tpu.memory_space<vmem>>, vector<16xi32>,
    %gather3A_1036 = tpu.vector_load_idx %arg11[%add3A_1033, %get3A_1035] : memref<32x16xf32, #tpu.memory_space<vmem>>[vector<16xi32>, vector<16xi32>], vector<16xf32>,
    %masked_sort3A_1037 = arith.constant dense<true> : vector<16xi1>
    %masked_sort3A_1038, %masked_sort3A_1039, %masked_sort3A_1040 = tpu.sort %gather3A_1036, %get3A_1030 masked %masked_sort3A_1037 {descending = true} : (vector<16xf32>, vector<16xi32>, vector<16xi1>) -> (vector<16xi1>, vector<16xf32>, vector<16xi32>)
    %swap3A_1041 = arith.constant 0 : index
    %swap3A_1042 = tpu.vector_load %arg13[%swap3A_1041] {strides = array<i32>} : memref<32xi32, #tpu.memory_space<vmem>>, vector<16xi32>,
    tpu.vector_store %arg13[%swap3A_1041], %masked_sort3A_1040 {strides = array<i32>} : memref<32xi32, #tpu.memory_space<vmem>>, vector<16xi32>,
    %get3A_1043 = arith.constant 17 : i32
    %get3A_1044 = arith.index_cast %get3A_1043 : i32 to index
    %get3A_1045 = arith.constant 0 : index
    %get3A_1046 = tpu.vector_load %arg6[%get3A_1044, %get3A_1045] {strides = array<i32>} : memref<32x16xi32, #tpu.memory_space<vmem>>, vector<16xi32>,
    %add3A_1047 = arith.constant 16 : i32
    %add3A_1048 = vector.broadcast %add3A_1047 : i32 to vector<16xi32>
    %add3A_1049 = arith.addi %add3A_1048, %iota3A : vector<16xi32>
    %get3A_1050 = arith.constant 16 : index
    %get3A_1051 = tpu.vector_load %arg9[%get3A_1050] {strides = array<i32>} : memref<32xi32, #tpu.memory_space<vmem>>, vector<16xi32>,
    %gather3A_1052 = tpu.vector_load_idx %arg11[%add3A_1049, %get3A_1051] : memref<32x16xf32, #tpu.memory_space<vmem>>[vector<16xi32>, vector<16xi32>], vector<16xf32>,
    %masked_sort3A_1053 = arith.constant dense<true> : vector<16xi1>
    %masked_sort3A_1054, %masked_sort3A_1055, %masked_sort3A_1056 = tpu.sort %gather3A_1052, %get3A_1046 masked %masked_sort3A_1053 {descending = true} : (vector<16xf32>, vector<16xi32>, vector<16xi1>) -> (vector<16xi1>, vector<16xf32>, vector<16xi32>)
    %swap3A_1057 = arith.constant 16 : index
    %swap3A_1058 = tpu.vector_load %arg13[%swap3A_1057] {strides = array<i32>} : memref<32xi32, #tpu.memory_space<vmem>>, vector<16xi32>,
    tpu.vector_store %arg13[%swap3A_1057], %masked_sort3A_1056 {strides = array<i32>} : memref<32xi32, #tpu.memory_space<vmem>>, vector<16xi32>,
    %gather3A_1059 = tpu.vector_load_idx %arg13[%add3A_13] : memref<32xi32, #tpu.memory_space<vmem>>[vector<16xi32>], vector<16xi32>,
    %swap3A_1060 = arith.constant 0 : index
    %swap3A_1061 = tpu.vector_load %arg14[%swap3A_1060] {strides = array<i32>} : memref<16xi32, #tpu.memory_space<vmem>>, vector<16xi32>,
    tpu.vector_store %arg14[%swap3A_1060], %gather3A_1059 {strides = array<i32>} : memref<16xi32, #tpu.memory_space<vmem>>, vector<16xi32>,
    %dma_start3A_1062 = arith.constant 0 : i32
    %dma_start3A_1063 = tpu.memref_slice %arg14[%dma_start3A_1062] : memref<16xi32, #tpu.memory_space<vmem>> -> memref<8xi32, #tpu.memory_space<vmem>>
    %dma_start3A_1064 = arith.constant 0 : i32
    %dma_start3A_1065 = arith.constant 0 : i32
    %dma_start3A_1066 = tpu.memref_slice %arg4[%dma_start3A_1064, %dma_start3A_1065] : memref<1024x4096xf32, #tpu.memory_space<hbm>> -> memref<1024x4096xf32, #tpu.memory_space<hbm>>
    tpu.enqueue_indirect_dma source(%dma_start3A_1066 : memref<1024x4096xf32, #tpu.memory_space<hbm>>) target(%arg16 : memref<8x4096xf32, #tpu.memory_space<vmem>>) offsets(%dma_start3A_1063 : memref<8xi32, #tpu.memory_space<vmem>>) semaphore(%arg22 : memref<!tpu.dma_semaphore, #tpu.memory_space<semaphore_mem>>)
    %dma_wait3A_1067 = arith.constant 0 : i32
    %dma_wait3A_1068 = tpu.memref_slice %arg15[%dma_wait3A_1067] : memref<16xi32, #tpu.memory_space<vmem>> -> memref<8xi32, #tpu.memory_space<vmem>>
    %dma_wait3A_1069 = arith.constant 0 : i32
    %dma_wait3A_1070 = arith.constant 0 : i32
    %dma_wait3A_1071 = tpu.memref_slice %arg4[%dma_wait3A_1069, %dma_wait3A_1070] : memref<1024x4096xf32, #tpu.memory_space<hbm>> -> memref<1024x4096xf32, #tpu.memory_space<hbm>>
    tpu.wait_indirect_dma semaphore(%arg23 : memref<!tpu.dma_semaphore, #tpu.memory_space<semaphore_mem>>) src(%dma_wait3A_1071 : memref<1024x4096xf32, #tpu.memory_space<hbm>>) dst(%arg17 : memref<8x4096xf32, #tpu.memory_space<vmem>>)
    %dma_wait3A_1072 = arith.constant 0 : i32
    %dma_wait3A_1073 = tpu.memref_slice %arg5[%add3A_848, %dma_wait3A_1072] : memref<1024x4096xf32, #tpu.memory_space<hbm>> -> memref<2x4096xf32, #tpu.memory_space<hbm>>
    %dma_wait3A_1074 = arith.constant 0 : i32
    %dma_wait3A_1075 = tpu.memref_slice %arg5[%add3A_848, %dma_wait3A_1074] : memref<1024x4096xf32, #tpu.memory_space<hbm>> -> memref<2x4096xf32, #tpu.memory_space<hbm>>
    tpu.wait_dma2 semaphore(%arg25 : memref<!tpu.dma_semaphore, #tpu.memory_space<semaphore_mem>>) src(%arg19 : memref<2x4096xf32, #tpu.memory_space<vmem>>) dst(%dma_wait3A_1075 : memref<2x4096xf32, #tpu.memory_space<hbm>>)
    %scan3A_1076 = arith.constant 0 : i32
    %scan3A_1077 = arith.constant 0 : i32
    %scan3A_1078 = arith.constant 256 : i32
    %scan3A_1079 = arith.addi %scan3A_1077, %scan3A_1078 : i32
    %scan3A_1080 = arith.constant 1 : i32
    %scan3A_1081 = scf.for %scan3A_1892 = %scan3A_1077 to %scan3A_1079 step %scan3A_1080 iter_args(%scan3A_1893 = %scan3A_1076) -> (i32)  : i32 {
      %mul3A_1894 = arith.constant 16 : i32
      %mul3A_1895 = arith.muli %scan3A_1892, %mul3A_1894 : i32
      %get3A_1896 = arith.constant 0 : i32
      %get3A_1897 = arith.index_cast %get3A_1896 : i32 to index
      %get3A_1898 = arith.index_cast %mul3A_1895 : i32 to index
      %get3A_1899 = tpu.vector_load %arg17[%get3A_1897, %get3A_1898] {strides = array<i32>} : memref<8x4096xf32, #tpu.memory_space<vmem>>, vector<16xf32>,
      %get3A_1900 = arith.constant 1 : i32
      %get3A_1901 = arith.index_cast %get3A_1900 : i32 to index
      %get3A_1902 = arith.index_cast %mul3A_1895 : i32 to index
      %get3A_1903 = tpu.vector_load %arg17[%get3A_1901, %get3A_1902] {strides = array<i32>} : memref<8x4096xf32, #tpu.memory_space<vmem>>, vector<16xf32>,
      %add3A_1904 = arith.addf %get3A_1899, %get3A_1903 : vector<16xf32>
      %get3A_1905 = arith.constant 2 : i32
      %get3A_1906 = arith.index_cast %get3A_1905 : i32 to index
      %get3A_1907 = arith.index_cast %mul3A_1895 : i32 to index
      %get3A_1908 = tpu.vector_load %arg17[%get3A_1906, %get3A_1907] {strides = array<i32>} : memref<8x4096xf32, #tpu.memory_space<vmem>>, vector<16xf32>,
      %add3A_1909 = arith.addf %add3A_1904, %get3A_1908 : vector<16xf32>
      %get3A_1910 = arith.constant 3 : i32
      %get3A_1911 = arith.index_cast %get3A_1910 : i32 to index
      %get3A_1912 = arith.index_cast %mul3A_1895 : i32 to index
      %get3A_1913 = tpu.vector_load %arg17[%get3A_1911, %get3A_1912] {strides = array<i32>} : memref<8x4096xf32, #tpu.memory_space<vmem>>, vector<16xf32>,
      %add3A_1914 = arith.addf %add3A_1909, %get3A_1913 : vector<16xf32>
      %mul3A_1915 = arith.constant 2.500000e-01 : f32
      %mul3A_1916 = vector.broadcast %mul3A_1915 : f32 to vector<16xf32>
      %mul3A_1917 = arith.mulf %add3A_1914, %mul3A_1916 : vector<16xf32>
      %swap3A_1918 = arith.constant 0 : i32
      %swap3A_1919 = arith.index_cast %swap3A_1918 : i32 to index
      %swap3A_1920 = arith.index_cast %mul3A_1895 : i32 to index
      %swap3A_1921 = tpu.vector_load %arg19[%swap3A_1919, %swap3A_1920] {strides = array<i32>} : memref<2x4096xf32, #tpu.memory_space<vmem>>, vector<16xf32>,
      tpu.vector_store %arg19[%swap3A_1919, %swap3A_1920], %mul3A_1917 {strides = array<i32>} : memref<2x4096xf32, #tpu.memory_space<vmem>>, vector<16xf32>,
      %get3A_1922 = arith.constant 4 : i32
      %get3A_1923 = arith.index_cast %get3A_1922 : i32 to index
      %get3A_1924 = arith.index_cast %mul3A_1895 : i32 to index
      %get3A_1925 = tpu.vector_load %arg17[%get3A_1923, %get3A_1924] {strides = array<i32>} : memref<8x4096xf32, #tpu.memory_space<vmem>>, vector<16xf32>,
      %get3A_1926 = arith.constant 5 : i32
      %get3A_1927 = arith.index_cast %get3A_1926 : i32 to index
      %get3A_1928 = arith.index_cast %mul3A_1895 : i32 to index
      %get3A_1929 = tpu.vector_load %arg17[%get3A_1927, %get3A_1928] {strides = array<i32>} : memref<8x4096xf32, #tpu.memory_space<vmem>>, vector<16xf32>,
      %add3A_1930 = arith.addf %get3A_1925, %get3A_1929 : vector<16xf32>
      %get3A_1931 = arith.constant 6 : i32
      %get3A_1932 = arith.index_cast %get3A_1931 : i32 to index
      %get3A_1933 = arith.index_cast %mul3A_1895 : i32 to index
      %get3A_1934 = tpu.vector_load %arg17[%get3A_1932, %get3A_1933] {strides = array<i32>} : memref<8x4096xf32, #tpu.memory_space<vmem>>, vector<16xf32>,
      %add3A_1935 = arith.addf %add3A_1930, %get3A_1934 : vector<16xf32>
      %get3A_1936 = arith.constant 7 : i32
      %get3A_1937 = arith.index_cast %get3A_1936 : i32 to index
      %get3A_1938 = arith.index_cast %mul3A_1895 : i32 to index
      %get3A_1939 = tpu.vector_load %arg17[%get3A_1937, %get3A_1938] {strides = array<i32>} : memref<8x4096xf32, #tpu.memory_space<vmem>>, vector<16xf32>,
      %add3A_1940 = arith.addf %add3A_1935, %get3A_1939 : vector<16xf32>
      %mul3A_1941 = arith.constant 2.500000e-01 : f32
      %mul3A_1942 = vector.broadcast %mul3A_1941 : f32 to vector<16xf32>
      %mul3A_1943 = arith.mulf %add3A_1940, %mul3A_1942 : vector<16xf32>
      %swap3A_1944 = arith.constant 1 : i32
      %swap3A_1945 = arith.index_cast %swap3A_1944 : i32 to index
      %swap3A_1946 = arith.index_cast %mul3A_1895 : i32 to index
      %swap3A_1947 = tpu.vector_load %arg19[%swap3A_1945, %swap3A_1946] {strides = array<i32>} : memref<2x4096xf32, #tpu.memory_space<vmem>>, vector<16xf32>,
      tpu.vector_store %arg19[%swap3A_1945, %swap3A_1946], %mul3A_1943 {strides = array<i32>} : memref<2x4096xf32, #tpu.memory_space<vmem>>, vector<16xf32>,
      %scan3A_1948 = arith.constant 0 : i32
      scf.yield %scan3A_1948 : i32
    }
    %scan3A_1082 = arith.constant 256 : i32
    %add3A_1083 = arith.constant 14 : i32
    %add3A_1084 = arith.addi %mul3A_2, %add3A_1083 : i32
    %dma_start3A_1085 = arith.constant 0 : i32
    %dma_start3A_1086 = tpu.memref_slice %arg5[%add3A_1084, %dma_start3A_1085] : memref<1024x4096xf32, #tpu.memory_space<hbm>> -> memref<2x4096xf32, #tpu.memory_space<hbm>>
    %dma_start3A_1087 = arith.constant 0 : i32
    %dma_start3A_1088 = tpu.memref_slice %arg5[%add3A_1084, %dma_start3A_1087] : memref<1024x4096xf32, #tpu.memory_space<hbm>> -> memref<2x4096xf32, #tpu.memory_space<hbm>>
    tpu.enqueue_dma source(%arg19 : memref<2x4096xf32, #tpu.memory_space<vmem>>) target(%dma_start3A_1088 : memref<2x4096xf32, #tpu.memory_space<hbm>>) target_semaphore(%arg25 : memref<!tpu.dma_semaphore, #tpu.memory_space<semaphore_mem>>)
    %dma_wait3A_1089 = arith.constant 0 : i32
    %dma_wait3A_1090 = arith.constant 0 : i32
    %dma_wait3A_1091 = tpu.memref_slice %arg2[%dma_wait3A_1089, %dma_wait3A_1090] : memref<65536x16xf32, #tpu.memory_space<hbm>> -> memref<65536x16xf32, #tpu.memory_space<hbm>>
    tpu.wait_indirect_dma semaphore(%arg21 : memref<!tpu.dma_semaphore, #tpu.memory_space<semaphore_mem>>) src(%dma_wait3A_1091 : memref<65536x16xf32, #tpu.memory_space<hbm>>) dst(%arg12 : memref<32x16xf32, #tpu.memory_space<vmem>>)
    %get3A_1092 = arith.constant 20 : i32
    %get3A_1093 = arith.index_cast %get3A_1092 : i32 to index
    %get3A_1094 = arith.constant 0 : index
    %get3A_1095 = tpu.vector_load %arg6[%get3A_1093, %get3A_1094] {strides = array<i32>} : memref<32x16xi32, #tpu.memory_space<vmem>>, vector<16xi32>,
    %add3A_1096 = arith.constant 20 : i32
    %add3A_1097 = arith.addi %mul3A_2, %add3A_1096 : i32
    %add3A_1098 = arith.constant 0 : i32
    %add3A_1099 = arith.addi %add3A_1097, %add3A_1098 : i32
    %broadcast_in_dim3A_1100 = vector.broadcast %add3A_1099 : i32 to vector<16xi32>
    %min3A_1101 = arith.minsi %broadcast_in_dim3A_1100, %get3A_1095 : vector<16xi32>
    %max3A_1102 = arith.maxsi %broadcast_in_dim3A_1100, %get3A_1095 : vector<16xi32>
    %mul3A_1103 = arith.constant 1024 : i32
    %mul3A_1104 = vector.broadcast %mul3A_1103 : i32 to vector<16xi32>
    %mul3A_1105 = arith.muli %min3A_1101, %mul3A_1104 : vector<16xi32>
    %add3A_1106 = arith.addi %mul3A_1105, %max3A_1102 : vector<16xi32>
    %shift_right_arithmetic3A_1107 = arith.constant 4 : i32
    %shift_right_arithmetic3A_1108 = vector.broadcast %shift_right_arithmetic3A_1107 : i32 to vector<16xi32>
    %shift_right_arithmetic3A_1109 = arith.shrsi %add3A_1106, %shift_right_arithmetic3A_1108 : vector<16xi32>
    %swap3A_1110 = arith.constant 0 : index
    %swap3A_1111 = tpu.vector_load %arg7[%swap3A_1110] {strides = array<i32>} : memref<32xi32, #tpu.memory_space<vmem>>, vector<16xi32>,
    tpu.vector_store %arg7[%swap3A_1110], %shift_right_arithmetic3A_1109 {strides = array<i32>} : memref<32xi32, #tpu.memory_space<vmem>>, vector<16xi32>,
    %and3A_1112 = arith.constant 15 : i32
    %and3A_1113 = vector.broadcast %and3A_1112 : i32 to vector<16xi32>
    %and3A_1114 = arith.andi %add3A_1106, %and3A_1113 : vector<16xi32>
    %swap3A_1115 = arith.constant 0 : index
    %swap3A_1116 = tpu.vector_load %arg9[%swap3A_1115] {strides = array<i32>} : memref<32xi32, #tpu.memory_space<vmem>>, vector<16xi32>,
    tpu.vector_store %arg9[%swap3A_1115], %and3A_1114 {strides = array<i32>} : memref<32xi32, #tpu.memory_space<vmem>>, vector<16xi32>,
    %get3A_1117 = arith.constant 21 : i32
    %get3A_1118 = arith.index_cast %get3A_1117 : i32 to index
    %get3A_1119 = arith.constant 0 : index
    %get3A_1120 = tpu.vector_load %arg6[%get3A_1118, %get3A_1119] {strides = array<i32>} : memref<32x16xi32, #tpu.memory_space<vmem>>, vector<16xi32>,
    %add3A_1121 = arith.constant 20 : i32
    %add3A_1122 = arith.addi %mul3A_2, %add3A_1121 : i32
    %add3A_1123 = arith.constant 1 : i32
    %add3A_1124 = arith.addi %add3A_1122, %add3A_1123 : i32
    %broadcast_in_dim3A_1125 = vector.broadcast %add3A_1124 : i32 to vector<16xi32>
    %min3A_1126 = arith.minsi %broadcast_in_dim3A_1125, %get3A_1120 : vector<16xi32>
    %max3A_1127 = arith.maxsi %broadcast_in_dim3A_1125, %get3A_1120 : vector<16xi32>
    %mul3A_1128 = arith.constant 1024 : i32
    %mul3A_1129 = vector.broadcast %mul3A_1128 : i32 to vector<16xi32>
    %mul3A_1130 = arith.muli %min3A_1126, %mul3A_1129 : vector<16xi32>
    %add3A_1131 = arith.addi %mul3A_1130, %max3A_1127 : vector<16xi32>
    %shift_right_arithmetic3A_1132 = arith.constant 4 : i32
    %shift_right_arithmetic3A_1133 = vector.broadcast %shift_right_arithmetic3A_1132 : i32 to vector<16xi32>
    %shift_right_arithmetic3A_1134 = arith.shrsi %add3A_1131, %shift_right_arithmetic3A_1133 : vector<16xi32>
    %swap3A_1135 = arith.constant 16 : index
    %swap3A_1136 = tpu.vector_load %arg7[%swap3A_1135] {strides = array<i32>} : memref<32xi32, #tpu.memory_space<vmem>>, vector<16xi32>,
    tpu.vector_store %arg7[%swap3A_1135], %shift_right_arithmetic3A_1134 {strides = array<i32>} : memref<32xi32, #tpu.memory_space<vmem>>, vector<16xi32>,
    %and3A_1137 = arith.constant 15 : i32
    %and3A_1138 = vector.broadcast %and3A_1137 : i32 to vector<16xi32>
    %and3A_1139 = arith.andi %add3A_1131, %and3A_1138 : vector<16xi32>
    %swap3A_1140 = arith.constant 16 : index
    %swap3A_1141 = tpu.vector_load %arg9[%swap3A_1140] {strides = array<i32>} : memref<32xi32, #tpu.memory_space<vmem>>, vector<16xi32>,
    tpu.vector_store %arg9[%swap3A_1140], %and3A_1139 {strides = array<i32>} : memref<32xi32, #tpu.memory_space<vmem>>, vector<16xi32>,
    %dma_start3A_1142 = arith.constant 0 : i32
    %dma_start3A_1143 = arith.constant 0 : i32
    %dma_start3A_1144 = tpu.memref_slice %arg2[%dma_start3A_1142, %dma_start3A_1143] : memref<65536x16xf32, #tpu.memory_space<hbm>> -> memref<65536x16xf32, #tpu.memory_space<hbm>>
    tpu.enqueue_indirect_dma source(%dma_start3A_1144 : memref<65536x16xf32, #tpu.memory_space<hbm>>) target(%arg11 : memref<32x16xf32, #tpu.memory_space<vmem>>) offsets(%arg7 : memref<32xi32, #tpu.memory_space<vmem>>) semaphore(%arg20 : memref<!tpu.dma_semaphore, #tpu.memory_space<semaphore_mem>>)
    %get3A_1145 = arith.constant 18 : i32
    %get3A_1146 = arith.index_cast %get3A_1145 : i32 to index
    %get3A_1147 = arith.constant 0 : index
    %get3A_1148 = tpu.vector_load %arg6[%get3A_1146, %get3A_1147] {strides = array<i32>} : memref<32x16xi32, #tpu.memory_space<vmem>>, vector<16xi32>,
    %add3A_1149 = arith.constant 0 : i32
    %add3A_1150 = vector.broadcast %add3A_1149 : i32 to vector<16xi32>
    %add3A_1151 = arith.addi %add3A_1150, %iota3A : vector<16xi32>
    %get3A_1152 = arith.constant 0 : index
    %get3A_1153 = tpu.vector_load %arg10[%get3A_1152] {strides = array<i32>} : memref<32xi32, #tpu.memory_space<vmem>>, vector<16xi32>,
    %gather3A_1154 = tpu.vector_load_idx %arg12[%add3A_1151, %get3A_1153] : memref<32x16xf32, #tpu.memory_space<vmem>>[vector<16xi32>, vector<16xi32>], vector<16xf32>,
    %masked_sort3A_1155 = arith.constant dense<true> : vector<16xi1>
    %masked_sort3A_1156, %masked_sort3A_1157, %masked_sort3A_1158 = tpu.sort %gather3A_1154, %get3A_1148 masked %masked_sort3A_1155 {descending = true} : (vector<16xf32>, vector<16xi32>, vector<16xi1>) -> (vector<16xi1>, vector<16xf32>, vector<16xi32>)
    %swap3A_1159 = arith.constant 0 : index
    %swap3A_1160 = tpu.vector_load %arg13[%swap3A_1159] {strides = array<i32>} : memref<32xi32, #tpu.memory_space<vmem>>, vector<16xi32>,
    tpu.vector_store %arg13[%swap3A_1159], %masked_sort3A_1158 {strides = array<i32>} : memref<32xi32, #tpu.memory_space<vmem>>, vector<16xi32>,
    %get3A_1161 = arith.constant 19 : i32
    %get3A_1162 = arith.index_cast %get3A_1161 : i32 to index
    %get3A_1163 = arith.constant 0 : index
    %get3A_1164 = tpu.vector_load %arg6[%get3A_1162, %get3A_1163] {strides = array<i32>} : memref<32x16xi32, #tpu.memory_space<vmem>>, vector<16xi32>,
    %add3A_1165 = arith.constant 16 : i32
    %add3A_1166 = vector.broadcast %add3A_1165 : i32 to vector<16xi32>
    %add3A_1167 = arith.addi %add3A_1166, %iota3A : vector<16xi32>
    %get3A_1168 = arith.constant 16 : index
    %get3A_1169 = tpu.vector_load %arg10[%get3A_1168] {strides = array<i32>} : memref<32xi32, #tpu.memory_space<vmem>>, vector<16xi32>,
    %gather3A_1170 = tpu.vector_load_idx %arg12[%add3A_1167, %get3A_1169] : memref<32x16xf32, #tpu.memory_space<vmem>>[vector<16xi32>, vector<16xi32>], vector<16xf32>,
    %masked_sort3A_1171 = arith.constant dense<true> : vector<16xi1>
    %masked_sort3A_1172, %masked_sort3A_1173, %masked_sort3A_1174 = tpu.sort %gather3A_1170, %get3A_1164 masked %masked_sort3A_1171 {descending = true} : (vector<16xf32>, vector<16xi32>, vector<16xi1>) -> (vector<16xi1>, vector<16xf32>, vector<16xi32>)
    %swap3A_1175 = arith.constant 16 : index
    %swap3A_1176 = tpu.vector_load %arg13[%swap3A_1175] {strides = array<i32>} : memref<32xi32, #tpu.memory_space<vmem>>, vector<16xi32>,
    tpu.vector_store %arg13[%swap3A_1175], %masked_sort3A_1174 {strides = array<i32>} : memref<32xi32, #tpu.memory_space<vmem>>, vector<16xi32>,
    %gather3A_1177 = tpu.vector_load_idx %arg13[%add3A_13] : memref<32xi32, #tpu.memory_space<vmem>>[vector<16xi32>], vector<16xi32>,
    %swap3A_1178 = arith.constant 0 : index
    %swap3A_1179 = tpu.vector_load %arg15[%swap3A_1178] {strides = array<i32>} : memref<16xi32, #tpu.memory_space<vmem>>, vector<16xi32>,
    tpu.vector_store %arg15[%swap3A_1178], %gather3A_1177 {strides = array<i32>} : memref<16xi32, #tpu.memory_space<vmem>>, vector<16xi32>,
    %dma_start3A_1180 = arith.constant 0 : i32
    %dma_start3A_1181 = tpu.memref_slice %arg15[%dma_start3A_1180] : memref<16xi32, #tpu.memory_space<vmem>> -> memref<8xi32, #tpu.memory_space<vmem>>
    %dma_start3A_1182 = arith.constant 0 : i32
    %dma_start3A_1183 = arith.constant 0 : i32
    %dma_start3A_1184 = tpu.memref_slice %arg4[%dma_start3A_1182, %dma_start3A_1183] : memref<1024x4096xf32, #tpu.memory_space<hbm>> -> memref<1024x4096xf32, #tpu.memory_space<hbm>>
    tpu.enqueue_indirect_dma source(%dma_start3A_1184 : memref<1024x4096xf32, #tpu.memory_space<hbm>>) target(%arg17 : memref<8x4096xf32, #tpu.memory_space<vmem>>) offsets(%dma_start3A_1181 : memref<8xi32, #tpu.memory_space<vmem>>) semaphore(%arg23 : memref<!tpu.dma_semaphore, #tpu.memory_space<semaphore_mem>>)
    %dma_wait3A_1185 = arith.constant 0 : i32
    %dma_wait3A_1186 = tpu.memref_slice %arg14[%dma_wait3A_1185] : memref<16xi32, #tpu.memory_space<vmem>> -> memref<8xi32, #tpu.memory_space<vmem>>
    %dma_wait3A_1187 = arith.constant 0 : i32
    %dma_wait3A_1188 = arith.constant 0 : i32
    %dma_wait3A_1189 = tpu.memref_slice %arg4[%dma_wait3A_1187, %dma_wait3A_1188] : memref<1024x4096xf32, #tpu.memory_space<hbm>> -> memref<1024x4096xf32, #tpu.memory_space<hbm>>
    tpu.wait_indirect_dma semaphore(%arg22 : memref<!tpu.dma_semaphore, #tpu.memory_space<semaphore_mem>>) src(%dma_wait3A_1189 : memref<1024x4096xf32, #tpu.memory_space<hbm>>) dst(%arg16 : memref<8x4096xf32, #tpu.memory_space<vmem>>)
    %dma_wait3A_1190 = arith.constant 0 : i32
    %dma_wait3A_1191 = tpu.memref_slice %arg5[%add3A_966, %dma_wait3A_1190] : memref<1024x4096xf32, #tpu.memory_space<hbm>> -> memref<2x4096xf32, #tpu.memory_space<hbm>>
    %dma_wait3A_1192 = arith.constant 0 : i32
    %dma_wait3A_1193 = tpu.memref_slice %arg5[%add3A_966, %dma_wait3A_1192] : memref<1024x4096xf32, #tpu.memory_space<hbm>> -> memref<2x4096xf32, #tpu.memory_space<hbm>>
    tpu.wait_dma2 semaphore(%arg24 : memref<!tpu.dma_semaphore, #tpu.memory_space<semaphore_mem>>) src(%arg18 : memref<2x4096xf32, #tpu.memory_space<vmem>>) dst(%dma_wait3A_1193 : memref<2x4096xf32, #tpu.memory_space<hbm>>)
    %scan3A_1194 = arith.constant 0 : i32
    %scan3A_1195 = arith.constant 0 : i32
    %scan3A_1196 = arith.constant 256 : i32
    %scan3A_1197 = arith.addi %scan3A_1195, %scan3A_1196 : i32
    %scan3A_1198 = arith.constant 1 : i32
    %scan3A_1199 = scf.for %scan3A_1892 = %scan3A_1195 to %scan3A_1197 step %scan3A_1198 iter_args(%scan3A_1893 = %scan3A_1194) -> (i32)  : i32 {
      %mul3A_1894 = arith.constant 16 : i32
      %mul3A_1895 = arith.muli %scan3A_1892, %mul3A_1894 : i32
      %get3A_1896 = arith.constant 0 : i32
      %get3A_1897 = arith.index_cast %get3A_1896 : i32 to index
      %get3A_1898 = arith.index_cast %mul3A_1895 : i32 to index
      %get3A_1899 = tpu.vector_load %arg16[%get3A_1897, %get3A_1898] {strides = array<i32>} : memref<8x4096xf32, #tpu.memory_space<vmem>>, vector<16xf32>,
      %get3A_1900 = arith.constant 1 : i32
      %get3A_1901 = arith.index_cast %get3A_1900 : i32 to index
      %get3A_1902 = arith.index_cast %mul3A_1895 : i32 to index
      %get3A_1903 = tpu.vector_load %arg16[%get3A_1901, %get3A_1902] {strides = array<i32>} : memref<8x4096xf32, #tpu.memory_space<vmem>>, vector<16xf32>,
      %add3A_1904 = arith.addf %get3A_1899, %get3A_1903 : vector<16xf32>
      %get3A_1905 = arith.constant 2 : i32
      %get3A_1906 = arith.index_cast %get3A_1905 : i32 to index
      %get3A_1907 = arith.index_cast %mul3A_1895 : i32 to index
      %get3A_1908 = tpu.vector_load %arg16[%get3A_1906, %get3A_1907] {strides = array<i32>} : memref<8x4096xf32, #tpu.memory_space<vmem>>, vector<16xf32>,
      %add3A_1909 = arith.addf %add3A_1904, %get3A_1908 : vector<16xf32>
      %get3A_1910 = arith.constant 3 : i32
      %get3A_1911 = arith.index_cast %get3A_1910 : i32 to index
      %get3A_1912 = arith.index_cast %mul3A_1895 : i32 to index
      %get3A_1913 = tpu.vector_load %arg16[%get3A_1911, %get3A_1912] {strides = array<i32>} : memref<8x4096xf32, #tpu.memory_space<vmem>>, vector<16xf32>,
      %add3A_1914 = arith.addf %add3A_1909, %get3A_1913 : vector<16xf32>
      %mul3A_1915 = arith.constant 2.500000e-01 : f32
      %mul3A_1916 = vector.broadcast %mul3A_1915 : f32 to vector<16xf32>
      %mul3A_1917 = arith.mulf %add3A_1914, %mul3A_1916 : vector<16xf32>
      %swap3A_1918 = arith.constant 0 : i32
      %swap3A_1919 = arith.index_cast %swap3A_1918 : i32 to index
      %swap3A_1920 = arith.index_cast %mul3A_1895 : i32 to index
      %swap3A_1921 = tpu.vector_load %arg18[%swap3A_1919, %swap3A_1920] {strides = array<i32>} : memref<2x4096xf32, #tpu.memory_space<vmem>>, vector<16xf32>,
      tpu.vector_store %arg18[%swap3A_1919, %swap3A_1920], %mul3A_1917 {strides = array<i32>} : memref<2x4096xf32, #tpu.memory_space<vmem>>, vector<16xf32>,
      %get3A_1922 = arith.constant 4 : i32
      %get3A_1923 = arith.index_cast %get3A_1922 : i32 to index
      %get3A_1924 = arith.index_cast %mul3A_1895 : i32 to index
      %get3A_1925 = tpu.vector_load %arg16[%get3A_1923, %get3A_1924] {strides = array<i32>} : memref<8x4096xf32, #tpu.memory_space<vmem>>, vector<16xf32>,
      %get3A_1926 = arith.constant 5 : i32
      %get3A_1927 = arith.index_cast %get3A_1926 : i32 to index
      %get3A_1928 = arith.index_cast %mul3A_1895 : i32 to index
      %get3A_1929 = tpu.vector_load %arg16[%get3A_1927, %get3A_1928] {strides = array<i32>} : memref<8x4096xf32, #tpu.memory_space<vmem>>, vector<16xf32>,
      %add3A_1930 = arith.addf %get3A_1925, %get3A_1929 : vector<16xf32>
      %get3A_1931 = arith.constant 6 : i32
      %get3A_1932 = arith.index_cast %get3A_1931 : i32 to index
      %get3A_1933 = arith.index_cast %mul3A_1895 : i32 to index
      %get3A_1934 = tpu.vector_load %arg16[%get3A_1932, %get3A_1933] {strides = array<i32>} : memref<8x4096xf32, #tpu.memory_space<vmem>>, vector<16xf32>,
      %add3A_1935 = arith.addf %add3A_1930, %get3A_1934 : vector<16xf32>
      %get3A_1936 = arith.constant 7 : i32
      %get3A_1937 = arith.index_cast %get3A_1936 : i32 to index
      %get3A_1938 = arith.index_cast %mul3A_1895 : i32 to index
      %get3A_1939 = tpu.vector_load %arg16[%get3A_1937, %get3A_1938] {strides = array<i32>} : memref<8x4096xf32, #tpu.memory_space<vmem>>, vector<16xf32>,
      %add3A_1940 = arith.addf %add3A_1935, %get3A_1939 : vector<16xf32>
      %mul3A_1941 = arith.constant 2.500000e-01 : f32
      %mul3A_1942 = vector.broadcast %mul3A_1941 : f32 to vector<16xf32>
      %mul3A_1943 = arith.mulf %add3A_1940, %mul3A_1942 : vector<16xf32>
      %swap3A_1944 = arith.constant 1 : i32
      %swap3A_1945 = arith.index_cast %swap3A_1944 : i32 to index
      %swap3A_1946 = arith.index_cast %mul3A_1895 : i32 to index
      %swap3A_1947 = tpu.vector_load %arg18[%swap3A_1945, %swap3A_1946] {strides = array<i32>} : memref<2x4096xf32, #tpu.memory_space<vmem>>, vector<16xf32>,
      tpu.vector_store %arg18[%swap3A_1945, %swap3A_1946], %mul3A_1943 {strides = array<i32>} : memref<2x4096xf32, #tpu.memory_space<vmem>>, vector<16xf32>,
      %scan3A_1948 = arith.constant 0 : i32
      scf.yield %scan3A_1948 : i32
    }
    %scan3A_1200 = arith.constant 256 : i32
    %add3A_1201 = arith.constant 16 : i32
    %add3A_1202 = arith.addi %mul3A_2, %add3A_1201 : i32
    %dma_start3A_1203 = arith.constant 0 : i32
    %dma_start3A_1204 = tpu.memref_slice %arg5[%add3A_1202, %dma_start3A_1203] : memref<1024x4096xf32, #tpu.memory_space<hbm>> -> memref<2x4096xf32, #tpu.memory_space<hbm>>
    %dma_start3A_1205 = arith.constant 0 : i32
    %dma_start3A_1206 = tpu.memref_slice %arg5[%add3A_1202, %dma_start3A_1205] : memref<1024x4096xf32, #tpu.memory_space<hbm>> -> memref<2x4096xf32, #tpu.memory_space<hbm>>
    tpu.enqueue_dma source(%arg18 : memref<2x4096xf32, #tpu.memory_space<vmem>>) target(%dma_start3A_1206 : memref<2x4096xf32, #tpu.memory_space<hbm>>) target_semaphore(%arg24 : memref<!tpu.dma_semaphore, #tpu.memory_space<semaphore_mem>>)
    %dma_wait3A_1207 = arith.constant 0 : i32
    %dma_wait3A_1208 = arith.constant 0 : i32
    %dma_wait3A_1209 = tpu.memref_slice %arg2[%dma_wait3A_1207, %dma_wait3A_1208] : memref<65536x16xf32, #tpu.memory_space<hbm>> -> memref<65536x16xf32, #tpu.memory_space<hbm>>
    tpu.wait_indirect_dma semaphore(%arg20 : memref<!tpu.dma_semaphore, #tpu.memory_space<semaphore_mem>>) src(%dma_wait3A_1209 : memref<65536x16xf32, #tpu.memory_space<hbm>>) dst(%arg11 : memref<32x16xf32, #tpu.memory_space<vmem>>)
    %get3A_1210 = arith.constant 22 : i32
    %get3A_1211 = arith.index_cast %get3A_1210 : i32 to index
    %get3A_1212 = arith.constant 0 : index
    %get3A_1213 = tpu.vector_load %arg6[%get3A_1211, %get3A_1212] {strides = array<i32>} : memref<32x16xi32, #tpu.memory_space<vmem>>, vector<16xi32>,
    %add3A_1214 = arith.constant 22 : i32
    %add3A_1215 = arith.addi %mul3A_2, %add3A_1214 : i32
    %add3A_1216 = arith.constant 0 : i32
    %add3A_1217 = arith.addi %add3A_1215, %add3A_1216 : i32
    %broadcast_in_dim3A_1218 = vector.broadcast %add3A_1217 : i32 to vector<16xi32>
    %min3A_1219 = arith.minsi %broadcast_in_dim3A_1218, %get3A_1213 : vector<16xi32>
    %max3A_1220 = arith.maxsi %broadcast_in_dim3A_1218, %get3A_1213 : vector<16xi32>
    %mul3A_1221 = arith.constant 1024 : i32
    %mul3A_1222 = vector.broadcast %mul3A_1221 : i32 to vector<16xi32>
    %mul3A_1223 = arith.muli %min3A_1219, %mul3A_1222 : vector<16xi32>
    %add3A_1224 = arith.addi %mul3A_1223, %max3A_1220 : vector<16xi32>
    %shift_right_arithmetic3A_1225 = arith.constant 4 : i32
    %shift_right_arithmetic3A_1226 = vector.broadcast %shift_right_arithmetic3A_1225 : i32 to vector<16xi32>
    %shift_right_arithmetic3A_1227 = arith.shrsi %add3A_1224, %shift_right_arithmetic3A_1226 : vector<16xi32>
    %swap3A_1228 = arith.constant 0 : index
    %swap3A_1229 = tpu.vector_load %arg8[%swap3A_1228] {strides = array<i32>} : memref<32xi32, #tpu.memory_space<vmem>>, vector<16xi32>,
    tpu.vector_store %arg8[%swap3A_1228], %shift_right_arithmetic3A_1227 {strides = array<i32>} : memref<32xi32, #tpu.memory_space<vmem>>, vector<16xi32>,
    %and3A_1230 = arith.constant 15 : i32
    %and3A_1231 = vector.broadcast %and3A_1230 : i32 to vector<16xi32>
    %and3A_1232 = arith.andi %add3A_1224, %and3A_1231 : vector<16xi32>
    %swap3A_1233 = arith.constant 0 : index
    %swap3A_1234 = tpu.vector_load %arg10[%swap3A_1233] {strides = array<i32>} : memref<32xi32, #tpu.memory_space<vmem>>, vector<16xi32>,
    tpu.vector_store %arg10[%swap3A_1233], %and3A_1232 {strides = array<i32>} : memref<32xi32, #tpu.memory_space<vmem>>, vector<16xi32>,
    %get3A_1235 = arith.constant 23 : i32
    %get3A_1236 = arith.index_cast %get3A_1235 : i32 to index
    %get3A_1237 = arith.constant 0 : index
    %get3A_1238 = tpu.vector_load %arg6[%get3A_1236, %get3A_1237] {strides = array<i32>} : memref<32x16xi32, #tpu.memory_space<vmem>>, vector<16xi32>,
    %add3A_1239 = arith.constant 22 : i32
    %add3A_1240 = arith.addi %mul3A_2, %add3A_1239 : i32
    %add3A_1241 = arith.constant 1 : i32
    %add3A_1242 = arith.addi %add3A_1240, %add3A_1241 : i32
    %broadcast_in_dim3A_1243 = vector.broadcast %add3A_1242 : i32 to vector<16xi32>
    %min3A_1244 = arith.minsi %broadcast_in_dim3A_1243, %get3A_1238 : vector<16xi32>
    %max3A_1245 = arith.maxsi %broadcast_in_dim3A_1243, %get3A_1238 : vector<16xi32>
    %mul3A_1246 = arith.constant 1024 : i32
    %mul3A_1247 = vector.broadcast %mul3A_1246 : i32 to vector<16xi32>
    %mul3A_1248 = arith.muli %min3A_1244, %mul3A_1247 : vector<16xi32>
    %add3A_1249 = arith.addi %mul3A_1248, %max3A_1245 : vector<16xi32>
    %shift_right_arithmetic3A_1250 = arith.constant 4 : i32
    %shift_right_arithmetic3A_1251 = vector.broadcast %shift_right_arithmetic3A_1250 : i32 to vector<16xi32>
    %shift_right_arithmetic3A_1252 = arith.shrsi %add3A_1249, %shift_right_arithmetic3A_1251 : vector<16xi32>
    %swap3A_1253 = arith.constant 16 : index
    %swap3A_1254 = tpu.vector_load %arg8[%swap3A_1253] {strides = array<i32>} : memref<32xi32, #tpu.memory_space<vmem>>, vector<16xi32>,
    tpu.vector_store %arg8[%swap3A_1253], %shift_right_arithmetic3A_1252 {strides = array<i32>} : memref<32xi32, #tpu.memory_space<vmem>>, vector<16xi32>,
    %and3A_1255 = arith.constant 15 : i32
    %and3A_1256 = vector.broadcast %and3A_1255 : i32 to vector<16xi32>
    %and3A_1257 = arith.andi %add3A_1249, %and3A_1256 : vector<16xi32>
    %swap3A_1258 = arith.constant 16 : index
    %swap3A_1259 = tpu.vector_load %arg10[%swap3A_1258] {strides = array<i32>} : memref<32xi32, #tpu.memory_space<vmem>>, vector<16xi32>,
    tpu.vector_store %arg10[%swap3A_1258], %and3A_1257 {strides = array<i32>} : memref<32xi32, #tpu.memory_space<vmem>>, vector<16xi32>,
    %dma_start3A_1260 = arith.constant 0 : i32
    %dma_start3A_1261 = arith.constant 0 : i32
    %dma_start3A_1262 = tpu.memref_slice %arg2[%dma_start3A_1260, %dma_start3A_1261] : memref<65536x16xf32, #tpu.memory_space<hbm>> -> memref<65536x16xf32, #tpu.memory_space<hbm>>
    tpu.enqueue_indirect_dma source(%dma_start3A_1262 : memref<65536x16xf32, #tpu.memory_space<hbm>>) target(%arg12 : memref<32x16xf32, #tpu.memory_space<vmem>>) offsets(%arg8 : memref<32xi32, #tpu.memory_space<vmem>>) semaphore(%arg21 : memref<!tpu.dma_semaphore, #tpu.memory_space<semaphore_mem>>)
    %get3A_1263 = arith.constant 20 : i32
    %get3A_1264 = arith.index_cast %get3A_1263 : i32 to index
    %get3A_1265 = arith.constant 0 : index
    %get3A_1266 = tpu.vector_load %arg6[%get3A_1264, %get3A_1265] {strides = array<i32>} : memref<32x16xi32, #tpu.memory_space<vmem>>, vector<16xi32>,
    %add3A_1267 = arith.constant 0 : i32
    %add3A_1268 = vector.broadcast %add3A_1267 : i32 to vector<16xi32>
    %add3A_1269 = arith.addi %add3A_1268, %iota3A : vector<16xi32>
    %get3A_1270 = arith.constant 0 : index
    %get3A_1271 = tpu.vector_load %arg9[%get3A_1270] {strides = array<i32>} : memref<32xi32, #tpu.memory_space<vmem>>, vector<16xi32>,
    %gather3A_1272 = tpu.vector_load_idx %arg11[%add3A_1269, %get3A_1271] : memref<32x16xf32, #tpu.memory_space<vmem>>[vector<16xi32>, vector<16xi32>], vector<16xf32>,
    %masked_sort3A_1273 = arith.constant dense<true> : vector<16xi1>
    %masked_sort3A_1274, %masked_sort3A_1275, %masked_sort3A_1276 = tpu.sort %gather3A_1272, %get3A_1266 masked %masked_sort3A_1273 {descending = true} : (vector<16xf32>, vector<16xi32>, vector<16xi1>) -> (vector<16xi1>, vector<16xf32>, vector<16xi32>)
    %swap3A_1277 = arith.constant 0 : index
    %swap3A_1278 = tpu.vector_load %arg13[%swap3A_1277] {strides = array<i32>} : memref<32xi32, #tpu.memory_space<vmem>>, vector<16xi32>,
    tpu.vector_store %arg13[%swap3A_1277], %masked_sort3A_1276 {strides = array<i32>} : memref<32xi32, #tpu.memory_space<vmem>>, vector<16xi32>,
    %get3A_1279 = arith.constant 21 : i32
    %get3A_1280 = arith.index_cast %get3A_1279 : i32 to index
    %get3A_1281 = arith.constant 0 : index
    %get3A_1282 = tpu.vector_load %arg6[%get3A_1280, %get3A_1281] {strides = array<i32>} : memref<32x16xi32, #tpu.memory_space<vmem>>, vector<16xi32>,
    %add3A_1283 = arith.constant 16 : i32
    %add3A_1284 = vector.broadcast %add3A_1283 : i32 to vector<16xi32>
    %add3A_1285 = arith.addi %add3A_1284, %iota3A : vector<16xi32>
    %get3A_1286 = arith.constant 16 : index
    %get3A_1287 = tpu.vector_load %arg9[%get3A_1286] {strides = array<i32>} : memref<32xi32, #tpu.memory_space<vmem>>, vector<16xi32>,
    %gather3A_1288 = tpu.vector_load_idx %arg11[%add3A_1285, %get3A_1287] : memref<32x16xf32, #tpu.memory_space<vmem>>[vector<16xi32>, vector<16xi32>], vector<16xf32>,
    %masked_sort3A_1289 = arith.constant dense<true> : vector<16xi1>
    %masked_sort3A_1290, %masked_sort3A_1291, %masked_sort3A_1292 = tpu.sort %gather3A_1288, %get3A_1282 masked %masked_sort3A_1289 {descending = true} : (vector<16xf32>, vector<16xi32>, vector<16xi1>) -> (vector<16xi1>, vector<16xf32>, vector<16xi32>)
    %swap3A_1293 = arith.constant 16 : index
    %swap3A_1294 = tpu.vector_load %arg13[%swap3A_1293] {strides = array<i32>} : memref<32xi32, #tpu.memory_space<vmem>>, vector<16xi32>,
    tpu.vector_store %arg13[%swap3A_1293], %masked_sort3A_1292 {strides = array<i32>} : memref<32xi32, #tpu.memory_space<vmem>>, vector<16xi32>,
    %gather3A_1295 = tpu.vector_load_idx %arg13[%add3A_13] : memref<32xi32, #tpu.memory_space<vmem>>[vector<16xi32>], vector<16xi32>,
    %swap3A_1296 = arith.constant 0 : index
    %swap3A_1297 = tpu.vector_load %arg14[%swap3A_1296] {strides = array<i32>} : memref<16xi32, #tpu.memory_space<vmem>>, vector<16xi32>,
    tpu.vector_store %arg14[%swap3A_1296], %gather3A_1295 {strides = array<i32>} : memref<16xi32, #tpu.memory_space<vmem>>, vector<16xi32>,
    %dma_start3A_1298 = arith.constant 0 : i32
    %dma_start3A_1299 = tpu.memref_slice %arg14[%dma_start3A_1298] : memref<16xi32, #tpu.memory_space<vmem>> -> memref<8xi32, #tpu.memory_space<vmem>>
    %dma_start3A_1300 = arith.constant 0 : i32
    %dma_start3A_1301 = arith.constant 0 : i32
    %dma_start3A_1302 = tpu.memref_slice %arg4[%dma_start3A_1300, %dma_start3A_1301] : memref<1024x4096xf32, #tpu.memory_space<hbm>> -> memref<1024x4096xf32, #tpu.memory_space<hbm>>
    tpu.enqueue_indirect_dma source(%dma_start3A_1302 : memref<1024x4096xf32, #tpu.memory_space<hbm>>) target(%arg16 : memref<8x4096xf32, #tpu.memory_space<vmem>>) offsets(%dma_start3A_1299 : memref<8xi32, #tpu.memory_space<vmem>>) semaphore(%arg22 : memref<!tpu.dma_semaphore, #tpu.memory_space<semaphore_mem>>)
    %dma_wait3A_1303 = arith.constant 0 : i32
    %dma_wait3A_1304 = tpu.memref_slice %arg15[%dma_wait3A_1303] : memref<16xi32, #tpu.memory_space<vmem>> -> memref<8xi32, #tpu.memory_space<vmem>>
    %dma_wait3A_1305 = arith.constant 0 : i32
    %dma_wait3A_1306 = arith.constant 0 : i32
    %dma_wait3A_1307 = tpu.memref_slice %arg4[%dma_wait3A_1305, %dma_wait3A_1306] : memref<1024x4096xf32, #tpu.memory_space<hbm>> -> memref<1024x4096xf32, #tpu.memory_space<hbm>>
    tpu.wait_indirect_dma semaphore(%arg23 : memref<!tpu.dma_semaphore, #tpu.memory_space<semaphore_mem>>) src(%dma_wait3A_1307 : memref<1024x4096xf32, #tpu.memory_space<hbm>>) dst(%arg17 : memref<8x4096xf32, #tpu.memory_space<vmem>>)
    %dma_wait3A_1308 = arith.constant 0 : i32
    %dma_wait3A_1309 = tpu.memref_slice %arg5[%add3A_1084, %dma_wait3A_1308] : memref<1024x4096xf32, #tpu.memory_space<hbm>> -> memref<2x4096xf32, #tpu.memory_space<hbm>>
    %dma_wait3A_1310 = arith.constant 0 : i32
    %dma_wait3A_1311 = tpu.memref_slice %arg5[%add3A_1084, %dma_wait3A_1310] : memref<1024x4096xf32, #tpu.memory_space<hbm>> -> memref<2x4096xf32, #tpu.memory_space<hbm>>
    tpu.wait_dma2 semaphore(%arg25 : memref<!tpu.dma_semaphore, #tpu.memory_space<semaphore_mem>>) src(%arg19 : memref<2x4096xf32, #tpu.memory_space<vmem>>) dst(%dma_wait3A_1311 : memref<2x4096xf32, #tpu.memory_space<hbm>>)
    %scan3A_1312 = arith.constant 0 : i32
    %scan3A_1313 = arith.constant 0 : i32
    %scan3A_1314 = arith.constant 256 : i32
    %scan3A_1315 = arith.addi %scan3A_1313, %scan3A_1314 : i32
    %scan3A_1316 = arith.constant 1 : i32
    %scan3A_1317 = scf.for %scan3A_1892 = %scan3A_1313 to %scan3A_1315 step %scan3A_1316 iter_args(%scan3A_1893 = %scan3A_1312) -> (i32)  : i32 {
      %mul3A_1894 = arith.constant 16 : i32
      %mul3A_1895 = arith.muli %scan3A_1892, %mul3A_1894 : i32
      %get3A_1896 = arith.constant 0 : i32
      %get3A_1897 = arith.index_cast %get3A_1896 : i32 to index
      %get3A_1898 = arith.index_cast %mul3A_1895 : i32 to index
      %get3A_1899 = tpu.vector_load %arg17[%get3A_1897, %get3A_1898] {strides = array<i32>} : memref<8x4096xf32, #tpu.memory_space<vmem>>, vector<16xf32>,
      %get3A_1900 = arith.constant 1 : i32
      %get3A_1901 = arith.index_cast %get3A_1900 : i32 to index
      %get3A_1902 = arith.index_cast %mul3A_1895 : i32 to index
      %get3A_1903 = tpu.vector_load %arg17[%get3A_1901, %get3A_1902] {strides = array<i32>} : memref<8x4096xf32, #tpu.memory_space<vmem>>, vector<16xf32>,
      %add3A_1904 = arith.addf %get3A_1899, %get3A_1903 : vector<16xf32>
      %get3A_1905 = arith.constant 2 : i32
      %get3A_1906 = arith.index_cast %get3A_1905 : i32 to index
      %get3A_1907 = arith.index_cast %mul3A_1895 : i32 to index
      %get3A_1908 = tpu.vector_load %arg17[%get3A_1906, %get3A_1907] {strides = array<i32>} : memref<8x4096xf32, #tpu.memory_space<vmem>>, vector<16xf32>,
      %add3A_1909 = arith.addf %add3A_1904, %get3A_1908 : vector<16xf32>
      %get3A_1910 = arith.constant 3 : i32
      %get3A_1911 = arith.index_cast %get3A_1910 : i32 to index
      %get3A_1912 = arith.index_cast %mul3A_1895 : i32 to index
      %get3A_1913 = tpu.vector_load %arg17[%get3A_1911, %get3A_1912] {strides = array<i32>} : memref<8x4096xf32, #tpu.memory_space<vmem>>, vector<16xf32>,
      %add3A_1914 = arith.addf %add3A_1909, %get3A_1913 : vector<16xf32>
      %mul3A_1915 = arith.constant 2.500000e-01 : f32
      %mul3A_1916 = vector.broadcast %mul3A_1915 : f32 to vector<16xf32>
      %mul3A_1917 = arith.mulf %add3A_1914, %mul3A_1916 : vector<16xf32>
      %swap3A_1918 = arith.constant 0 : i32
      %swap3A_1919 = arith.index_cast %swap3A_1918 : i32 to index
      %swap3A_1920 = arith.index_cast %mul3A_1895 : i32 to index
      %swap3A_1921 = tpu.vector_load %arg19[%swap3A_1919, %swap3A_1920] {strides = array<i32>} : memref<2x4096xf32, #tpu.memory_space<vmem>>, vector<16xf32>,
      tpu.vector_store %arg19[%swap3A_1919, %swap3A_1920], %mul3A_1917 {strides = array<i32>} : memref<2x4096xf32, #tpu.memory_space<vmem>>, vector<16xf32>,
      %get3A_1922 = arith.constant 4 : i32
      %get3A_1923 = arith.index_cast %get3A_1922 : i32 to index
      %get3A_1924 = arith.index_cast %mul3A_1895 : i32 to index
      %get3A_1925 = tpu.vector_load %arg17[%get3A_1923, %get3A_1924] {strides = array<i32>} : memref<8x4096xf32, #tpu.memory_space<vmem>>, vector<16xf32>,
      %get3A_1926 = arith.constant 5 : i32
      %get3A_1927 = arith.index_cast %get3A_1926 : i32 to index
      %get3A_1928 = arith.index_cast %mul3A_1895 : i32 to index
      %get3A_1929 = tpu.vector_load %arg17[%get3A_1927, %get3A_1928] {strides = array<i32>} : memref<8x4096xf32, #tpu.memory_space<vmem>>, vector<16xf32>,
      %add3A_1930 = arith.addf %get3A_1925, %get3A_1929 : vector<16xf32>
      %get3A_1931 = arith.constant 6 : i32
      %get3A_1932 = arith.index_cast %get3A_1931 : i32 to index
      %get3A_1933 = arith.index_cast %mul3A_1895 : i32 to index
      %get3A_1934 = tpu.vector_load %arg17[%get3A_1932, %get3A_1933] {strides = array<i32>} : memref<8x4096xf32, #tpu.memory_space<vmem>>, vector<16xf32>,
      %add3A_1935 = arith.addf %add3A_1930, %get3A_1934 : vector<16xf32>
      %get3A_1936 = arith.constant 7 : i32
      %get3A_1937 = arith.index_cast %get3A_1936 : i32 to index
      %get3A_1938 = arith.index_cast %mul3A_1895 : i32 to index
      %get3A_1939 = tpu.vector_load %arg17[%get3A_1937, %get3A_1938] {strides = array<i32>} : memref<8x4096xf32, #tpu.memory_space<vmem>>, vector<16xf32>,
      %add3A_1940 = arith.addf %add3A_1935, %get3A_1939 : vector<16xf32>
      %mul3A_1941 = arith.constant 2.500000e-01 : f32
      %mul3A_1942 = vector.broadcast %mul3A_1941 : f32 to vector<16xf32>
      %mul3A_1943 = arith.mulf %add3A_1940, %mul3A_1942 : vector<16xf32>
      %swap3A_1944 = arith.constant 1 : i32
      %swap3A_1945 = arith.index_cast %swap3A_1944 : i32 to index
      %swap3A_1946 = arith.index_cast %mul3A_1895 : i32 to index
      %swap3A_1947 = tpu.vector_load %arg19[%swap3A_1945, %swap3A_1946] {strides = array<i32>} : memref<2x4096xf32, #tpu.memory_space<vmem>>, vector<16xf32>,
      tpu.vector_store %arg19[%swap3A_1945, %swap3A_1946], %mul3A_1943 {strides = array<i32>} : memref<2x4096xf32, #tpu.memory_space<vmem>>, vector<16xf32>,
      %scan3A_1948 = arith.constant 0 : i32
      scf.yield %scan3A_1948 : i32
    }
    %scan3A_1318 = arith.constant 256 : i32
    %add3A_1319 = arith.constant 18 : i32
    %add3A_1320 = arith.addi %mul3A_2, %add3A_1319 : i32
    %dma_start3A_1321 = arith.constant 0 : i32
    %dma_start3A_1322 = tpu.memref_slice %arg5[%add3A_1320, %dma_start3A_1321] : memref<1024x4096xf32, #tpu.memory_space<hbm>> -> memref<2x4096xf32, #tpu.memory_space<hbm>>
    %dma_start3A_1323 = arith.constant 0 : i32
    %dma_start3A_1324 = tpu.memref_slice %arg5[%add3A_1320, %dma_start3A_1323] : memref<1024x4096xf32, #tpu.memory_space<hbm>> -> memref<2x4096xf32, #tpu.memory_space<hbm>>
    tpu.enqueue_dma source(%arg19 : memref<2x4096xf32, #tpu.memory_space<vmem>>) target(%dma_start3A_1324 : memref<2x4096xf32, #tpu.memory_space<hbm>>) target_semaphore(%arg25 : memref<!tpu.dma_semaphore, #tpu.memory_space<semaphore_mem>>)
    %dma_wait3A_1325 = arith.constant 0 : i32
    %dma_wait3A_1326 = arith.constant 0 : i32
    %dma_wait3A_1327 = tpu.memref_slice %arg2[%dma_wait3A_1325, %dma_wait3A_1326] : memref<65536x16xf32, #tpu.memory_space<hbm>> -> memref<65536x16xf32, #tpu.memory_space<hbm>>
    tpu.wait_indirect_dma semaphore(%arg21 : memref<!tpu.dma_semaphore, #tpu.memory_space<semaphore_mem>>) src(%dma_wait3A_1327 : memref<65536x16xf32, #tpu.memory_space<hbm>>) dst(%arg12 : memref<32x16xf32, #tpu.memory_space<vmem>>)
    %get3A_1328 = arith.constant 24 : i32
    %get3A_1329 = arith.index_cast %get3A_1328 : i32 to index
    %get3A_1330 = arith.constant 0 : index
    %get3A_1331 = tpu.vector_load %arg6[%get3A_1329, %get3A_1330] {strides = array<i32>} : memref<32x16xi32, #tpu.memory_space<vmem>>, vector<16xi32>,
    %add3A_1332 = arith.constant 24 : i32
    %add3A_1333 = arith.addi %mul3A_2, %add3A_1332 : i32
    %add3A_1334 = arith.constant 0 : i32
    %add3A_1335 = arith.addi %add3A_1333, %add3A_1334 : i32
    %broadcast_in_dim3A_1336 = vector.broadcast %add3A_1335 : i32 to vector<16xi32>
    %min3A_1337 = arith.minsi %broadcast_in_dim3A_1336, %get3A_1331 : vector<16xi32>
    %max3A_1338 = arith.maxsi %broadcast_in_dim3A_1336, %get3A_1331 : vector<16xi32>
    %mul3A_1339 = arith.constant 1024 : i32
    %mul3A_1340 = vector.broadcast %mul3A_1339 : i32 to vector<16xi32>
    %mul3A_1341 = arith.muli %min3A_1337, %mul3A_1340 : vector<16xi32>
    %add3A_1342 = arith.addi %mul3A_1341, %max3A_1338 : vector<16xi32>
    %shift_right_arithmetic3A_1343 = arith.constant 4 : i32
    %shift_right_arithmetic3A_1344 = vector.broadcast %shift_right_arithmetic3A_1343 : i32 to vector<16xi32>
    %shift_right_arithmetic3A_1345 = arith.shrsi %add3A_1342, %shift_right_arithmetic3A_1344 : vector<16xi32>
    %swap3A_1346 = arith.constant 0 : index
    %swap3A_1347 = tpu.vector_load %arg7[%swap3A_1346] {strides = array<i32>} : memref<32xi32, #tpu.memory_space<vmem>>, vector<16xi32>,
    tpu.vector_store %arg7[%swap3A_1346], %shift_right_arithmetic3A_1345 {strides = array<i32>} : memref<32xi32, #tpu.memory_space<vmem>>, vector<16xi32>,
    %and3A_1348 = arith.constant 15 : i32
    %and3A_1349 = vector.broadcast %and3A_1348 : i32 to vector<16xi32>
    %and3A_1350 = arith.andi %add3A_1342, %and3A_1349 : vector<16xi32>
    %swap3A_1351 = arith.constant 0 : index
    %swap3A_1352 = tpu.vector_load %arg9[%swap3A_1351] {strides = array<i32>} : memref<32xi32, #tpu.memory_space<vmem>>, vector<16xi32>,
    tpu.vector_store %arg9[%swap3A_1351], %and3A_1350 {strides = array<i32>} : memref<32xi32, #tpu.memory_space<vmem>>, vector<16xi32>,
    %get3A_1353 = arith.constant 25 : i32
    %get3A_1354 = arith.index_cast %get3A_1353 : i32 to index
    %get3A_1355 = arith.constant 0 : index
    %get3A_1356 = tpu.vector_load %arg6[%get3A_1354, %get3A_1355] {strides = array<i32>} : memref<32x16xi32, #tpu.memory_space<vmem>>, vector<16xi32>,
    %add3A_1357 = arith.constant 24 : i32
    %add3A_1358 = arith.addi %mul3A_2, %add3A_1357 : i32
    %add3A_1359 = arith.constant 1 : i32
    %add3A_1360 = arith.addi %add3A_1358, %add3A_1359 : i32
    %broadcast_in_dim3A_1361 = vector.broadcast %add3A_1360 : i32 to vector<16xi32>
    %min3A_1362 = arith.minsi %broadcast_in_dim3A_1361, %get3A_1356 : vector<16xi32>
    %max3A_1363 = arith.maxsi %broadcast_in_dim3A_1361, %get3A_1356 : vector<16xi32>
    %mul3A_1364 = arith.constant 1024 : i32
    %mul3A_1365 = vector.broadcast %mul3A_1364 : i32 to vector<16xi32>
    %mul3A_1366 = arith.muli %min3A_1362, %mul3A_1365 : vector<16xi32>
    %add3A_1367 = arith.addi %mul3A_1366, %max3A_1363 : vector<16xi32>
    %shift_right_arithmetic3A_1368 = arith.constant 4 : i32
    %shift_right_arithmetic3A_1369 = vector.broadcast %shift_right_arithmetic3A_1368 : i32 to vector<16xi32>
    %shift_right_arithmetic3A_1370 = arith.shrsi %add3A_1367, %shift_right_arithmetic3A_1369 : vector<16xi32>
    %swap3A_1371 = arith.constant 16 : index
    %swap3A_1372 = tpu.vector_load %arg7[%swap3A_1371] {strides = array<i32>} : memref<32xi32, #tpu.memory_space<vmem>>, vector<16xi32>,
    tpu.vector_store %arg7[%swap3A_1371], %shift_right_arithmetic3A_1370 {strides = array<i32>} : memref<32xi32, #tpu.memory_space<vmem>>, vector<16xi32>,
    %and3A_1373 = arith.constant 15 : i32
    %and3A_1374 = vector.broadcast %and3A_1373 : i32 to vector<16xi32>
    %and3A_1375 = arith.andi %add3A_1367, %and3A_1374 : vector<16xi32>
    %swap3A_1376 = arith.constant 16 : index
    %swap3A_1377 = tpu.vector_load %arg9[%swap3A_1376] {strides = array<i32>} : memref<32xi32, #tpu.memory_space<vmem>>, vector<16xi32>,
    tpu.vector_store %arg9[%swap3A_1376], %and3A_1375 {strides = array<i32>} : memref<32xi32, #tpu.memory_space<vmem>>, vector<16xi32>,
    %dma_start3A_1378 = arith.constant 0 : i32
    %dma_start3A_1379 = arith.constant 0 : i32
    %dma_start3A_1380 = tpu.memref_slice %arg2[%dma_start3A_1378, %dma_start3A_1379] : memref<65536x16xf32, #tpu.memory_space<hbm>> -> memref<65536x16xf32, #tpu.memory_space<hbm>>
    tpu.enqueue_indirect_dma source(%dma_start3A_1380 : memref<65536x16xf32, #tpu.memory_space<hbm>>) target(%arg11 : memref<32x16xf32, #tpu.memory_space<vmem>>) offsets(%arg7 : memref<32xi32, #tpu.memory_space<vmem>>) semaphore(%arg20 : memref<!tpu.dma_semaphore, #tpu.memory_space<semaphore_mem>>)
    %get3A_1381 = arith.constant 22 : i32
    %get3A_1382 = arith.index_cast %get3A_1381 : i32 to index
    %get3A_1383 = arith.constant 0 : index
    %get3A_1384 = tpu.vector_load %arg6[%get3A_1382, %get3A_1383] {strides = array<i32>} : memref<32x16xi32, #tpu.memory_space<vmem>>, vector<16xi32>,
    %add3A_1385 = arith.constant 0 : i32
    %add3A_1386 = vector.broadcast %add3A_1385 : i32 to vector<16xi32>
    %add3A_1387 = arith.addi %add3A_1386, %iota3A : vector<16xi32>
    %get3A_1388 = arith.constant 0 : index
    %get3A_1389 = tpu.vector_load %arg10[%get3A_1388] {strides = array<i32>} : memref<32xi32, #tpu.memory_space<vmem>>, vector<16xi32>,
    %gather3A_1390 = tpu.vector_load_idx %arg12[%add3A_1387, %get3A_1389] : memref<32x16xf32, #tpu.memory_space<vmem>>[vector<16xi32>, vector<16xi32>], vector<16xf32>,
    %masked_sort3A_1391 = arith.constant dense<true> : vector<16xi1>
    %masked_sort3A_1392, %masked_sort3A_1393, %masked_sort3A_1394 = tpu.sort %gather3A_1390, %get3A_1384 masked %masked_sort3A_1391 {descending = true} : (vector<16xf32>, vector<16xi32>, vector<16xi1>) -> (vector<16xi1>, vector<16xf32>, vector<16xi32>)
    %swap3A_1395 = arith.constant 0 : index
    %swap3A_1396 = tpu.vector_load %arg13[%swap3A_1395] {strides = array<i32>} : memref<32xi32, #tpu.memory_space<vmem>>, vector<16xi32>,
    tpu.vector_store %arg13[%swap3A_1395], %masked_sort3A_1394 {strides = array<i32>} : memref<32xi32, #tpu.memory_space<vmem>>, vector<16xi32>,
    %get3A_1397 = arith.constant 23 : i32
    %get3A_1398 = arith.index_cast %get3A_1397 : i32 to index
    %get3A_1399 = arith.constant 0 : index
    %get3A_1400 = tpu.vector_load %arg6[%get3A_1398, %get3A_1399] {strides = array<i32>} : memref<32x16xi32, #tpu.memory_space<vmem>>, vector<16xi32>,
    %add3A_1401 = arith.constant 16 : i32
    %add3A_1402 = vector.broadcast %add3A_1401 : i32 to vector<16xi32>
    %add3A_1403 = arith.addi %add3A_1402, %iota3A : vector<16xi32>
    %get3A_1404 = arith.constant 16 : index
    %get3A_1405 = tpu.vector_load %arg10[%get3A_1404] {strides = array<i32>} : memref<32xi32, #tpu.memory_space<vmem>>, vector<16xi32>,
    %gather3A_1406 = tpu.vector_load_idx %arg12[%add3A_1403, %get3A_1405] : memref<32x16xf32, #tpu.memory_space<vmem>>[vector<16xi32>, vector<16xi32>], vector<16xf32>,
    %masked_sort3A_1407 = arith.constant dense<true> : vector<16xi1>
    %masked_sort3A_1408, %masked_sort3A_1409, %masked_sort3A_1410 = tpu.sort %gather3A_1406, %get3A_1400 masked %masked_sort3A_1407 {descending = true} : (vector<16xf32>, vector<16xi32>, vector<16xi1>) -> (vector<16xi1>, vector<16xf32>, vector<16xi32>)
    %swap3A_1411 = arith.constant 16 : index
    %swap3A_1412 = tpu.vector_load %arg13[%swap3A_1411] {strides = array<i32>} : memref<32xi32, #tpu.memory_space<vmem>>, vector<16xi32>,
    tpu.vector_store %arg13[%swap3A_1411], %masked_sort3A_1410 {strides = array<i32>} : memref<32xi32, #tpu.memory_space<vmem>>, vector<16xi32>,
    %gather3A_1413 = tpu.vector_load_idx %arg13[%add3A_13] : memref<32xi32, #tpu.memory_space<vmem>>[vector<16xi32>], vector<16xi32>,
    %swap3A_1414 = arith.constant 0 : index
    %swap3A_1415 = tpu.vector_load %arg15[%swap3A_1414] {strides = array<i32>} : memref<16xi32, #tpu.memory_space<vmem>>, vector<16xi32>,
    tpu.vector_store %arg15[%swap3A_1414], %gather3A_1413 {strides = array<i32>} : memref<16xi32, #tpu.memory_space<vmem>>, vector<16xi32>,
    %dma_start3A_1416 = arith.constant 0 : i32
    %dma_start3A_1417 = tpu.memref_slice %arg15[%dma_start3A_1416] : memref<16xi32, #tpu.memory_space<vmem>> -> memref<8xi32, #tpu.memory_space<vmem>>
    %dma_start3A_1418 = arith.constant 0 : i32
    %dma_start3A_1419 = arith.constant 0 : i32
    %dma_start3A_1420 = tpu.memref_slice %arg4[%dma_start3A_1418, %dma_start3A_1419] : memref<1024x4096xf32, #tpu.memory_space<hbm>> -> memref<1024x4096xf32, #tpu.memory_space<hbm>>
    tpu.enqueue_indirect_dma source(%dma_start3A_1420 : memref<1024x4096xf32, #tpu.memory_space<hbm>>) target(%arg17 : memref<8x4096xf32, #tpu.memory_space<vmem>>) offsets(%dma_start3A_1417 : memref<8xi32, #tpu.memory_space<vmem>>) semaphore(%arg23 : memref<!tpu.dma_semaphore, #tpu.memory_space<semaphore_mem>>)
    %dma_wait3A_1421 = arith.constant 0 : i32
    %dma_wait3A_1422 = tpu.memref_slice %arg14[%dma_wait3A_1421] : memref<16xi32, #tpu.memory_space<vmem>> -> memref<8xi32, #tpu.memory_space<vmem>>
    %dma_wait3A_1423 = arith.constant 0 : i32
    %dma_wait3A_1424 = arith.constant 0 : i32
    %dma_wait3A_1425 = tpu.memref_slice %arg4[%dma_wait3A_1423, %dma_wait3A_1424] : memref<1024x4096xf32, #tpu.memory_space<hbm>> -> memref<1024x4096xf32, #tpu.memory_space<hbm>>
    tpu.wait_indirect_dma semaphore(%arg22 : memref<!tpu.dma_semaphore, #tpu.memory_space<semaphore_mem>>) src(%dma_wait3A_1425 : memref<1024x4096xf32, #tpu.memory_space<hbm>>) dst(%arg16 : memref<8x4096xf32, #tpu.memory_space<vmem>>)
    %dma_wait3A_1426 = arith.constant 0 : i32
    %dma_wait3A_1427 = tpu.memref_slice %arg5[%add3A_1202, %dma_wait3A_1426] : memref<1024x4096xf32, #tpu.memory_space<hbm>> -> memref<2x4096xf32, #tpu.memory_space<hbm>>
    %dma_wait3A_1428 = arith.constant 0 : i32
    %dma_wait3A_1429 = tpu.memref_slice %arg5[%add3A_1202, %dma_wait3A_1428] : memref<1024x4096xf32, #tpu.memory_space<hbm>> -> memref<2x4096xf32, #tpu.memory_space<hbm>>
    tpu.wait_dma2 semaphore(%arg24 : memref<!tpu.dma_semaphore, #tpu.memory_space<semaphore_mem>>) src(%arg18 : memref<2x4096xf32, #tpu.memory_space<vmem>>) dst(%dma_wait3A_1429 : memref<2x4096xf32, #tpu.memory_space<hbm>>)
    %scan3A_1430 = arith.constant 0 : i32
    %scan3A_1431 = arith.constant 0 : i32
    %scan3A_1432 = arith.constant 256 : i32
    %scan3A_1433 = arith.addi %scan3A_1431, %scan3A_1432 : i32
    %scan3A_1434 = arith.constant 1 : i32
    %scan3A_1435 = scf.for %scan3A_1892 = %scan3A_1431 to %scan3A_1433 step %scan3A_1434 iter_args(%scan3A_1893 = %scan3A_1430) -> (i32)  : i32 {
      %mul3A_1894 = arith.constant 16 : i32
      %mul3A_1895 = arith.muli %scan3A_1892, %mul3A_1894 : i32
      %get3A_1896 = arith.constant 0 : i32
      %get3A_1897 = arith.index_cast %get3A_1896 : i32 to index
      %get3A_1898 = arith.index_cast %mul3A_1895 : i32 to index
      %get3A_1899 = tpu.vector_load %arg16[%get3A_1897, %get3A_1898] {strides = array<i32>} : memref<8x4096xf32, #tpu.memory_space<vmem>>, vector<16xf32>,
      %get3A_1900 = arith.constant 1 : i32
      %get3A_1901 = arith.index_cast %get3A_1900 : i32 to index
      %get3A_1902 = arith.index_cast %mul3A_1895 : i32 to index
      %get3A_1903 = tpu.vector_load %arg16[%get3A_1901, %get3A_1902] {strides = array<i32>} : memref<8x4096xf32, #tpu.memory_space<vmem>>, vector<16xf32>,
      %add3A_1904 = arith.addf %get3A_1899, %get3A_1903 : vector<16xf32>
      %get3A_1905 = arith.constant 2 : i32
      %get3A_1906 = arith.index_cast %get3A_1905 : i32 to index
      %get3A_1907 = arith.index_cast %mul3A_1895 : i32 to index
      %get3A_1908 = tpu.vector_load %arg16[%get3A_1906, %get3A_1907] {strides = array<i32>} : memref<8x4096xf32, #tpu.memory_space<vmem>>, vector<16xf32>,
      %add3A_1909 = arith.addf %add3A_1904, %get3A_1908 : vector<16xf32>
      %get3A_1910 = arith.constant 3 : i32
      %get3A_1911 = arith.index_cast %get3A_1910 : i32 to index
      %get3A_1912 = arith.index_cast %mul3A_1895 : i32 to index
      %get3A_1913 = tpu.vector_load %arg16[%get3A_1911, %get3A_1912] {strides = array<i32>} : memref<8x4096xf32, #tpu.memory_space<vmem>>, vector<16xf32>,
      %add3A_1914 = arith.addf %add3A_1909, %get3A_1913 : vector<16xf32>
      %mul3A_1915 = arith.constant 2.500000e-01 : f32
      %mul3A_1916 = vector.broadcast %mul3A_1915 : f32 to vector<16xf32>
      %mul3A_1917 = arith.mulf %add3A_1914, %mul3A_1916 : vector<16xf32>
      %swap3A_1918 = arith.constant 0 : i32
      %swap3A_1919 = arith.index_cast %swap3A_1918 : i32 to index
      %swap3A_1920 = arith.index_cast %mul3A_1895 : i32 to index
      %swap3A_1921 = tpu.vector_load %arg18[%swap3A_1919, %swap3A_1920] {strides = array<i32>} : memref<2x4096xf32, #tpu.memory_space<vmem>>, vector<16xf32>,
      tpu.vector_store %arg18[%swap3A_1919, %swap3A_1920], %mul3A_1917 {strides = array<i32>} : memref<2x4096xf32, #tpu.memory_space<vmem>>, vector<16xf32>,
      %get3A_1922 = arith.constant 4 : i32
      %get3A_1923 = arith.index_cast %get3A_1922 : i32 to index
      %get3A_1924 = arith.index_cast %mul3A_1895 : i32 to index
      %get3A_1925 = tpu.vector_load %arg16[%get3A_1923, %get3A_1924] {strides = array<i32>} : memref<8x4096xf32, #tpu.memory_space<vmem>>, vector<16xf32>,
      %get3A_1926 = arith.constant 5 : i32
      %get3A_1927 = arith.index_cast %get3A_1926 : i32 to index
      %get3A_1928 = arith.index_cast %mul3A_1895 : i32 to index
      %get3A_1929 = tpu.vector_load %arg16[%get3A_1927, %get3A_1928] {strides = array<i32>} : memref<8x4096xf32, #tpu.memory_space<vmem>>, vector<16xf32>,
      %add3A_1930 = arith.addf %get3A_1925, %get3A_1929 : vector<16xf32>
      %get3A_1931 = arith.constant 6 : i32
      %get3A_1932 = arith.index_cast %get3A_1931 : i32 to index
      %get3A_1933 = arith.index_cast %mul3A_1895 : i32 to index
      %get3A_1934 = tpu.vector_load %arg16[%get3A_1932, %get3A_1933] {strides = array<i32>} : memref<8x4096xf32, #tpu.memory_space<vmem>>, vector<16xf32>,
      %add3A_1935 = arith.addf %add3A_1930, %get3A_1934 : vector<16xf32>
      %get3A_1936 = arith.constant 7 : i32
      %get3A_1937 = arith.index_cast %get3A_1936 : i32 to index
      %get3A_1938 = arith.index_cast %mul3A_1895 : i32 to index
      %get3A_1939 = tpu.vector_load %arg16[%get3A_1937, %get3A_1938] {strides = array<i32>} : memref<8x4096xf32, #tpu.memory_space<vmem>>, vector<16xf32>,
      %add3A_1940 = arith.addf %add3A_1935, %get3A_1939 : vector<16xf32>
      %mul3A_1941 = arith.constant 2.500000e-01 : f32
      %mul3A_1942 = vector.broadcast %mul3A_1941 : f32 to vector<16xf32>
      %mul3A_1943 = arith.mulf %add3A_1940, %mul3A_1942 : vector<16xf32>
      %swap3A_1944 = arith.constant 1 : i32
      %swap3A_1945 = arith.index_cast %swap3A_1944 : i32 to index
      %swap3A_1946 = arith.index_cast %mul3A_1895 : i32 to index
      %swap3A_1947 = tpu.vector_load %arg18[%swap3A_1945, %swap3A_1946] {strides = array<i32>} : memref<2x4096xf32, #tpu.memory_space<vmem>>, vector<16xf32>,
      tpu.vector_store %arg18[%swap3A_1945, %swap3A_1946], %mul3A_1943 {strides = array<i32>} : memref<2x4096xf32, #tpu.memory_space<vmem>>, vector<16xf32>,
      %scan3A_1948 = arith.constant 0 : i32
      scf.yield %scan3A_1948 : i32
    }
    %scan3A_1436 = arith.constant 256 : i32
    %add3A_1437 = arith.constant 20 : i32
    %add3A_1438 = arith.addi %mul3A_2, %add3A_1437 : i32
    %dma_start3A_1439 = arith.constant 0 : i32
    %dma_start3A_1440 = tpu.memref_slice %arg5[%add3A_1438, %dma_start3A_1439] : memref<1024x4096xf32, #tpu.memory_space<hbm>> -> memref<2x4096xf32, #tpu.memory_space<hbm>>
    %dma_start3A_1441 = arith.constant 0 : i32
    %dma_start3A_1442 = tpu.memref_slice %arg5[%add3A_1438, %dma_start3A_1441] : memref<1024x4096xf32, #tpu.memory_space<hbm>> -> memref<2x4096xf32, #tpu.memory_space<hbm>>
    tpu.enqueue_dma source(%arg18 : memref<2x4096xf32, #tpu.memory_space<vmem>>) target(%dma_start3A_1442 : memref<2x4096xf32, #tpu.memory_space<hbm>>) target_semaphore(%arg24 : memref<!tpu.dma_semaphore, #tpu.memory_space<semaphore_mem>>)
    %dma_wait3A_1443 = arith.constant 0 : i32
    %dma_wait3A_1444 = arith.constant 0 : i32
    %dma_wait3A_1445 = tpu.memref_slice %arg2[%dma_wait3A_1443, %dma_wait3A_1444] : memref<65536x16xf32, #tpu.memory_space<hbm>> -> memref<65536x16xf32, #tpu.memory_space<hbm>>
    tpu.wait_indirect_dma semaphore(%arg20 : memref<!tpu.dma_semaphore, #tpu.memory_space<semaphore_mem>>) src(%dma_wait3A_1445 : memref<65536x16xf32, #tpu.memory_space<hbm>>) dst(%arg11 : memref<32x16xf32, #tpu.memory_space<vmem>>)
    %get3A_1446 = arith.constant 26 : i32
    %get3A_1447 = arith.index_cast %get3A_1446 : i32 to index
    %get3A_1448 = arith.constant 0 : index
    %get3A_1449 = tpu.vector_load %arg6[%get3A_1447, %get3A_1448] {strides = array<i32>} : memref<32x16xi32, #tpu.memory_space<vmem>>, vector<16xi32>,
    %add3A_1450 = arith.constant 26 : i32
    %add3A_1451 = arith.addi %mul3A_2, %add3A_1450 : i32
    %add3A_1452 = arith.constant 0 : i32
    %add3A_1453 = arith.addi %add3A_1451, %add3A_1452 : i32
    %broadcast_in_dim3A_1454 = vector.broadcast %add3A_1453 : i32 to vector<16xi32>
    %min3A_1455 = arith.minsi %broadcast_in_dim3A_1454, %get3A_1449 : vector<16xi32>
    %max3A_1456 = arith.maxsi %broadcast_in_dim3A_1454, %get3A_1449 : vector<16xi32>
    %mul3A_1457 = arith.constant 1024 : i32
    %mul3A_1458 = vector.broadcast %mul3A_1457 : i32 to vector<16xi32>
    %mul3A_1459 = arith.muli %min3A_1455, %mul3A_1458 : vector<16xi32>
    %add3A_1460 = arith.addi %mul3A_1459, %max3A_1456 : vector<16xi32>
    %shift_right_arithmetic3A_1461 = arith.constant 4 : i32
    %shift_right_arithmetic3A_1462 = vector.broadcast %shift_right_arithmetic3A_1461 : i32 to vector<16xi32>
    %shift_right_arithmetic3A_1463 = arith.shrsi %add3A_1460, %shift_right_arithmetic3A_1462 : vector<16xi32>
    %swap3A_1464 = arith.constant 0 : index
    %swap3A_1465 = tpu.vector_load %arg8[%swap3A_1464] {strides = array<i32>} : memref<32xi32, #tpu.memory_space<vmem>>, vector<16xi32>,
    tpu.vector_store %arg8[%swap3A_1464], %shift_right_arithmetic3A_1463 {strides = array<i32>} : memref<32xi32, #tpu.memory_space<vmem>>, vector<16xi32>,
    %and3A_1466 = arith.constant 15 : i32
    %and3A_1467 = vector.broadcast %and3A_1466 : i32 to vector<16xi32>
    %and3A_1468 = arith.andi %add3A_1460, %and3A_1467 : vector<16xi32>
    %swap3A_1469 = arith.constant 0 : index
    %swap3A_1470 = tpu.vector_load %arg10[%swap3A_1469] {strides = array<i32>} : memref<32xi32, #tpu.memory_space<vmem>>, vector<16xi32>,
    tpu.vector_store %arg10[%swap3A_1469], %and3A_1468 {strides = array<i32>} : memref<32xi32, #tpu.memory_space<vmem>>, vector<16xi32>,
    %get3A_1471 = arith.constant 27 : i32
    %get3A_1472 = arith.index_cast %get3A_1471 : i32 to index
    %get3A_1473 = arith.constant 0 : index
    %get3A_1474 = tpu.vector_load %arg6[%get3A_1472, %get3A_1473] {strides = array<i32>} : memref<32x16xi32, #tpu.memory_space<vmem>>, vector<16xi32>,
    %add3A_1475 = arith.constant 26 : i32
    %add3A_1476 = arith.addi %mul3A_2, %add3A_1475 : i32
    %add3A_1477 = arith.constant 1 : i32
    %add3A_1478 = arith.addi %add3A_1476, %add3A_1477 : i32
    %broadcast_in_dim3A_1479 = vector.broadcast %add3A_1478 : i32 to vector<16xi32>
    %min3A_1480 = arith.minsi %broadcast_in_dim3A_1479, %get3A_1474 : vector<16xi32>
    %max3A_1481 = arith.maxsi %broadcast_in_dim3A_1479, %get3A_1474 : vector<16xi32>
    %mul3A_1482 = arith.constant 1024 : i32
    %mul3A_1483 = vector.broadcast %mul3A_1482 : i32 to vector<16xi32>
    %mul3A_1484 = arith.muli %min3A_1480, %mul3A_1483 : vector<16xi32>
    %add3A_1485 = arith.addi %mul3A_1484, %max3A_1481 : vector<16xi32>
    %shift_right_arithmetic3A_1486 = arith.constant 4 : i32
    %shift_right_arithmetic3A_1487 = vector.broadcast %shift_right_arithmetic3A_1486 : i32 to vector<16xi32>
    %shift_right_arithmetic3A_1488 = arith.shrsi %add3A_1485, %shift_right_arithmetic3A_1487 : vector<16xi32>
    %swap3A_1489 = arith.constant 16 : index
    %swap3A_1490 = tpu.vector_load %arg8[%swap3A_1489] {strides = array<i32>} : memref<32xi32, #tpu.memory_space<vmem>>, vector<16xi32>,
    tpu.vector_store %arg8[%swap3A_1489], %shift_right_arithmetic3A_1488 {strides = array<i32>} : memref<32xi32, #tpu.memory_space<vmem>>, vector<16xi32>,
    %and3A_1491 = arith.constant 15 : i32
    %and3A_1492 = vector.broadcast %and3A_1491 : i32 to vector<16xi32>
    %and3A_1493 = arith.andi %add3A_1485, %and3A_1492 : vector<16xi32>
    %swap3A_1494 = arith.constant 16 : index
    %swap3A_1495 = tpu.vector_load %arg10[%swap3A_1494] {strides = array<i32>} : memref<32xi32, #tpu.memory_space<vmem>>, vector<16xi32>,
    tpu.vector_store %arg10[%swap3A_1494], %and3A_1493 {strides = array<i32>} : memref<32xi32, #tpu.memory_space<vmem>>, vector<16xi32>,
    %dma_start3A_1496 = arith.constant 0 : i32
    %dma_start3A_1497 = arith.constant 0 : i32
    %dma_start3A_1498 = tpu.memref_slice %arg2[%dma_start3A_1496, %dma_start3A_1497] : memref<65536x16xf32, #tpu.memory_space<hbm>> -> memref<65536x16xf32, #tpu.memory_space<hbm>>
    tpu.enqueue_indirect_dma source(%dma_start3A_1498 : memref<65536x16xf32, #tpu.memory_space<hbm>>) target(%arg12 : memref<32x16xf32, #tpu.memory_space<vmem>>) offsets(%arg8 : memref<32xi32, #tpu.memory_space<vmem>>) semaphore(%arg21 : memref<!tpu.dma_semaphore, #tpu.memory_space<semaphore_mem>>)
    %get3A_1499 = arith.constant 24 : i32
    %get3A_1500 = arith.index_cast %get3A_1499 : i32 to index
    %get3A_1501 = arith.constant 0 : index
    %get3A_1502 = tpu.vector_load %arg6[%get3A_1500, %get3A_1501] {strides = array<i32>} : memref<32x16xi32, #tpu.memory_space<vmem>>, vector<16xi32>,
    %add3A_1503 = arith.constant 0 : i32
    %add3A_1504 = vector.broadcast %add3A_1503 : i32 to vector<16xi32>
    %add3A_1505 = arith.addi %add3A_1504, %iota3A : vector<16xi32>
    %get3A_1506 = arith.constant 0 : index
    %get3A_1507 = tpu.vector_load %arg9[%get3A_1506] {strides = array<i32>} : memref<32xi32, #tpu.memory_space<vmem>>, vector<16xi32>,
    %gather3A_1508 = tpu.vector_load_idx %arg11[%add3A_1505, %get3A_1507] : memref<32x16xf32, #tpu.memory_space<vmem>>[vector<16xi32>, vector<16xi32>], vector<16xf32>,
    %masked_sort3A_1509 = arith.constant dense<true> : vector<16xi1>
    %masked_sort3A_1510, %masked_sort3A_1511, %masked_sort3A_1512 = tpu.sort %gather3A_1508, %get3A_1502 masked %masked_sort3A_1509 {descending = true} : (vector<16xf32>, vector<16xi32>, vector<16xi1>) -> (vector<16xi1>, vector<16xf32>, vector<16xi32>)
    %swap3A_1513 = arith.constant 0 : index
    %swap3A_1514 = tpu.vector_load %arg13[%swap3A_1513] {strides = array<i32>} : memref<32xi32, #tpu.memory_space<vmem>>, vector<16xi32>,
    tpu.vector_store %arg13[%swap3A_1513], %masked_sort3A_1512 {strides = array<i32>} : memref<32xi32, #tpu.memory_space<vmem>>, vector<16xi32>,
    %get3A_1515 = arith.constant 25 : i32
    %get3A_1516 = arith.index_cast %get3A_1515 : i32 to index
    %get3A_1517 = arith.constant 0 : index
    %get3A_1518 = tpu.vector_load %arg6[%get3A_1516, %get3A_1517] {strides = array<i32>} : memref<32x16xi32, #tpu.memory_space<vmem>>, vector<16xi32>,
    %add3A_1519 = arith.constant 16 : i32
    %add3A_1520 = vector.broadcast %add3A_1519 : i32 to vector<16xi32>
    %add3A_1521 = arith.addi %add3A_1520, %iota3A : vector<16xi32>
    %get3A_1522 = arith.constant 16 : index
    %get3A_1523 = tpu.vector_load %arg9[%get3A_1522] {strides = array<i32>} : memref<32xi32, #tpu.memory_space<vmem>>, vector<16xi32>,
    %gather3A_1524 = tpu.vector_load_idx %arg11[%add3A_1521, %get3A_1523] : memref<32x16xf32, #tpu.memory_space<vmem>>[vector<16xi32>, vector<16xi32>], vector<16xf32>,
    %masked_sort3A_1525 = arith.constant dense<true> : vector<16xi1>
    %masked_sort3A_1526, %masked_sort3A_1527, %masked_sort3A_1528 = tpu.sort %gather3A_1524, %get3A_1518 masked %masked_sort3A_1525 {descending = true} : (vector<16xf32>, vector<16xi32>, vector<16xi1>) -> (vector<16xi1>, vector<16xf32>, vector<16xi32>)
    %swap3A_1529 = arith.constant 16 : index
    %swap3A_1530 = tpu.vector_load %arg13[%swap3A_1529] {strides = array<i32>} : memref<32xi32, #tpu.memory_space<vmem>>, vector<16xi32>,
    tpu.vector_store %arg13[%swap3A_1529], %masked_sort3A_1528 {strides = array<i32>} : memref<32xi32, #tpu.memory_space<vmem>>, vector<16xi32>,
    %gather3A_1531 = tpu.vector_load_idx %arg13[%add3A_13] : memref<32xi32, #tpu.memory_space<vmem>>[vector<16xi32>], vector<16xi32>,
    %swap3A_1532 = arith.constant 0 : index
    %swap3A_1533 = tpu.vector_load %arg14[%swap3A_1532] {strides = array<i32>} : memref<16xi32, #tpu.memory_space<vmem>>, vector<16xi32>,
    tpu.vector_store %arg14[%swap3A_1532], %gather3A_1531 {strides = array<i32>} : memref<16xi32, #tpu.memory_space<vmem>>, vector<16xi32>,
    %dma_start3A_1534 = arith.constant 0 : i32
    %dma_start3A_1535 = tpu.memref_slice %arg14[%dma_start3A_1534] : memref<16xi32, #tpu.memory_space<vmem>> -> memref<8xi32, #tpu.memory_space<vmem>>
    %dma_start3A_1536 = arith.constant 0 : i32
    %dma_start3A_1537 = arith.constant 0 : i32
    %dma_start3A_1538 = tpu.memref_slice %arg4[%dma_start3A_1536, %dma_start3A_1537] : memref<1024x4096xf32, #tpu.memory_space<hbm>> -> memref<1024x4096xf32, #tpu.memory_space<hbm>>
    tpu.enqueue_indirect_dma source(%dma_start3A_1538 : memref<1024x4096xf32, #tpu.memory_space<hbm>>) target(%arg16 : memref<8x4096xf32, #tpu.memory_space<vmem>>) offsets(%dma_start3A_1535 : memref<8xi32, #tpu.memory_space<vmem>>) semaphore(%arg22 : memref<!tpu.dma_semaphore, #tpu.memory_space<semaphore_mem>>)
    %dma_wait3A_1539 = arith.constant 0 : i32
    %dma_wait3A_1540 = tpu.memref_slice %arg15[%dma_wait3A_1539] : memref<16xi32, #tpu.memory_space<vmem>> -> memref<8xi32, #tpu.memory_space<vmem>>
    %dma_wait3A_1541 = arith.constant 0 : i32
    %dma_wait3A_1542 = arith.constant 0 : i32
    %dma_wait3A_1543 = tpu.memref_slice %arg4[%dma_wait3A_1541, %dma_wait3A_1542] : memref<1024x4096xf32, #tpu.memory_space<hbm>> -> memref<1024x4096xf32, #tpu.memory_space<hbm>>
    tpu.wait_indirect_dma semaphore(%arg23 : memref<!tpu.dma_semaphore, #tpu.memory_space<semaphore_mem>>) src(%dma_wait3A_1543 : memref<1024x4096xf32, #tpu.memory_space<hbm>>) dst(%arg17 : memref<8x4096xf32, #tpu.memory_space<vmem>>)
    %dma_wait3A_1544 = arith.constant 0 : i32
    %dma_wait3A_1545 = tpu.memref_slice %arg5[%add3A_1320, %dma_wait3A_1544] : memref<1024x4096xf32, #tpu.memory_space<hbm>> -> memref<2x4096xf32, #tpu.memory_space<hbm>>
    %dma_wait3A_1546 = arith.constant 0 : i32
    %dma_wait3A_1547 = tpu.memref_slice %arg5[%add3A_1320, %dma_wait3A_1546] : memref<1024x4096xf32, #tpu.memory_space<hbm>> -> memref<2x4096xf32, #tpu.memory_space<hbm>>
    tpu.wait_dma2 semaphore(%arg25 : memref<!tpu.dma_semaphore, #tpu.memory_space<semaphore_mem>>) src(%arg19 : memref<2x4096xf32, #tpu.memory_space<vmem>>) dst(%dma_wait3A_1547 : memref<2x4096xf32, #tpu.memory_space<hbm>>)
    %scan3A_1548 = arith.constant 0 : i32
    %scan3A_1549 = arith.constant 0 : i32
    %scan3A_1550 = arith.constant 256 : i32
    %scan3A_1551 = arith.addi %scan3A_1549, %scan3A_1550 : i32
    %scan3A_1552 = arith.constant 1 : i32
    %scan3A_1553 = scf.for %scan3A_1892 = %scan3A_1549 to %scan3A_1551 step %scan3A_1552 iter_args(%scan3A_1893 = %scan3A_1548) -> (i32)  : i32 {
      %mul3A_1894 = arith.constant 16 : i32
      %mul3A_1895 = arith.muli %scan3A_1892, %mul3A_1894 : i32
      %get3A_1896 = arith.constant 0 : i32
      %get3A_1897 = arith.index_cast %get3A_1896 : i32 to index
      %get3A_1898 = arith.index_cast %mul3A_1895 : i32 to index
      %get3A_1899 = tpu.vector_load %arg17[%get3A_1897, %get3A_1898] {strides = array<i32>} : memref<8x4096xf32, #tpu.memory_space<vmem>>, vector<16xf32>,
      %get3A_1900 = arith.constant 1 : i32
      %get3A_1901 = arith.index_cast %get3A_1900 : i32 to index
      %get3A_1902 = arith.index_cast %mul3A_1895 : i32 to index
      %get3A_1903 = tpu.vector_load %arg17[%get3A_1901, %get3A_1902] {strides = array<i32>} : memref<8x4096xf32, #tpu.memory_space<vmem>>, vector<16xf32>,
      %add3A_1904 = arith.addf %get3A_1899, %get3A_1903 : vector<16xf32>
      %get3A_1905 = arith.constant 2 : i32
      %get3A_1906 = arith.index_cast %get3A_1905 : i32 to index
      %get3A_1907 = arith.index_cast %mul3A_1895 : i32 to index
      %get3A_1908 = tpu.vector_load %arg17[%get3A_1906, %get3A_1907] {strides = array<i32>} : memref<8x4096xf32, #tpu.memory_space<vmem>>, vector<16xf32>,
      %add3A_1909 = arith.addf %add3A_1904, %get3A_1908 : vector<16xf32>
      %get3A_1910 = arith.constant 3 : i32
      %get3A_1911 = arith.index_cast %get3A_1910 : i32 to index
      %get3A_1912 = arith.index_cast %mul3A_1895 : i32 to index
      %get3A_1913 = tpu.vector_load %arg17[%get3A_1911, %get3A_1912] {strides = array<i32>} : memref<8x4096xf32, #tpu.memory_space<vmem>>, vector<16xf32>,
      %add3A_1914 = arith.addf %add3A_1909, %get3A_1913 : vector<16xf32>
      %mul3A_1915 = arith.constant 2.500000e-01 : f32
      %mul3A_1916 = vector.broadcast %mul3A_1915 : f32 to vector<16xf32>
      %mul3A_1917 = arith.mulf %add3A_1914, %mul3A_1916 : vector<16xf32>
      %swap3A_1918 = arith.constant 0 : i32
      %swap3A_1919 = arith.index_cast %swap3A_1918 : i32 to index
      %swap3A_1920 = arith.index_cast %mul3A_1895 : i32 to index
      %swap3A_1921 = tpu.vector_load %arg19[%swap3A_1919, %swap3A_1920] {strides = array<i32>} : memref<2x4096xf32, #tpu.memory_space<vmem>>, vector<16xf32>,
      tpu.vector_store %arg19[%swap3A_1919, %swap3A_1920], %mul3A_1917 {strides = array<i32>} : memref<2x4096xf32, #tpu.memory_space<vmem>>, vector<16xf32>,
      %get3A_1922 = arith.constant 4 : i32
      %get3A_1923 = arith.index_cast %get3A_1922 : i32 to index
      %get3A_1924 = arith.index_cast %mul3A_1895 : i32 to index
      %get3A_1925 = tpu.vector_load %arg17[%get3A_1923, %get3A_1924] {strides = array<i32>} : memref<8x4096xf32, #tpu.memory_space<vmem>>, vector<16xf32>,
      %get3A_1926 = arith.constant 5 : i32
      %get3A_1927 = arith.index_cast %get3A_1926 : i32 to index
      %get3A_1928 = arith.index_cast %mul3A_1895 : i32 to index
      %get3A_1929 = tpu.vector_load %arg17[%get3A_1927, %get3A_1928] {strides = array<i32>} : memref<8x4096xf32, #tpu.memory_space<vmem>>, vector<16xf32>,
      %add3A_1930 = arith.addf %get3A_1925, %get3A_1929 : vector<16xf32>
      %get3A_1931 = arith.constant 6 : i32
      %get3A_1932 = arith.index_cast %get3A_1931 : i32 to index
      %get3A_1933 = arith.index_cast %mul3A_1895 : i32 to index
      %get3A_1934 = tpu.vector_load %arg17[%get3A_1932, %get3A_1933] {strides = array<i32>} : memref<8x4096xf32, #tpu.memory_space<vmem>>, vector<16xf32>,
      %add3A_1935 = arith.addf %add3A_1930, %get3A_1934 : vector<16xf32>
      %get3A_1936 = arith.constant 7 : i32
      %get3A_1937 = arith.index_cast %get3A_1936 : i32 to index
      %get3A_1938 = arith.index_cast %mul3A_1895 : i32 to index
      %get3A_1939 = tpu.vector_load %arg17[%get3A_1937, %get3A_1938] {strides = array<i32>} : memref<8x4096xf32, #tpu.memory_space<vmem>>, vector<16xf32>,
      %add3A_1940 = arith.addf %add3A_1935, %get3A_1939 : vector<16xf32>
      %mul3A_1941 = arith.constant 2.500000e-01 : f32
      %mul3A_1942 = vector.broadcast %mul3A_1941 : f32 to vector<16xf32>
      %mul3A_1943 = arith.mulf %add3A_1940, %mul3A_1942 : vector<16xf32>
      %swap3A_1944 = arith.constant 1 : i32
      %swap3A_1945 = arith.index_cast %swap3A_1944 : i32 to index
      %swap3A_1946 = arith.index_cast %mul3A_1895 : i32 to index
      %swap3A_1947 = tpu.vector_load %arg19[%swap3A_1945, %swap3A_1946] {strides = array<i32>} : memref<2x4096xf32, #tpu.memory_space<vmem>>, vector<16xf32>,
      tpu.vector_store %arg19[%swap3A_1945, %swap3A_1946], %mul3A_1943 {strides = array<i32>} : memref<2x4096xf32, #tpu.memory_space<vmem>>, vector<16xf32>,
      %scan3A_1948 = arith.constant 0 : i32
      scf.yield %scan3A_1948 : i32
    }
    %scan3A_1554 = arith.constant 256 : i32
    %add3A_1555 = arith.constant 22 : i32
    %add3A_1556 = arith.addi %mul3A_2, %add3A_1555 : i32
    %dma_start3A_1557 = arith.constant 0 : i32
    %dma_start3A_1558 = tpu.memref_slice %arg5[%add3A_1556, %dma_start3A_1557] : memref<1024x4096xf32, #tpu.memory_space<hbm>> -> memref<2x4096xf32, #tpu.memory_space<hbm>>
    %dma_start3A_1559 = arith.constant 0 : i32
    %dma_start3A_1560 = tpu.memref_slice %arg5[%add3A_1556, %dma_start3A_1559] : memref<1024x4096xf32, #tpu.memory_space<hbm>> -> memref<2x4096xf32, #tpu.memory_space<hbm>>
    tpu.enqueue_dma source(%arg19 : memref<2x4096xf32, #tpu.memory_space<vmem>>) target(%dma_start3A_1560 : memref<2x4096xf32, #tpu.memory_space<hbm>>) target_semaphore(%arg25 : memref<!tpu.dma_semaphore, #tpu.memory_space<semaphore_mem>>)
    %dma_wait3A_1561 = arith.constant 0 : i32
    %dma_wait3A_1562 = arith.constant 0 : i32
    %dma_wait3A_1563 = tpu.memref_slice %arg2[%dma_wait3A_1561, %dma_wait3A_1562] : memref<65536x16xf32, #tpu.memory_space<hbm>> -> memref<65536x16xf32, #tpu.memory_space<hbm>>
    tpu.wait_indirect_dma semaphore(%arg21 : memref<!tpu.dma_semaphore, #tpu.memory_space<semaphore_mem>>) src(%dma_wait3A_1563 : memref<65536x16xf32, #tpu.memory_space<hbm>>) dst(%arg12 : memref<32x16xf32, #tpu.memory_space<vmem>>)
    %get3A_1564 = arith.constant 28 : i32
    %get3A_1565 = arith.index_cast %get3A_1564 : i32 to index
    %get3A_1566 = arith.constant 0 : index
    %get3A_1567 = tpu.vector_load %arg6[%get3A_1565, %get3A_1566] {strides = array<i32>} : memref<32x16xi32, #tpu.memory_space<vmem>>, vector<16xi32>,
    %add3A_1568 = arith.constant 28 : i32
    %add3A_1569 = arith.addi %mul3A_2, %add3A_1568 : i32
    %add3A_1570 = arith.constant 0 : i32
    %add3A_1571 = arith.addi %add3A_1569, %add3A_1570 : i32
    %broadcast_in_dim3A_1572 = vector.broadcast %add3A_1571 : i32 to vector<16xi32>
    %min3A_1573 = arith.minsi %broadcast_in_dim3A_1572, %get3A_1567 : vector<16xi32>
    %max3A_1574 = arith.maxsi %broadcast_in_dim3A_1572, %get3A_1567 : vector<16xi32>
    %mul3A_1575 = arith.constant 1024 : i32
    %mul3A_1576 = vector.broadcast %mul3A_1575 : i32 to vector<16xi32>
    %mul3A_1577 = arith.muli %min3A_1573, %mul3A_1576 : vector<16xi32>
    %add3A_1578 = arith.addi %mul3A_1577, %max3A_1574 : vector<16xi32>
    %shift_right_arithmetic3A_1579 = arith.constant 4 : i32
    %shift_right_arithmetic3A_1580 = vector.broadcast %shift_right_arithmetic3A_1579 : i32 to vector<16xi32>
    %shift_right_arithmetic3A_1581 = arith.shrsi %add3A_1578, %shift_right_arithmetic3A_1580 : vector<16xi32>
    %swap3A_1582 = arith.constant 0 : index
    %swap3A_1583 = tpu.vector_load %arg7[%swap3A_1582] {strides = array<i32>} : memref<32xi32, #tpu.memory_space<vmem>>, vector<16xi32>,
    tpu.vector_store %arg7[%swap3A_1582], %shift_right_arithmetic3A_1581 {strides = array<i32>} : memref<32xi32, #tpu.memory_space<vmem>>, vector<16xi32>,
    %and3A_1584 = arith.constant 15 : i32
    %and3A_1585 = vector.broadcast %and3A_1584 : i32 to vector<16xi32>
    %and3A_1586 = arith.andi %add3A_1578, %and3A_1585 : vector<16xi32>
    %swap3A_1587 = arith.constant 0 : index
    %swap3A_1588 = tpu.vector_load %arg9[%swap3A_1587] {strides = array<i32>} : memref<32xi32, #tpu.memory_space<vmem>>, vector<16xi32>,
    tpu.vector_store %arg9[%swap3A_1587], %and3A_1586 {strides = array<i32>} : memref<32xi32, #tpu.memory_space<vmem>>, vector<16xi32>,
    %get3A_1589 = arith.constant 29 : i32
    %get3A_1590 = arith.index_cast %get3A_1589 : i32 to index
    %get3A_1591 = arith.constant 0 : index
    %get3A_1592 = tpu.vector_load %arg6[%get3A_1590, %get3A_1591] {strides = array<i32>} : memref<32x16xi32, #tpu.memory_space<vmem>>, vector<16xi32>,
    %add3A_1593 = arith.constant 28 : i32
    %add3A_1594 = arith.addi %mul3A_2, %add3A_1593 : i32
    %add3A_1595 = arith.constant 1 : i32
    %add3A_1596 = arith.addi %add3A_1594, %add3A_1595 : i32
    %broadcast_in_dim3A_1597 = vector.broadcast %add3A_1596 : i32 to vector<16xi32>
    %min3A_1598 = arith.minsi %broadcast_in_dim3A_1597, %get3A_1592 : vector<16xi32>
    %max3A_1599 = arith.maxsi %broadcast_in_dim3A_1597, %get3A_1592 : vector<16xi32>
    %mul3A_1600 = arith.constant 1024 : i32
    %mul3A_1601 = vector.broadcast %mul3A_1600 : i32 to vector<16xi32>
    %mul3A_1602 = arith.muli %min3A_1598, %mul3A_1601 : vector<16xi32>
    %add3A_1603 = arith.addi %mul3A_1602, %max3A_1599 : vector<16xi32>
    %shift_right_arithmetic3A_1604 = arith.constant 4 : i32
    %shift_right_arithmetic3A_1605 = vector.broadcast %shift_right_arithmetic3A_1604 : i32 to vector<16xi32>
    %shift_right_arithmetic3A_1606 = arith.shrsi %add3A_1603, %shift_right_arithmetic3A_1605 : vector<16xi32>
    %swap3A_1607 = arith.constant 16 : index
    %swap3A_1608 = tpu.vector_load %arg7[%swap3A_1607] {strides = array<i32>} : memref<32xi32, #tpu.memory_space<vmem>>, vector<16xi32>,
    tpu.vector_store %arg7[%swap3A_1607], %shift_right_arithmetic3A_1606 {strides = array<i32>} : memref<32xi32, #tpu.memory_space<vmem>>, vector<16xi32>,
    %and3A_1609 = arith.constant 15 : i32
    %and3A_1610 = vector.broadcast %and3A_1609 : i32 to vector<16xi32>
    %and3A_1611 = arith.andi %add3A_1603, %and3A_1610 : vector<16xi32>
    %swap3A_1612 = arith.constant 16 : index
    %swap3A_1613 = tpu.vector_load %arg9[%swap3A_1612] {strides = array<i32>} : memref<32xi32, #tpu.memory_space<vmem>>, vector<16xi32>,
    tpu.vector_store %arg9[%swap3A_1612], %and3A_1611 {strides = array<i32>} : memref<32xi32, #tpu.memory_space<vmem>>, vector<16xi32>,
    %dma_start3A_1614 = arith.constant 0 : i32
    %dma_start3A_1615 = arith.constant 0 : i32
    %dma_start3A_1616 = tpu.memref_slice %arg2[%dma_start3A_1614, %dma_start3A_1615] : memref<65536x16xf32, #tpu.memory_space<hbm>> -> memref<65536x16xf32, #tpu.memory_space<hbm>>
    tpu.enqueue_indirect_dma source(%dma_start3A_1616 : memref<65536x16xf32, #tpu.memory_space<hbm>>) target(%arg11 : memref<32x16xf32, #tpu.memory_space<vmem>>) offsets(%arg7 : memref<32xi32, #tpu.memory_space<vmem>>) semaphore(%arg20 : memref<!tpu.dma_semaphore, #tpu.memory_space<semaphore_mem>>)
    %get3A_1617 = arith.constant 26 : i32
    %get3A_1618 = arith.index_cast %get3A_1617 : i32 to index
    %get3A_1619 = arith.constant 0 : index
    %get3A_1620 = tpu.vector_load %arg6[%get3A_1618, %get3A_1619] {strides = array<i32>} : memref<32x16xi32, #tpu.memory_space<vmem>>, vector<16xi32>,
    %add3A_1621 = arith.constant 0 : i32
    %add3A_1622 = vector.broadcast %add3A_1621 : i32 to vector<16xi32>
    %add3A_1623 = arith.addi %add3A_1622, %iota3A : vector<16xi32>
    %get3A_1624 = arith.constant 0 : index
    %get3A_1625 = tpu.vector_load %arg10[%get3A_1624] {strides = array<i32>} : memref<32xi32, #tpu.memory_space<vmem>>, vector<16xi32>,
    %gather3A_1626 = tpu.vector_load_idx %arg12[%add3A_1623, %get3A_1625] : memref<32x16xf32, #tpu.memory_space<vmem>>[vector<16xi32>, vector<16xi32>], vector<16xf32>,
    %masked_sort3A_1627 = arith.constant dense<true> : vector<16xi1>
    %masked_sort3A_1628, %masked_sort3A_1629, %masked_sort3A_1630 = tpu.sort %gather3A_1626, %get3A_1620 masked %masked_sort3A_1627 {descending = true} : (vector<16xf32>, vector<16xi32>, vector<16xi1>) -> (vector<16xi1>, vector<16xf32>, vector<16xi32>)
    %swap3A_1631 = arith.constant 0 : index
    %swap3A_1632 = tpu.vector_load %arg13[%swap3A_1631] {strides = array<i32>} : memref<32xi32, #tpu.memory_space<vmem>>, vector<16xi32>,
    tpu.vector_store %arg13[%swap3A_1631], %masked_sort3A_1630 {strides = array<i32>} : memref<32xi32, #tpu.memory_space<vmem>>, vector<16xi32>,
    %get3A_1633 = arith.constant 27 : i32
    %get3A_1634 = arith.index_cast %get3A_1633 : i32 to index
    %get3A_1635 = arith.constant 0 : index
    %get3A_1636 = tpu.vector_load %arg6[%get3A_1634, %get3A_1635] {strides = array<i32>} : memref<32x16xi32, #tpu.memory_space<vmem>>, vector<16xi32>,
    %add3A_1637 = arith.constant 16 : i32
    %add3A_1638 = vector.broadcast %add3A_1637 : i32 to vector<16xi32>
    %add3A_1639 = arith.addi %add3A_1638, %iota3A : vector<16xi32>
    %get3A_1640 = arith.constant 16 : index
    %get3A_1641 = tpu.vector_load %arg10[%get3A_1640] {strides = array<i32>} : memref<32xi32, #tpu.memory_space<vmem>>, vector<16xi32>,
    %gather3A_1642 = tpu.vector_load_idx %arg12[%add3A_1639, %get3A_1641] : memref<32x16xf32, #tpu.memory_space<vmem>>[vector<16xi32>, vector<16xi32>], vector<16xf32>,
    %masked_sort3A_1643 = arith.constant dense<true> : vector<16xi1>
    %masked_sort3A_1644, %masked_sort3A_1645, %masked_sort3A_1646 = tpu.sort %gather3A_1642, %get3A_1636 masked %masked_sort3A_1643 {descending = true} : (vector<16xf32>, vector<16xi32>, vector<16xi1>) -> (vector<16xi1>, vector<16xf32>, vector<16xi32>)
    %swap3A_1647 = arith.constant 16 : index
    %swap3A_1648 = tpu.vector_load %arg13[%swap3A_1647] {strides = array<i32>} : memref<32xi32, #tpu.memory_space<vmem>>, vector<16xi32>,
    tpu.vector_store %arg13[%swap3A_1647], %masked_sort3A_1646 {strides = array<i32>} : memref<32xi32, #tpu.memory_space<vmem>>, vector<16xi32>,
    %gather3A_1649 = tpu.vector_load_idx %arg13[%add3A_13] : memref<32xi32, #tpu.memory_space<vmem>>[vector<16xi32>], vector<16xi32>,
    %swap3A_1650 = arith.constant 0 : index
    %swap3A_1651 = tpu.vector_load %arg15[%swap3A_1650] {strides = array<i32>} : memref<16xi32, #tpu.memory_space<vmem>>, vector<16xi32>,
    tpu.vector_store %arg15[%swap3A_1650], %gather3A_1649 {strides = array<i32>} : memref<16xi32, #tpu.memory_space<vmem>>, vector<16xi32>,
    %dma_start3A_1652 = arith.constant 0 : i32
    %dma_start3A_1653 = tpu.memref_slice %arg15[%dma_start3A_1652] : memref<16xi32, #tpu.memory_space<vmem>> -> memref<8xi32, #tpu.memory_space<vmem>>
    %dma_start3A_1654 = arith.constant 0 : i32
    %dma_start3A_1655 = arith.constant 0 : i32
    %dma_start3A_1656 = tpu.memref_slice %arg4[%dma_start3A_1654, %dma_start3A_1655] : memref<1024x4096xf32, #tpu.memory_space<hbm>> -> memref<1024x4096xf32, #tpu.memory_space<hbm>>
    tpu.enqueue_indirect_dma source(%dma_start3A_1656 : memref<1024x4096xf32, #tpu.memory_space<hbm>>) target(%arg17 : memref<8x4096xf32, #tpu.memory_space<vmem>>) offsets(%dma_start3A_1653 : memref<8xi32, #tpu.memory_space<vmem>>) semaphore(%arg23 : memref<!tpu.dma_semaphore, #tpu.memory_space<semaphore_mem>>)
    %dma_wait3A_1657 = arith.constant 0 : i32
    %dma_wait3A_1658 = tpu.memref_slice %arg14[%dma_wait3A_1657] : memref<16xi32, #tpu.memory_space<vmem>> -> memref<8xi32, #tpu.memory_space<vmem>>
    %dma_wait3A_1659 = arith.constant 0 : i32
    %dma_wait3A_1660 = arith.constant 0 : i32
    %dma_wait3A_1661 = tpu.memref_slice %arg4[%dma_wait3A_1659, %dma_wait3A_1660] : memref<1024x4096xf32, #tpu.memory_space<hbm>> -> memref<1024x4096xf32, #tpu.memory_space<hbm>>
    tpu.wait_indirect_dma semaphore(%arg22 : memref<!tpu.dma_semaphore, #tpu.memory_space<semaphore_mem>>) src(%dma_wait3A_1661 : memref<1024x4096xf32, #tpu.memory_space<hbm>>) dst(%arg16 : memref<8x4096xf32, #tpu.memory_space<vmem>>)
    %dma_wait3A_1662 = arith.constant 0 : i32
    %dma_wait3A_1663 = tpu.memref_slice %arg5[%add3A_1438, %dma_wait3A_1662] : memref<1024x4096xf32, #tpu.memory_space<hbm>> -> memref<2x4096xf32, #tpu.memory_space<hbm>>
    %dma_wait3A_1664 = arith.constant 0 : i32
    %dma_wait3A_1665 = tpu.memref_slice %arg5[%add3A_1438, %dma_wait3A_1664] : memref<1024x4096xf32, #tpu.memory_space<hbm>> -> memref<2x4096xf32, #tpu.memory_space<hbm>>
    tpu.wait_dma2 semaphore(%arg24 : memref<!tpu.dma_semaphore, #tpu.memory_space<semaphore_mem>>) src(%arg18 : memref<2x4096xf32, #tpu.memory_space<vmem>>) dst(%dma_wait3A_1665 : memref<2x4096xf32, #tpu.memory_space<hbm>>)
    %scan3A_1666 = arith.constant 0 : i32
    %scan3A_1667 = arith.constant 0 : i32
    %scan3A_1668 = arith.constant 256 : i32
    %scan3A_1669 = arith.addi %scan3A_1667, %scan3A_1668 : i32
    %scan3A_1670 = arith.constant 1 : i32
    %scan3A_1671 = scf.for %scan3A_1892 = %scan3A_1667 to %scan3A_1669 step %scan3A_1670 iter_args(%scan3A_1893 = %scan3A_1666) -> (i32)  : i32 {
      %mul3A_1894 = arith.constant 16 : i32
      %mul3A_1895 = arith.muli %scan3A_1892, %mul3A_1894 : i32
      %get3A_1896 = arith.constant 0 : i32
      %get3A_1897 = arith.index_cast %get3A_1896 : i32 to index
      %get3A_1898 = arith.index_cast %mul3A_1895 : i32 to index
      %get3A_1899 = tpu.vector_load %arg16[%get3A_1897, %get3A_1898] {strides = array<i32>} : memref<8x4096xf32, #tpu.memory_space<vmem>>, vector<16xf32>,
      %get3A_1900 = arith.constant 1 : i32
      %get3A_1901 = arith.index_cast %get3A_1900 : i32 to index
      %get3A_1902 = arith.index_cast %mul3A_1895 : i32 to index
      %get3A_1903 = tpu.vector_load %arg16[%get3A_1901, %get3A_1902] {strides = array<i32>} : memref<8x4096xf32, #tpu.memory_space<vmem>>, vector<16xf32>,
      %add3A_1904 = arith.addf %get3A_1899, %get3A_1903 : vector<16xf32>
      %get3A_1905 = arith.constant 2 : i32
      %get3A_1906 = arith.index_cast %get3A_1905 : i32 to index
      %get3A_1907 = arith.index_cast %mul3A_1895 : i32 to index
      %get3A_1908 = tpu.vector_load %arg16[%get3A_1906, %get3A_1907] {strides = array<i32>} : memref<8x4096xf32, #tpu.memory_space<vmem>>, vector<16xf32>,
      %add3A_1909 = arith.addf %add3A_1904, %get3A_1908 : vector<16xf32>
      %get3A_1910 = arith.constant 3 : i32
      %get3A_1911 = arith.index_cast %get3A_1910 : i32 to index
      %get3A_1912 = arith.index_cast %mul3A_1895 : i32 to index
      %get3A_1913 = tpu.vector_load %arg16[%get3A_1911, %get3A_1912] {strides = array<i32>} : memref<8x4096xf32, #tpu.memory_space<vmem>>, vector<16xf32>,
      %add3A_1914 = arith.addf %add3A_1909, %get3A_1913 : vector<16xf32>
      %mul3A_1915 = arith.constant 2.500000e-01 : f32
      %mul3A_1916 = vector.broadcast %mul3A_1915 : f32 to vector<16xf32>
      %mul3A_1917 = arith.mulf %add3A_1914, %mul3A_1916 : vector<16xf32>
      %swap3A_1918 = arith.constant 0 : i32
      %swap3A_1919 = arith.index_cast %swap3A_1918 : i32 to index
      %swap3A_1920 = arith.index_cast %mul3A_1895 : i32 to index
      %swap3A_1921 = tpu.vector_load %arg18[%swap3A_1919, %swap3A_1920] {strides = array<i32>} : memref<2x4096xf32, #tpu.memory_space<vmem>>, vector<16xf32>,
      tpu.vector_store %arg18[%swap3A_1919, %swap3A_1920], %mul3A_1917 {strides = array<i32>} : memref<2x4096xf32, #tpu.memory_space<vmem>>, vector<16xf32>,
      %get3A_1922 = arith.constant 4 : i32
      %get3A_1923 = arith.index_cast %get3A_1922 : i32 to index
      %get3A_1924 = arith.index_cast %mul3A_1895 : i32 to index
      %get3A_1925 = tpu.vector_load %arg16[%get3A_1923, %get3A_1924] {strides = array<i32>} : memref<8x4096xf32, #tpu.memory_space<vmem>>, vector<16xf32>,
      %get3A_1926 = arith.constant 5 : i32
      %get3A_1927 = arith.index_cast %get3A_1926 : i32 to index
      %get3A_1928 = arith.index_cast %mul3A_1895 : i32 to index
      %get3A_1929 = tpu.vector_load %arg16[%get3A_1927, %get3A_1928] {strides = array<i32>} : memref<8x4096xf32, #tpu.memory_space<vmem>>, vector<16xf32>,
      %add3A_1930 = arith.addf %get3A_1925, %get3A_1929 : vector<16xf32>
      %get3A_1931 = arith.constant 6 : i32
      %get3A_1932 = arith.index_cast %get3A_1931 : i32 to index
      %get3A_1933 = arith.index_cast %mul3A_1895 : i32 to index
      %get3A_1934 = tpu.vector_load %arg16[%get3A_1932, %get3A_1933] {strides = array<i32>} : memref<8x4096xf32, #tpu.memory_space<vmem>>, vector<16xf32>,
      %add3A_1935 = arith.addf %add3A_1930, %get3A_1934 : vector<16xf32>
      %get3A_1936 = arith.constant 7 : i32
      %get3A_1937 = arith.index_cast %get3A_1936 : i32 to index
      %get3A_1938 = arith.index_cast %mul3A_1895 : i32 to index
      %get3A_1939 = tpu.vector_load %arg16[%get3A_1937, %get3A_1938] {strides = array<i32>} : memref<8x4096xf32, #tpu.memory_space<vmem>>, vector<16xf32>,
      %add3A_1940 = arith.addf %add3A_1935, %get3A_1939 : vector<16xf32>
      %mul3A_1941 = arith.constant 2.500000e-01 : f32
      %mul3A_1942 = vector.broadcast %mul3A_1941 : f32 to vector<16xf32>
      %mul3A_1943 = arith.mulf %add3A_1940, %mul3A_1942 : vector<16xf32>
      %swap3A_1944 = arith.constant 1 : i32
      %swap3A_1945 = arith.index_cast %swap3A_1944 : i32 to index
      %swap3A_1946 = arith.index_cast %mul3A_1895 : i32 to index
      %swap3A_1947 = tpu.vector_load %arg18[%swap3A_1945, %swap3A_1946] {strides = array<i32>} : memref<2x4096xf32, #tpu.memory_space<vmem>>, vector<16xf32>,
      tpu.vector_store %arg18[%swap3A_1945, %swap3A_1946], %mul3A_1943 {strides = array<i32>} : memref<2x4096xf32, #tpu.memory_space<vmem>>, vector<16xf32>,
      %scan3A_1948 = arith.constant 0 : i32
      scf.yield %scan3A_1948 : i32
    }
    %scan3A_1672 = arith.constant 256 : i32
    %add3A_1673 = arith.constant 24 : i32
    %add3A_1674 = arith.addi %mul3A_2, %add3A_1673 : i32
    %dma_start3A_1675 = arith.constant 0 : i32
    %dma_start3A_1676 = tpu.memref_slice %arg5[%add3A_1674, %dma_start3A_1675] : memref<1024x4096xf32, #tpu.memory_space<hbm>> -> memref<2x4096xf32, #tpu.memory_space<hbm>>
    %dma_start3A_1677 = arith.constant 0 : i32
    %dma_start3A_1678 = tpu.memref_slice %arg5[%add3A_1674, %dma_start3A_1677] : memref<1024x4096xf32, #tpu.memory_space<hbm>> -> memref<2x4096xf32, #tpu.memory_space<hbm>>
    tpu.enqueue_dma source(%arg18 : memref<2x4096xf32, #tpu.memory_space<vmem>>) target(%dma_start3A_1678 : memref<2x4096xf32, #tpu.memory_space<hbm>>) target_semaphore(%arg24 : memref<!tpu.dma_semaphore, #tpu.memory_space<semaphore_mem>>)
    %dma_wait3A_1679 = arith.constant 0 : i32
    %dma_wait3A_1680 = arith.constant 0 : i32
    %dma_wait3A_1681 = tpu.memref_slice %arg2[%dma_wait3A_1679, %dma_wait3A_1680] : memref<65536x16xf32, #tpu.memory_space<hbm>> -> memref<65536x16xf32, #tpu.memory_space<hbm>>
    tpu.wait_indirect_dma semaphore(%arg20 : memref<!tpu.dma_semaphore, #tpu.memory_space<semaphore_mem>>) src(%dma_wait3A_1681 : memref<65536x16xf32, #tpu.memory_space<hbm>>) dst(%arg11 : memref<32x16xf32, #tpu.memory_space<vmem>>)
    %get3A_1682 = arith.constant 30 : i32
    %get3A_1683 = arith.index_cast %get3A_1682 : i32 to index
    %get3A_1684 = arith.constant 0 : index
    %get3A_1685 = tpu.vector_load %arg6[%get3A_1683, %get3A_1684] {strides = array<i32>} : memref<32x16xi32, #tpu.memory_space<vmem>>, vector<16xi32>,
    %add3A_1686 = arith.constant 30 : i32
    %add3A_1687 = arith.addi %mul3A_2, %add3A_1686 : i32
    %add3A_1688 = arith.constant 0 : i32
    %add3A_1689 = arith.addi %add3A_1687, %add3A_1688 : i32
    %broadcast_in_dim3A_1690 = vector.broadcast %add3A_1689 : i32 to vector<16xi32>
    %min3A_1691 = arith.minsi %broadcast_in_dim3A_1690, %get3A_1685 : vector<16xi32>
    %max3A_1692 = arith.maxsi %broadcast_in_dim3A_1690, %get3A_1685 : vector<16xi32>
    %mul3A_1693 = arith.constant 1024 : i32
    %mul3A_1694 = vector.broadcast %mul3A_1693 : i32 to vector<16xi32>
    %mul3A_1695 = arith.muli %min3A_1691, %mul3A_1694 : vector<16xi32>
    %add3A_1696 = arith.addi %mul3A_1695, %max3A_1692 : vector<16xi32>
    %shift_right_arithmetic3A_1697 = arith.constant 4 : i32
    %shift_right_arithmetic3A_1698 = vector.broadcast %shift_right_arithmetic3A_1697 : i32 to vector<16xi32>
    %shift_right_arithmetic3A_1699 = arith.shrsi %add3A_1696, %shift_right_arithmetic3A_1698 : vector<16xi32>
    %swap3A_1700 = arith.constant 0 : index
    %swap3A_1701 = tpu.vector_load %arg8[%swap3A_1700] {strides = array<i32>} : memref<32xi32, #tpu.memory_space<vmem>>, vector<16xi32>,
    tpu.vector_store %arg8[%swap3A_1700], %shift_right_arithmetic3A_1699 {strides = array<i32>} : memref<32xi32, #tpu.memory_space<vmem>>, vector<16xi32>,
    %and3A_1702 = arith.constant 15 : i32
    %and3A_1703 = vector.broadcast %and3A_1702 : i32 to vector<16xi32>
    %and3A_1704 = arith.andi %add3A_1696, %and3A_1703 : vector<16xi32>
    %swap3A_1705 = arith.constant 0 : index
    %swap3A_1706 = tpu.vector_load %arg10[%swap3A_1705] {strides = array<i32>} : memref<32xi32, #tpu.memory_space<vmem>>, vector<16xi32>,
    tpu.vector_store %arg10[%swap3A_1705], %and3A_1704 {strides = array<i32>} : memref<32xi32, #tpu.memory_space<vmem>>, vector<16xi32>,
    %get3A_1707 = arith.constant 31 : i32
    %get3A_1708 = arith.index_cast %get3A_1707 : i32 to index
    %get3A_1709 = arith.constant 0 : index
    %get3A_1710 = tpu.vector_load %arg6[%get3A_1708, %get3A_1709] {strides = array<i32>} : memref<32x16xi32, #tpu.memory_space<vmem>>, vector<16xi32>,
    %add3A_1711 = arith.constant 30 : i32
    %add3A_1712 = arith.addi %mul3A_2, %add3A_1711 : i32
    %add3A_1713 = arith.constant 1 : i32
    %add3A_1714 = arith.addi %add3A_1712, %add3A_1713 : i32
    %broadcast_in_dim3A_1715 = vector.broadcast %add3A_1714 : i32 to vector<16xi32>
    %min3A_1716 = arith.minsi %broadcast_in_dim3A_1715, %get3A_1710 : vector<16xi32>
    %max3A_1717 = arith.maxsi %broadcast_in_dim3A_1715, %get3A_1710 : vector<16xi32>
    %mul3A_1718 = arith.constant 1024 : i32
    %mul3A_1719 = vector.broadcast %mul3A_1718 : i32 to vector<16xi32>
    %mul3A_1720 = arith.muli %min3A_1716, %mul3A_1719 : vector<16xi32>
    %add3A_1721 = arith.addi %mul3A_1720, %max3A_1717 : vector<16xi32>
    %shift_right_arithmetic3A_1722 = arith.constant 4 : i32
    %shift_right_arithmetic3A_1723 = vector.broadcast %shift_right_arithmetic3A_1722 : i32 to vector<16xi32>
    %shift_right_arithmetic3A_1724 = arith.shrsi %add3A_1721, %shift_right_arithmetic3A_1723 : vector<16xi32>
    %swap3A_1725 = arith.constant 16 : index
    %swap3A_1726 = tpu.vector_load %arg8[%swap3A_1725] {strides = array<i32>} : memref<32xi32, #tpu.memory_space<vmem>>, vector<16xi32>,
    tpu.vector_store %arg8[%swap3A_1725], %shift_right_arithmetic3A_1724 {strides = array<i32>} : memref<32xi32, #tpu.memory_space<vmem>>, vector<16xi32>,
    %and3A_1727 = arith.constant 15 : i32
    %and3A_1728 = vector.broadcast %and3A_1727 : i32 to vector<16xi32>
    %and3A_1729 = arith.andi %add3A_1721, %and3A_1728 : vector<16xi32>
    %swap3A_1730 = arith.constant 16 : index
    %swap3A_1731 = tpu.vector_load %arg10[%swap3A_1730] {strides = array<i32>} : memref<32xi32, #tpu.memory_space<vmem>>, vector<16xi32>,
    tpu.vector_store %arg10[%swap3A_1730], %and3A_1729 {strides = array<i32>} : memref<32xi32, #tpu.memory_space<vmem>>, vector<16xi32>,
    %dma_start3A_1732 = arith.constant 0 : i32
    %dma_start3A_1733 = arith.constant 0 : i32
    %dma_start3A_1734 = tpu.memref_slice %arg2[%dma_start3A_1732, %dma_start3A_1733] : memref<65536x16xf32, #tpu.memory_space<hbm>> -> memref<65536x16xf32, #tpu.memory_space<hbm>>
    tpu.enqueue_indirect_dma source(%dma_start3A_1734 : memref<65536x16xf32, #tpu.memory_space<hbm>>) target(%arg12 : memref<32x16xf32, #tpu.memory_space<vmem>>) offsets(%arg8 : memref<32xi32, #tpu.memory_space<vmem>>) semaphore(%arg21 : memref<!tpu.dma_semaphore, #tpu.memory_space<semaphore_mem>>)
    %get3A_1735 = arith.constant 28 : i32
    %get3A_1736 = arith.index_cast %get3A_1735 : i32 to index
    %get3A_1737 = arith.constant 0 : index
    %get3A_1738 = tpu.vector_load %arg6[%get3A_1736, %get3A_1737] {strides = array<i32>} : memref<32x16xi32, #tpu.memory_space<vmem>>, vector<16xi32>,
    %add3A_1739 = arith.constant 0 : i32
    %add3A_1740 = vector.broadcast %add3A_1739 : i32 to vector<16xi32>
    %add3A_1741 = arith.addi %add3A_1740, %iota3A : vector<16xi32>
    %get3A_1742 = arith.constant 0 : index
    %get3A_1743 = tpu.vector_load %arg9[%get3A_1742] {strides = array<i32>} : memref<32xi32, #tpu.memory_space<vmem>>, vector<16xi32>,
    %gather3A_1744 = tpu.vector_load_idx %arg11[%add3A_1741, %get3A_1743] : memref<32x16xf32, #tpu.memory_space<vmem>>[vector<16xi32>, vector<16xi32>], vector<16xf32>,
    %masked_sort3A_1745 = arith.constant dense<true> : vector<16xi1>
    %masked_sort3A_1746, %masked_sort3A_1747, %masked_sort3A_1748 = tpu.sort %gather3A_1744, %get3A_1738 masked %masked_sort3A_1745 {descending = true} : (vector<16xf32>, vector<16xi32>, vector<16xi1>) -> (vector<16xi1>, vector<16xf32>, vector<16xi32>)
    %swap3A_1749 = arith.constant 0 : index
    %swap3A_1750 = tpu.vector_load %arg13[%swap3A_1749] {strides = array<i32>} : memref<32xi32, #tpu.memory_space<vmem>>, vector<16xi32>,
    tpu.vector_store %arg13[%swap3A_1749], %masked_sort3A_1748 {strides = array<i32>} : memref<32xi32, #tpu.memory_space<vmem>>, vector<16xi32>,
    %get3A_1751 = arith.constant 29 : i32
    %get3A_1752 = arith.index_cast %get3A_1751 : i32 to index
    %get3A_1753 = arith.constant 0 : index
    %get3A_1754 = tpu.vector_load %arg6[%get3A_1752, %get3A_1753] {strides = array<i32>} : memref<32x16xi32, #tpu.memory_space<vmem>>, vector<16xi32>,
    %add3A_1755 = arith.constant 16 : i32
    %add3A_1756 = vector.broadcast %add3A_1755 : i32 to vector<16xi32>
    %add3A_1757 = arith.addi %add3A_1756, %iota3A : vector<16xi32>
    %get3A_1758 = arith.constant 16 : index
    %get3A_1759 = tpu.vector_load %arg9[%get3A_1758] {strides = array<i32>} : memref<32xi32, #tpu.memory_space<vmem>>, vector<16xi32>,
    %gather3A_1760 = tpu.vector_load_idx %arg11[%add3A_1757, %get3A_1759] : memref<32x16xf32, #tpu.memory_space<vmem>>[vector<16xi32>, vector<16xi32>], vector<16xf32>,
    %masked_sort3A_1761 = arith.constant dense<true> : vector<16xi1>
    %masked_sort3A_1762, %masked_sort3A_1763, %masked_sort3A_1764 = tpu.sort %gather3A_1760, %get3A_1754 masked %masked_sort3A_1761 {descending = true} : (vector<16xf32>, vector<16xi32>, vector<16xi1>) -> (vector<16xi1>, vector<16xf32>, vector<16xi32>)
    %swap3A_1765 = arith.constant 16 : index
    %swap3A_1766 = tpu.vector_load %arg13[%swap3A_1765] {strides = array<i32>} : memref<32xi32, #tpu.memory_space<vmem>>, vector<16xi32>,
    tpu.vector_store %arg13[%swap3A_1765], %masked_sort3A_1764 {strides = array<i32>} : memref<32xi32, #tpu.memory_space<vmem>>, vector<16xi32>,
    %gather3A_1767 = tpu.vector_load_idx %arg13[%add3A_13] : memref<32xi32, #tpu.memory_space<vmem>>[vector<16xi32>], vector<16xi32>,
    %swap3A_1768 = arith.constant 0 : index
    %swap3A_1769 = tpu.vector_load %arg14[%swap3A_1768] {strides = array<i32>} : memref<16xi32, #tpu.memory_space<vmem>>, vector<16xi32>,
    tpu.vector_store %arg14[%swap3A_1768], %gather3A_1767 {strides = array<i32>} : memref<16xi32, #tpu.memory_space<vmem>>, vector<16xi32>,
    %dma_start3A_1770 = arith.constant 0 : i32
    %dma_start3A_1771 = tpu.memref_slice %arg14[%dma_start3A_1770] : memref<16xi32, #tpu.memory_space<vmem>> -> memref<8xi32, #tpu.memory_space<vmem>>
    %dma_start3A_1772 = arith.constant 0 : i32
    %dma_start3A_1773 = arith.constant 0 : i32
    %dma_start3A_1774 = tpu.memref_slice %arg4[%dma_start3A_1772, %dma_start3A_1773] : memref<1024x4096xf32, #tpu.memory_space<hbm>> -> memref<1024x4096xf32, #tpu.memory_space<hbm>>
    tpu.enqueue_indirect_dma source(%dma_start3A_1774 : memref<1024x4096xf32, #tpu.memory_space<hbm>>) target(%arg16 : memref<8x4096xf32, #tpu.memory_space<vmem>>) offsets(%dma_start3A_1771 : memref<8xi32, #tpu.memory_space<vmem>>) semaphore(%arg22 : memref<!tpu.dma_semaphore, #tpu.memory_space<semaphore_mem>>)
    %dma_wait3A_1775 = arith.constant 0 : i32
    %dma_wait3A_1776 = tpu.memref_slice %arg15[%dma_wait3A_1775] : memref<16xi32, #tpu.memory_space<vmem>> -> memref<8xi32, #tpu.memory_space<vmem>>
    %dma_wait3A_1777 = arith.constant 0 : i32
    %dma_wait3A_1778 = arith.constant 0 : i32
    %dma_wait3A_1779 = tpu.memref_slice %arg4[%dma_wait3A_1777, %dma_wait3A_1778] : memref<1024x4096xf32, #tpu.memory_space<hbm>> -> memref<1024x4096xf32, #tpu.memory_space<hbm>>
    tpu.wait_indirect_dma semaphore(%arg23 : memref<!tpu.dma_semaphore, #tpu.memory_space<semaphore_mem>>) src(%dma_wait3A_1779 : memref<1024x4096xf32, #tpu.memory_space<hbm>>) dst(%arg17 : memref<8x4096xf32, #tpu.memory_space<vmem>>)
    %dma_wait3A_1780 = arith.constant 0 : i32
    %dma_wait3A_1781 = tpu.memref_slice %arg5[%add3A_1556, %dma_wait3A_1780] : memref<1024x4096xf32, #tpu.memory_space<hbm>> -> memref<2x4096xf32, #tpu.memory_space<hbm>>
    %dma_wait3A_1782 = arith.constant 0 : i32
    %dma_wait3A_1783 = tpu.memref_slice %arg5[%add3A_1556, %dma_wait3A_1782] : memref<1024x4096xf32, #tpu.memory_space<hbm>> -> memref<2x4096xf32, #tpu.memory_space<hbm>>
    tpu.wait_dma2 semaphore(%arg25 : memref<!tpu.dma_semaphore, #tpu.memory_space<semaphore_mem>>) src(%arg19 : memref<2x4096xf32, #tpu.memory_space<vmem>>) dst(%dma_wait3A_1783 : memref<2x4096xf32, #tpu.memory_space<hbm>>)
    %scan3A_1784 = arith.constant 0 : i32
    %scan3A_1785 = arith.constant 0 : i32
    %scan3A_1786 = arith.constant 256 : i32
    %scan3A_1787 = arith.addi %scan3A_1785, %scan3A_1786 : i32
    %scan3A_1788 = arith.constant 1 : i32
    %scan3A_1789 = scf.for %scan3A_1892 = %scan3A_1785 to %scan3A_1787 step %scan3A_1788 iter_args(%scan3A_1893 = %scan3A_1784) -> (i32)  : i32 {
      %mul3A_1894 = arith.constant 16 : i32
      %mul3A_1895 = arith.muli %scan3A_1892, %mul3A_1894 : i32
      %get3A_1896 = arith.constant 0 : i32
      %get3A_1897 = arith.index_cast %get3A_1896 : i32 to index
      %get3A_1898 = arith.index_cast %mul3A_1895 : i32 to index
      %get3A_1899 = tpu.vector_load %arg17[%get3A_1897, %get3A_1898] {strides = array<i32>} : memref<8x4096xf32, #tpu.memory_space<vmem>>, vector<16xf32>,
      %get3A_1900 = arith.constant 1 : i32
      %get3A_1901 = arith.index_cast %get3A_1900 : i32 to index
      %get3A_1902 = arith.index_cast %mul3A_1895 : i32 to index
      %get3A_1903 = tpu.vector_load %arg17[%get3A_1901, %get3A_1902] {strides = array<i32>} : memref<8x4096xf32, #tpu.memory_space<vmem>>, vector<16xf32>,
      %add3A_1904 = arith.addf %get3A_1899, %get3A_1903 : vector<16xf32>
      %get3A_1905 = arith.constant 2 : i32
      %get3A_1906 = arith.index_cast %get3A_1905 : i32 to index
      %get3A_1907 = arith.index_cast %mul3A_1895 : i32 to index
      %get3A_1908 = tpu.vector_load %arg17[%get3A_1906, %get3A_1907] {strides = array<i32>} : memref<8x4096xf32, #tpu.memory_space<vmem>>, vector<16xf32>,
      %add3A_1909 = arith.addf %add3A_1904, %get3A_1908 : vector<16xf32>
      %get3A_1910 = arith.constant 3 : i32
      %get3A_1911 = arith.index_cast %get3A_1910 : i32 to index
      %get3A_1912 = arith.index_cast %mul3A_1895 : i32 to index
      %get3A_1913 = tpu.vector_load %arg17[%get3A_1911, %get3A_1912] {strides = array<i32>} : memref<8x4096xf32, #tpu.memory_space<vmem>>, vector<16xf32>,
      %add3A_1914 = arith.addf %add3A_1909, %get3A_1913 : vector<16xf32>
      %mul3A_1915 = arith.constant 2.500000e-01 : f32
      %mul3A_1916 = vector.broadcast %mul3A_1915 : f32 to vector<16xf32>
      %mul3A_1917 = arith.mulf %add3A_1914, %mul3A_1916 : vector<16xf32>
      %swap3A_1918 = arith.constant 0 : i32
      %swap3A_1919 = arith.index_cast %swap3A_1918 : i32 to index
      %swap3A_1920 = arith.index_cast %mul3A_1895 : i32 to index
      %swap3A_1921 = tpu.vector_load %arg19[%swap3A_1919, %swap3A_1920] {strides = array<i32>} : memref<2x4096xf32, #tpu.memory_space<vmem>>, vector<16xf32>,
      tpu.vector_store %arg19[%swap3A_1919, %swap3A_1920], %mul3A_1917 {strides = array<i32>} : memref<2x4096xf32, #tpu.memory_space<vmem>>, vector<16xf32>,
      %get3A_1922 = arith.constant 4 : i32
      %get3A_1923 = arith.index_cast %get3A_1922 : i32 to index
      %get3A_1924 = arith.index_cast %mul3A_1895 : i32 to index
      %get3A_1925 = tpu.vector_load %arg17[%get3A_1923, %get3A_1924] {strides = array<i32>} : memref<8x4096xf32, #tpu.memory_space<vmem>>, vector<16xf32>,
      %get3A_1926 = arith.constant 5 : i32
      %get3A_1927 = arith.index_cast %get3A_1926 : i32 to index
      %get3A_1928 = arith.index_cast %mul3A_1895 : i32 to index
      %get3A_1929 = tpu.vector_load %arg17[%get3A_1927, %get3A_1928] {strides = array<i32>} : memref<8x4096xf32, #tpu.memory_space<vmem>>, vector<16xf32>,
      %add3A_1930 = arith.addf %get3A_1925, %get3A_1929 : vector<16xf32>
      %get3A_1931 = arith.constant 6 : i32
      %get3A_1932 = arith.index_cast %get3A_1931 : i32 to index
      %get3A_1933 = arith.index_cast %mul3A_1895 : i32 to index
      %get3A_1934 = tpu.vector_load %arg17[%get3A_1932, %get3A_1933] {strides = array<i32>} : memref<8x4096xf32, #tpu.memory_space<vmem>>, vector<16xf32>,
      %add3A_1935 = arith.addf %add3A_1930, %get3A_1934 : vector<16xf32>
      %get3A_1936 = arith.constant 7 : i32
      %get3A_1937 = arith.index_cast %get3A_1936 : i32 to index
      %get3A_1938 = arith.index_cast %mul3A_1895 : i32 to index
      %get3A_1939 = tpu.vector_load %arg17[%get3A_1937, %get3A_1938] {strides = array<i32>} : memref<8x4096xf32, #tpu.memory_space<vmem>>, vector<16xf32>,
      %add3A_1940 = arith.addf %add3A_1935, %get3A_1939 : vector<16xf32>
      %mul3A_1941 = arith.constant 2.500000e-01 : f32
      %mul3A_1942 = vector.broadcast %mul3A_1941 : f32 to vector<16xf32>
      %mul3A_1943 = arith.mulf %add3A_1940, %mul3A_1942 : vector<16xf32>
      %swap3A_1944 = arith.constant 1 : i32
      %swap3A_1945 = arith.index_cast %swap3A_1944 : i32 to index
      %swap3A_1946 = arith.index_cast %mul3A_1895 : i32 to index
      %swap3A_1947 = tpu.vector_load %arg19[%swap3A_1945, %swap3A_1946] {strides = array<i32>} : memref<2x4096xf32, #tpu.memory_space<vmem>>, vector<16xf32>,
      tpu.vector_store %arg19[%swap3A_1945, %swap3A_1946], %mul3A_1943 {strides = array<i32>} : memref<2x4096xf32, #tpu.memory_space<vmem>>, vector<16xf32>,
      %scan3A_1948 = arith.constant 0 : i32
      scf.yield %scan3A_1948 : i32
    }
    %scan3A_1790 = arith.constant 256 : i32
    %add3A_1791 = arith.constant 26 : i32
    %add3A_1792 = arith.addi %mul3A_2, %add3A_1791 : i32
    %dma_start3A_1793 = arith.constant 0 : i32
    %dma_start3A_1794 = tpu.memref_slice %arg5[%add3A_1792, %dma_start3A_1793] : memref<1024x4096xf32, #tpu.memory_space<hbm>> -> memref<2x4096xf32, #tpu.memory_space<hbm>>
    %dma_start3A_1795 = arith.constant 0 : i32
    %dma_start3A_1796 = tpu.memref_slice %arg5[%add3A_1792, %dma_start3A_1795] : memref<1024x4096xf32, #tpu.memory_space<hbm>> -> memref<2x4096xf32, #tpu.memory_space<hbm>>
    tpu.enqueue_dma source(%arg19 : memref<2x4096xf32, #tpu.memory_space<vmem>>) target(%dma_start3A_1796 : memref<2x4096xf32, #tpu.memory_space<hbm>>) target_semaphore(%arg25 : memref<!tpu.dma_semaphore, #tpu.memory_space<semaphore_mem>>)
    %dma_wait3A_1797 = arith.constant 0 : i32
    %dma_wait3A_1798 = arith.constant 0 : i32
    %dma_wait3A_1799 = tpu.memref_slice %arg2[%dma_wait3A_1797, %dma_wait3A_1798] : memref<65536x16xf32, #tpu.memory_space<hbm>> -> memref<65536x16xf32, #tpu.memory_space<hbm>>
    tpu.wait_indirect_dma semaphore(%arg21 : memref<!tpu.dma_semaphore, #tpu.memory_space<semaphore_mem>>) src(%dma_wait3A_1799 : memref<65536x16xf32, #tpu.memory_space<hbm>>) dst(%arg12 : memref<32x16xf32, #tpu.memory_space<vmem>>)
    %get3A_1800 = arith.constant 30 : i32
    %get3A_1801 = arith.index_cast %get3A_1800 : i32 to index
    %get3A_1802 = arith.constant 0 : index
    %get3A_1803 = tpu.vector_load %arg6[%get3A_1801, %get3A_1802] {strides = array<i32>} : memref<32x16xi32, #tpu.memory_space<vmem>>, vector<16xi32>,
    %add3A_1804 = arith.constant 0 : i32
    %add3A_1805 = vector.broadcast %add3A_1804 : i32 to vector<16xi32>
    %add3A_1806 = arith.addi %add3A_1805, %iota3A : vector<16xi32>
    %get3A_1807 = arith.constant 0 : index
    %get3A_1808 = tpu.vector_load %arg10[%get3A_1807] {strides = array<i32>} : memref<32xi32, #tpu.memory_space<vmem>>, vector<16xi32>,
    %gather3A_1809 = tpu.vector_load_idx %arg12[%add3A_1806, %get3A_1808] : memref<32x16xf32, #tpu.memory_space<vmem>>[vector<16xi32>, vector<16xi32>], vector<16xf32>,
    %masked_sort3A_1810 = arith.constant dense<true> : vector<16xi1>
    %masked_sort3A_1811, %masked_sort3A_1812, %masked_sort3A_1813 = tpu.sort %gather3A_1809, %get3A_1803 masked %masked_sort3A_1810 {descending = true} : (vector<16xf32>, vector<16xi32>, vector<16xi1>) -> (vector<16xi1>, vector<16xf32>, vector<16xi32>)
    %swap3A_1814 = arith.constant 0 : index
    %swap3A_1815 = tpu.vector_load %arg13[%swap3A_1814] {strides = array<i32>} : memref<32xi32, #tpu.memory_space<vmem>>, vector<16xi32>,
    tpu.vector_store %arg13[%swap3A_1814], %masked_sort3A_1813 {strides = array<i32>} : memref<32xi32, #tpu.memory_space<vmem>>, vector<16xi32>,
    %get3A_1816 = arith.constant 31 : i32
    %get3A_1817 = arith.index_cast %get3A_1816 : i32 to index
    %get3A_1818 = arith.constant 0 : index
    %get3A_1819 = tpu.vector_load %arg6[%get3A_1817, %get3A_1818] {strides = array<i32>} : memref<32x16xi32, #tpu.memory_space<vmem>>, vector<16xi32>,
    %add3A_1820 = arith.constant 16 : i32
    %add3A_1821 = vector.broadcast %add3A_1820 : i32 to vector<16xi32>
    %add3A_1822 = arith.addi %add3A_1821, %iota3A : vector<16xi32>
    %get3A_1823 = arith.constant 16 : index
    %get3A_1824 = tpu.vector_load %arg10[%get3A_1823] {strides = array<i32>} : memref<32xi32, #tpu.memory_space<vmem>>, vector<16xi32>,
    %gather3A_1825 = tpu.vector_load_idx %arg12[%add3A_1822, %get3A_1824] : memref<32x16xf32, #tpu.memory_space<vmem>>[vector<16xi32>, vector<16xi32>], vector<16xf32>,
    %masked_sort3A_1826 = arith.constant dense<true> : vector<16xi1>
    %masked_sort3A_1827, %masked_sort3A_1828, %masked_sort3A_1829 = tpu.sort %gather3A_1825, %get3A_1819 masked %masked_sort3A_1826 {descending = true} : (vector<16xf32>, vector<16xi32>, vector<16xi1>) -> (vector<16xi1>, vector<16xf32>, vector<16xi32>)
    %swap3A_1830 = arith.constant 16 : index
    %swap3A_1831 = tpu.vector_load %arg13[%swap3A_1830] {strides = array<i32>} : memref<32xi32, #tpu.memory_space<vmem>>, vector<16xi32>,
    tpu.vector_store %arg13[%swap3A_1830], %masked_sort3A_1829 {strides = array<i32>} : memref<32xi32, #tpu.memory_space<vmem>>, vector<16xi32>,
    %gather3A_1832 = tpu.vector_load_idx %arg13[%add3A_13] : memref<32xi32, #tpu.memory_space<vmem>>[vector<16xi32>], vector<16xi32>,
    %swap3A_1833 = arith.constant 0 : index
    %swap3A_1834 = tpu.vector_load %arg15[%swap3A_1833] {strides = array<i32>} : memref<16xi32, #tpu.memory_space<vmem>>, vector<16xi32>,
    tpu.vector_store %arg15[%swap3A_1833], %gather3A_1832 {strides = array<i32>} : memref<16xi32, #tpu.memory_space<vmem>>, vector<16xi32>,
    %dma_start3A_1835 = arith.constant 0 : i32
    %dma_start3A_1836 = tpu.memref_slice %arg15[%dma_start3A_1835] : memref<16xi32, #tpu.memory_space<vmem>> -> memref<8xi32, #tpu.memory_space<vmem>>
    %dma_start3A_1837 = arith.constant 0 : i32
    %dma_start3A_1838 = arith.constant 0 : i32
    %dma_start3A_1839 = tpu.memref_slice %arg4[%dma_start3A_1837, %dma_start3A_1838] : memref<1024x4096xf32, #tpu.memory_space<hbm>> -> memref<1024x4096xf32, #tpu.memory_space<hbm>>
    tpu.enqueue_indirect_dma source(%dma_start3A_1839 : memref<1024x4096xf32, #tpu.memory_space<hbm>>) target(%arg17 : memref<8x4096xf32, #tpu.memory_space<vmem>>) offsets(%dma_start3A_1836 : memref<8xi32, #tpu.memory_space<vmem>>) semaphore(%arg23 : memref<!tpu.dma_semaphore, #tpu.memory_space<semaphore_mem>>)
    %dma_wait3A_1840 = arith.constant 0 : i32
    %dma_wait3A_1841 = tpu.memref_slice %arg14[%dma_wait3A_1840] : memref<16xi32, #tpu.memory_space<vmem>> -> memref<8xi32, #tpu.memory_space<vmem>>
    %dma_wait3A_1842 = arith.constant 0 : i32
    %dma_wait3A_1843 = arith.constant 0 : i32
    %dma_wait3A_1844 = tpu.memref_slice %arg4[%dma_wait3A_1842, %dma_wait3A_1843] : memref<1024x4096xf32, #tpu.memory_space<hbm>> -> memref<1024x4096xf32, #tpu.memory_space<hbm>>
    tpu.wait_indirect_dma semaphore(%arg22 : memref<!tpu.dma_semaphore, #tpu.memory_space<semaphore_mem>>) src(%dma_wait3A_1844 : memref<1024x4096xf32, #tpu.memory_space<hbm>>) dst(%arg16 : memref<8x4096xf32, #tpu.memory_space<vmem>>)
    %dma_wait3A_1845 = arith.constant 0 : i32
    %dma_wait3A_1846 = tpu.memref_slice %arg5[%add3A_1674, %dma_wait3A_1845] : memref<1024x4096xf32, #tpu.memory_space<hbm>> -> memref<2x4096xf32, #tpu.memory_space<hbm>>
    %dma_wait3A_1847 = arith.constant 0 : i32
    %dma_wait3A_1848 = tpu.memref_slice %arg5[%add3A_1674, %dma_wait3A_1847] : memref<1024x4096xf32, #tpu.memory_space<hbm>> -> memref<2x4096xf32, #tpu.memory_space<hbm>>
    tpu.wait_dma2 semaphore(%arg24 : memref<!tpu.dma_semaphore, #tpu.memory_space<semaphore_mem>>) src(%arg18 : memref<2x4096xf32, #tpu.memory_space<vmem>>) dst(%dma_wait3A_1848 : memref<2x4096xf32, #tpu.memory_space<hbm>>)
    %scan3A_1849 = arith.constant 0 : i32
    %scan3A_1850 = arith.constant 0 : i32
    %scan3A_1851 = arith.constant 256 : i32
    %scan3A_1852 = arith.addi %scan3A_1850, %scan3A_1851 : i32
    %scan3A_1853 = arith.constant 1 : i32
    %scan3A_1854 = scf.for %scan3A_1892 = %scan3A_1850 to %scan3A_1852 step %scan3A_1853 iter_args(%scan3A_1893 = %scan3A_1849) -> (i32)  : i32 {
      %mul3A_1894 = arith.constant 16 : i32
      %mul3A_1895 = arith.muli %scan3A_1892, %mul3A_1894 : i32
      %get3A_1896 = arith.constant 0 : i32
      %get3A_1897 = arith.index_cast %get3A_1896 : i32 to index
      %get3A_1898 = arith.index_cast %mul3A_1895 : i32 to index
      %get3A_1899 = tpu.vector_load %arg16[%get3A_1897, %get3A_1898] {strides = array<i32>} : memref<8x4096xf32, #tpu.memory_space<vmem>>, vector<16xf32>,
      %get3A_1900 = arith.constant 1 : i32
      %get3A_1901 = arith.index_cast %get3A_1900 : i32 to index
      %get3A_1902 = arith.index_cast %mul3A_1895 : i32 to index
      %get3A_1903 = tpu.vector_load %arg16[%get3A_1901, %get3A_1902] {strides = array<i32>} : memref<8x4096xf32, #tpu.memory_space<vmem>>, vector<16xf32>,
      %add3A_1904 = arith.addf %get3A_1899, %get3A_1903 : vector<16xf32>
      %get3A_1905 = arith.constant 2 : i32
      %get3A_1906 = arith.index_cast %get3A_1905 : i32 to index
      %get3A_1907 = arith.index_cast %mul3A_1895 : i32 to index
      %get3A_1908 = tpu.vector_load %arg16[%get3A_1906, %get3A_1907] {strides = array<i32>} : memref<8x4096xf32, #tpu.memory_space<vmem>>, vector<16xf32>,
      %add3A_1909 = arith.addf %add3A_1904, %get3A_1908 : vector<16xf32>
      %get3A_1910 = arith.constant 3 : i32
      %get3A_1911 = arith.index_cast %get3A_1910 : i32 to index
      %get3A_1912 = arith.index_cast %mul3A_1895 : i32 to index
      %get3A_1913 = tpu.vector_load %arg16[%get3A_1911, %get3A_1912] {strides = array<i32>} : memref<8x4096xf32, #tpu.memory_space<vmem>>, vector<16xf32>,
      %add3A_1914 = arith.addf %add3A_1909, %get3A_1913 : vector<16xf32>
      %mul3A_1915 = arith.constant 2.500000e-01 : f32
      %mul3A_1916 = vector.broadcast %mul3A_1915 : f32 to vector<16xf32>
      %mul3A_1917 = arith.mulf %add3A_1914, %mul3A_1916 : vector<16xf32>
      %swap3A_1918 = arith.constant 0 : i32
      %swap3A_1919 = arith.index_cast %swap3A_1918 : i32 to index
      %swap3A_1920 = arith.index_cast %mul3A_1895 : i32 to index
      %swap3A_1921 = tpu.vector_load %arg18[%swap3A_1919, %swap3A_1920] {strides = array<i32>} : memref<2x4096xf32, #tpu.memory_space<vmem>>, vector<16xf32>,
      tpu.vector_store %arg18[%swap3A_1919, %swap3A_1920], %mul3A_1917 {strides = array<i32>} : memref<2x4096xf32, #tpu.memory_space<vmem>>, vector<16xf32>,
      %get3A_1922 = arith.constant 4 : i32
      %get3A_1923 = arith.index_cast %get3A_1922 : i32 to index
      %get3A_1924 = arith.index_cast %mul3A_1895 : i32 to index
      %get3A_1925 = tpu.vector_load %arg16[%get3A_1923, %get3A_1924] {strides = array<i32>} : memref<8x4096xf32, #tpu.memory_space<vmem>>, vector<16xf32>,
      %get3A_1926 = arith.constant 5 : i32
      %get3A_1927 = arith.index_cast %get3A_1926 : i32 to index
      %get3A_1928 = arith.index_cast %mul3A_1895 : i32 to index
      %get3A_1929 = tpu.vector_load %arg16[%get3A_1927, %get3A_1928] {strides = array<i32>} : memref<8x4096xf32, #tpu.memory_space<vmem>>, vector<16xf32>,
      %add3A_1930 = arith.addf %get3A_1925, %get3A_1929 : vector<16xf32>
      %get3A_1931 = arith.constant 6 : i32
      %get3A_1932 = arith.index_cast %get3A_1931 : i32 to index
      %get3A_1933 = arith.index_cast %mul3A_1895 : i32 to index
      %get3A_1934 = tpu.vector_load %arg16[%get3A_1932, %get3A_1933] {strides = array<i32>} : memref<8x4096xf32, #tpu.memory_space<vmem>>, vector<16xf32>,
      %add3A_1935 = arith.addf %add3A_1930, %get3A_1934 : vector<16xf32>
      %get3A_1936 = arith.constant 7 : i32
      %get3A_1937 = arith.index_cast %get3A_1936 : i32 to index
      %get3A_1938 = arith.index_cast %mul3A_1895 : i32 to index
      %get3A_1939 = tpu.vector_load %arg16[%get3A_1937, %get3A_1938] {strides = array<i32>} : memref<8x4096xf32, #tpu.memory_space<vmem>>, vector<16xf32>,
      %add3A_1940 = arith.addf %add3A_1935, %get3A_1939 : vector<16xf32>
      %mul3A_1941 = arith.constant 2.500000e-01 : f32
      %mul3A_1942 = vector.broadcast %mul3A_1941 : f32 to vector<16xf32>
      %mul3A_1943 = arith.mulf %add3A_1940, %mul3A_1942 : vector<16xf32>
      %swap3A_1944 = arith.constant 1 : i32
      %swap3A_1945 = arith.index_cast %swap3A_1944 : i32 to index
      %swap3A_1946 = arith.index_cast %mul3A_1895 : i32 to index
      %swap3A_1947 = tpu.vector_load %arg18[%swap3A_1945, %swap3A_1946] {strides = array<i32>} : memref<2x4096xf32, #tpu.memory_space<vmem>>, vector<16xf32>,
      tpu.vector_store %arg18[%swap3A_1945, %swap3A_1946], %mul3A_1943 {strides = array<i32>} : memref<2x4096xf32, #tpu.memory_space<vmem>>, vector<16xf32>,
      %scan3A_1948 = arith.constant 0 : i32
      scf.yield %scan3A_1948 : i32
    }
    %scan3A_1855 = arith.constant 256 : i32
    %add3A_1856 = arith.constant 28 : i32
    %add3A_1857 = arith.addi %mul3A_2, %add3A_1856 : i32
    %dma_start3A_1858 = arith.constant 0 : i32
    %dma_start3A_1859 = tpu.memref_slice %arg5[%add3A_1857, %dma_start3A_1858] : memref<1024x4096xf32, #tpu.memory_space<hbm>> -> memref<2x4096xf32, #tpu.memory_space<hbm>>
    %dma_start3A_1860 = arith.constant 0 : i32
    %dma_start3A_1861 = tpu.memref_slice %arg5[%add3A_1857, %dma_start3A_1860] : memref<1024x4096xf32, #tpu.memory_space<hbm>> -> memref<2x4096xf32, #tpu.memory_space<hbm>>
    tpu.enqueue_dma source(%arg18 : memref<2x4096xf32, #tpu.memory_space<vmem>>) target(%dma_start3A_1861 : memref<2x4096xf32, #tpu.memory_space<hbm>>) target_semaphore(%arg24 : memref<!tpu.dma_semaphore, #tpu.memory_space<semaphore_mem>>)
    %dma_wait3A_1862 = arith.constant 0 : i32
    %dma_wait3A_1863 = tpu.memref_slice %arg15[%dma_wait3A_1862] : memref<16xi32, #tpu.memory_space<vmem>> -> memref<8xi32, #tpu.memory_space<vmem>>
    %dma_wait3A_1864 = arith.constant 0 : i32
    %dma_wait3A_1865 = arith.constant 0 : i32
    %dma_wait3A_1866 = tpu.memref_slice %arg4[%dma_wait3A_1864, %dma_wait3A_1865] : memref<1024x4096xf32, #tpu.memory_space<hbm>> -> memref<1024x4096xf32, #tpu.memory_space<hbm>>
    tpu.wait_indirect_dma semaphore(%arg23 : memref<!tpu.dma_semaphore, #tpu.memory_space<semaphore_mem>>) src(%dma_wait3A_1866 : memref<1024x4096xf32, #tpu.memory_space<hbm>>) dst(%arg17 : memref<8x4096xf32, #tpu.memory_space<vmem>>)
    %dma_wait3A_1867 = arith.constant 0 : i32
    %dma_wait3A_1868 = tpu.memref_slice %arg5[%add3A_1792, %dma_wait3A_1867] : memref<1024x4096xf32, #tpu.memory_space<hbm>> -> memref<2x4096xf32, #tpu.memory_space<hbm>>
    %dma_wait3A_1869 = arith.constant 0 : i32
    %dma_wait3A_1870 = tpu.memref_slice %arg5[%add3A_1792, %dma_wait3A_1869] : memref<1024x4096xf32, #tpu.memory_space<hbm>> -> memref<2x4096xf32, #tpu.memory_space<hbm>>
    tpu.wait_dma2 semaphore(%arg25 : memref<!tpu.dma_semaphore, #tpu.memory_space<semaphore_mem>>) src(%arg19 : memref<2x4096xf32, #tpu.memory_space<vmem>>) dst(%dma_wait3A_1870 : memref<2x4096xf32, #tpu.memory_space<hbm>>)
    %scan3A_1871 = arith.constant 0 : i32
    %scan3A_1872 = arith.constant 0 : i32
    %scan3A_1873 = arith.constant 256 : i32
    %scan3A_1874 = arith.addi %scan3A_1872, %scan3A_1873 : i32
    %scan3A_1875 = arith.constant 1 : i32
    %scan3A_1876 = scf.for %scan3A_1892 = %scan3A_1872 to %scan3A_1874 step %scan3A_1875 iter_args(%scan3A_1893 = %scan3A_1871) -> (i32)  : i32 {
      %mul3A_1894 = arith.constant 16 : i32
      %mul3A_1895 = arith.muli %scan3A_1892, %mul3A_1894 : i32
      %get3A_1896 = arith.constant 0 : i32
      %get3A_1897 = arith.index_cast %get3A_1896 : i32 to index
      %get3A_1898 = arith.index_cast %mul3A_1895 : i32 to index
      %get3A_1899 = tpu.vector_load %arg17[%get3A_1897, %get3A_1898] {strides = array<i32>} : memref<8x4096xf32, #tpu.memory_space<vmem>>, vector<16xf32>,
      %get3A_1900 = arith.constant 1 : i32
      %get3A_1901 = arith.index_cast %get3A_1900 : i32 to index
      %get3A_1902 = arith.index_cast %mul3A_1895 : i32 to index
      %get3A_1903 = tpu.vector_load %arg17[%get3A_1901, %get3A_1902] {strides = array<i32>} : memref<8x4096xf32, #tpu.memory_space<vmem>>, vector<16xf32>,
      %add3A_1904 = arith.addf %get3A_1899, %get3A_1903 : vector<16xf32>
      %get3A_1905 = arith.constant 2 : i32
      %get3A_1906 = arith.index_cast %get3A_1905 : i32 to index
      %get3A_1907 = arith.index_cast %mul3A_1895 : i32 to index
      %get3A_1908 = tpu.vector_load %arg17[%get3A_1906, %get3A_1907] {strides = array<i32>} : memref<8x4096xf32, #tpu.memory_space<vmem>>, vector<16xf32>,
      %add3A_1909 = arith.addf %add3A_1904, %get3A_1908 : vector<16xf32>
      %get3A_1910 = arith.constant 3 : i32
      %get3A_1911 = arith.index_cast %get3A_1910 : i32 to index
      %get3A_1912 = arith.index_cast %mul3A_1895 : i32 to index
      %get3A_1913 = tpu.vector_load %arg17[%get3A_1911, %get3A_1912] {strides = array<i32>} : memref<8x4096xf32, #tpu.memory_space<vmem>>, vector<16xf32>,
      %add3A_1914 = arith.addf %add3A_1909, %get3A_1913 : vector<16xf32>
      %mul3A_1915 = arith.constant 2.500000e-01 : f32
      %mul3A_1916 = vector.broadcast %mul3A_1915 : f32 to vector<16xf32>
      %mul3A_1917 = arith.mulf %add3A_1914, %mul3A_1916 : vector<16xf32>
      %swap3A_1918 = arith.constant 0 : i32
      %swap3A_1919 = arith.index_cast %swap3A_1918 : i32 to index
      %swap3A_1920 = arith.index_cast %mul3A_1895 : i32 to index
      %swap3A_1921 = tpu.vector_load %arg19[%swap3A_1919, %swap3A_1920] {strides = array<i32>} : memref<2x4096xf32, #tpu.memory_space<vmem>>, vector<16xf32>,
      tpu.vector_store %arg19[%swap3A_1919, %swap3A_1920], %mul3A_1917 {strides = array<i32>} : memref<2x4096xf32, #tpu.memory_space<vmem>>, vector<16xf32>,
      %get3A_1922 = arith.constant 4 : i32
      %get3A_1923 = arith.index_cast %get3A_1922 : i32 to index
      %get3A_1924 = arith.index_cast %mul3A_1895 : i32 to index
      %get3A_1925 = tpu.vector_load %arg17[%get3A_1923, %get3A_1924] {strides = array<i32>} : memref<8x4096xf32, #tpu.memory_space<vmem>>, vector<16xf32>,
      %get3A_1926 = arith.constant 5 : i32
      %get3A_1927 = arith.index_cast %get3A_1926 : i32 to index
      %get3A_1928 = arith.index_cast %mul3A_1895 : i32 to index
      %get3A_1929 = tpu.vector_load %arg17[%get3A_1927, %get3A_1928] {strides = array<i32>} : memref<8x4096xf32, #tpu.memory_space<vmem>>, vector<16xf32>,
      %add3A_1930 = arith.addf %get3A_1925, %get3A_1929 : vector<16xf32>
      %get3A_1931 = arith.constant 6 : i32
      %get3A_1932 = arith.index_cast %get3A_1931 : i32 to index
      %get3A_1933 = arith.index_cast %mul3A_1895 : i32 to index
      %get3A_1934 = tpu.vector_load %arg17[%get3A_1932, %get3A_1933] {strides = array<i32>} : memref<8x4096xf32, #tpu.memory_space<vmem>>, vector<16xf32>,
      %add3A_1935 = arith.addf %add3A_1930, %get3A_1934 : vector<16xf32>
      %get3A_1936 = arith.constant 7 : i32
      %get3A_1937 = arith.index_cast %get3A_1936 : i32 to index
      %get3A_1938 = arith.index_cast %mul3A_1895 : i32 to index
      %get3A_1939 = tpu.vector_load %arg17[%get3A_1937, %get3A_1938] {strides = array<i32>} : memref<8x4096xf32, #tpu.memory_space<vmem>>, vector<16xf32>,
      %add3A_1940 = arith.addf %add3A_1935, %get3A_1939 : vector<16xf32>
      %mul3A_1941 = arith.constant 2.500000e-01 : f32
      %mul3A_1942 = vector.broadcast %mul3A_1941 : f32 to vector<16xf32>
      %mul3A_1943 = arith.mulf %add3A_1940, %mul3A_1942 : vector<16xf32>
      %swap3A_1944 = arith.constant 1 : i32
      %swap3A_1945 = arith.index_cast %swap3A_1944 : i32 to index
      %swap3A_1946 = arith.index_cast %mul3A_1895 : i32 to index
      %swap3A_1947 = tpu.vector_load %arg19[%swap3A_1945, %swap3A_1946] {strides = array<i32>} : memref<2x4096xf32, #tpu.memory_space<vmem>>, vector<16xf32>,
      tpu.vector_store %arg19[%swap3A_1945, %swap3A_1946], %mul3A_1943 {strides = array<i32>} : memref<2x4096xf32, #tpu.memory_space<vmem>>, vector<16xf32>,
      %scan3A_1948 = arith.constant 0 : i32
      scf.yield %scan3A_1948 : i32
    }
    %scan3A_1877 = arith.constant 256 : i32
    %add3A_1878 = arith.constant 30 : i32
    %add3A_1879 = arith.addi %mul3A_2, %add3A_1878 : i32
    %dma_start3A_1880 = arith.constant 0 : i32
    %dma_start3A_1881 = tpu.memref_slice %arg5[%add3A_1879, %dma_start3A_1880] : memref<1024x4096xf32, #tpu.memory_space<hbm>> -> memref<2x4096xf32, #tpu.memory_space<hbm>>
    %dma_start3A_1882 = arith.constant 0 : i32
    %dma_start3A_1883 = tpu.memref_slice %arg5[%add3A_1879, %dma_start3A_1882] : memref<1024x4096xf32, #tpu.memory_space<hbm>> -> memref<2x4096xf32, #tpu.memory_space<hbm>>
    tpu.enqueue_dma source(%arg19 : memref<2x4096xf32, #tpu.memory_space<vmem>>) target(%dma_start3A_1883 : memref<2x4096xf32, #tpu.memory_space<hbm>>) target_semaphore(%arg25 : memref<!tpu.dma_semaphore, #tpu.memory_space<semaphore_mem>>)
    %dma_wait3A_1884 = arith.constant 0 : i32
    %dma_wait3A_1885 = tpu.memref_slice %arg5[%add3A_1857, %dma_wait3A_1884] : memref<1024x4096xf32, #tpu.memory_space<hbm>> -> memref<2x4096xf32, #tpu.memory_space<hbm>>
    %dma_wait3A_1886 = arith.constant 0 : i32
    %dma_wait3A_1887 = tpu.memref_slice %arg5[%add3A_1857, %dma_wait3A_1886] : memref<1024x4096xf32, #tpu.memory_space<hbm>> -> memref<2x4096xf32, #tpu.memory_space<hbm>>
    tpu.wait_dma2 semaphore(%arg24 : memref<!tpu.dma_semaphore, #tpu.memory_space<semaphore_mem>>) src(%arg18 : memref<2x4096xf32, #tpu.memory_space<vmem>>) dst(%dma_wait3A_1887 : memref<2x4096xf32, #tpu.memory_space<hbm>>)
    %dma_wait3A_1888 = arith.constant 0 : i32
    %dma_wait3A_1889 = tpu.memref_slice %arg5[%add3A_1879, %dma_wait3A_1888] : memref<1024x4096xf32, #tpu.memory_space<hbm>> -> memref<2x4096xf32, #tpu.memory_space<hbm>>
    %dma_wait3A_1890 = arith.constant 0 : i32
    %dma_wait3A_1891 = tpu.memref_slice %arg5[%add3A_1879, %dma_wait3A_1890] : memref<1024x4096xf32, #tpu.memory_space<hbm>> -> memref<2x4096xf32, #tpu.memory_space<hbm>>
    tpu.wait_dma2 semaphore(%arg25 : memref<!tpu.dma_semaphore, #tpu.memory_space<semaphore_mem>>) src(%arg19 : memref<2x4096xf32, #tpu.memory_space<vmem>>) dst(%dma_wait3A_1891 : memref<2x4096xf32, #tpu.memory_space<hbm>>)
    return
  }
}

module attributes {stable_mosaic.version = 14 : i64} {
  func.func @_tc_gram_body(%arg0: i32, %arg1: i32, %arg2: memref<1024x4096xf32, #tpu.memory_space<vmem>>, %arg3: memref<128x256xf32, #tpu.memory_space<vmem>>, %arg4: memref<1024x4096xbf16, #tpu.memory_space<vmem>>, %arg5: memref<1024x4096xbf16, #tpu.memory_space<vmem>>) attributes {dimension_semantics = [#tpu.dimension_semantics<arbitrary>, #tpu.dimension_semantics<arbitrary>], iteration_bounds = array<i64: 8, 4>, scalar_prefetch = 0 : i64, scratch_operands = 2 : i64, tpu.core_type = #tpu.core_type<tc>, window_params = [{pipeline_mode = #tpu.pipeline_mode<synchronous>, transform_indices = @transform_0, window_bounds = array<i64: 1024, 4096>}, {transform_indices = @transform_1, window_bounds = array<i64: 128, 256>}]} {
    %eq3A = arith.constant 0 : i32
    %eq3A_0 = arith.cmpi eq, %arg0, %eq3A : i32
    %eq3A_1 = arith.constant 0 : i32
    %eq3A_2 = arith.cmpi eq, %arg1, %eq3A_1 : i32
    %and3A = arith.andi %eq3A_0, %eq3A_2 : i1
    %convert_element_type3A = arith.extui %and3A : i1 to i32
    %cond3A = arith.constant 0 : i32
    %cond3A_3 = arith.cmpi ne, %convert_element_type3A, %cond3A : i32
    scf.if %cond3A_3 {
      %get3A = arith.constant 0 : index
      %get3A_24 = arith.constant 0 : index
      %get3A_25 = vector.load %arg2[%get3A, %get3A_24] : memref<1024x4096xf32, #tpu.memory_space<vmem>>, vector<1024x4096xf32>
      %convert_element_type3A_26 = arith.truncf %get3A_25 : vector<1024x4096xf32> to vector<1024x4096xbf16>
      %swap3A = arith.constant 0 : index
      %swap3A_27 = arith.constant 0 : index
      %swap3A_28 = vector.load %arg4[%swap3A, %swap3A_27] : memref<1024x4096xbf16, #tpu.memory_space<vmem>>, vector<1024x4096xbf16>
      tpu.vector_store %arg4[%swap3A, %swap3A_27], %convert_element_type3A_26 {strides = array<i32>} : memref<1024x4096xbf16, #tpu.memory_space<vmem>>, vector<1024x4096xbf16>,
      %convert_element_type3A_29 = arith.extf %convert_element_type3A_26 : vector<1024x4096xbf16> to vector<1024x4096xf32>
      %sub3A_30 = arith.subf %get3A_25, %convert_element_type3A_29 : vector<1024x4096xf32>
      %convert_element_type3A_31 = arith.truncf %sub3A_30 : vector<1024x4096xf32> to vector<1024x4096xbf16>
      %swap3A_32 = arith.constant 0 : index
      %swap3A_33 = arith.constant 0 : index
      %swap3A_34 = vector.load %arg5[%swap3A_32, %swap3A_33] : memref<1024x4096xbf16, #tpu.memory_space<vmem>>, vector<1024x4096xbf16>
      tpu.vector_store %arg5[%swap3A_32, %swap3A_33], %convert_element_type3A_31 {strides = array<i32>} : memref<1024x4096xbf16, #tpu.memory_space<vmem>>, vector<1024x4096xbf16>,
    } else {
    }
    %jit3A = arith.constant 2 : i32
    %div3A = arith.divsi %arg0, %jit3A : i32
    %sign3A = arith.constant 0 : i32
    %sign3A_4 = arith.cmpi sgt, %arg0, %sign3A : i32
    %sign3A_5 = arith.extui %sign3A_4 : i1 to i32
    %sign3A_6 = arith.constant 0 : i32
    %sign3A_7 = arith.cmpi slt, %arg0, %sign3A_6 : i32
    %sign3A_8 = arith.extui %sign3A_7 : i1 to i32
    %sign3A_9 = arith.subi %sign3A_5, %sign3A_8 : i32
    %sign3A_10 = arith.constant 0 : i32
    %sign3A_11 = arith.cmpi sgt, %jit3A, %sign3A_10 : i32
    %sign3A_12 = arith.extui %sign3A_11 : i1 to i32
    %sign3A_13 = arith.constant 0 : i32
    %sign3A_14 = arith.cmpi slt, %jit3A, %sign3A_13 : i32
    %sign3A_15 = arith.extui %sign3A_14 : i1 to i32
    %sign3A_16 = arith.subi %sign3A_12, %sign3A_15 : i32
    %ne3A = arith.cmpi ne, %sign3A_9, %sign3A_16 : i32
    %rem3A = arith.remsi %arg0, %jit3A : i32
    %ne3A_17 = arith.constant 0 : i32
    %ne3A_18 = arith.cmpi ne, %rem3A, %ne3A_17 : i32
    %and3A_19 = arith.andi %ne3A, %ne3A_18 : i1
    %sub3A = arith.constant 1 : i32
    %sub3A_20 = arith.subi %div3A, %sub3A : i32
    %select_n3A = arith.select %and3A_19, %sub3A_20, %div3A : i32
    %ge3A = arith.cmpi sge, %arg1, %select_n3A : i32
    %convert_element_type3A_21 = arith.extui %ge3A : i1 to i32
    %cond3A_22 = arith.constant 0 : i32
    %cond3A_23 = arith.cmpi ne, %convert_element_type3A_21, %cond3A_22 : i32
    scf.if %cond3A_23 {
      %mul3A = arith.constant 128 : i32
      %mul3A_24 = arith.muli %arg0, %mul3A : i32
      %get3A = arith.index_cast %mul3A_24 : i32 to index
      %get3A_25 = arith.constant 0 : index
      %get3A_26 = vector.load %arg4[%get3A, %get3A_25] : memref<1024x4096xbf16, #tpu.memory_space<vmem>>, vector<128x4096xbf16>
      %mul3A_27 = arith.constant 128 : i32
      %mul3A_28 = arith.muli %arg0, %mul3A_27 : i32
      %get3A_29 = arith.index_cast %mul3A_28 : i32 to index
      %get3A_30 = arith.constant 0 : index
      %get3A_31 = vector.load %arg5[%get3A_29, %get3A_30] : memref<1024x4096xbf16, #tpu.memory_space<vmem>>, vector<128x4096xbf16>
      %mul3A_32 = arith.constant 256 : i32
      %mul3A_33 = arith.muli %arg1, %mul3A_32 : i32
      %get3A_34 = arith.index_cast %mul3A_33 : i32 to index
      %get3A_35 = arith.constant 0 : index
      %get3A_36 = vector.load %arg4[%get3A_34, %get3A_35] : memref<1024x4096xbf16, #tpu.memory_space<vmem>>, vector<256x4096xbf16>
      %mul3A_37 = arith.constant 256 : i32
      %mul3A_38 = arith.muli %arg1, %mul3A_37 : i32
      %get3A_39 = arith.index_cast %mul3A_38 : i32 to index
      %get3A_40 = arith.constant 0 : index
      %get3A_41 = vector.load %arg5[%get3A_39, %get3A_40] : memref<1024x4096xbf16, #tpu.memory_space<vmem>>, vector<256x4096xbf16>
      %dot_general3A = arith.constant dense<0.000000e+00> : vector<128x256xf32>
      %dot_general3A_42 = tpu.matmul %get3A_26, %get3A_36, %dot_general3A {dimension_numbers = #tpu.dot_dimension_numbers<[1], [1], [0], [0], [0, 0, 1, 0], [], []>, transpose_lhs_hint = false} : vector<128x4096xbf16>, vector<256x4096xbf16>, vector<128x256xf32> -> vector<128x256xf32>
      %dot_general3A_43 = arith.constant dense<0.000000e+00> : vector<128x256xf32>
      %dot_general3A_44 = tpu.matmul %get3A_26, %get3A_41, %dot_general3A_43 {dimension_numbers = #tpu.dot_dimension_numbers<[1], [1], [0], [0], [0, 0, 1, 0], [], []>, transpose_lhs_hint = false} : vector<128x4096xbf16>, vector<256x4096xbf16>, vector<128x256xf32> -> vector<128x256xf32>
      %add3A = arith.addf %dot_general3A_42, %dot_general3A_44 : vector<128x256xf32>
      %dot_general3A_45 = arith.constant dense<0.000000e+00> : vector<128x256xf32>
      %dot_general3A_46 = tpu.matmul %get3A_31, %get3A_36, %dot_general3A_45 {dimension_numbers = #tpu.dot_dimension_numbers<[1], [1], [0], [0], [0, 0, 1, 0], [], []>, transpose_lhs_hint = false} : vector<128x4096xbf16>, vector<256x4096xbf16>, vector<128x256xf32> -> vector<128x256xf32>
      %add3A_47 = arith.addf %add3A, %dot_general3A_46 : vector<128x256xf32>
      %swap3A = arith.constant 0 : index
      %swap3A_48 = arith.constant 0 : index
      %swap3A_49 = vector.load %arg3[%swap3A, %swap3A_48] : memref<128x256xf32, #tpu.memory_space<vmem>>, vector<128x256xf32>
      tpu.vector_store %arg3[%swap3A, %swap3A_48], %add3A_47 {strides = array<i32>} : memref<128x256xf32, #tpu.memory_space<vmem>>, vector<128x256xf32>,
    } else {
    }
    return
  }
  func.func @transform_0(%arg0: i32, %arg1: i32) -> (i32, i32) {
    %c0_i32 = arith.constant 0 : i32
    %c0_i32_0 = arith.constant 0 : i32
    %c0_i32_1 = arith.constant 0 : i32
    return %c0_i32, %c0_i32_0 : i32, i32
  }
  func.func @transform_1(%arg0: i32, %arg1: i32) -> (i32, i32) {
    %jit3A = arith.constant 2 : i32
    %div3A = arith.divsi %arg0, %jit3A : i32
    %sign3A = arith.constant 0 : i32
    %sign3A_0 = arith.cmpi sgt, %arg0, %sign3A : i32
    %sign3A_1 = arith.extui %sign3A_0 : i1 to i32
    %sign3A_2 = arith.constant 0 : i32
    %sign3A_3 = arith.cmpi slt, %arg0, %sign3A_2 : i32
    %sign3A_4 = arith.extui %sign3A_3 : i1 to i32
    %sign3A_5 = arith.subi %sign3A_1, %sign3A_4 : i32
    %sign3A_6 = arith.constant 0 : i32
    %sign3A_7 = arith.cmpi sgt, %jit3A, %sign3A_6 : i32
    %sign3A_8 = arith.extui %sign3A_7 : i1 to i32
    %sign3A_9 = arith.constant 0 : i32
    %sign3A_10 = arith.cmpi slt, %jit3A, %sign3A_9 : i32
    %sign3A_11 = arith.extui %sign3A_10 : i1 to i32
    %sign3A_12 = arith.subi %sign3A_8, %sign3A_11 : i32
    %ne3A = arith.cmpi ne, %sign3A_5, %sign3A_12 : i32
    %rem3A = arith.remsi %arg0, %jit3A : i32
    %ne3A_13 = arith.constant 0 : i32
    %ne3A_14 = arith.cmpi ne, %rem3A, %ne3A_13 : i32
    %and3A = arith.andi %ne3A, %ne3A_14 : i1
    %sub3A = arith.constant 1 : i32
    %sub3A_15 = arith.subi %div3A, %sub3A : i32
    %select_n3A = arith.select %and3A, %sub3A_15, %div3A : i32
    %max3A = arith.maxsi %arg1, %select_n3A : i32
    %c0_i32 = arith.constant 0 : i32
    return %arg0, %max3A : i32, i32
  }
}

module attributes {stable_mosaic.version = 14 : i64} {
  func.func @_tc_merge_body(%arg0: i32, %arg1: memref<4096x128xf32, #tpu.memory_space<vmem>>, %arg2: memref<4096x128xf32, #tpu.memory_space<vmem>>, %arg3: memref<128x256xf32, #tpu.memory_space<vmem>>, %arg4: memref<128x128xf32, #tpu.memory_space<vmem>>, %arg5: memref<1x128xf32, #tpu.memory_space<vmem>>, %arg6: memref<1x128xf32, #tpu.memory_space<vmem>>, %arg7: memref<4096x128xf32, #tpu.memory_space<vmem>>) attributes {dimension_semantics = [#tpu.dimension_semantics<arbitrary>], iteration_bounds = array<i64: 8>, scalar_prefetch = 0 : i64, scratch_operands = 0 : i64, tpu.core_type = #tpu.core_type<tc>, window_params = [{transform_indices = @transform_0, window_bounds = array<i64: 4096, 128>}, {transform_indices = @transform_1, window_bounds = array<i64: 4096, 128>}, {pipeline_mode = #tpu.pipeline_mode<synchronous>, transform_indices = @transform_2, window_bounds = array<i64: 128, 256>}, {pipeline_mode = #tpu.pipeline_mode<synchronous>, transform_indices = @transform_3, window_bounds = array<i64: 128, 128>}, {pipeline_mode = #tpu.pipeline_mode<synchronous>, transform_indices = @transform_4, window_bounds = array<i64: 1, 128>}, {pipeline_mode = #tpu.pipeline_mode<synchronous>, transform_indices = @transform_5, window_bounds = array<i64: 1, 128>}, {transform_indices = @transform_6, window_bounds = array<i64: 4096, 128>}]} {
    %get3A = arith.constant 0 : index
    %get3A_0 = arith.constant 0 : index
    %get3A_1 = vector.load %arg3[%get3A, %get3A_0] : memref<128x256xf32, #tpu.memory_space<vmem>>, vector<128x128xf32>
    %get3A_2 = arith.constant 0 : index
    %get3A_3 = arith.constant 128 : index
    %get3A_4 = vector.load %arg3[%get3A_2, %get3A_3] : memref<128x256xf32, #tpu.memory_space<vmem>>, vector<128x128xf32>
    %get3A_5 = arith.constant 0 : index
    %get3A_6 = arith.constant 0 : index
    %get3A_7 = vector.load %arg4[%get3A_5, %get3A_6] : memref<128x128xf32, #tpu.memory_space<vmem>>, vector<128x128xf32>
    %dot_general3A = arith.constant dense<0.000000e+00> : vector<128x128xf32>
    %dot_general3A_8 = tpu.matmul %get3A_4, %get3A_7, %dot_general3A {dimension_numbers = #tpu.dot_dimension_numbers<[1], [0], [0], [1], [0, 0, 1, 1], [], []>, transpose_lhs_hint = false} : vector<128x128xf32>, vector<128x128xf32>, vector<128x128xf32> -> vector<128x128xf32>
    %get3A_9 = arith.constant 0 : index
    %get3A_10 = arith.constant 0 : index
    %get3A_11 = vector.load %arg6[%get3A_9, %get3A_10] : memref<1x128xf32, #tpu.memory_space<vmem>>, vector<1x128xf32>
    %get3A_12 = arith.constant 0 : index
    %get3A_13 = arith.constant 0 : index
    %get3A_14 = vector.load %arg5[%get3A_12, %get3A_13] : memref<1x128xf32, #tpu.memory_space<vmem>>, vector<1x128xf32>
    %dot_general3A_15 = arith.constant dense<0.000000e+00> : vector<1x128xf32>
    %dot_general3A_16 = tpu.matmul %get3A_14, %get3A_4, %dot_general3A_15 {dimension_numbers = #tpu.dot_dimension_numbers<[1], [1], [0], [0], [0, 0, 1, 0], [], []>, transpose_lhs_hint = false} : vector<1x128xf32>, vector<128x128xf32>, vector<1x128xf32> -> vector<1x128xf32>
    %add3A = arith.addf %get3A_11, %dot_general3A_16 : vector<1x128xf32>
    %get3A_17 = arith.constant 0 : index
    %get3A_18 = arith.constant 0 : index
    %get3A_19 = vector.load %arg1[%get3A_17, %get3A_18] : memref<4096x128xf32, #tpu.memory_space<vmem>>, vector<4096x128xf32>
    %dot_general3A_20 = arith.constant dense<0.000000e+00> : vector<4096x128xf32>
    %dot_general3A_21 = tpu.matmul %get3A_19, %get3A_1, %dot_general3A_20 {dimension_numbers = #tpu.dot_dimension_numbers<[1], [1], [0], [0], [0, 0, 1, 0], [], []>, transpose_lhs_hint = false} : vector<4096x128xf32>, vector<128x128xf32>, vector<4096x128xf32> -> vector<4096x128xf32>
    %get3A_22 = arith.constant 0 : index
    %get3A_23 = arith.constant 0 : index
    %get3A_24 = vector.load %arg2[%get3A_22, %get3A_23] : memref<4096x128xf32, #tpu.memory_space<vmem>>, vector<4096x128xf32>
    %dot_general3A_25 = arith.constant dense<0.000000e+00> : vector<4096x128xf32>
    %dot_general3A_26 = tpu.matmul %get3A_24, %dot_general3A_8, %dot_general3A_25 {dimension_numbers = #tpu.dot_dimension_numbers<[1], [1], [0], [0], [0, 0, 1, 0], [], []>, transpose_lhs_hint = false} : vector<4096x128xf32>, vector<128x128xf32>, vector<4096x128xf32> -> vector<4096x128xf32>
    %add3A_27 = arith.addf %dot_general3A_21, %dot_general3A_26 : vector<4096x128xf32>
    %add3A_28 = vector.broadcast %add3A : vector<1x128xf32> to vector<4096x128xf32>
    %add3A_29 = arith.addf %add3A_27, %add3A_28 : vector<4096x128xf32>
    %swap3A = arith.constant 0 : index
    %swap3A_30 = arith.constant 0 : index
    %swap3A_31 = vector.load %arg7[%swap3A, %swap3A_30] : memref<4096x128xf32, #tpu.memory_space<vmem>>, vector<4096x128xf32>
    tpu.vector_store %arg7[%swap3A, %swap3A_30], %add3A_29 {strides = array<i32>} : memref<4096x128xf32, #tpu.memory_space<vmem>>, vector<4096x128xf32>,
    return
  }
  func.func @transform_0(%arg0: i32) -> (i32, i32) {
    %c0_i32 = arith.constant 0 : i32
    %c0_i32_0 = arith.constant 0 : i32
    return %arg0, %c0_i32 : i32, i32
  }
  func.func @transform_1(%arg0: i32) -> (i32, i32) {
    %c0_i32 = arith.constant 0 : i32
    %c0_i32_0 = arith.constant 0 : i32
    return %arg0, %c0_i32 : i32, i32
  }
  func.func @transform_2(%arg0: i32) -> (i32, i32) {
    %c0_i32 = arith.constant 0 : i32
    %c0_i32_0 = arith.constant 0 : i32
    %c0_i32_1 = arith.constant 0 : i32
    return %c0_i32, %c0_i32_0 : i32, i32
  }
  func.func @transform_3(%arg0: i32) -> (i32, i32) {
    %c0_i32 = arith.constant 0 : i32
    %c0_i32_0 = arith.constant 0 : i32
    %c0_i32_1 = arith.constant 0 : i32
    return %c0_i32, %c0_i32_0 : i32, i32
  }
  func.func @transform_4(%arg0: i32) -> (i32, i32) {
    %c0_i32 = arith.constant 0 : i32
    %c0_i32_0 = arith.constant 0 : i32
    %c0_i32_1 = arith.constant 0 : i32
    return %c0_i32, %c0_i32_0 : i32, i32
  }
  func.func @transform_5(%arg0: i32) -> (i32, i32) {
    %c0_i32 = arith.constant 0 : i32
    %c0_i32_0 = arith.constant 0 : i32
    %c0_i32_1 = arith.constant 0 : i32
    return %c0_i32, %c0_i32_0 : i32, i32
  }
  func.func @transform_6(%arg0: i32) -> (i32, i32) {
    %c0_i32 = arith.constant 0 : i32
    %c0_i32_0 = arith.constant 0 : i32
    return %arg0, %c0_i32 : i32, i32
  }
}

</mosaic_0001>

<sc_bundles>
// kernel: kernel.5.cloned.1.call-start
scs
__scs_entry_jumppad:
0x0: {  	(pc) =	sbr.rel $0x88, $3  }
0x1: {  	(tag) =	ssettag $0x0;
	lr =	simm.s32 $0x1  }
0x2: {  	[smem:$0x3F9B] =	sst lr;
	_ =	strace $0xD0000000  }
0x3: {  	_ = 	snop  }
0x4: {  	_ = 	snop  }
0x5: {  	_ = 	snop  }
0x6: {  	_ = 	snop  }
0x7: {  	_ = 	snop  }
__scs_overlays_trampoline_lowered:
0x8: {  	[smem:$0x3FAA] =	sst s0  }
0x9: {  	[smem:$0x3FAB] =	sst s1  }
0xa: {  	[smem:$0x3FAC] =	sst s2  }
0xb: {  	[smem:$0x3FAD] =	sst s3  }
0xc: {  	[smem:$0x3FAE] =	sst s4  }
0xd: {  	[smem:$0x3FAF] =	sst s5  }
0xe: {  	[smem:$0x3FB0] =	sst s6  }
0xf: {  	[smem:$0x3FB1] =	sst s7  }
0x10: {  	[smem:$0x3FB2] =	sst s8  }
0x11: {  	[smem:$0x3FB3] =	sst s9;
	s0 =	simm.s32 @!p0 $0x0  }
0x12: {  	s1 =	sld [smem:$0x3F99];
	s0 =	simm.s32 @p0 $0x1  }
0x13: {  	[smem:$0x3FB4] =	sst s0;
	s0 =	simm.s32 @!p1 $0x0  }
0x14: {  	s2 =	sld [smem:$0x3F98];
	s0 =	simm.s32 @p1 $0x1  }
0x15: {  	[smem:$0x3FB5] =	sst s0;
	s0 =	simm.s32 @!p2 $0x0  }
0x16: {  	s3 =	sld [smem:$0x3FDB];
	s0 =	simm.s32 @p2 $0x1  }
0x17: {  	s4 =	simm.s32 $0x1BF5;
	[smem:$0x3FB7] =	sst s0  }
0x18: {  	s0 =	sld [smem:$0x3F9A];
	_ =	swait.ge [sflag:s4], $0x0  }
0x19: {  	s7 =	sld [smem:$0x3F9B]  }
0x1a: {  	s8 =	sadd.s32 $0xFFFFE003, lr  }
0x1b: {  	s9 =	sadd.s32 $0xFFFFFEF7, lr;
	s5 =	simm.s32 $0xFFFFFFFF;
	p2 =	slt.u32 s8, $0xFFFFF086  }
0x1c: {  	p1 =	slt.u32 s9, $0xF7A;
	s5 =	simm.s32 @!p2 $0x0  }
0x1d: {  	s5 =	simm.s32 @p1 $0x1;
	p0 =	seq.s32 s7, s2  }
0x1e: {  	s7 =	smul.u32 @!p0 $0xF7A, s2;
	p2 =	seq.s32 @!p0 s5, $0x0  }
0x1f: {  	s9 =	smul.u32 $0xF7A, s1;
	s8 =	simm.s32 @!p0 $0x1BF5;
	p2 =	por !p2, p0  }
0x20: {  	[sflag:s8] =	ssyncset.s32 @!p0 $0xFFFFF086;
	s6 =	sadd.s32 @!p0 s3, s7;
	s7 =	simm.s32 @!p0 $0x108  }
0x21: {  	s3 =	sadd.s32 s3, s9;
	s6 =	sadd.s32 @!p0 $0x88, s6;
	s7 =	simm.s32 @p2 $0x1082  }
0x22: {  	[simem:s7], [sflag:s8] =	dma.local @!p0 [hbm:s6], $0xF7A  }
0x23: {  	s9 =	sor.u32 $0xD0000000, s2;
	s6 =	simm.s32 $0x108;
	_ =	swait.ge @!p0 [sflag:s8], $0x0  }
0x24: {  	s3 =	sadd.s32 $0x88, s3;
	s6 =	simm.s32 @!p1 $0x1082;
	[sflag:s4] =	ssyncset.s32 $0xFFFFF086  }
0x25: {  	[simem:s6], [sflag:s4] =	dma.local [hbm:s3], $0xF7A  }
0x26: {  	[smem:$0x3F9B] =	sst s1;
	(tag) =	ssettag s2;
	_ =	strace s9  }
0x27: {  	s1 =	sld [smem:$0x3FAB]  }
0x28: {  	s2 =	sld [smem:$0x3FAC]  }
0x29: {  	s4 =	sld [smem:$0x3FAE]  }
0x2a: {  	p0 =	seq.s32 s5, $0x0;
	s5 =	sld [smem:$0x3FAF]  }
0x2b: {  	s6 =	sld [smem:$0x3FB0]  }
0x2c: {  	s7 =	sld [smem:$0x3FB1]  }
0x2d: {  	s3 =	simm.s32 $0x108;
	s8 =	sld [smem:$0x3FB2]  }
0x2e: {  	s3 =	simm.s32 @!p0 $0x1082;
	s9 =	sld [smem:$0x3FB3]  }
0x2f: {  	lr =	sadd.s32 s0, s3;
	s0 =	sld [smem:$0x3FAA]  }
0x30: {  	s3 =	sld [smem:$0x3FAD]  }
0x31: {  	[smem:$0x3FB6] =	sst s10  }
0x32: {  	s10 =	sld [smem:$0x3FB4];
	_ =	sdelay $0x3  }
0x33: {  	p0 =	seq.s32 s10, $0x1;
	s10 =	sld [smem:$0x3FB6];
	_ =	sdelay $0x3  }
0x34: {  	[smem:$0x3FB6] =	sst s10  }
0x35: {  	s10 =	sld [smem:$0x3FB5];
	_ =	sdelay $0x3  }
0x36: {  	p1 =	seq.s32 s10, $0x1;
	s10 =	sld [smem:$0x3FB6];
	_ =	sdelay $0x3  }
0x37: {  	[smem:$0x3FB6] =	sst s10  }
0x38: {  	s10 =	sld [smem:$0x3FB7]  }
0x39: {  	_ = 	snop;
	(pc) =	sbr.ind lr, $3  }
0x3a: {  	_ = 	snop  }
0x3b: {  	_ = 	snop  }
0x3c: {  	p2 =	seq.s32 s10, $0x1;
	s10 =	sld [smem:$0x3FB6]  }
0x3d: {  	_ =	shalt  }
0x3e: {  	_ =	shalt  }
0x3f: {  	_ =	shalt  }
0x40: {  	_ =	shalt  }
0x41: {  	_ =	shalt  }
0x42: {  	_ =	shalt  }
0x43: {  	_ =	shalt  }
0x44: {  	_ =	shalt  }
0x45: {  	_ =	shalt  }
0x46: {  	_ =	shalt  }
0x47: {  	_ =	shalt  }
0x48: {  	_ =	shalt  }
0x49: {  	_ =	shalt  }
0x4a: {  	_ =	shalt  }
0x4b: {  	_ =	shalt  }
0x4c: {  	_ =	shalt  }
0x4d: {  	_ =	shalt  }
0x4e: {  	_ =	shalt  }
0x4f: {  	_ =	shalt  }
0x50: {  	_ =	shalt  }
0x51: {  	_ =	shalt  }
0x52: {  	_ =	shalt  }
0x53: {  	_ =	shalt  }
0x54: {  	_ =	shalt  }
0x55: {  	_ =	shalt  }
0x56: {  	_ =	shalt  }
0x57: {  	_ =	shalt  }
0x58: {  	_ =	shalt  }
0x59: {  	_ =	shalt  }
0x5a: {  	_ =	shalt  }
0x5b: {  	_ =	shalt  }
0x5c: {  	_ =	shalt  }
0x5d: {  	_ =	shalt  }
0x5e: {  	_ =	shalt  }
0x5f: {  	_ =	shalt  }
0x60: {  	_ =	shalt  }
0x61: {  	_ =	shalt  }
0x62: {  	_ =	shalt  }
0x63: {  	_ =	shalt  }
0x64: {  	_ =	shalt  }
0x65: {  	_ =	shalt  }
0x66: {  	_ =	shalt  }
0x67: {  	_ =	shalt  }
0x68: {  	_ =	shalt  }
0x69: {  	_ =	shalt  }
0x6a: {  	_ =	shalt  }
0x6b: {  	_ =	shalt  }
0x6c: {  	_ =	shalt  }
0x6d: {  	_ =	shalt  }
0x6e: {  	_ =	shalt  }
0x6f: {  	_ =	shalt  }
0x70: {  	_ =	shalt  }
0x71: {  	_ =	shalt  }
0x72: {  	_ =	shalt  }
0x73: {  	_ =	shalt  }
0x74: {  	_ =	shalt  }
0x75: {  	_ =	shalt  }
0x76: {  	_ =	shalt  }
0x77: {  	_ =	shalt  }
0x78: {  	_ =	shalt  }
0x79: {  	_ =	shalt  }
0x7a: {  	_ =	shalt  }
0x7b: {  	_ =	shalt  }
0x7c: {  	_ =	shalt  }
0x7d: {  	_ =	shalt  }
0x7e: {  	_ =	shalt  }
0x7f: {  	_ =	shalt  }
0x80: {  	_ =	shalt  }
0x81: {  	_ =	shalt  }
0x82: {  	_ =	shalt  }
0x83: {  	_ =	shalt  }
0x84: {  	_ =	shalt  }
0x85: {  	_ =	shalt  }
0x86: {  	_ =	shalt  }
0x87: {  	_ =	shalt  }
.Lfunc_end0:
.L_simem_size_0:
called_computation_lowered:
.L_overlay_start_0:
0x88: {  	s2 =	sld [smem:$0x3FD9]  }
0x89: {  	s3 =	sld [smem:$0x3FFE];
	_ =	sdelay $0x1  }
0x8a: {  	s1 =	srdreg.scid  }
0x8b: {  	s0 =	sand.u32 $0x1, s1  }
0x8c: {  	s17 =	sshll.u32 s0, $0xA;
	s2 =	sadd.s32 s3, s2  }
0x8d: {  	s2 =	sadd.s32 s2, s17  }
0x8e: {  	[smem:$0x3FC2] =	sst s2  }
0x8f: {  	_ = 	snop  }
0x90: {  	s2 =	sld [smem:$0x3FC9]  }
0x91: {  	s18 =	sld [smem:$0x3FD0];
	(tm) =	ssettm $0x1  }
0x92: {  	s4 =	sld [smem:$0x3FFB];
	_ =	sdelay $0x3  }
0x93: {  	_ =	strace s4  }
0x94: {  	s4 =	sld [smem:$0x3FFC];
	_ =	sdelay $0x3  }
0x95: {  	_ =	strace s4  }
0x96: {  	s4 =	sld [smem:$0x3FFD];
	_ =	sdelay $0x3  }
0x97: {  	_ =	strace s4  }
0x98: {  	_ =	strace $0x8FFFFFFF  }
0x99: {  	s19 =	sld [smem:$0x3FDB];
	_ =	sdelay $0x1  }
0x9a: {  	s5 =	simm.s32 $_scs_section_size  }
0x9b: {  	s6 =	simm.s32 $_size__tile_overlayer_lowered;
	s7 =	simm.s32 $_tile_overlayer_lowered  }
0x9c: {  	s22 =	simm.s32 $0x1BFF;
	s21 =	sshll.u32 s7, $0x1;
	s4 =	sadd.s32 s5, s19  }
0x9d: {  	s8 =	simm.s32 $0x0;
	s20 =	sshll.u32 s6, $0x1;
	s6 =	sadd.s32 s21, s4  }
0x9e: {  	[timem:s8], [sflag:s22] =	dma.local [hbm:s6], s20  }
0x9f: {  	_ =	swait.ge [sflag:s22], s20  }
0xa0: {  	s5 =	ssub.s32 $0x0, s20;
	[sflag:s22] =	ssyncset.done $0x0  }
0xa1: {  	[sflag:s22] =	ssyncadd.s32 s5;
	_ =	sdelay $0x1  }
0xa2: {  	s23 =	simm.s32 $0x1B8B  }
0xa3: {  	_ =	swait.ge [sflag:s23], $0x1  }
0xa4: {  	[sflag:s23] =	ssyncset.done $0x0  }
0xa5: {  	s25 =	simm.s32 $0x1B8E;
	s24 =	sld [smem:$0x3FFE];
	[sflag:s23] =	ssyncadd.s32 $0xFFFFFFFF  }
0xa6: {  	s26 =	simm.s32 $execute0_lowered;
	[smem:$0x3FD2] =	sst s25  }
0xa7: {  	s6 =	sshll.u32 s26, $0x1;
	_ =	strace $0x80000046;
	[dreg:$0x1] =	wrdreg $0xFFFFFFFF  }
0xa8: {  	s28 =	simm.s32 $_size_execute0_lowered;
	s4 =	sadd.s32 s4, s6;
	[dreg:$0x0] =	wrdreg $0x0  }
0xa9: {  	s6 =	sshll.u32 s28, $0x1;
	[dreg:$0x2] =	wrdreg s4  }
0xaa: {  	[dreg:$0x3] =	wrdreg s6  }
0xab: {  	[dreg:$0x4] =	wrdreg $0xC0  }
0xac: {  	_ =	task [dreg:s8], $0x5FFFF  }
0xad: {  	[dreg:$0x1] =	wrdreg $0xFFFFFFFF  }
0xae: {  	[dreg:$0x0] =	wrdreg $0x60  }
0xaf: {  	[dreg:$0x2] =	wrdreg s18  }
0xb0: {  	[dreg:$0x3] =	wrdreg s24  }
0xb1: {  	[dreg:$0x4] =	wrdreg s2  }
0xb2: {  	[dreg:$0x5] =	wrdreg $0x9  }
0xb3: {  	_ =	task.clear_ibuf [dreg:s8], $0x6FFFF;
	_ =	strace $0x90000046  }
0xb4: {  	s29 =	simm.s32 $0x9;
	_ =	strace $0x80000048  }
0xb5: {  	_ =	swait.ge [sflag:s29], $0x1  }
0xb6: {  	[sflag:s29] =	ssyncadd.s32 $0xFFFFFFFF  }
0xb7: {  	_ =	strace $0x90000048  }
0xb8: {  	_ =	sfence  }
0xb9: {  	s30 =	sld [smem:$0x0];
	_ =	sdelay $0x2  }
0xba: {  	s31 =	sshll.u32 s1, $0xD;
	s1 =	sshrl.u32 s1, $0x2  }
0xbb: {  	s3 =	sand.u32 $0x4000, s31;
	s1 =	sadd.s32 s1, s30  }
0xbc: {  	s0 =	sor.u32 s3, s0;
	s1 =	sshll.u32 s1, $0x11  }
0xbd: {  	s0 =	sor.u32 s1, s0  }
0xbe: {  	s0 =	sadd.s32 $0x8F2B, s0  }
0xbf: {  	[sflag:s0] =	ssyncadd.remote.s32 $0x1  }
0xc0: {  	_ =	sfence.sel $0xFFFF  }
0xc1: {  	[dreg:$0x0] =	wrdreg $0xFFFFFFFF;
	(pc) =	sbr.abs _section_cstart, $3  }
0xc2: {  	[dreg:$0x1] =	wrdreg $0xFFFFFFFF  }
0xc3: {  	_ =	task.clear_ibuf [dreg:s8], $0x2FFFF;
	_ =	strace $0x9FFFFFFF  }
0xc4: {  	(tm) =	ssettm $0x7FFFFFFF  }
0xc5: {  	_ =	shalt  }
tec
execute0_lowered:
.L_overlay_start_1:
0x0: {  	(tag) =	ssettag $0x1  }
0x1: {  	s0 =	srdreg.scid;
	s2 =	stileid.u32  }
0x2: {  	s3 =	rddreg [dreg:$0x1];
	s4 =	simm.s32 $0x0;
	s28 =	simm.s32 $0x1  }
0x3: {  	s29 =	simm.s32 $0x220;
	s30 =	simm.s32 $0x480;
	s1 =	sand.u32 $0x1, s0  }
0x4: {  	s31 =	simm.s32 $0x680;
	s9 =	sshll.u32 s2, $0x6;
	s10 =	sshll.u32 s1, $0x5  }
0x5: {  	[smem:$0x7FF] =	sst s4;
	s1 =	ssub.s32 $0x2, s1;
	s0 =	sor.u32 s10, s9  }
0x6: {  	s4 =	sadd.s32 $0x2400, s3;
	s5 =	sshrl.u32 s1, $0x1;
	s2 =	sshll.u32 s0, $0x1  }
0x7: {  	s1 =	ssub.s32 s1, s5;
	s6 =	sor.u32 $0x2, s0;
	s7 =	sor.u32 $0x4, s0  }
0x8: {  	s11 =	sshll.u32 s0, $0x9;
	s8 =	sor.u32 $0x6, s0;
	s9 =	sor.u32 $0x8, s0  }
0x9: {  	s10 =	sor.u32 $0xA, s0;
	s5 =	sor.u32 $0x16, s0;
	s26 =	sor.u32 $0x1A, s0  }
0xa: {  	s25 =	sor.u32 $0x5, s0;
	s2 =	sadd.s32 s2, s3;
	s3 =	sadd.s32 s4, s11  }
0xb: {  	s12 =	sshll.u32 s6, $0x9;
	s13 =	sshll.u32 s7, $0x9;
	s14 =	sshll.u32 s8, $0x9  }
0xc: {  	s11 =	sor.u32 $0xC, s0;
	s15 =	sshll.u32 s9, $0x9;
	s16 =	sshll.u32 s10, $0x9  }
0xd: {  	s24 =	sshll.u32 s26, $0x9;
	v1 =	vmov s6;
	s6 =	sor.u32 $0x1E, s0;
	v4 =	vmov s25;
	s25 =	sor.u32 $0xF, s0  }
0xe: {  	v3 =	vmov s7;
	v5 =	vmov s8;
	v7 =	vmov s9;
	s7 =	sor.u32 $0x11, s0;
	s8 =	sor.u32 $0x13, s0;
	s9 =	sor.u32 $0x15, s0  }
0xf: {  	v9 =	vmov s10;
	s10 =	sor.u32 $0x17, s0;
	v26 =	vmov s26;
	s26 =	simm.s32 $0x280;
	[dreg:$0x4] =	wrdreg s3  }
0x10: {  	s3 =	sadd.s32 s4, s12;
	s12 =	sor.u32 $0xE, s0;
	s17 =	sshll.u32 s11, $0x9  }
0x11: {  	v11 =	vmov s11;
	v14 =	vmov s25;
	v16 =	vmov s7;
	s11 =	sor.u32 $0x19, s0;
	s25 =	simm.s32 $0x200;
	s7 =	simm.s32 $0x4  }
0x12: {  	v18 =	vmov s8;
	v21 =	vmov s9;
	v23 =	vmov s10;
	s8 =	simm.s32 $0x126C0;
	s9 =	simm.s32 $0x5;
	s10 =	simm.s32 $0x6  }
0x13: {  	[dreg:$0x5] =	wrdreg s3;
	s3 =	sadd.s32 s4, s13;
	s13 =	sor.u32 $0x10, s0  }
0x14: {  	s18 =	sshll.u32 s12, $0x9;
	v13 =	vmov s12;
	s12 =	simm.s32 $0x0;
	v25 =	vmov s11;
	s11 =	simm.s32 $0x0  }
0x15: {  	[dreg:$0x6] =	wrdreg s3;
	s3 =	sadd.s32 s4, s14;
	s14 =	sor.u32 $0x12, s0  }
0x16: {  	s19 =	sshll.u32 s13, $0x9;
	v15 =	vmov s13;
	s13 =	sor.u32 $0x1B, s0;
	[dreg:$0x7] =	wrdreg s3  }
0x17: {  	s3 =	sadd.s32 s4, s15;
	s15 =	sor.u32 $0x14, s0;
	s20 =	sshll.u32 s14, $0x9  }
0x18: {  	v17 =	vmov s14;
	s14 =	sor.u32 $0x1D, s0;
	[dreg:$0x8] =	wrdreg s3;
	s3 =	sadd.s32 s4, s16  }
0x19: {  	s21 =	sshll.u32 s15, $0x9;
	s16 =	sshll.u32 s5, $0x9;
	v19 =	vmov s15;
	s15 =	sor.u32 $0x1F, s0  }
0x1a: {  	v22 =	vmov s5;
	s5 =	simm.s32 $0x3;
	[dreg:$0x9] =	wrdreg s3;
	s3 =	sadd.s32 s4, s17  }
0x1b: {  	s22 =	sadd.s32 s4, s16;
	[dreg:$0xa] =	wrdreg s3;
	s3 =	sadd.s32 s4, s18  }
0x1c: {  	[dreg:$0xf] =	wrdreg s22;
	s18 =	sor.u32 $0x18, s0;
	s22 =	sshll.u32 s6, $0x9  }
0x1d: {  	v31 =	vmov s6;
	s6 =	simm.s32 $0x106C0;
	[dreg:$0xb] =	wrdreg s3;
	s3 =	sadd.s32 s4, s19  }
0x1e: {  	s23 =	sshll.u32 s18, $0x9;
	s19 =	rddreg [dreg:$0x2];
	v24 =	vmov s18;
	s18 =	simm.s32 $0x8  }
0x1f: {  	[dreg:$0xc] =	wrdreg s3;
	s3 =	sadd.s32 s4, s20;
	s16 =	sadd.s32 s4, s23  }
0x20: {  	s20 =	sor.u32 $0x1, s0;
	s23 =	sor.u32 $0xB, s0;
	[dreg:$0xd] =	wrdreg s3  }
0x21: {  	v28 =	vimm.s32 $0x3020100;
	s3 =	sadd.s32 s4, s21;
	[dreg:$0x10] =	wrdreg s16;
	s16 =	sadd.s32 s4, s24  }
0x22: {  	v29 =	vimm.s32 $0x13121110;
	v30 =	vlaneseq.u32;
	s21 =	sor.u32 $0x3, s0;
	v0 =	vmov s20;
	s20 =	sor.u32 $0x7, s0;
	s24 =	sor.u32 $0xD, s0  }
0x23: {  	vm0 =	vcmask $0x1F10;
	v32 =	vunpack.c.0.s8.s32 v28;
	v10 =	vmov s23;
	s23 =	simm.s32 $0x7;
	[dreg:$0xe] =	wrdreg s3;
	s3 =	sor.u32 $0x1C, s0  }
0x24: {  	v33 =	vunpack.c.0.s8.s32 v29;
	[dreg:$0x11] =	wrdreg s16;
	v2 =	vmov s21;
	s21 =	sor.u32 $0x9, s0;
	v6 =	vmov s20;
	s20 =	sadd.s32 s4, s22  }
0x25: {  	v29 =	vmul.u32 $0x10, v30;
	v20 =	vmov s0;
	v12 =	vmov s24;
	s22 =	smax.u32 s1, $0x1;
	s24 =	simm.s32 $0x20;
	s0 =	simm.s32 $0x6A0  }
0x26: {  	v34 =	vsel vm0, v33, v32;
	s1 =	simm.s32 $0x6C0;
	s17 =	sshll.u32 s3, $0x9;
	v8 =	vmov s21;
	s21 =	sadd.s32 $0x1C00, s2  }
0x27: {  	v33 =	vor.u32 $0x100, v29;
	v34 =	vcombine.low v34, v34;
	s2 =	simm.s32 $0x2;
	v28 =	vmov s3;
	s3 =	simm.s32 $0x6B0;
	s16 =	sadd.s32 s4, s17  }
0x28: {  	v27 =	vmov s13;
	v30 =	vmov s14;
	v32 =	vmov s15;
	s17 =	rddreg [dreg:$0x0];
	_ =	strace $0x80000047;
	s4 =	simm.s32 $0x86C0  }
.LBB2_1:
0x29: {  	[tilespmem:s12], [sflag:$0x7] =	stream.linear.gather [hbm4b:s21+s12], $0x200, $0x38;
	[tilespmem:$0x146C0] =	vst v63  }
0x2a: {  	_ =	swait.ge [sflag:s23], $0x200  }
0x2b: {  	[sflag:s23] =	ssyncset.done $0x0  }
0x2c: {  	[sflag:s23] =	ssyncadd.s32 $0xFFFFFE00  }
0x2d: {  	v35 =	vld [tilespmem:$0x0]  }
0x2e: {  	v36 =	vld [tilespmem:$0x10];
	_ =	sdelay $0x4  }
0x2f: {  	vm0 =	vgt.s32 v20, v35;
	vm11 =	vgt.s32 v0, v36  }
0x30: {  	v37 =	vsel vm0, v35, v20;
	v38 =	vsel vm11, v36, v0;
	v36 =	vsel vm11, v0, v36  }
0x31: {  	v35 =	vsel vm0, v20, v35;
	v37 =	vshll.u32 v37, $0xA;
	v59 =	vand.u32 $0xF, v36  }
0x32: {  	v38 =	vshll.u32 v38, $0xA;
	v37 =	vadd.s32 v35, v37;
	v35 =	vand.u32 $0xF, v35;
	[tilespmem:$0x250] =	vst v59  }
0x33: {  	v57 =	vadd.s32 v36, v38;
	v37 =	vshra.s32 v37, $0x4;
	[tilespmem:$0x240] =	vst v35  }
0x34: {  	v58 =	vshra.s32 v57, $0x4;
	[tilespmem:$0x200] =	vst v37  }
0x35: {  	[tilespmem:$0x210] =	vst v58  }
0x36: {  	[tilespmem:s26], [sflag:$0x1] =	stream.indirect.gather [hbm4b:s17+s24], $0x10, s25, s24, $0xb8;
	[tilespmem:$0x146C0] =	vst v63  }
0x37: {  	_ =	swait.ge [sflag:s28], $0x200  }
0x38: {  	[sflag:s28] =	ssyncset.done $0x0  }
0x39: {  	[sflag:s28] =	ssyncadd.s32 $0xFFFFFE00  }
0x3a: {  	v60 =	vld [tilespmem:$0x20]  }
0x3b: {  	v61 =	vld [tilespmem:$0x30];
	_ =	sdelay $0x4  }
0x3c: {  	vm12 =	vgt.s32 v1, v60;
	vm13 =	vgt.s32 v2, v61  }
0x3d: {  	v62 =	vsel vm12, v60, v1;
	v35 =	vsel vm12, v1, v60;
	v36 =	vsel vm13, v2, v61  }
0x3e: {  	v63 =	vsel vm13, v61, v2;
	v37 =	vshll.u32 v62, $0xA;
	v42 =	vand.u32 $0xF, v36  }
0x3f: {  	v38 =	vshll.u32 v63, $0xA;
	v37 =	vadd.s32 v35, v37;
	v35 =	vand.u32 $0xF, v35;
	[tilespmem:$0x270] =	vst v42  }
0x40: {  	v40 =	vadd.s32 v36, v38;
	v37 =	vshra.s32 v37, $0x4;
	[tilespmem:$0x260] =	vst v35  }
0x41: {  	v41 =	vshra.s32 v40, $0x4;
	[tilespmem:$0x220] =	vst v37  }
0x42: {  	[tilespmem:$0x230] =	vst v41  }
0x43: {  	[tilespmem:s30], [sflag:$0x2] =	stream.indirect.gather [hbm4b:s17+s24], $0x10, s29, s24, $0xb8;
	[tilespmem:$0x146C0] =	vst v63  }
0x44: {  	v43 =	vld [tilespmem:$0x240];
	_ =	sdelay $0x4  }
0x45: {  	v35 =	vadd.s32 v29, v43;
	_ =	sdelay $0x3  }
0x46: {  	v44 =	vld [tilespmem:$0x0]  }
0x47: {  	v35 =	vld.idx.msk [tilespmem:v35+s26+$0x0], $0xffff;
	_ =	sdelay $0x4  }
0x48: {  	(xrf1) =	vsort.dscd.msk.f32 $0xffff, v35, v44;
	_ =	sdelay $0x5  }
0x49: {  	v45 =	vld [tilespmem:$0x250];
	_ =	sdelay $0x4  }
0x4a: {  	v35 =	vadd.s32 v33, v45;
	_ =	sdelay $0x2  }
0x4b: {  	_, v36, _ =	vpop (xrf1)  }
0x4c: {  	v46 =	vld [tilespmem:$0x10];
	[tilespmem:$0x680] =	vst v36  }
0x4d: {  	v35 =	vld.idx.msk [tilespmem:v35+s26+$0x0], $0xffff;
	_ =	sdelay $0x4  }
0x4e: {  	(xrf1) =	vsort.dscd.msk.f32 $0xffff, v35, v46;
	_ =	sdelay $0xd  }
0x4f: {  	_, v35, _ =	vpop (xrf1)  }
0x50: {  	[tilespmem:$0x690] =	vst v35  }
0x51: {  	v35 =	vld.idx.msk [tilespmem:v34+s31+$0x0], $0xffff;
	_ =	sdelay $0x4  }
0x52: {  	[tilespmem:$0x6A0] =	vst v35  }
0x53: {  	[tilespmem:s1], [sflag:$0x3] =	stream.indirect.gather [hbm4b:s19+s18], $0x1000, s0, s18, $0xb8;
	[tilespmem:$0x146C0] =	vst v63  }
0x54: {  	_ =	swait.ge [sflag:s2], $0x200  }
0x55: {  	[sflag:s2] =	ssyncset.done $0x0  }
0x56: {  	[sflag:s2] =	ssyncadd.s32 $0xFFFFFE00  }
0x57: {  	v47 =	vld [tilespmem:$0x40]  }
0x58: {  	v48 =	vld [tilespmem:$0x50];
	_ =	sdelay $0x4  }
0x59: {  	vm14 =	vgt.s32 v3, v47;
	vm15 =	vgt.s32 v4, v48  }
0x5a: {  	v49 =	vsel vm14, v47, v3;
	v35 =	vsel vm14, v3, v47;
	v36 =	vsel vm15, v4, v48  }
0x5b: {  	v50 =	vsel vm15, v48, v4;
	v37 =	vshll.u32 v49, $0xA;
	v53 =	vand.u32 $0xF, v36  }
0x5c: {  	v38 =	vshll.u32 v50, $0xA;
	v37 =	vadd.s32 v35, v37;
	v35 =	vand.u32 $0xF, v35;
	[tilespmem:$0x250] =	vst v53  }
0x5d: {  	v51 =	vadd.s32 v36, v38;
	v37 =	vshra.s32 v37, $0x4;
	[tilespmem:$0x240] =	vst v35  }
0x5e: {  	v52 =	vshra.s32 v51, $0x4;
	[tilespmem:$0x200] =	vst v37  }
0x5f: {  	[tilespmem:$0x210] =	vst v52  }
0x60: {  	[tilespmem:s26], [sflag:$0x1] =	stream.indirect.gather [hbm4b:s17+s24], $0x10, s25, s24, $0xb8;
	[tilespmem:$0x146C0] =	vst v63  }
0x61: {  	v54 =	vld [tilespmem:$0x260];
	_ =	sdelay $0x4  }
0x62: {  	v35 =	vadd.s32 v29, v54;
	_ =	sdelay $0x3  }
0x63: {  	v55 =	vld [tilespmem:$0x20]  }
0x64: {  	v35 =	vld.idx.msk [tilespmem:v35+s30+$0x0], $0xffff;
	_ =	sdelay $0x4  }
0x65: {  	(xrf1) =	vsort.dscd.msk.f32 $0xffff, v35, v55;
	_ =	sdelay $0x5  }
0x66: {  	v56 =	vld [tilespmem:$0x270];
	_ =	sdelay $0x4  }
0x67: {  	v35 =	vadd.s32 v33, v56;
	_ =	sdelay $0x2  }
0x68: {  	_, v36, _ =	vpop (xrf1)  }
0x69: {  	v57 =	vld [tilespmem:$0x30];
	[tilespmem:$0x680] =	vst v36  }
0x6a: {  	v35 =	vld.idx.msk [tilespmem:v35+s30+$0x0], $0xffff;
	_ =	sdelay $0x4  }
0x6b: {  	(xrf1) =	vsort.dscd.msk.f32 $0xffff, v35, v57;
	_ =	sdelay $0xd  }
0x6c: {  	_, v35, _ =	vpop (xrf1)  }
0x6d: {  	[tilespmem:$0x690] =	vst v35  }
0x6e: {  	v35 =	vld.idx.msk [tilespmem:v34+s31+$0x0], $0xffff;
	_ =	sdelay $0x4  }
0x6f: {  	[tilespmem:$0x6B0] =	vst v35  }
0x70: {  	[tilespmem:s4], [sflag:$0x4] =	stream.indirect.gather [hbm4b:s19+s18], $0x1000, s3, s18, $0xb8;
	[tilespmem:$0x146C0] =	vst v63  }
0x71: {  	_ =	swait.ge [sflag:s5], $0x8000  }
0x72: {  	[sflag:s5] =	ssyncset.done $0x0  }
0x73: {  	s13 =	simm.s32 $0x0;
	[sflag:s5] =	ssyncadd.s32 $0xFFFF8000  }
0x74: {  	v58 =	vld [tilespmem:s13+$0x46C0]  }
0x75: {  	v59 =	vld [tilespmem:s13+$0x56C0]  }
0x76: {  	v60 =	vld [tilespmem:s13+$0x6C0]  }
0x77: {  	v61 =	vld [tilespmem:s13+$0x66C0]  }
0x78: {  	v39 =	vld [tilespmem:s13+$0x16C0]  }
0x79: {  	v40 =	vld [tilespmem:s13+$0x76C0]  }
0x7a: {  	v41 =	vld [tilespmem:s13+$0x26C0];
	v35 =	vadd.f32 v59, v58  }
0x7b: {  	s12 =	simm.s32 $0x10;
	v42 =	vld [tilespmem:s13+$0x36C0]  }
0x7c: {  	v43 =	vld [tilespmem:s12+$0x46C0];
	v36 =	vadd.f32 v61, v35  }
0x7d: {  	v44 =	vld [tilespmem:s12+$0x56C0];
	v37 =	vadd.f32 v39, v60  }
0x7e: {  	v45 =	vld [tilespmem:s12+$0x66C0];
	v36 =	vadd.f32 v40, v36  }
0x7f: {  	v38 =	vld [tilespmem:s12+$0x16C0];
	v37 =	vadd.f32 v41, v37  }
0x80: {  	v35 =	vld [tilespmem:s12+$0x6C0];
	v62 =	vmul.f32 $2.500000000e-01, v36  }
0x81: {  	v40 =	vld [tilespmem:s12+$0x76C0];
	v41 =	vadd.f32 v42, v37  }
0x82: {  	v63 =	vadd.f32 v44, v43;
	v36 =	vld [tilespmem:s12+$0x26C0];
	[tilespmem:s13+$0x116C0] =	vst v62  }
0x83: {  	s14 =	simm.s32 $0x20;
	v41 =	vmul.f32 $2.500000000e-01, v41;
	v37 =	vld [tilespmem:s12+$0x36C0]  }
0x84: {  	s15 =	simm.s32 $0xC0;
	v42 =	vadd.f32 v45, v63;
	v39 =	vld [tilespmem:s14+$0x46C0]  }
.LBB2_2:
0x85: {  	p0 =	sne.s32 s15, $0x3FC0;
	v43 =	vld [tilespmem:s14+$0x56C0];
	v38 =	vadd.f32 v38, v35;
	[tilespmem:s13+$0x106C0] =	vst v41;
	s13 =	smov.u32 s12;
	s12 =	smov.u32 s14  }
0x86: {  	v35 =	vld [tilespmem:s12+$0x6C0];
	v40 =	vadd.f32 v40, v42  }
0x87: {  	v42 =	vld [tilespmem:s12+$0x66C0];
	v36 =	vadd.f32 v36, v38  }
.Ltmp0:
0x88: {  	v38 =	vld [tilespmem:s12+$0x16C0];
	v41 =	vmul.f32 $2.500000000e-01, v40;
	(pc) =	sbr.rel @p0 .LBB2_2-.Ltmp0, $4  }
0x89: {  	v40 =	vld [tilespmem:s12+$0x76C0];
	v44 =	vadd.f32 v37, v36  }
0x8a: {  	v36 =	vld [tilespmem:s12+$0x26C0];
	v43 =	vadd.f32 v43, v39;
	[tilespmem:s13+$0x116C0] =	vst v41  }
0x8b: {  	s14 =	sshra.s32 s15, $0x2;
	v37 =	vld [tilespmem:s12+$0x36C0];
	v41 =	vmul.f32 $2.500000000e-01, v44  }
0x8c: {  	s15 =	sadd.s32 $0x40, s15;
	v39 =	vld [tilespmem:s14+$0x46C0];
	v42 =	vadd.f32 v42, v43  }
0x8d: {  	v43 =	vld [tilespmem:s14+$0x56C0];
	[tilespmem:s13+$0x106C0] =	vst v41  }
0x8e: {  	v41 =	vld [tilespmem:s14+$0x6C0];
	v40 =	vadd.f32 v40, v42  }
0x8f: {  	v44 =	vld [tilespmem:s14+$0x16C0]  }
0x90: {  	v59 =	vld [tilespmem:s14+$0x66C0];
	v40 =	vmul.f32 $2.500000000e-01, v40  }
0x91: {  	v46 =	vld [tilespmem:s14+$0x26C0]  }
0x92: {  	v35 =	vadd.f32 v38, v35;
	v45 =	vld [tilespmem:s14+$0x76C0];
	[tilespmem:s12+$0x116C0] =	vst v40  }
0x93: {  	v60 =	vadd.f32 v43, v39;
	v61 =	vld [tilespmem:s14+$0x36C0]  }
0x94: {  	v35 =	vadd.f32 v36, v35;
	v62 =	vadd.f32 v44, v41  }
0x95: {  	v38 =	vadd.f32 v59, v60  }
0x96: {  	v35 =	vadd.f32 v37, v35;
	v36 =	vadd.f32 v46, v62  }
0x97: {  	v63 =	vadd.f32 v45, v38  }
0x98: {  	v35 =	vmul.f32 $2.500000000e-01, v35;
	v36 =	vadd.f32 v61, v36  }
0x99: {  	v37 =	vmul.f32 $2.500000000e-01, v63  }
0x9a: {  	[tilespmem:s12+$0x106C0] =	vst v35;
	v39 =	vmul.f32 $2.500000000e-01, v36  }
0x9b: {  	[tilespmem:s14+$0x116C0] =	vst v37  }
0x9c: {  	s15 =	rddreg [dreg:$0x4];
	[tilespmem:s14+$0x106C0] =	vst v39;
	s14 =	simm.s32 $0x0  }
0x9d: {  	[hbm4b:s15+s14] =	stream.linear.scatter [tilespmem:s6], [sflag:$0x5], $0x2000, $0x38;
	[tilespmem:$0x146C0] =	vst v63  }
0x9e: {  	_ =	swait.ge [sflag:s28], $0x200  }
0x9f: {  	[sflag:s28] =	ssyncset.done $0x0  }
0xa0: {  	[sflag:s28] =	ssyncadd.s32 $0xFFFFFE00  }
0xa1: {  	v40 =	vld [tilespmem:$0x60]  }
0xa2: {  	v41 =	vld [tilespmem:$0x70];
	_ =	sdelay $0x4  }
0xa3: {  	vm0 =	vgt.s32 v5, v40;
	vm15 =	vgt.s32 v6, v41  }
0xa4: {  	v42 =	vsel vm0, v40, v5;
	v35 =	vsel vm0, v5, v40;
	v36 =	vsel vm15, v6, v41  }
0xa5: {  	v43 =	vsel vm15, v41, v6;
	v37 =	vshll.u32 v42, $0xA;
	v46 =	vand.u32 $0xF, v36  }
0xa6: {  	v38 =	vshll.u32 v43, $0xA;
	v37 =	vadd.s32 v35, v37;
	v35 =	vand.u32 $0xF, v35;
	[tilespmem:$0x270] =	vst v46  }
0xa7: {  	v44 =	vadd.s32 v36, v38;
	v37 =	vshra.s32 v37, $0x4;
	[tilespmem:$0x260] =	vst v35  }
0xa8: {  	v45 =	vshra.s32 v44, $0x4;
	[tilespmem:$0x220] =	vst v37  }
0xa9: {  	[tilespmem:$0x230] =	vst v45  }
0xaa: {  	[tilespmem:s30], [sflag:$0x2] =	stream.indirect.gather [hbm4b:s17+s24], $0x10, s29, s24, $0xb8;
	[tilespmem:$0x146C0] =	vst v63  }
0xab: {  	v47 =	vld [tilespmem:$0x240];
	_ =	sdelay $0x4  }
0xac: {  	v35 =	vadd.s32 v29, v47;
	_ =	sdelay $0x3  }
0xad: {  	v48 =	vld [tilespmem:$0x40]  }
0xae: {  	v35 =	vld.idx.msk [tilespmem:v35+s26+$0x0], $0xffff;
	_ =	sdelay $0x4  }
0xaf: {  	(xrf1) =	vsort.dscd.msk.f32 $0xffff, v35, v48;
	_ =	sdelay $0x5  }
0xb0: {  	v49 =	vld [tilespmem:$0x250];
	_ =	sdelay $0x4  }
0xb1: {  	v35 =	vadd.s32 v33, v49;
	_ =	sdelay $0x2  }
0xb2: {  	_, v36, _ =	vpop (xrf1)  }
0xb3: {  	v50 =	vld [tilespmem:$0x50];
	[tilespmem:$0x680] =	vst v36  }
0xb4: {  	v35 =	vld.idx.msk [tilespmem:v35+s26+$0x0], $0xffff;
	_ =	sdelay $0x4  }
0xb5: {  	(xrf1) =	vsort.dscd.msk.f32 $0xffff, v35, v50;
	_ =	sdelay $0xd  }
0xb6: {  	_, v35, _ =	vpop (xrf1)  }
0xb7: {  	[tilespmem:$0x690] =	vst v35  }
0xb8: {  	v35 =	vld.idx.msk [tilespmem:v34+s31+$0x0], $0xffff;
	_ =	sdelay $0x4  }
0xb9: {  	[tilespmem:$0x6A0] =	vst v35  }
0xba: {  	[tilespmem:s1], [sflag:$0x3] =	stream.indirect.gather [hbm4b:s19+s18], $0x1000, s0, s18, $0xb8;
	[tilespmem:$0x146C0] =	vst v63  }
0xbb: {  	_ =	swait.ge [sflag:s7], $0x8000  }
0xbc: {  	[sflag:s7] =	ssyncset.done $0x0  }
0xbd: {  	s13 =	simm.s32 $0x0;
	[sflag:s7] =	ssyncadd.s32 $0xFFFF8000  }
0xbe: {  	v51 =	vld [tilespmem:s13+$0xC6C0]  }
0xbf: {  	v52 =	vld [tilespmem:s13+$0xD6C0]  }
0xc0: {  	v53 =	vld [tilespmem:s13+$0x86C0]  }
0xc1: {  	v54 =	vld [tilespmem:s13+$0xE6C0]  }
0xc2: {  	v55 =	vld [tilespmem:s13+$0x96C0]  }
0xc3: {  	v56 =	vld [tilespmem:s13+$0xF6C0]  }
0xc4: {  	v57 =	vld [tilespmem:s13+$0xA6C0];
	v35 =	vadd.f32 v52, v51  }
0xc5: {  	s12 =	simm.s32 $0x10;
	v58 =	vld [tilespmem:s13+$0xB6C0]  }
0xc6: {  	v59 =	vld [tilespmem:s12+$0xC6C0];
	v36 =	vadd.f32 v54, v35  }
0xc7: {  	v60 =	vld [tilespmem:s12+$0xD6C0];
	v37 =	vadd.f32 v55, v53  }
0xc8: {  	v61 =	vld [tilespmem:s12+$0xE6C0];
	v36 =	vadd.f32 v56, v36  }
0xc9: {  	v38 =	vld [tilespmem:s12+$0x96C0];
	v37 =	vadd.f32 v57, v37  }
0xca: {  	v35 =	vld [tilespmem:s12+$0x86C0];
	v62 =	vmul.f32 $2.500000000e-01, v36  }
0xcb: {  	v40 =	vld [tilespmem:s12+$0xF6C0];
	v41 =	vadd.f32 v58, v37  }
0xcc: {  	v63 =	vadd.f32 v60, v59;
	v36 =	vld [tilespmem:s12+$0xA6C0];
	[tilespmem:s13+$0x136C0] =	vst v62  }
0xcd: {  	s14 =	simm.s32 $0x20;
	v41 =	vmul.f32 $2.500000000e-01, v41;
	v37 =	vld [tilespmem:s12+$0xB6C0]  }
0xce: {  	s15 =	simm.s32 $0xC0;
	v42 =	vadd.f32 v61, v63;
	v39 =	vld [tilespmem:s14+$0xC6C0]  }
.LBB2_4:
0xcf: {  	p0 =	sne.s32 s15, $0x3FC0;
	v43 =	vld [tilespmem:s14+$0xD6C0];
	v38 =	vadd.f32 v38, v35;
	[tilespmem:s13+$0x126C0] =	vst v41;
	s13 =	smov.u32 s12;
	s12 =	smov.u32 s14  }
0xd0: {  	v35 =	vld [tilespmem:s12+$0x86C0];
	v40 =	vadd.f32 v40, v42  }
0xd1: {  	v42 =	vld [tilespmem:s12+$0xE6C0];
	v36 =	vadd.f32 v36, v38  }
.Ltmp1:
0xd2: {  	v38 =	vld [tilespmem:s12+$0x96C0];
	v41 =	vmul.f32 $2.500000000e-01, v40;
	(pc) =	sbr.rel @p0 .LBB2_4-.Ltmp1, $4  }
0xd3: {  	v40 =	vld [tilespmem:s12+$0xF6C0];
	v44 =	vadd.f32 v37, v36  }
0xd4: {  	v36 =	vld [tilespmem:s12+$0xA6C0];
	v43 =	vadd.f32 v43, v39;
	[tilespmem:s13+$0x136C0] =	vst v41  }
0xd5: {  	s14 =	sshra.s32 s15, $0x2;
	v37 =	vld [tilespmem:s12+$0xB6C0];
	v41 =	vmul.f32 $2.500000000e-01, v44  }
0xd6: {  	s15 =	sadd.s32 $0x40, s15;
	v39 =	vld [tilespmem:s14+$0xC6C0];
	v42 =	vadd.f32 v42, v43  }
0xd7: {  	v43 =	vld [tilespmem:s14+$0xD6C0];
	[tilespmem:s13+$0x126C0] =	vst v41  }
0xd8: {  	v41 =	vld [tilespmem:s14+$0x86C0];
	v40 =	vadd.f32 v40, v42  }
0xd9: {  	v44 =	vld [tilespmem:s14+$0x96C0]  }
0xda: {  	v59 =	vld [tilespmem:s14+$0xE6C0];
	v40 =	vmul.f32 $2.500000000e-01, v40  }
0xdb: {  	v46 =	vld [tilespmem:s14+$0xA6C0]  }
0xdc: {  	v35 =	vadd.f32 v38, v35;
	v45 =	vld [tilespmem:s14+$0xF6C0];
	[tilespmem:s12+$0x136C0] =	vst v40  }
0xdd: {  	v60 =	vadd.f32 v43, v39;
	v61 =	vld [tilespmem:s14+$0xB6C0]  }
0xde: {  	v35 =	vadd.f32 v36, v35;
	v62 =	vadd.f32 v44, v41  }
0xdf: {  	v38 =	vadd.f32 v59, v60  }
0xe0: {  	v35 =	vadd.f32 v37, v35;
	v36 =	vadd.f32 v46, v62  }
0xe1: {  	v63 =	vadd.f32 v45, v38  }
0xe2: {  	v35 =	vmul.f32 $2.500000000e-01, v35;
	v36 =	vadd.f32 v61, v36  }
0xe3: {  	v37 =	vmul.f32 $2.500000000e-01, v63  }
0xe4: {  	[tilespmem:s12+$0x126C0] =	vst v35;
	v39 =	vmul.f32 $2.500000000e-01, v36  }
0xe5: {  	[tilespmem:s14+$0x136C0] =	vst v37  }
0xe6: {  	s15 =	rddreg [dreg:$0x5];
	[tilespmem:s14+$0x126C0] =	vst v39;
	s14 =	simm.s32 $0x0  }
0xe7: {  	[hbm4b:s15+s14] =	stream.linear.scatter [tilespmem:s8], [sflag:$0x6], $0x2000, $0x38;
	[tilespmem:$0x146C0] =	vst v63  }
0xe8: {  	_ =	swait.ge [sflag:s2], $0x200  }
0xe9: {  	[sflag:s2] =	ssyncset.done $0x0  }
0xea: {  	[sflag:s2] =	ssyncadd.s32 $0xFFFFFE00  }
0xeb: {  	v40 =	vld [tilespmem:$0x80]  }
0xec: {  	v41 =	vld [tilespmem:$0x90];
	_ =	sdelay $0x4  }
0xed: {  	vm0 =	vgt.s32 v7, v40;
	vm15 =	vgt.s32 v8, v41  }
0xee: {  	v42 =	vsel vm0, v40, v7;
	v35 =	vsel vm0, v7, v40;
	v36 =	vsel vm15, v8, v41  }
0xef: {  	v43 =	vsel vm15, v41, v8;
	v37 =	vshll.u32 v42, $0xA;
	v46 =	vand.u32 $0xF, v36  }
0xf0: {  	v38 =	vshll.u32 v43, $0xA;
	v37 =	vadd.s32 v35, v37;
	v35 =	vand.u32 $0xF, v35;
	[tilespmem:$0x250] =	vst v46  }
0xf1: {  	v44 =	vadd.s32 v36, v38;
	v37 =	vshra.s32 v37, $0x4;
	[tilespmem:$0x240] =	vst v35  }
0xf2: {  	v45 =	vshra.s32 v44, $0x4;
	[tilespmem:$0x200] =	vst v37  }
0xf3: {  	[tilespmem:$0x210] =	vst v45  }
0xf4: {  	[tilespmem:s26], [sflag:$0x1] =	stream.indirect.gather [hbm4b:s17+s24], $0x10, s25, s24, $0xb8;
	[tilespmem:$0x146C0] =	vst v63  }
0xf5: {  	v47 =	vld [tilespmem:$0x260];
	_ =	sdelay $0x4  }
0xf6: {  	v35 =	vadd.s32 v29, v47;
	_ =	sdelay $0x3  }
0xf7: {  	v48 =	vld [tilespmem:$0x60]  }
0xf8: {  	v35 =	vld.idx.msk [tilespmem:v35+s30+$0x0], $0xffff;
	_ =	sdelay $0x4  }
0xf9: {  	(xrf1) =	vsort.dscd.msk.f32 $0xffff, v35, v48;
	_ =	sdelay $0x5  }
0xfa: {  	v49 =	vld [tilespmem:$0x270];
	_ =	sdelay $0x4  }
0xfb: {  	v35 =	vadd.s32 v33, v49;
	_ =	sdelay $0x2  }
0xfc: {  	_, v36, _ =	vpop (xrf1)  }
0xfd: {  	v50 =	vld [tilespmem:$0x70];
	[tilespmem:$0x680] =	vst v36  }
0xfe: {  	v35 =	vld.idx.msk [tilespmem:v35+s30+$0x0], $0xffff;
	_ =	sdelay $0x4  }
0xff: {  	(xrf1) =	vsort.dscd.msk.f32 $0xffff, v35, v50;
	_ =	sdelay $0xd  }
0x100: {  	_, v35, _ =	vpop (xrf1)  }
0x101: {  	[tilespmem:$0x690] =	vst v35  }
0x102: {  	v35 =	vld.idx.msk [tilespmem:v34+s31+$0x0], $0xffff;
	_ =	sdelay $0x4  }
0x103: {  	[tilespmem:$0x6B0] =	vst v35  }
0x104: {  	[tilespmem:s4], [sflag:$0x4] =	stream.indirect.gather [hbm4b:s19+s18], $0x1000, s3, s18, $0xb8;
	[tilespmem:$0x146C0] =	vst v63  }
0x105: {  	_ =	swait.ge [sflag:s5], $0x8000  }
0x106: {  	[sflag:s5] =	ssyncset.done $0x0  }
0x107: {  	[sflag:s5] =	ssyncadd.s32 $0xFFFF8000  }
0x108: {  	_ =	swait.ge [sflag:s9], $0x2000  }
0x109: {  	[sflag:s9] =	ssyncset.done $0x0  }
0x10a: {  	s13 =	simm.s32 $0x0;
	[sflag:s9] =	ssyncadd.s32 $0xFFFFE000  }
0x10b: {  	v51 =	vld [tilespmem:s13+$0x46C0]  }
0x10c: {  	v52 =	vld [tilespmem:s13+$0x56C0]  }
0x10d: {  	v53 =	vld [tilespmem:s13+$0x6C0]  }
0x10e: {  	v54 =	vld [tilespmem:s13+$0x66C0]  }
0x10f: {  	v55 =	vld [tilespmem:s13+$0x16C0]  }
0x110: {  	v56 =	vld [tilespmem:s13+$0x76C0]  }
0x111: {  	v57 =	vld [tilespmem:s13+$0x26C0];
	v35 =	vadd.f32 v52, v51  }
0x112: {  	s12 =	simm.s32 $0x10;
	v58 =	vld [tilespmem:s13+$0x36C0]  }
0x113: {  	v59 =	vld [tilespmem:s12+$0x46C0];
	v36 =	vadd.f32 v54, v35  }
0x114: {  	v60 =	vld [tilespmem:s12+$0x56C0];
	v37 =	vadd.f32 v55, v53  }
0x115: {  	v61 =	vld [tilespmem:s12+$0x66C0];
	v36 =	vadd.f32 v56, v36  }
0x116: {  	v38 =	vld [tilespmem:s12+$0x16C0];
	v37 =	vadd.f32 v57, v37  }
0x117: {  	v35 =	vld [tilespmem:s12+$0x6C0];
	v62 =	vmul.f32 $2.500000000e-01, v36  }
0x118: {  	v40 =	vld [tilespmem:s12+$0x76C0];
	v41 =	vadd.f32 v58, v37  }
0x119: {  	v63 =	vadd.f32 v60, v59;
	v36 =	vld [tilespmem:s12+$0x26C0];
	[tilespmem:s13+$0x116C0] =	vst v62  }
0x11a: {  	s14 =	simm.s32 $0x20;
	v41 =	vmul.f32 $2.500000000e-01, v41;
	v37 =	vld [tilespmem:s12+$0x36C0]  }
0x11b: {  	s15 =	simm.s32 $0xC0;
	v42 =	vadd.f32 v61, v63;
	v39 =	vld [tilespmem:s14+$0x46C0]  }
.LBB2_6:
0x11c: {  	p0 =	sne.s32 s15, $0x3FC0;
	v43 =	vld [tilespmem:s14+$0x56C0];
	v38 =	vadd.f32 v38, v35;
	[tilespmem:s13+$0x106C0] =	vst v41;
	s13 =	smov.u32 s12;
	s12 =	smov.u32 s14  }
0x11d: {  	v35 =	vld [tilespmem:s12+$0x6C0];
	v40 =	vadd.f32 v40, v42  }
0x11e: {  	v42 =	vld [tilespmem:s12+$0x66C0];
	v36 =	vadd.f32 v36, v38  }
.Ltmp2:
0x11f: {  	v38 =	vld [tilespmem:s12+$0x16C0];
	v41 =	vmul.f32 $2.500000000e-01, v40;
	(pc) =	sbr.rel @p0 .LBB2_6-.Ltmp2, $4  }
0x120: {  	v40 =	vld [tilespmem:s12+$0x76C0];
	v44 =	vadd.f32 v37, v36  }
0x121: {  	v36 =	vld [tilespmem:s12+$0x26C0];
	v43 =	vadd.f32 v43, v39;
	[tilespmem:s13+$0x116C0] =	vst v41  }
0x122: {  	s14 =	sshra.s32 s15, $0x2;
	v37 =	vld [tilespmem:s12+$0x36C0];
	v41 =	vmul.f32 $2.500000000e-01, v44  }
0x123: {  	s15 =	sadd.s32 $0x40, s15;
	v39 =	vld [tilespmem:s14+$0x46C0];
	v42 =	vadd.f32 v42, v43  }
0x124: {  	v43 =	vld [tilespmem:s14+$0x56C0];
	[tilespmem:s13+$0x106C0] =	vst v41  }
0x125: {  	v41 =	vld [tilespmem:s14+$0x6C0];
	v40 =	vadd.f32 v40, v42  }
0x126: {  	v44 =	vld [tilespmem:s14+$0x16C0]  }
0x127: {  	v59 =	vld [tilespmem:s14+$0x66C0];
	v40 =	vmul.f32 $2.500000000e-01, v40  }
0x128: {  	v46 =	vld [tilespmem:s14+$0x26C0]  }
0x129: {  	v35 =	vadd.f32 v38, v35;
	v45 =	vld [tilespmem:s14+$0x76C0];
	[tilespmem:s12+$0x116C0] =	vst v40  }
0x12a: {  	v60 =	vadd.f32 v43, v39;
	v61 =	vld [tilespmem:s14+$0x36C0]  }
0x12b: {  	v35 =	vadd.f32 v36, v35;
	v62 =	vadd.f32 v44, v41  }
0x12c: {  	v38 =	vadd.f32 v59, v60  }
0x12d: {  	v35 =	vadd.f32 v37, v35;
	v36 =	vadd.f32 v46, v62  }
0x12e: {  	v63 =	vadd.f32 v45, v38  }
0x12f: {  	v35 =	vmul.f32 $2.500000000e-01, v35;
	v36 =	vadd.f32 v61, v36  }
0x130: {  	v37 =	vmul.f32 $2.500000000e-01, v63  }
0x131: {  	[tilespmem:s12+$0x106C0] =	vst v35;
	v39 =	vmul.f32 $2.500000000e-01, v36  }
0x132: {  	[tilespmem:s14+$0x116C0] =	vst v37  }
0x133: {  	s15 =	rddreg [dreg:$0x6];
	[tilespmem:s14+$0x106C0] =	vst v39;
	s14 =	simm.s32 $0x0  }
0x134: {  	[hbm4b:s15+s14] =	stream.linear.scatter [tilespmem:s6], [sflag:$0x5], $0x2000, $0x38;
	[tilespmem:$0x146C0] =	vst v63  }
0x135: {  	_ =	swait.ge [sflag:s28], $0x200  }
0x136: {  	[sflag:s28] =	ssyncset.done $0x0  }
0x137: {  	[sflag:s28] =	ssyncadd.s32 $0xFFFFFE00  }
0x138: {  	v40 =	vld [tilespmem:$0xA0]  }
0x139: {  	v41 =	vld [tilespmem:$0xB0];
	_ =	sdelay $0x4  }
0x13a: {  	vm0 =	vgt.s32 v9, v40;
	vm15 =	vgt.s32 v10, v41  }
0x13b: {  	v42 =	vsel vm0, v40, v9;
	v35 =	vsel vm0, v9, v40;
	v36 =	vsel vm15, v10, v41  }
0x13c: {  	v43 =	vsel vm15, v41, v10;
	v37 =	vshll.u32 v42, $0xA;
	v46 =	vand.u32 $0xF, v36  }
0x13d: {  	v38 =	vshll.u32 v43, $0xA;
	v37 =	vadd.s32 v35, v37;
	v35 =	vand.u32 $0xF, v35;
	[tilespmem:$0x270] =	vst v46  }
0x13e: {  	v44 =	vadd.s32 v36, v38;
	v37 =	vshra.s32 v37, $0x4;
	[tilespmem:$0x260] =	vst v35  }
0x13f: {  	v45 =	vshra.s32 v44, $0x4;
	[tilespmem:$0x220] =	vst v37  }
0x140: {  	[tilespmem:$0x230] =	vst v45  }
0x141: {  	[tilespmem:s30], [sflag:$0x2] =	stream.indirect.gather [hbm4b:s17+s24], $0x10, s29, s24, $0xb8;
	[tilespmem:$0x146C0] =	vst v63  }
0x142: {  	v47 =	vld [tilespmem:$0x240];
	_ =	sdelay $0x4  }
0x143: {  	v35 =	vadd.s32 v29, v47;
	_ =	sdelay $0x3  }
0x144: {  	v48 =	vld [tilespmem:$0x80]  }
0x145: {  	v35 =	vld.idx.msk [tilespmem:v35+s26+$0x0], $0xffff;
	_ =	sdelay $0x4  }
0x146: {  	(xrf1) =	vsort.dscd.msk.f32 $0xffff, v35, v48;
	_ =	sdelay $0x5  }
0x147: {  	v49 =	vld [tilespmem:$0x250];
	_ =	sdelay $0x4  }
0x148: {  	v35 =	vadd.s32 v33, v49;
	_ =	sdelay $0x2  }
0x149: {  	_, v36, _ =	vpop (xrf1)  }
0x14a: {  	v50 =	vld [tilespmem:$0x90];
	[tilespmem:$0x680] =	vst v36  }
0x14b: {  	v35 =	vld.idx.msk [tilespmem:v35+s26+$0x0], $0xffff;
	_ =	sdelay $0x4  }
0x14c: {  	(xrf1) =	vsort.dscd.msk.f32 $0xffff, v35, v50;
	_ =	sdelay $0xd  }
0x14d: {  	_, v35, _ =	vpop (xrf1)  }
0x14e: {  	[tilespmem:$0x690] =	vst v35  }
0x14f: {  	v35 =	vld.idx.msk [tilespmem:v34+s31+$0x0], $0xffff;
	_ =	sdelay $0x4  }
0x150: {  	[tilespmem:$0x6A0] =	vst v35  }
0x151: {  	[tilespmem:s1], [sflag:$0x3] =	stream.indirect.gather [hbm4b:s19+s18], $0x1000, s0, s18, $0xb8;
	[tilespmem:$0x146C0] =	vst v63  }
0x152: {  	_ =	swait.ge [sflag:s7], $0x8000  }
0x153: {  	[sflag:s7] =	ssyncset.done $0x0  }
0x154: {  	[sflag:s7] =	ssyncadd.s32 $0xFFFF8000  }
0x155: {  	_ =	swait.ge [sflag:s10], $0x2000  }
0x156: {  	[sflag:s10] =	ssyncset.done $0x0  }
0x157: {  	s13 =	simm.s32 $0x0;
	[sflag:s10] =	ssyncadd.s32 $0xFFFFE000  }
0x158: {  	v51 =	vld [tilespmem:s13+$0xC6C0]  }
0x159: {  	v52 =	vld [tilespmem:s13+$0xD6C0]  }
0x15a: {  	v53 =	vld [tilespmem:s13+$0x86C0]  }
0x15b: {  	v54 =	vld [tilespmem:s13+$0xE6C0]  }
0x15c: {  	v55 =	vld [tilespmem:s13+$0x96C0]  }
0x15d: {  	v56 =	vld [tilespmem:s13+$0xF6C0]  }
0x15e: {  	v57 =	vld [tilespmem:s13+$0xA6C0];
	v35 =	vadd.f32 v52, v51  }
0x15f: {  	s12 =	simm.s32 $0x10;
	v58 =	vld [tilespmem:s13+$0xB6C0]  }
0x160: {  	v59 =	vld [tilespmem:s12+$0xC6C0];
	v36 =	vadd.f32 v54, v35  }
0x161: {  	v60 =	vld [tilespmem:s12+$0xD6C0];
	v37 =	vadd.f32 v55, v53  }
0x162: {  	v61 =	vld [tilespmem:s12+$0xE6C0];
	v36 =	vadd.f32 v56, v36  }
0x163: {  	v38 =	vld [tilespmem:s12+$0x96C0];
	v37 =	vadd.f32 v57, v37  }
0x164: {  	v35 =	vld [tilespmem:s12+$0x86C0];
	v62 =	vmul.f32 $2.500000000e-01, v36  }
0x165: {  	v40 =	vld [tilespmem:s12+$0xF6C0];
	v41 =	vadd.f32 v58, v37  }
0x166: {  	v63 =	vadd.f32 v60, v59;
	v36 =	vld [tilespmem:s12+$0xA6C0];
	[tilespmem:s13+$0x136C0] =	vst v62  }
0x167: {  	s14 =	simm.s32 $0x20;
	v41 =	vmul.f32 $2.500000000e-01, v41;
	v37 =	vld [tilespmem:s12+$0xB6C0]  }
0x168: {  	s15 =	simm.s32 $0xC0;
	v42 =	vadd.f32 v61, v63;
	v39 =	vld [tilespmem:s14+$0xC6C0]  }
.LBB2_8:
0x169: {  	p0 =	sne.s32 s15, $0x3FC0;
	v43 =	vld [tilespmem:s14+$0xD6C0];
	v38 =	vadd.f32 v38, v35;
	[tilespmem:s13+$0x126C0] =	vst v41;
	s13 =	smov.u32 s12;
	s12 =	smov.u32 s14  }
0x16a: {  	v35 =	vld [tilespmem:s12+$0x86C0];
	v40 =	vadd.f32 v40, v42  }
0x16b: {  	v42 =	vld [tilespmem:s12+$0xE6C0];
	v36 =	vadd.f32 v36, v38  }
.Ltmp3:
0x16c: {  	v38 =	vld [tilespmem:s12+$0x96C0];
	v41 =	vmul.f32 $2.500000000e-01, v40;
	(pc) =	sbr.rel @p0 .LBB2_8-.Ltmp3, $4  }
0x16d: {  	v40 =	vld [tilespmem:s12+$0xF6C0];
	v44 =	vadd.f32 v37, v36  }
0x16e: {  	v36 =	vld [tilespmem:s12+$0xA6C0];
	v43 =	vadd.f32 v43, v39;
	[tilespmem:s13+$0x136C0] =	vst v41  }
0x16f: {  	s14 =	sshra.s32 s15, $0x2;
	v37 =	vld [tilespmem:s12+$0xB6C0];
	v41 =	vmul.f32 $2.500000000e-01, v44  }
0x170: {  	s15 =	sadd.s32 $0x40, s15;
	v39 =	vld [tilespmem:s14+$0xC6C0];
	v42 =	vadd.f32 v42, v43  }
0x171: {  	v43 =	vld [tilespmem:s14+$0xD6C0];
	[tilespmem:s13+$0x126C0] =	vst v41  }
0x172: {  	v41 =	vld [tilespmem:s14+$0x86C0];
	v40 =	vadd.f32 v40, v42  }
0x173: {  	v44 =	vld [tilespmem:s14+$0x96C0]  }
0x174: {  	v59 =	vld [tilespmem:s14+$0xE6C0];
	v40 =	vmul.f32 $2.500000000e-01, v40  }
0x175: {  	v46 =	vld [tilespmem:s14+$0xA6C0]  }
0x176: {  	v35 =	vadd.f32 v38, v35;
	v45 =	vld [tilespmem:s14+$0xF6C0];
	[tilespmem:s12+$0x136C0] =	vst v40  }
0x177: {  	v60 =	vadd.f32 v43, v39;
	v61 =	vld [tilespmem:s14+$0xB6C0]  }
0x178: {  	v35 =	vadd.f32 v36, v35;
	v62 =	vadd.f32 v44, v41  }
0x179: {  	v38 =	vadd.f32 v59, v60  }
0x17a: {  	v35 =	vadd.f32 v37, v35;
	v36 =	vadd.f32 v46, v62  }
0x17b: {  	v63 =	vadd.f32 v45, v38  }
0x17c: {  	v35 =	vmul.f32 $2.500000000e-01, v35;
	v36 =	vadd.f32 v61, v36  }
0x17d: {  	v37 =	vmul.f32 $2.500000000e-01, v63  }
0x17e: {  	[tilespmem:s12+$0x126C0] =	vst v35;
	v39 =	vmul.f32 $2.500000000e-01, v36  }
0x17f: {  	[tilespmem:s14+$0x136C0] =	vst v37  }
0x180: {  	s15 =	rddreg [dreg:$0x7];
	[tilespmem:s14+$0x126C0] =	vst v39;
	s14 =	simm.s32 $0x0  }
0x181: {  	[hbm4b:s15+s14] =	stream.linear.scatter [tilespmem:s8], [sflag:$0x6], $0x2000, $0x38;
	[tilespmem:$0x146C0] =	vst v63  }
0x182: {  	_ =	swait.ge [sflag:s2], $0x200  }
0x183: {  	[sflag:s2] =	ssyncset.done $0x0  }
0x184: {  	[sflag:s2] =	ssyncadd.s32 $0xFFFFFE00  }
0x185: {  	v40 =	vld [tilespmem:$0xC0]  }
0x186: {  	v41 =	vld [tilespmem:$0xD0];
	_ =	sdelay $0x4  }
0x187: {  	vm0 =	vgt.s32 v11, v40;
	vm15 =	vgt.s32 v12, v41  }
0x188: {  	v42 =	vsel vm0, v40, v11;
	v35 =	vsel vm0, v11, v40;
	v36 =	vsel vm15, v12, v41  }
0x189: {  	v43 =	vsel vm15, v41, v12;
	v37 =	vshll.u32 v42, $0xA;
	v46 =	vand.u32 $0xF, v36  }
0x18a: {  	v38 =	vshll.u32 v43, $0xA;
	v37 =	vadd.s32 v35, v37;
	v35 =	vand.u32 $0xF, v35;
	[tilespmem:$0x250] =	vst v46  }
0x18b: {  	v44 =	vadd.s32 v36, v38;
	v37 =	vshra.s32 v37, $0x4;
	[tilespmem:$0x240] =	vst v35  }
0x18c: {  	v45 =	vshra.s32 v44, $0x4;
	[tilespmem:$0x200] =	vst v37  }
0x18d: {  	[tilespmem:$0x210] =	vst v45  }
0x18e: {  	[tilespmem:s26], [sflag:$0x1] =	stream.indirect.gather [hbm4b:s17+s24], $0x10, s25, s24, $0xb8;
	[tilespmem:$0x146C0] =	vst v63  }
0x18f: {  	v47 =	vld [tilespmem:$0x260];
	_ =	sdelay $0x4  }
0x190: {  	v35 =	vadd.s32 v29, v47;
	_ =	sdelay $0x3  }
0x191: {  	v48 =	vld [tilespmem:$0xA0]  }
0x192: {  	v35 =	vld.idx.msk [tilespmem:v35+s30+$0x0], $0xffff;
	_ =	sdelay $0x4  }
0x193: {  	(xrf1) =	vsort.dscd.msk.f32 $0xffff, v35, v48;
	_ =	sdelay $0x5  }
0x194: {  	v49 =	vld [tilespmem:$0x270];
	_ =	sdelay $0x4  }
0x195: {  	v35 =	vadd.s32 v33, v49;
	_ =	sdelay $0x2  }
0x196: {  	_, v36, _ =	vpop (xrf1)  }
0x197: {  	v50 =	vld [tilespmem:$0xB0];
	[tilespmem:$0x680] =	vst v36  }
0x198: {  	v35 =	vld.idx.msk [tilespmem:v35+s30+$0x0], $0xffff;
	_ =	sdelay $0x4  }
0x199: {  	(xrf1) =	vsort.dscd.msk.f32 $0xffff, v35, v50;
	_ =	sdelay $0xd  }
0x19a: {  	_, v35, _ =	vpop (xrf1)  }
0x19b: {  	[tilespmem:$0x690] =	vst v35  }
0x19c: {  	v35 =	vld.idx.msk [tilespmem:v34+s31+$0x0], $0xffff;
	_ =	sdelay $0x4  }
0x19d: {  	[tilespmem:$0x6B0] =	vst v35  }
0x19e: {  	[tilespmem:s4], [sflag:$0x4] =	stream.indirect.gather [hbm4b:s19+s18], $0x1000, s3, s18, $0xb8;
	[tilespmem:$0x146C0] =	vst v63  }
0x19f: {  	_ =	swait.ge [sflag:s5], $0x8000  }
0x1a0: {  	[sflag:s5] =	ssyncset.done $0x0  }
0x1a1: {  	[sflag:s5] =	ssyncadd.s32 $0xFFFF8000  }
0x1a2: {  	_ =	swait.ge [sflag:s9], $0x2000  }
0x1a3: {  	[sflag:s9] =	ssyncset.done $0x0  }
0x1a4: {  	s13 =	simm.s32 $0x0;
	[sflag:s9] =	ssyncadd.s32 $0xFFFFE000  }
0x1a5: {  	v51 =	vld [tilespmem:s13+$0x46C0]  }
0x1a6: {  	v52 =	vld [tilespmem:s13+$0x56C0]  }
0x1a7: {  	v53 =	vld [tilespmem:s13+$0x6C0]  }
0x1a8: {  	v54 =	vld [tilespmem:s13+$0x66C0]  }
0x1a9: {  	v55 =	vld [tilespmem:s13+$0x16C0]  }
0x1aa: {  	v56 =	vld [tilespmem:s13+$0x76C0]  }
0x1ab: {  	v57 =	vld [tilespmem:s13+$0x26C0];
	v35 =	vadd.f32 v52, v51  }
0x1ac: {  	s12 =	simm.s32 $0x10;
	v58 =	vld [tilespmem:s13+$0x36C0]  }
0x1ad: {  	v59 =	vld [tilespmem:s12+$0x46C0];
	v36 =	vadd.f32 v54, v35  }
0x1ae: {  	v60 =	vld [tilespmem:s12+$0x56C0];
	v37 =	vadd.f32 v55, v53  }
0x1af: {  	v61 =	vld [tilespmem:s12+$0x66C0];
	v36 =	vadd.f32 v56, v36  }
0x1b0: {  	v38 =	vld [tilespmem:s12+$0x16C0];
	v37 =	vadd.f32 v57, v37  }
0x1b1: {  	v35 =	vld [tilespmem:s12+$0x6C0];
	v62 =	vmul.f32 $2.500000000e-01, v36  }
0x1b2: {  	v40 =	vld [tilespmem:s12+$0x76C0];
	v41 =	vadd.f32 v58, v37  }
0x1b3: {  	v63 =	vadd.f32 v60, v59;
	v36 =	vld [tilespmem:s12+$0x26C0];
	[tilespmem:s13+$0x116C0] =	vst v62  }
0x1b4: {  	s14 =	simm.s32 $0x20;
	v41 =	vmul.f32 $2.500000000e-01, v41;
	v37 =	vld [tilespmem:s12+$0x36C0]  }
0x1b5: {  	s15 =	simm.s32 $0xC0;
	v42 =	vadd.f32 v61, v63;
	v39 =	vld [tilespmem:s14+$0x46C0]  }
.LBB2_10:
0x1b6: {  	p0 =	sne.s32 s15, $0x3FC0;
	v43 =	vld [tilespmem:s14+$0x56C0];
	v38 =	vadd.f32 v38, v35;
	[tilespmem:s13+$0x106C0] =	vst v41;
	s13 =	smov.u32 s12;
	s12 =	smov.u32 s14  }
0x1b7: {  	v35 =	vld [tilespmem:s12+$0x6C0];
	v40 =	vadd.f32 v40, v42  }
0x1b8: {  	v42 =	vld [tilespmem:s12+$0x66C0];
	v36 =	vadd.f32 v36, v38  }
.Ltmp4:
0x1b9: {  	v38 =	vld [tilespmem:s12+$0x16C0];
	v41 =	vmul.f32 $2.500000000e-01, v40;
	(pc) =	sbr.rel @p0 .LBB2_10-.Ltmp4, $4  }
0x1ba: {  	v40 =	vld [tilespmem:s12+$0x76C0];
	v44 =	vadd.f32 v37, v36  }
0x1bb: {  	v36 =	vld [tilespmem:s12+$0x26C0];
	v43 =	vadd.f32 v43, v39;
	[tilespmem:s13+$0x116C0] =	vst v41  }
0x1bc: {  	s14 =	sshra.s32 s15, $0x2;
	v37 =	vld [tilespmem:s12+$0x36C0];
	v41 =	vmul.f32 $2.500000000e-01, v44  }
0x1bd: {  	s15 =	sadd.s32 $0x40, s15;
	v39 =	vld [tilespmem:s14+$0x46C0];
	v42 =	vadd.f32 v42, v43  }
0x1be: {  	v43 =	vld [tilespmem:s14+$0x56C0];
	[tilespmem:s13+$0x106C0] =	vst v41  }
0x1bf: {  	v41 =	vld [tilespmem:s14+$0x6C0];
	v40 =	vadd.f32 v40, v42  }
0x1c0: {  	v44 =	vld [tilespmem:s14+$0x16C0]  }
0x1c1: {  	v59 =	vld [tilespmem:s14+$0x66C0];
	v40 =	vmul.f32 $2.500000000e-01, v40  }
0x1c2: {  	v46 =	vld [tilespmem:s14+$0x26C0]  }
0x1c3: {  	v35 =	vadd.f32 v38, v35;
	v45 =	vld [tilespmem:s14+$0x76C0];
	[tilespmem:s12+$0x116C0] =	vst v40  }
0x1c4: {  	v60 =	vadd.f32 v43, v39;
	v61 =	vld [tilespmem:s14+$0x36C0]  }
0x1c5: {  	v35 =	vadd.f32 v36, v35;
	v62 =	vadd.f32 v44, v41  }
0x1c6: {  	v38 =	vadd.f32 v59, v60  }
0x1c7: {  	v35 =	vadd.f32 v37, v35;
	v36 =	vadd.f32 v46, v62  }
0x1c8: {  	v63 =	vadd.f32 v45, v38  }
0x1c9: {  	v35 =	vmul.f32 $2.500000000e-01, v35;
	v36 =	vadd.f32 v61, v36  }
0x1ca: {  	v37 =	vmul.f32 $2.500000000e-01, v63  }
0x1cb: {  	[tilespmem:s12+$0x106C0] =	vst v35;
	v39 =	vmul.f32 $2.500000000e-01, v36  }
0x1cc: {  	[tilespmem:s14+$0x116C0] =	vst v37  }
0x1cd: {  	s15 =	rddreg [dreg:$0x8];
	[tilespmem:s14+$0x106C0] =	vst v39;
	s14 =	simm.s32 $0x0  }
0x1ce: {  	[hbm4b:s15+s14] =	stream.linear.scatter [tilespmem:s6], [sflag:$0x5], $0x2000, $0x38;
	[tilespmem:$0x146C0] =	vst v63  }
0x1cf: {  	_ =	swait.ge [sflag:s28], $0x200  }
0x1d0: {  	[sflag:s28] =	ssyncset.done $0x0  }
0x1d1: {  	[sflag:s28] =	ssyncadd.s32 $0xFFFFFE00  }
0x1d2: {  	v40 =	vld [tilespmem:$0xE0]  }
0x1d3: {  	v41 =	vld [tilespmem:$0xF0];
	_ =	sdelay $0x4  }
0x1d4: {  	vm0 =	vgt.s32 v13, v40;
	vm15 =	vgt.s32 v14, v41  }
0x1d5: {  	v42 =	vsel vm0, v40, v13;
	v35 =	vsel vm0, v13, v40;
	v36 =	vsel vm15, v14, v41  }
0x1d6: {  	v43 =	vsel vm15, v41, v14;
	v37 =	vshll.u32 v42, $0xA;
	v46 =	vand.u32 $0xF, v36  }
0x1d7: {  	v38 =	vshll.u32 v43, $0xA;
	v37 =	vadd.s32 v35, v37;
	v35 =	vand.u32 $0xF, v35;
	[tilespmem:$0x270] =	vst v46  }
0x1d8: {  	v44 =	vadd.s32 v36, v38;
	v37 =	vshra.s32 v37, $0x4;
	[tilespmem:$0x260] =	vst v35  }
0x1d9: {  	v45 =	vshra.s32 v44, $0x4;
	[tilespmem:$0x220] =	vst v37  }
0x1da: {  	[tilespmem:$0x230] =	vst v45  }
0x1db: {  	[tilespmem:s30], [sflag:$0x2] =	stream.indirect.gather [hbm4b:s17+s24], $0x10, s29, s24, $0xb8;
	[tilespmem:$0x146C0] =	vst v63  }
0x1dc: {  	v47 =	vld [tilespmem:$0x240];
	_ =	sdelay $0x4  }
0x1dd: {  	v35 =	vadd.s32 v29, v47;
	_ =	sdelay $0x3  }
0x1de: {  	v48 =	vld [tilespmem:$0xC0]  }
0x1df: {  	v35 =	vld.idx.msk [tilespmem:v35+s26+$0x0], $0xffff;
	_ =	sdelay $0x4  }
0x1e0: {  	(xrf1) =	vsort.dscd.msk.f32 $0xffff, v35, v48;
	_ =	sdelay $0x5  }
0x1e1: {  	v49 =	vld [tilespmem:$0x250];
	_ =	sdelay $0x4  }
0x1e2: {  	v35 =	vadd.s32 v33, v49;
	_ =	sdelay $0x2  }
0x1e3: {  	_, v36, _ =	vpop (xrf1)  }
0x1e4: {  	v50 =	vld [tilespmem:$0xD0];
	[tilespmem:$0x680] =	vst v36  }
0x1e5: {  	v35 =	vld.idx.msk [tilespmem:v35+s26+$0x0], $0xffff;
	_ =	sdelay $0x4  }
0x1e6: {  	(xrf1) =	vsort.dscd.msk.f32 $0xffff, v35, v50;
	_ =	sdelay $0xd  }
0x1e7: {  	_, v35, _ =	vpop (xrf1)  }
0x1e8: {  	[tilespmem:$0x690] =	vst v35  }
0x1e9: {  	v35 =	vld.idx.msk [tilespmem:v34+s31+$0x0], $0xffff;
	_ =	sdelay $0x4  }
0x1ea: {  	[tilespmem:$0x6A0] =	vst v35  }
0x1eb: {  	[tilespmem:s1], [sflag:$0x3] =	stream.indirect.gather [hbm4b:s19+s18], $0x1000, s0, s18, $0xb8;
	[tilespmem:$0x146C0] =	vst v63  }
0x1ec: {  	_ =	swait.ge [sflag:s7], $0x8000  }
0x1ed: {  	[sflag:s7] =	ssyncset.done $0x0  }
0x1ee: {  	[sflag:s7] =	ssyncadd.s32 $0xFFFF8000  }
0x1ef: {  	_ =	swait.ge [sflag:s10], $0x2000  }
0x1f0: {  	[sflag:s10] =	ssyncset.done $0x0  }
0x1f1: {  	s13 =	simm.s32 $0x0;
	[sflag:s10] =	ssyncadd.s32 $0xFFFFE000  }
0x1f2: {  	v51 =	vld [tilespmem:s13+$0xC6C0]  }
0x1f3: {  	v52 =	vld [tilespmem:s13+$0xD6C0]  }
0x1f4: {  	v53 =	vld [tilespmem:s13+$0x86C0]  }
0x1f5: {  	v54 =	vld [tilespmem:s13+$0xE6C0]  }
0x1f6: {  	v55 =	vld [tilespmem:s13+$0x96C0]  }
0x1f7: {  	v56 =	vld [tilespmem:s13+$0xF6C0]  }
0x1f8: {  	v57 =	vld [tilespmem:s13+$0xA6C0];
	v35 =	vadd.f32 v52, v51  }
0x1f9: {  	s12 =	simm.s32 $0x10;
	v58 =	vld [tilespmem:s13+$0xB6C0]  }
0x1fa: {  	v59 =	vld [tilespmem:s12+$0xC6C0];
	v36 =	vadd.f32 v54, v35  }
0x1fb: {  	v60 =	vld [tilespmem:s12+$0xD6C0];
	v37 =	vadd.f32 v55, v53  }
0x1fc: {  	v61 =	vld [tilespmem:s12+$0xE6C0];
	v36 =	vadd.f32 v56, v36  }
0x1fd: {  	v38 =	vld [tilespmem:s12+$0x96C0];
	v37 =	vadd.f32 v57, v37  }
0x1fe: {  	v35 =	vld [tilespmem:s12+$0x86C0];
	v62 =	vmul.f32 $2.500000000e-01, v36  }
0x1ff: {  	v40 =	vld [tilespmem:s12+$0xF6C0];
	v41 =	vadd.f32 v58, v37  }
0x200: {  	v63 =	vadd.f32 v60, v59;
	v36 =	vld [tilespmem:s12+$0xA6C0];
	[tilespmem:s13+$0x136C0] =	vst v62  }
0x201: {  	s14 =	simm.s32 $0x20;
	v41 =	vmul.f32 $2.500000000e-01, v41;
	v37 =	vld [tilespmem:s12+$0xB6C0]  }
0x202: {  	s15 =	simm.s32 $0xC0;
	v42 =	vadd.f32 v61, v63;
	v39 =	vld [tilespmem:s14+$0xC6C0]  }
.LBB2_12:
0x203: {  	p0 =	sne.s32 s15, $0x3FC0;
	v43 =	vld [tilespmem:s14+$0xD6C0];
	v38 =	vadd.f32 v38, v35;
	[tilespmem:s13+$0x126C0] =	vst v41;
	s13 =	smov.u32 s12;
	s12 =	smov.u32 s14  }
0x204: {  	v35 =	vld [tilespmem:s12+$0x86C0];
	v40 =	vadd.f32 v40, v42  }
0x205: {  	v42 =	vld [tilespmem:s12+$0xE6C0];
	v36 =	vadd.f32 v36, v38  }
.Ltmp5:
0x206: {  	v38 =	vld [tilespmem:s12+$0x96C0];
	v41 =	vmul.f32 $2.500000000e-01, v40;
	(pc) =	sbr.rel @p0 .LBB2_12-.Ltmp5, $4  }
0x207: {  	v40 =	vld [tilespmem:s12+$0xF6C0];
	v44 =	vadd.f32 v37, v36  }
0x208: {  	v36 =	vld [tilespmem:s12+$0xA6C0];
	v43 =	vadd.f32 v43, v39;
	[tilespmem:s13+$0x136C0] =	vst v41  }
0x209: {  	s14 =	sshra.s32 s15, $0x2;
	v37 =	vld [tilespmem:s12+$0xB6C0];
	v41 =	vmul.f32 $2.500000000e-01, v44  }
0x20a: {  	s15 =	sadd.s32 $0x40, s15;
	v39 =	vld [tilespmem:s14+$0xC6C0];
	v42 =	vadd.f32 v42, v43  }
0x20b: {  	v43 =	vld [tilespmem:s14+$0xD6C0];
	[tilespmem:s13+$0x126C0] =	vst v41  }
0x20c: {  	v41 =	vld [tilespmem:s14+$0x86C0];
	v40 =	vadd.f32 v40, v42  }
0x20d: {  	v44 =	vld [tilespmem:s14+$0x96C0]  }
0x20e: {  	v59 =	vld [tilespmem:s14+$0xE6C0];
	v40 =	vmul.f32 $2.500000000e-01, v40  }
0x20f: {  	v46 =	vld [tilespmem:s14+$0xA6C0]  }
0x210: {  	v35 =	vadd.f32 v38, v35;
	v45 =	vld [tilespmem:s14+$0xF6C0];
	[tilespmem:s12+$0x136C0] =	vst v40  }
0x211: {  	v60 =	vadd.f32 v43, v39;
	v61 =	vld [tilespmem:s14+$0xB6C0]  }
0x212: {  	v35 =	vadd.f32 v36, v35;
	v62 =	vadd.f32 v44, v41  }
0x213: {  	v38 =	vadd.f32 v59, v60  }
0x214: {  	v35 =	vadd.f32 v37, v35;
	v36 =	vadd.f32 v46, v62  }
0x215: {  	v63 =	vadd.f32 v45, v38  }
0x216: {  	v35 =	vmul.f32 $2.500000000e-01, v35;
	v36 =	vadd.f32 v61, v36  }
0x217: {  	v37 =	vmul.f32 $2.500000000e-01, v63  }
0x218: {  	[tilespmem:s12+$0x126C0] =	vst v35;
	v39 =	vmul.f32 $2.500000000e-01, v36  }
0x219: {  	[tilespmem:s14+$0x136C0] =	vst v37  }
0x21a: {  	s15 =	rddreg [dreg:$0x9];
	[tilespmem:s14+$0x126C0] =	vst v39;
	s14 =	simm.s32 $0x0  }
0x21b: {  	[hbm4b:s15+s14] =	stream.linear.scatter [tilespmem:s8], [sflag:$0x6], $0x2000, $0x38;
	[tilespmem:$0x146C0] =	vst v63  }
0x21c: {  	_ =	swait.ge [sflag:s2], $0x200  }
0x21d: {  	[sflag:s2] =	ssyncset.done $0x0  }
0x21e: {  	[sflag:s2] =	ssyncadd.s32 $0xFFFFFE00  }
0x21f: {  	v40 =	vld [tilespmem:$0x100]  }
0x220: {  	v41 =	vld [tilespmem:$0x110];
	_ =	sdelay $0x4  }
0x221: {  	vm0 =	vgt.s32 v15, v40;
	vm15 =	vgt.s32 v16, v41  }
0x222: {  	v42 =	vsel vm0, v40, v15;
	v35 =	vsel vm0, v15, v40;
	v36 =	vsel vm15, v16, v41  }
0x223: {  	v43 =	vsel vm15, v41, v16;
	v37 =	vshll.u32 v42, $0xA;
	v46 =	vand.u32 $0xF, v36  }
0x224: {  	v38 =	vshll.u32 v43, $0xA;
	v37 =	vadd.s32 v35, v37;
	v35 =	vand.u32 $0xF, v35;
	[tilespmem:$0x250] =	vst v46  }
0x225: {  	v44 =	vadd.s32 v36, v38;
	v37 =	vshra.s32 v37, $0x4;
	[tilespmem:$0x240] =	vst v35  }
0x226: {  	v45 =	vshra.s32 v44, $0x4;
	[tilespmem:$0x200] =	vst v37  }
0x227: {  	[tilespmem:$0x210] =	vst v45  }
0x228: {  	[tilespmem:s26], [sflag:$0x1] =	stream.indirect.gather [hbm4b:s17+s24], $0x10, s25, s24, $0xb8;
	[tilespmem:$0x146C0] =	vst v63  }
0x229: {  	v47 =	vld [tilespmem:$0x260];
	_ =	sdelay $0x4  }
0x22a: {  	v35 =	vadd.s32 v29, v47;
	_ =	sdelay $0x3  }
0x22b: {  	v48 =	vld [tilespmem:$0xE0]  }
0x22c: {  	v35 =	vld.idx.msk [tilespmem:v35+s30+$0x0], $0xffff;
	_ =	sdelay $0x4  }
0x22d: {  	(xrf1) =	vsort.dscd.msk.f32 $0xffff, v35, v48;
	_ =	sdelay $0x5  }
0x22e: {  	v49 =	vld [tilespmem:$0x270];
	_ =	sdelay $0x4  }
0x22f: {  	v35 =	vadd.s32 v33, v49;
	_ =	sdelay $0x2  }
0x230: {  	_, v36, _ =	vpop (xrf1)  }
0x231: {  	v50 =	vld [tilespmem:$0xF0];
	[tilespmem:$0x680] =	vst v36  }
0x232: {  	v35 =	vld.idx.msk [tilespmem:v35+s30+$0x0], $0xffff;
	_ =	sdelay $0x4  }
0x233: {  	(xrf1) =	vsort.dscd.msk.f32 $0xffff, v35, v50;
	_ =	sdelay $0xd  }
0x234: {  	_, v35, _ =	vpop (xrf1)  }
0x235: {  	[tilespmem:$0x690] =	vst v35  }
0x236: {  	v35 =	vld.idx.msk [tilespmem:v34+s31+$0x0], $0xffff;
	_ =	sdelay $0x4  }
0x237: {  	[tilespmem:$0x6B0] =	vst v35  }
0x238: {  	[tilespmem:s4], [sflag:$0x4] =	stream.indirect.gather [hbm4b:s19+s18], $0x1000, s3, s18, $0xb8;
	[tilespmem:$0x146C0] =	vst v63  }
0x239: {  	_ =	swait.ge [sflag:s5], $0x8000  }
0x23a: {  	[sflag:s5] =	ssyncset.done $0x0  }
0x23b: {  	[sflag:s5] =	ssyncadd.s32 $0xFFFF8000  }
0x23c: {  	_ =	swait.ge [sflag:s9], $0x2000  }
0x23d: {  	[sflag:s9] =	ssyncset.done $0x0  }
0x23e: {  	s13 =	simm.s32 $0x0;
	[sflag:s9] =	ssyncadd.s32 $0xFFFFE000  }
0x23f: {  	v51 =	vld [tilespmem:s13+$0x46C0]  }
0x240: {  	v52 =	vld [tilespmem:s13+$0x56C0]  }
0x241: {  	v53 =	vld [tilespmem:s13+$0x6C0]  }
0x242: {  	v54 =	vld [tilespmem:s13+$0x66C0]  }
0x243: {  	v55 =	vld [tilespmem:s13+$0x16C0]  }
0x244: {  	v56 =	vld [tilespmem:s13+$0x76C0]  }
0x245: {  	v57 =	vld [tilespmem:s13+$0x26C0];
	v35 =	vadd.f32 v52, v51  }
0x246: {  	s12 =	simm.s32 $0x10;
	v58 =	vld [tilespmem:s13+$0x36C0]  }
0x247: {  	v59 =	vld [tilespmem:s12+$0x46C0];
	v36 =	vadd.f32 v54, v35  }
0x248: {  	v60 =	vld [tilespmem:s12+$0x56C0];
	v37 =	vadd.f32 v55, v53  }
0x249: {  	v61 =	vld [tilespmem:s12+$0x66C0];
	v36 =	vadd.f32 v56, v36  }
0x24a: {  	v38 =	vld [tilespmem:s12+$0x16C0];
	v37 =	vadd.f32 v57, v37  }
0x24b: {  	v35 =	vld [tilespmem:s12+$0x6C0];
	v62 =	vmul.f32 $2.500000000e-01, v36  }
0x24c: {  	v40 =	vld [tilespmem:s12+$0x76C0];
	v41 =	vadd.f32 v58, v37  }
0x24d: {  	v63 =	vadd.f32 v60, v59;
	v36 =	vld [tilespmem:s12+$0x26C0];
	[tilespmem:s13+$0x116C0] =	vst v62  }
0x24e: {  	s14 =	simm.s32 $0x20;
	v41 =	vmul.f32 $2.500000000e-01, v41;
	v37 =	vld [tilespmem:s12+$0x36C0]  }
0x24f: {  	s15 =	simm.s32 $0xC0;
	v42 =	vadd.f32 v61, v63;
	v39 =	vld [tilespmem:s14+$0x46C0]  }
.LBB2_14:
0x250: {  	p0 =	sne.s32 s15, $0x3FC0;
	v43 =	vld [tilespmem:s14+$0x56C0];
	v38 =	vadd.f32 v38, v35;
	[tilespmem:s13+$0x106C0] =	vst v41;
	s13 =	smov.u32 s12;
	s12 =	smov.u32 s14  }
0x251: {  	v35 =	vld [tilespmem:s12+$0x6C0];
	v40 =	vadd.f32 v40, v42  }
0x252: {  	v42 =	vld [tilespmem:s12+$0x66C0];
	v36 =	vadd.f32 v36, v38  }
.Ltmp6:
0x253: {  	v38 =	vld [tilespmem:s12+$0x16C0];
	v41 =	vmul.f32 $2.500000000e-01, v40;
	(pc) =	sbr.rel @p0 .LBB2_14-.Ltmp6, $4  }
0x254: {  	v40 =	vld [tilespmem:s12+$0x76C0];
	v44 =	vadd.f32 v37, v36  }
0x255: {  	v36 =	vld [tilespmem:s12+$0x26C0];
	v43 =	vadd.f32 v43, v39;
	[tilespmem:s13+$0x116C0] =	vst v41  }
0x256: {  	s14 =	sshra.s32 s15, $0x2;
	v37 =	vld [tilespmem:s12+$0x36C0];
	v41 =	vmul.f32 $2.500000000e-01, v44  }
0x257: {  	s15 =	sadd.s32 $0x40, s15;
	v39 =	vld [tilespmem:s14+$0x46C0];
	v42 =	vadd.f32 v42, v43  }
0x258: {  	v43 =	vld [tilespmem:s14+$0x56C0];
	[tilespmem:s13+$0x106C0] =	vst v41  }
0x259: {  	v41 =	vld [tilespmem:s14+$0x6C0];
	v40 =	vadd.f32 v40, v42  }
0x25a: {  	v44 =	vld [tilespmem:s14+$0x16C0]  }
0x25b: {  	v59 =	vld [tilespmem:s14+$0x66C0];
	v40 =	vmul.f32 $2.500000000e-01, v40  }
0x25c: {  	v46 =	vld [tilespmem:s14+$0x26C0]  }
0x25d: {  	v35 =	vadd.f32 v38, v35;
	v45 =	vld [tilespmem:s14+$0x76C0];
	[tilespmem:s12+$0x116C0] =	vst v40  }
0x25e: {  	v60 =	vadd.f32 v43, v39;
	v61 =	vld [tilespmem:s14+$0x36C0]  }
0x25f: {  	v35 =	vadd.f32 v36, v35;
	v62 =	vadd.f32 v44, v41  }
0x260: {  	v38 =	vadd.f32 v59, v60  }
0x261: {  	v35 =	vadd.f32 v37, v35;
	v36 =	vadd.f32 v46, v62  }
0x262: {  	v63 =	vadd.f32 v45, v38  }
0x263: {  	v35 =	vmul.f32 $2.500000000e-01, v35;
	v36 =	vadd.f32 v61, v36  }
0x264: {  	v37 =	vmul.f32 $2.500000000e-01, v63  }
0x265: {  	[tilespmem:s12+$0x106C0] =	vst v35;
	v39 =	vmul.f32 $2.500000000e-01, v36  }
0x266: {  	[tilespmem:s14+$0x116C0] =	vst v37  }
0x267: {  	s15 =	rddreg [dreg:$0xa];
	[tilespmem:s14+$0x106C0] =	vst v39;
	s14 =	simm.s32 $0x0  }
0x268: {  	[hbm4b:s15+s14] =	stream.linear.scatter [tilespmem:s6], [sflag:$0x5], $0x2000, $0x38;
	[tilespmem:$0x146C0] =	vst v63  }
0x269: {  	_ =	swait.ge [sflag:s28], $0x200  }
0x26a: {  	[sflag:s28] =	ssyncset.done $0x0  }
0x26b: {  	[sflag:s28] =	ssyncadd.s32 $0xFFFFFE00  }
0x26c: {  	v40 =	vld [tilespmem:$0x120]  }
0x26d: {  	v41 =	vld [tilespmem:$0x130];
	_ =	sdelay $0x4  }
0x26e: {  	vm0 =	vgt.s32 v17, v40;
	vm15 =	vgt.s32 v18, v41  }
0x26f: {  	v42 =	vsel vm0, v40, v17;
	v35 =	vsel vm0, v17, v40;
	v36 =	vsel vm15, v18, v41  }
0x270: {  	v43 =	vsel vm15, v41, v18;
	v37 =	vshll.u32 v42, $0xA;
	v46 =	vand.u32 $0xF, v36  }
0x271: {  	v38 =	vshll.u32 v43, $0xA;
	v37 =	vadd.s32 v35, v37;
	v35 =	vand.u32 $0xF, v35;
	[tilespmem:$0x270] =	vst v46  }
0x272: {  	v44 =	vadd.s32 v36, v38;
	v37 =	vshra.s32 v37, $0x4;
	[tilespmem:$0x260] =	vst v35  }
0x273: {  	v45 =	vshra.s32 v44, $0x4;
	[tilespmem:$0x220] =	vst v37  }
0x274: {  	[tilespmem:$0x230] =	vst v45  }
0x275: {  	[tilespmem:s30], [sflag:$0x2] =	stream.indirect.gather [hbm4b:s17+s24], $0x10, s29, s24, $0xb8;
	[tilespmem:$0x146C0] =	vst v63  }
0x276: {  	v47 =	vld [tilespmem:$0x240];
	_ =	sdelay $0x4  }
0x277: {  	v35 =	vadd.s32 v29, v47;
	_ =	sdelay $0x3  }
0x278: {  	v48 =	vld [tilespmem:$0x100]  }
0x279: {  	v35 =	vld.idx.msk [tilespmem:v35+s26+$0x0], $0xffff;
	_ =	sdelay $0x4  }
0x27a: {  	(xrf1) =	vsort.dscd.msk.f32 $0xffff, v35, v48;
	_ =	sdelay $0x5  }
0x27b: {  	v49 =	vld [tilespmem:$0x250];
	_ =	sdelay $0x4  }
0x27c: {  	v35 =	vadd.s32 v33, v49;
	_ =	sdelay $0x2  }
0x27d: {  	_, v36, _ =	vpop (xrf1)  }
0x27e: {  	v50 =	vld [tilespmem:$0x110];
	[tilespmem:$0x680] =	vst v36  }
0x27f: {  	v35 =	vld.idx.msk [tilespmem:v35+s26+$0x0], $0xffff;
	_ =	sdelay $0x4  }
0x280: {  	(xrf1) =	vsort.dscd.msk.f32 $0xffff, v35, v50;
	_ =	sdelay $0xd  }
0x281: {  	_, v35, _ =	vpop (xrf1)  }
0x282: {  	[tilespmem:$0x690] =	vst v35  }
0x283: {  	v35 =	vld.idx.msk [tilespmem:v34+s31+$0x0], $0xffff;
	_ =	sdelay $0x4  }
0x284: {  	[tilespmem:$0x6A0] =	vst v35  }
0x285: {  	[tilespmem:s1], [sflag:$0x3] =	stream.indirect.gather [hbm4b:s19+s18], $0x1000, s0, s18, $0xb8;
	[tilespmem:$0x146C0] =	vst v63  }
0x286: {  	_ =	swait.ge [sflag:s7], $0x8000  }
0x287: {  	[sflag:s7] =	ssyncset.done $0x0  }
0x288: {  	[sflag:s7] =	ssyncadd.s32 $0xFFFF8000  }
0x289: {  	_ =	swait.ge [sflag:s10], $0x2000  }
0x28a: {  	[sflag:s10] =	ssyncset.done $0x0  }
0x28b: {  	s13 =	simm.s32 $0x0;
	[sflag:s10] =	ssyncadd.s32 $0xFFFFE000  }
0x28c: {  	v51 =	vld [tilespmem:s13+$0xC6C0]  }
0x28d: {  	v52 =	vld [tilespmem:s13+$0xD6C0]  }
0x28e: {  	v53 =	vld [tilespmem:s13+$0x86C0]  }
0x28f: {  	v54 =	vld [tilespmem:s13+$0xE6C0]  }
0x290: {  	v55 =	vld [tilespmem:s13+$0x96C0]  }
0x291: {  	v56 =	vld [tilespmem:s13+$0xF6C0]  }
0x292: {  	v57 =	vld [tilespmem:s13+$0xA6C0];
	v35 =	vadd.f32 v52, v51  }
0x293: {  	s12 =	simm.s32 $0x10;
	v58 =	vld [tilespmem:s13+$0xB6C0]  }
0x294: {  	v59 =	vld [tilespmem:s12+$0xC6C0];
	v36 =	vadd.f32 v54, v35  }
0x295: {  	v60 =	vld [tilespmem:s12+$0xD6C0];
	v37 =	vadd.f32 v55, v53  }
0x296: {  	v61 =	vld [tilespmem:s12+$0xE6C0];
	v36 =	vadd.f32 v56, v36  }
0x297: {  	v38 =	vld [tilespmem:s12+$0x96C0];
	v37 =	vadd.f32 v57, v37  }
0x298: {  	v35 =	vld [tilespmem:s12+$0x86C0];
	v62 =	vmul.f32 $2.500000000e-01, v36  }
0x299: {  	v40 =	vld [tilespmem:s12+$0xF6C0];
	v41 =	vadd.f32 v58, v37  }
0x29a: {  	v63 =	vadd.f32 v60, v59;
	v36 =	vld [tilespmem:s12+$0xA6C0];
	[tilespmem:s13+$0x136C0] =	vst v62  }
0x29b: {  	s14 =	simm.s32 $0x20;
	v41 =	vmul.f32 $2.500000000e-01, v41;
	v37 =	vld [tilespmem:s12+$0xB6C0]  }
0x29c: {  	s15 =	simm.s32 $0xC0;
	v42 =	vadd.f32 v61, v63;
	v39 =	vld [tilespmem:s14+$0xC6C0]  }
.LBB2_16:
0x29d: {  	p0 =	sne.s32 s15, $0x3FC0;
	v43 =	vld [tilespmem:s14+$0xD6C0];
	v38 =	vadd.f32 v38, v35;
	[tilespmem:s13+$0x126C0] =	vst v41;
	s13 =	smov.u32 s12;
	s12 =	smov.u32 s14  }
0x29e: {  	v35 =	vld [tilespmem:s12+$0x86C0];
	v40 =	vadd.f32 v40, v42  }
0x29f: {  	v42 =	vld [tilespmem:s12+$0xE6C0];
	v36 =	vadd.f32 v36, v38  }
.Ltmp7:
0x2a0: {  	v38 =	vld [tilespmem:s12+$0x96C0];
	v41 =	vmul.f32 $2.500000000e-01, v40;
	(pc) =	sbr.rel @p0 .LBB2_16-.Ltmp7, $4  }
0x2a1: {  	v40 =	vld [tilespmem:s12+$0xF6C0];
	v44 =	vadd.f32 v37, v36  }
0x2a2: {  	v36 =	vld [tilespmem:s12+$0xA6C0];
	v43 =	vadd.f32 v43, v39;
	[tilespmem:s13+$0x136C0] =	vst v41  }
0x2a3: {  	s14 =	sshra.s32 s15, $0x2;
	v37 =	vld [tilespmem:s12+$0xB6C0];
	v41 =	vmul.f32 $2.500000000e-01, v44  }
0x2a4: {  	s15 =	sadd.s32 $0x40, s15;
	v39 =	vld [tilespmem:s14+$0xC6C0];
	v42 =	vadd.f32 v42, v43  }
0x2a5: {  	v43 =	vld [tilespmem:s14+$0xD6C0];
	[tilespmem:s13+$0x126C0] =	vst v41  }
0x2a6: {  	v41 =	vld [tilespmem:s14+$0x86C0];
	v40 =	vadd.f32 v40, v42  }
0x2a7: {  	v44 =	vld [tilespmem:s14+$0x96C0]  }
0x2a8: {  	v59 =	vld [tilespmem:s14+$0xE6C0];
	v40 =	vmul.f32 $2.500000000e-01, v40  }
0x2a9: {  	v46 =	vld [tilespmem:s14+$0xA6C0]  }
0x2aa: {  	v35 =	vadd.f32 v38, v35;
	v45 =	vld [tilespmem:s14+$0xF6C0];
	[tilespmem:s12+$0x136C0] =	vst v40  }
0x2ab: {  	v60 =	vadd.f32 v43, v39;
	v61 =	vld [tilespmem:s14+$0xB6C0]  }
0x2ac: {  	v35 =	vadd.f32 v36, v35;
	v62 =	vadd.f32 v44, v41  }
0x2ad: {  	v38 =	vadd.f32 v59, v60  }
0x2ae: {  	v35 =	vadd.f32 v37, v35;
	v36 =	vadd.f32 v46, v62  }
0x2af: {  	v63 =	vadd.f32 v45, v38  }
0x2b0: {  	v35 =	vmul.f32 $2.500000000e-01, v35;
	v36 =	vadd.f32 v61, v36  }
0x2b1: {  	v37 =	vmul.f32 $2.500000000e-01, v63  }
0x2b2: {  	[tilespmem:s12+$0x126C0] =	vst v35;
	v39 =	vmul.f32 $2.500000000e-01, v36  }
0x2b3: {  	[tilespmem:s14+$0x136C0] =	vst v37  }
0x2b4: {  	s15 =	rddreg [dreg:$0xb];
	[tilespmem:s14+$0x126C0] =	vst v39;
	s14 =	simm.s32 $0x0  }
0x2b5: {  	[hbm4b:s15+s14] =	stream.linear.scatter [tilespmem:s8], [sflag:$0x6], $0x2000, $0x38;
	[tilespmem:$0x146C0] =	vst v63  }
0x2b6: {  	_ =	swait.ge [sflag:s2], $0x200  }
0x2b7: {  	[sflag:s2] =	ssyncset.done $0x0  }
0x2b8: {  	[sflag:s2] =	ssyncadd.s32 $0xFFFFFE00  }
0x2b9: {  	v40 =	vld [tilespmem:$0x140]  }
0x2ba: {  	v41 =	vld [tilespmem:$0x150];
	_ =	sdelay $0x4  }
0x2bb: {  	vm0 =	vgt.s32 v19, v40;
	vm15 =	vgt.s32 v21, v41  }
0x2bc: {  	v42 =	vsel vm0, v40, v19;
	v35 =	vsel vm0, v19, v40;
	v36 =	vsel vm15, v21, v41  }
0x2bd: {  	v43 =	vsel vm15, v41, v21;
	v37 =	vshll.u32 v42, $0xA;
	v46 =	vand.u32 $0xF, v36  }
0x2be: {  	v38 =	vshll.u32 v43, $0xA;
	v37 =	vadd.s32 v35, v37;
	v35 =	vand.u32 $0xF, v35;
	[tilespmem:$0x250] =	vst v46  }
0x2bf: {  	v44 =	vadd.s32 v36, v38;
	v37 =	vshra.s32 v37, $0x4;
	[tilespmem:$0x240] =	vst v35  }
0x2c0: {  	v45 =	vshra.s32 v44, $0x4;
	[tilespmem:$0x200] =	vst v37  }
0x2c1: {  	[tilespmem:$0x210] =	vst v45  }
0x2c2: {  	[tilespmem:s26], [sflag:$0x1] =	stream.indirect.gather [hbm4b:s17+s24], $0x10, s25, s24, $0xb8;
	[tilespmem:$0x146C0] =	vst v63  }
0x2c3: {  	v47 =	vld [tilespmem:$0x260];
	_ =	sdelay $0x4  }
0x2c4: {  	v35 =	vadd.s32 v29, v47;
	_ =	sdelay $0x3  }
0x2c5: {  	v48 =	vld [tilespmem:$0x120]  }
0x2c6: {  	v35 =	vld.idx.msk [tilespmem:v35+s30+$0x0], $0xffff;
	_ =	sdelay $0x4  }
0x2c7: {  	(xrf1) =	vsort.dscd.msk.f32 $0xffff, v35, v48;
	_ =	sdelay $0x5  }
0x2c8: {  	v49 =	vld [tilespmem:$0x270];
	_ =	sdelay $0x4  }
0x2c9: {  	v35 =	vadd.s32 v33, v49;
	_ =	sdelay $0x2  }
0x2ca: {  	_, v36, _ =	vpop (xrf1)  }
0x2cb: {  	v50 =	vld [tilespmem:$0x130];
	[tilespmem:$0x680] =	vst v36  }
0x2cc: {  	v35 =	vld.idx.msk [tilespmem:v35+s30+$0x0], $0xffff;
	_ =	sdelay $0x4  }
0x2cd: {  	(xrf1) =	vsort.dscd.msk.f32 $0xffff, v35, v50;
	_ =	sdelay $0xd  }
0x2ce: {  	_, v35, _ =	vpop (xrf1)  }
0x2cf: {  	[tilespmem:$0x690] =	vst v35  }
0x2d0: {  	v35 =	vld.idx.msk [tilespmem:v34+s31+$0x0], $0xffff;
	_ =	sdelay $0x4  }
0x2d1: {  	[tilespmem:$0x6B0] =	vst v35  }
0x2d2: {  	[tilespmem:s4], [sflag:$0x4] =	stream.indirect.gather [hbm4b:s19+s18], $0x1000, s3, s18, $0xb8;
	[tilespmem:$0x146C0] =	vst v63  }
0x2d3: {  	_ =	swait.ge [sflag:s5], $0x8000  }
0x2d4: {  	[sflag:s5] =	ssyncset.done $0x0  }
0x2d5: {  	[sflag:s5] =	ssyncadd.s32 $0xFFFF8000  }
0x2d6: {  	_ =	swait.ge [sflag:s9], $0x2000  }
0x2d7: {  	[sflag:s9] =	ssyncset.done $0x0  }
0x2d8: {  	s13 =	simm.s32 $0x0;
	[sflag:s9] =	ssyncadd.s32 $0xFFFFE000  }
0x2d9: {  	v51 =	vld [tilespmem:s13+$0x46C0]  }
0x2da: {  	v52 =	vld [tilespmem:s13+$0x56C0]  }
0x2db: {  	v53 =	vld [tilespmem:s13+$0x6C0]  }
0x2dc: {  	v54 =	vld [tilespmem:s13+$0x66C0]  }
0x2dd: {  	v55 =	vld [tilespmem:s13+$0x16C0]  }
0x2de: {  	v56 =	vld [tilespmem:s13+$0x76C0]  }
0x2df: {  	v57 =	vld [tilespmem:s13+$0x26C0];
	v35 =	vadd.f32 v52, v51  }
0x2e0: {  	s12 =	simm.s32 $0x10;
	v58 =	vld [tilespmem:s13+$0x36C0]  }
0x2e1: {  	v59 =	vld [tilespmem:s12+$0x46C0];
	v36 =	vadd.f32 v54, v35  }
0x2e2: {  	v60 =	vld [tilespmem:s12+$0x56C0];
	v37 =	vadd.f32 v55, v53  }
0x2e3: {  	v61 =	vld [tilespmem:s12+$0x66C0];
	v36 =	vadd.f32 v56, v36  }
0x2e4: {  	v38 =	vld [tilespmem:s12+$0x16C0];
	v37 =	vadd.f32 v57, v37  }
0x2e5: {  	v35 =	vld [tilespmem:s12+$0x6C0];
	v62 =	vmul.f32 $2.500000000e-01, v36  }
0x2e6: {  	v40 =	vld [tilespmem:s12+$0x76C0];
	v41 =	vadd.f32 v58, v37  }
0x2e7: {  	v63 =	vadd.f32 v60, v59;
	v36 =	vld [tilespmem:s12+$0x26C0];
	[tilespmem:s13+$0x116C0] =	vst v62  }
0x2e8: {  	s14 =	simm.s32 $0x20;
	v41 =	vmul.f32 $2.500000000e-01, v41;
	v37 =	vld [tilespmem:s12+$0x36C0]  }
0x2e9: {  	s15 =	simm.s32 $0xC0;
	v42 =	vadd.f32 v61, v63;
	v39 =	vld [tilespmem:s14+$0x46C0]  }
.LBB2_18:
0x2ea: {  	p0 =	sne.s32 s15, $0x3FC0;
	v43 =	vld [tilespmem:s14+$0x56C0];
	v38 =	vadd.f32 v38, v35;
	[tilespmem:s13+$0x106C0] =	vst v41;
	s13 =	smov.u32 s12;
	s12 =	smov.u32 s14  }
0x2eb: {  	v35 =	vld [tilespmem:s12+$0x6C0];
	v40 =	vadd.f32 v40, v42  }
0x2ec: {  	v42 =	vld [tilespmem:s12+$0x66C0];
	v36 =	vadd.f32 v36, v38  }
.Ltmp8:
0x2ed: {  	v38 =	vld [tilespmem:s12+$0x16C0];
	v41 =	vmul.f32 $2.500000000e-01, v40;
	(pc) =	sbr.rel @p0 .LBB2_18-.Ltmp8, $4  }
0x2ee: {  	v40 =	vld [tilespmem:s12+$0x76C0];
	v44 =	vadd.f32 v37, v36  }
0x2ef: {  	v36 =	vld [tilespmem:s12+$0x26C0];
	v43 =	vadd.f32 v43, v39;
	[tilespmem:s13+$0x116C0] =	vst v41  }
0x2f0: {  	s14 =	sshra.s32 s15, $0x2;
	v37 =	vld [tilespmem:s12+$0x36C0];
	v41 =	vmul.f32 $2.500000000e-01, v44  }
0x2f1: {  	s15 =	sadd.s32 $0x40, s15;
	v39 =	vld [tilespmem:s14+$0x46C0];
	v42 =	vadd.f32 v42, v43  }
0x2f2: {  	v43 =	vld [tilespmem:s14+$0x56C0];
	[tilespmem:s13+$0x106C0] =	vst v41  }
0x2f3: {  	v41 =	vld [tilespmem:s14+$0x6C0];
	v40 =	vadd.f32 v40, v42  }
0x2f4: {  	v44 =	vld [tilespmem:s14+$0x16C0]  }
0x2f5: {  	v59 =	vld [tilespmem:s14+$0x66C0];
	v40 =	vmul.f32 $2.500000000e-01, v40  }
0x2f6: {  	v46 =	vld [tilespmem:s14+$0x26C0]  }
0x2f7: {  	v35 =	vadd.f32 v38, v35;
	v45 =	vld [tilespmem:s14+$0x76C0];
	[tilespmem:s12+$0x116C0] =	vst v40  }
0x2f8: {  	v60 =	vadd.f32 v43, v39;
	v61 =	vld [tilespmem:s14+$0x36C0]  }
0x2f9: {  	v35 =	vadd.f32 v36, v35;
	v62 =	vadd.f32 v44, v41  }
0x2fa: {  	v38 =	vadd.f32 v59, v60  }
0x2fb: {  	v35 =	vadd.f32 v37, v35;
	v36 =	vadd.f32 v46, v62  }
0x2fc: {  	v63 =	vadd.f32 v45, v38  }
0x2fd: {  	v35 =	vmul.f32 $2.500000000e-01, v35;
	v36 =	vadd.f32 v61, v36  }
0x2fe: {  	v37 =	vmul.f32 $2.500000000e-01, v63  }
0x2ff: {  	[tilespmem:s12+$0x106C0] =	vst v35;
	v39 =	vmul.f32 $2.500000000e-01, v36  }
0x300: {  	[tilespmem:s14+$0x116C0] =	vst v37  }
0x301: {  	s15 =	rddreg [dreg:$0xc];
	[tilespmem:s14+$0x106C0] =	vst v39;
	s14 =	simm.s32 $0x0  }
0x302: {  	[hbm4b:s15+s14] =	stream.linear.scatter [tilespmem:s6], [sflag:$0x5], $0x2000, $0x38;
	[tilespmem:$0x146C0] =	vst v63  }
0x303: {  	_ =	swait.ge [sflag:s28], $0x200  }
0x304: {  	[sflag:s28] =	ssyncset.done $0x0  }
0x305: {  	[sflag:s28] =	ssyncadd.s32 $0xFFFFFE00  }
0x306: {  	v40 =	vld [tilespmem:$0x160]  }
0x307: {  	v41 =	vld [tilespmem:$0x170];
	_ =	sdelay $0x4  }
0x308: {  	vm0 =	vgt.s32 v22, v40;
	vm15 =	vgt.s32 v23, v41  }
0x309: {  	v42 =	vsel vm0, v40, v22;
	v35 =	vsel vm0, v22, v40;
	v36 =	vsel vm15, v23, v41  }
0x30a: {  	v43 =	vsel vm15, v41, v23;
	v37 =	vshll.u32 v42, $0xA;
	v46 =	vand.u32 $0xF, v36  }
0x30b: {  	v38 =	vshll.u32 v43, $0xA;
	v37 =	vadd.s32 v35, v37;
	v35 =	vand.u32 $0xF, v35;
	[tilespmem:$0x270] =	vst v46  }
0x30c: {  	v44 =	vadd.s32 v36, v38;
	v37 =	vshra.s32 v37, $0x4;
	[tilespmem:$0x260] =	vst v35  }
0x30d: {  	v45 =	vshra.s32 v44, $0x4;
	[tilespmem:$0x220] =	vst v37  }
0x30e: {  	[tilespmem:$0x230] =	vst v45  }
0x30f: {  	[tilespmem:s30], [sflag:$0x2] =	stream.indirect.gather [hbm4b:s17+s24], $0x10, s29, s24, $0xb8;
	[tilespmem:$0x146C0] =	vst v63  }
0x310: {  	v47 =	vld [tilespmem:$0x240];
	_ =	sdelay $0x4  }
0x311: {  	v35 =	vadd.s32 v29, v47;
	_ =	sdelay $0x3  }
0x312: {  	v48 =	vld [tilespmem:$0x140]  }
0x313: {  	v35 =	vld.idx.msk [tilespmem:v35+s26+$0x0], $0xffff;
	_ =	sdelay $0x4  }
0x314: {  	(xrf1) =	vsort.dscd.msk.f32 $0xffff, v35, v48;
	_ =	sdelay $0x5  }
0x315: {  	v49 =	vld [tilespmem:$0x250];
	_ =	sdelay $0x4  }
0x316: {  	v35 =	vadd.s32 v33, v49;
	_ =	sdelay $0x2  }
0x317: {  	_, v36, _ =	vpop (xrf1)  }
0x318: {  	v50 =	vld [tilespmem:$0x150];
	[tilespmem:$0x680] =	vst v36  }
0x319: {  	v35 =	vld.idx.msk [tilespmem:v35+s26+$0x0], $0xffff;
	_ =	sdelay $0x4  }
0x31a: {  	(xrf1) =	vsort.dscd.msk.f32 $0xffff, v35, v50;
	_ =	sdelay $0xd  }
0x31b: {  	_, v35, _ =	vpop (xrf1)  }
0x31c: {  	[tilespmem:$0x690] =	vst v35  }
0x31d: {  	v35 =	vld.idx.msk [tilespmem:v34+s31+$0x0], $0xffff;
	_ =	sdelay $0x4  }
0x31e: {  	[tilespmem:$0x6A0] =	vst v35  }
0x31f: {  	[tilespmem:s1], [sflag:$0x3] =	stream.indirect.gather [hbm4b:s19+s18], $0x1000, s0, s18, $0xb8;
	[tilespmem:$0x146C0] =	vst v63  }
0x320: {  	_ =	swait.ge [sflag:s7], $0x8000  }
0x321: {  	[sflag:s7] =	ssyncset.done $0x0  }
0x322: {  	[sflag:s7] =	ssyncadd.s32 $0xFFFF8000  }
0x323: {  	_ =	swait.ge [sflag:s10], $0x2000  }
0x324: {  	[sflag:s10] =	ssyncset.done $0x0  }
0x325: {  	s13 =	simm.s32 $0x0;
	[sflag:s10] =	ssyncadd.s32 $0xFFFFE000  }
0x326: {  	v51 =	vld [tilespmem:s13+$0xC6C0]  }
0x327: {  	v52 =	vld [tilespmem:s13+$0xD6C0]  }
0x328: {  	v53 =	vld [tilespmem:s13+$0x86C0]  }
0x329: {  	v54 =	vld [tilespmem:s13+$0xE6C0]  }
0x32a: {  	v55 =	vld [tilespmem:s13+$0x96C0]  }
0x32b: {  	v56 =	vld [tilespmem:s13+$0xF6C0]  }
0x32c: {  	v57 =	vld [tilespmem:s13+$0xA6C0];
	v35 =	vadd.f32 v52, v51  }
0x32d: {  	s12 =	simm.s32 $0x10;
	v58 =	vld [tilespmem:s13+$0xB6C0]  }
0x32e: {  	v59 =	vld [tilespmem:s12+$0xC6C0];
	v36 =	vadd.f32 v54, v35  }
0x32f: {  	v60 =	vld [tilespmem:s12+$0xD6C0];
	v37 =	vadd.f32 v55, v53  }
0x330: {  	v61 =	vld [tilespmem:s12+$0xE6C0];
	v36 =	vadd.f32 v56, v36  }
0x331: {  	v38 =	vld [tilespmem:s12+$0x96C0];
	v37 =	vadd.f32 v57, v37  }
0x332: {  	v35 =	vld [tilespmem:s12+$0x86C0];
	v62 =	vmul.f32 $2.500000000e-01, v36  }
0x333: {  	v40 =	vld [tilespmem:s12+$0xF6C0];
	v41 =	vadd.f32 v58, v37  }
0x334: {  	v63 =	vadd.f32 v60, v59;
	v36 =	vld [tilespmem:s12+$0xA6C0];
	[tilespmem:s13+$0x136C0] =	vst v62  }
0x335: {  	s14 =	simm.s32 $0x20;
	v41 =	vmul.f32 $2.500000000e-01, v41;
	v37 =	vld [tilespmem:s12+$0xB6C0]  }
0x336: {  	s15 =	simm.s32 $0xC0;
	v42 =	vadd.f32 v61, v63;
	v39 =	vld [tilespmem:s14+$0xC6C0]  }
.LBB2_20:
0x337: {  	p0 =	sne.s32 s15, $0x3FC0;
	v43 =	vld [tilespmem:s14+$0xD6C0];
	v38 =	vadd.f32 v38, v35;
	[tilespmem:s13+$0x126C0] =	vst v41;
	s13 =	smov.u32 s12;
	s12 =	smov.u32 s14  }
0x338: {  	v35 =	vld [tilespmem:s12+$0x86C0];
	v40 =	vadd.f32 v40, v42  }
0x339: {  	v42 =	vld [tilespmem:s12+$0xE6C0];
	v36 =	vadd.f32 v36, v38  }
.Ltmp9:
0x33a: {  	v38 =	vld [tilespmem:s12+$0x96C0];
	v41 =	vmul.f32 $2.500000000e-01, v40;
	(pc) =	sbr.rel @p0 .LBB2_20-.Ltmp9, $4  }
0x33b: {  	v40 =	vld [tilespmem:s12+$0xF6C0];
	v44 =	vadd.f32 v37, v36  }
0x33c: {  	v36 =	vld [tilespmem:s12+$0xA6C0];
	v43 =	vadd.f32 v43, v39;
	[tilespmem:s13+$0x136C0] =	vst v41  }
0x33d: {  	s14 =	sshra.s32 s15, $0x2;
	v37 =	vld [tilespmem:s12+$0xB6C0];
	v41 =	vmul.f32 $2.500000000e-01, v44  }
0x33e: {  	s15 =	sadd.s32 $0x40, s15;
	v39 =	vld [tilespmem:s14+$0xC6C0];
	v42 =	vadd.f32 v42, v43  }
0x33f: {  	v43 =	vld [tilespmem:s14+$0xD6C0];
	[tilespmem:s13+$0x126C0] =	vst v41  }
0x340: {  	v41 =	vld [tilespmem:s14+$0x86C0];
	v40 =	vadd.f32 v40, v42  }
0x341: {  	v44 =	vld [tilespmem:s14+$0x96C0]  }
0x342: {  	v59 =	vld [tilespmem:s14+$0xE6C0];
	v40 =	vmul.f32 $2.500000000e-01, v40  }
0x343: {  	v46 =	vld [tilespmem:s14+$0xA6C0]  }
0x344: {  	v35 =	vadd.f32 v38, v35;
	v45 =	vld [tilespmem:s14+$0xF6C0];
	[tilespmem:s12+$0x136C0] =	vst v40  }
0x345: {  	v60 =	vadd.f32 v43, v39;
	v61 =	vld [tilespmem:s14+$0xB6C0]  }
0x346: {  	v35 =	vadd.f32 v36, v35;
	v62 =	vadd.f32 v44, v41  }
0x347: {  	v38 =	vadd.f32 v59, v60  }
0x348: {  	v35 =	vadd.f32 v37, v35;
	v36 =	vadd.f32 v46, v62  }
0x349: {  	v63 =	vadd.f32 v45, v38  }
0x34a: {  	v35 =	vmul.f32 $2.500000000e-01, v35;
	v36 =	vadd.f32 v61, v36  }
0x34b: {  	v37 =	vmul.f32 $2.500000000e-01, v63  }
0x34c: {  	[tilespmem:s12+$0x126C0] =	vst v35;
	v39 =	vmul.f32 $2.500000000e-01, v36  }
0x34d: {  	[tilespmem:s14+$0x136C0] =	vst v37  }
0x34e: {  	s15 =	rddreg [dreg:$0xd];
	[tilespmem:s14+$0x126C0] =	vst v39;
	s14 =	simm.s32 $0x0  }
0x34f: {  	[hbm4b:s15+s14] =	stream.linear.scatter [tilespmem:s8], [sflag:$0x6], $0x2000, $0x38;
	[tilespmem:$0x146C0] =	vst v63  }
0x350: {  	_ =	swait.ge [sflag:s2], $0x200  }
0x351: {  	[sflag:s2] =	ssyncset.done $0x0  }
0x352: {  	[sflag:s2] =	ssyncadd.s32 $0xFFFFFE00  }
0x353: {  	v40 =	vld [tilespmem:$0x180]  }
0x354: {  	v41 =	vld [tilespmem:$0x190];
	_ =	sdelay $0x4  }
0x355: {  	vm0 =	vgt.s32 v24, v40;
	vm15 =	vgt.s32 v25, v41  }
0x356: {  	v42 =	vsel vm0, v40, v24;
	v35 =	vsel vm0, v24, v40;
	v36 =	vsel vm15, v25, v41  }
0x357: {  	v43 =	vsel vm15, v41, v25;
	v37 =	vshll.u32 v42, $0xA;
	v46 =	vand.u32 $0xF, v36  }
0x358: {  	v38 =	vshll.u32 v43, $0xA;
	v37 =	vadd.s32 v35, v37;
	v35 =	vand.u32 $0xF, v35;
	[tilespmem:$0x250] =	vst v46  }
0x359: {  	v44 =	vadd.s32 v36, v38;
	v37 =	vshra.s32 v37, $0x4;
	[tilespmem:$0x240] =	vst v35  }
0x35a: {  	v45 =	vshra.s32 v44, $0x4;
	[tilespmem:$0x200] =	vst v37  }
0x35b: {  	[tilespmem:$0x210] =	vst v45  }
0x35c: {  	[tilespmem:s26], [sflag:$0x1] =	stream.indirect.gather [hbm4b:s17+s24], $0x10, s25, s24, $0xb8;
	[tilespmem:$0x146C0] =	vst v63  }
0x35d: {  	v47 =	vld [tilespmem:$0x260];
	_ =	sdelay $0x4  }
0x35e: {  	v35 =	vadd.s32 v29, v47;
	_ =	sdelay $0x3  }
0x35f: {  	v48 =	vld [tilespmem:$0x160]  }
0x360: {  	v35 =	vld.idx.msk [tilespmem:v35+s30+$0x0], $0xffff;
	_ =	sdelay $0x4  }
0x361: {  	(xrf1) =	vsort.dscd.msk.f32 $0xffff, v35, v48;
	_ =	sdelay $0x5  }
0x362: {  	v49 =	vld [tilespmem:$0x270];
	_ =	sdelay $0x4  }
0x363: {  	v35 =	vadd.s32 v33, v49;
	_ =	sdelay $0x2  }
0x364: {  	_, v36, _ =	vpop (xrf1)  }
0x365: {  	v50 =	vld [tilespmem:$0x170];
	[tilespmem:$0x680] =	vst v36  }
0x366: {  	v35 =	vld.idx.msk [tilespmem:v35+s30+$0x0], $0xffff;
	_ =	sdelay $0x4  }
0x367: {  	(xrf1) =	vsort.dscd.msk.f32 $0xffff, v35, v50;
	_ =	sdelay $0xd  }
0x368: {  	_, v35, _ =	vpop (xrf1)  }
0x369: {  	[tilespmem:$0x690] =	vst v35  }
0x36a: {  	v35 =	vld.idx.msk [tilespmem:v34+s31+$0x0], $0xffff;
	_ =	sdelay $0x4  }
0x36b: {  	[tilespmem:$0x6B0] =	vst v35  }
0x36c: {  	[tilespmem:s4], [sflag:$0x4] =	stream.indirect.gather [hbm4b:s19+s18], $0x1000, s3, s18, $0xb8;
	[tilespmem:$0x146C0] =	vst v63  }
0x36d: {  	_ =	swait.ge [sflag:s5], $0x8000  }
0x36e: {  	[sflag:s5] =	ssyncset.done $0x0  }
0x36f: {  	[sflag:s5] =	ssyncadd.s32 $0xFFFF8000  }
0x370: {  	_ =	swait.ge [sflag:s9], $0x2000  }
0x371: {  	[sflag:s9] =	ssyncset.done $0x0  }
0x372: {  	s13 =	simm.s32 $0x0;
	[sflag:s9] =	ssyncadd.s32 $0xFFFFE000  }
0x373: {  	v51 =	vld [tilespmem:s13+$0x46C0]  }
0x374: {  	v52 =	vld [tilespmem:s13+$0x56C0]  }
0x375: {  	v53 =	vld [tilespmem:s13+$0x6C0]  }
0x376: {  	v54 =	vld [tilespmem:s13+$0x66C0]  }
0x377: {  	v55 =	vld [tilespmem:s13+$0x16C0]  }
0x378: {  	v56 =	vld [tilespmem:s13+$0x76C0]  }
0x379: {  	v57 =	vld [tilespmem:s13+$0x26C0];
	v35 =	vadd.f32 v52, v51  }
0x37a: {  	s12 =	simm.s32 $0x10;
	v58 =	vld [tilespmem:s13+$0x36C0]  }
0x37b: {  	v59 =	vld [tilespmem:s12+$0x46C0];
	v36 =	vadd.f32 v54, v35  }
0x37c: {  	v60 =	vld [tilespmem:s12+$0x56C0];
	v37 =	vadd.f32 v55, v53  }
0x37d: {  	v61 =	vld [tilespmem:s12+$0x66C0];
	v36 =	vadd.f32 v56, v36  }
0x37e: {  	v38 =	vld [tilespmem:s12+$0x16C0];
	v37 =	vadd.f32 v57, v37  }
0x37f: {  	v35 =	vld [tilespmem:s12+$0x6C0];
	v62 =	vmul.f32 $2.500000000e-01, v36  }
0x380: {  	v40 =	vld [tilespmem:s12+$0x76C0];
	v41 =	vadd.f32 v58, v37  }
0x381: {  	v63 =	vadd.f32 v60, v59;
	v36 =	vld [tilespmem:s12+$0x26C0];
	[tilespmem:s13+$0x116C0] =	vst v62  }
0x382: {  	s14 =	simm.s32 $0x20;
	v41 =	vmul.f32 $2.500000000e-01, v41;
	v37 =	vld [tilespmem:s12+$0x36C0]  }
0x383: {  	s15 =	simm.s32 $0xC0;
	v42 =	vadd.f32 v61, v63;
	v39 =	vld [tilespmem:s14+$0x46C0]  }
.LBB2_22:
0x384: {  	p0 =	sne.s32 s15, $0x3FC0;
	v43 =	vld [tilespmem:s14+$0x56C0];
	v38 =	vadd.f32 v38, v35;
	[tilespmem:s13+$0x106C0] =	vst v41;
	s13 =	smov.u32 s12;
	s12 =	smov.u32 s14  }
0x385: {  	v35 =	vld [tilespmem:s12+$0x6C0];
	v40 =	vadd.f32 v40, v42  }
0x386: {  	v42 =	vld [tilespmem:s12+$0x66C0];
	v36 =	vadd.f32 v36, v38  }
.Ltmp10:
0x387: {  	v38 =	vld [tilespmem:s12+$0x16C0];
	v41 =	vmul.f32 $2.500000000e-01, v40;
	(pc) =	sbr.rel @p0 .LBB2_22-.Ltmp10, $4  }
0x388: {  	v40 =	vld [tilespmem:s12+$0x76C0];
	v44 =	vadd.f32 v37, v36  }
0x389: {  	v36 =	vld [tilespmem:s12+$0x26C0];
	v43 =	vadd.f32 v43, v39;
	[tilespmem:s13+$0x116C0] =	vst v41  }
0x38a: {  	s14 =	sshra.s32 s15, $0x2;
	v37 =	vld [tilespmem:s12+$0x36C0];
	v41 =	vmul.f32 $2.500000000e-01, v44  }
0x38b: {  	s15 =	sadd.s32 $0x40, s15;
	v39 =	vld [tilespmem:s14+$0x46C0];
	v42 =	vadd.f32 v42, v43  }
0x38c: {  	v43 =	vld [tilespmem:s14+$0x56C0];
	[tilespmem:s13+$0x106C0] =	vst v41  }
0x38d: {  	v41 =	vld [tilespmem:s14+$0x6C0];
	v40 =	vadd.f32 v40, v42  }
0x38e: {  	v44 =	vld [tilespmem:s14+$0x16C0]  }
0x38f: {  	v59 =	vld [tilespmem:s14+$0x66C0];
	v40 =	vmul.f32 $2.500000000e-01, v40  }
0x390: {  	v46 =	vld [tilespmem:s14+$0x26C0]  }
0x391: {  	v35 =	vadd.f32 v38, v35;
	v45 =	vld [tilespmem:s14+$0x76C0];
	[tilespmem:s12+$0x116C0] =	vst v40  }
0x392: {  	v60 =	vadd.f32 v43, v39;
	v61 =	vld [tilespmem:s14+$0x36C0]  }
0x393: {  	v35 =	vadd.f32 v36, v35;
	v62 =	vadd.f32 v44, v41  }
0x394: {  	v38 =	vadd.f32 v59, v60  }
0x395: {  	v35 =	vadd.f32 v37, v35;
	v36 =	vadd.f32 v46, v62  }
0x396: {  	v63 =	vadd.f32 v45, v38  }
0x397: {  	v35 =	vmul.f32 $2.500000000e-01, v35;
	v36 =	vadd.f32 v61, v36  }
0x398: {  	v37 =	vmul.f32 $2.500000000e-01, v63  }
0x399: {  	[tilespmem:s12+$0x106C0] =	vst v35;
	v39 =	vmul.f32 $2.500000000e-01, v36  }
0x39a: {  	[tilespmem:s14+$0x116C0] =	vst v37  }
0x39b: {  	s15 =	rddreg [dreg:$0xe];
	[tilespmem:s14+$0x106C0] =	vst v39;
	s14 =	simm.s32 $0x0  }
0x39c: {  	[hbm4b:s15+s14] =	stream.linear.scatter [tilespmem:s6], [sflag:$0x5], $0x2000, $0x38;
	[tilespmem:$0x146C0] =	vst v63  }
0x39d: {  	_ =	swait.ge [sflag:s28], $0x200  }
0x39e: {  	[sflag:s28] =	ssyncset.done $0x0  }
0x39f: {  	[sflag:s28] =	ssyncadd.s32 $0xFFFFFE00  }
0x3a0: {  	v40 =	vld [tilespmem:$0x1A0]  }
0x3a1: {  	v41 =	vld [tilespmem:$0x1B0];
	_ =	sdelay $0x4  }
0x3a2: {  	vm0 =	vgt.s32 v26, v40;
	vm15 =	vgt.s32 v27, v41  }
0x3a3: {  	v42 =	vsel vm0, v40, v26;
	v35 =	vsel vm0, v26, v40;
	v36 =	vsel vm15, v27, v41  }
0x3a4: {  	v43 =	vsel vm15, v41, v27;
	v37 =	vshll.u32 v42, $0xA;
	v46 =	vand.u32 $0xF, v36  }
0x3a5: {  	v38 =	vshll.u32 v43, $0xA;
	v37 =	vadd.s32 v35, v37;
	v35 =	vand.u32 $0xF, v35;
	[tilespmem:$0x270] =	vst v46  }
0x3a6: {  	v44 =	vadd.s32 v36, v38;
	v37 =	vshra.s32 v37, $0x4;
	[tilespmem:$0x260] =	vst v35  }
0x3a7: {  	v45 =	vshra.s32 v44, $0x4;
	[tilespmem:$0x220] =	vst v37  }
0x3a8: {  	[tilespmem:$0x230] =	vst v45  }
0x3a9: {  	[tilespmem:s30], [sflag:$0x2] =	stream.indirect.gather [hbm4b:s17+s24], $0x10, s29, s24, $0xb8;
	[tilespmem:$0x146C0] =	vst v63  }
0x3aa: {  	v47 =	vld [tilespmem:$0x240];
	_ =	sdelay $0x4  }
0x3ab: {  	v35 =	vadd.s32 v29, v47;
	_ =	sdelay $0x3  }
0x3ac: {  	v48 =	vld [tilespmem:$0x180]  }
0x3ad: {  	v35 =	vld.idx.msk [tilespmem:v35+s26+$0x0], $0xffff;
	_ =	sdelay $0x4  }
0x3ae: {  	(xrf1) =	vsort.dscd.msk.f32 $0xffff, v35, v48;
	_ =	sdelay $0x5  }
0x3af: {  	v49 =	vld [tilespmem:$0x250];
	_ =	sdelay $0x4  }
0x3b0: {  	v35 =	vadd.s32 v33, v49;
	_ =	sdelay $0x2  }
0x3b1: {  	_, v36, _ =	vpop (xrf1)  }
0x3b2: {  	v50 =	vld [tilespmem:$0x190];
	[tilespmem:$0x680] =	vst v36  }
0x3b3: {  	v35 =	vld.idx.msk [tilespmem:v35+s26+$0x0], $0xffff;
	_ =	sdelay $0x4  }
0x3b4: {  	(xrf1) =	vsort.dscd.msk.f32 $0xffff, v35, v50;
	_ =	sdelay $0xd  }
0x3b5: {  	_, v35, _ =	vpop (xrf1)  }
0x3b6: {  	[tilespmem:$0x690] =	vst v35  }
0x3b7: {  	v35 =	vld.idx.msk [tilespmem:v34+s31+$0x0], $0xffff;
	_ =	sdelay $0x4  }
0x3b8: {  	[tilespmem:$0x6A0] =	vst v35  }
0x3b9: {  	[tilespmem:s1], [sflag:$0x3] =	stream.indirect.gather [hbm4b:s19+s18], $0x1000, s0, s18, $0xb8;
	[tilespmem:$0x146C0] =	vst v63  }
0x3ba: {  	_ =	swait.ge [sflag:s7], $0x8000  }
0x3bb: {  	[sflag:s7] =	ssyncset.done $0x0  }
0x3bc: {  	[sflag:s7] =	ssyncadd.s32 $0xFFFF8000  }
0x3bd: {  	_ =	swait.ge [sflag:s10], $0x2000  }
0x3be: {  	[sflag:s10] =	ssyncset.done $0x0  }
0x3bf: {  	s13 =	simm.s32 $0x0;
	[sflag:s10] =	ssyncadd.s32 $0xFFFFE000  }
0x3c0: {  	v51 =	vld [tilespmem:s13+$0xC6C0]  }
0x3c1: {  	v52 =	vld [tilespmem:s13+$0xD6C0]  }
0x3c2: {  	v53 =	vld [tilespmem:s13+$0x86C0]  }
0x3c3: {  	v54 =	vld [tilespmem:s13+$0xE6C0]  }
0x3c4: {  	v55 =	vld [tilespmem:s13+$0x96C0]  }
0x3c5: {  	v56 =	vld [tilespmem:s13+$0xF6C0]  }
0x3c6: {  	v57 =	vld [tilespmem:s13+$0xA6C0];
	v35 =	vadd.f32 v52, v51  }
0x3c7: {  	s12 =	simm.s32 $0x10;
	v58 =	vld [tilespmem:s13+$0xB6C0]  }
0x3c8: {  	v59 =	vld [tilespmem:s12+$0xC6C0];
	v36 =	vadd.f32 v54, v35  }
0x3c9: {  	v60 =	vld [tilespmem:s12+$0xD6C0];
	v37 =	vadd.f32 v55, v53  }
0x3ca: {  	v61 =	vld [tilespmem:s12+$0xE6C0];
	v36 =	vadd.f32 v56, v36  }
0x3cb: {  	v38 =	vld [tilespmem:s12+$0x96C0];
	v37 =	vadd.f32 v57, v37  }
0x3cc: {  	v35 =	vld [tilespmem:s12+$0x86C0];
	v62 =	vmul.f32 $2.500000000e-01, v36  }
0x3cd: {  	v40 =	vld [tilespmem:s12+$0xF6C0];
	v41 =	vadd.f32 v58, v37  }
0x3ce: {  	v63 =	vadd.f32 v60, v59;
	v36 =	vld [tilespmem:s12+$0xA6C0];
	[tilespmem:s13+$0x136C0] =	vst v62  }
0x3cf: {  	s14 =	simm.s32 $0x20;
	v41 =	vmul.f32 $2.500000000e-01, v41;
	v37 =	vld [tilespmem:s12+$0xB6C0]  }
0x3d0: {  	s15 =	simm.s32 $0xC0;
	v42 =	vadd.f32 v61, v63;
	v39 =	vld [tilespmem:s14+$0xC6C0]  }
.LBB2_24:
0x3d1: {  	p0 =	sne.s32 s15, $0x3FC0;
	v43 =	vld [tilespmem:s14+$0xD6C0];
	v38 =	vadd.f32 v38, v35;
	[tilespmem:s13+$0x126C0] =	vst v41;
	s13 =	smov.u32 s12;
	s12 =	smov.u32 s14  }
0x3d2: {  	v35 =	vld [tilespmem:s12+$0x86C0];
	v40 =	vadd.f32 v40, v42  }
0x3d3: {  	v42 =	vld [tilespmem:s12+$0xE6C0];
	v36 =	vadd.f32 v36, v38  }
.Ltmp11:
0x3d4: {  	v38 =	vld [tilespmem:s12+$0x96C0];
	v41 =	vmul.f32 $2.500000000e-01, v40;
	(pc) =	sbr.rel @p0 .LBB2_24-.Ltmp11, $4  }
0x3d5: {  	v40 =	vld [tilespmem:s12+$0xF6C0];
	v44 =	vadd.f32 v37, v36  }
0x3d6: {  	v36 =	vld [tilespmem:s12+$0xA6C0];
	v43 =	vadd.f32 v43, v39;
	[tilespmem:s13+$0x136C0] =	vst v41  }
0x3d7: {  	s14 =	sshra.s32 s15, $0x2;
	v37 =	vld [tilespmem:s12+$0xB6C0];
	v41 =	vmul.f32 $2.500000000e-01, v44  }
0x3d8: {  	s15 =	sadd.s32 $0x40, s15;
	v39 =	vld [tilespmem:s14+$0xC6C0];
	v42 =	vadd.f32 v42, v43  }
0x3d9: {  	v43 =	vld [tilespmem:s14+$0xD6C0];
	[tilespmem:s13+$0x126C0] =	vst v41  }
0x3da: {  	v41 =	vld [tilespmem:s14+$0x86C0];
	v40 =	vadd.f32 v40, v42  }
0x3db: {  	v44 =	vld [tilespmem:s14+$0x96C0]  }
0x3dc: {  	v59 =	vld [tilespmem:s14+$0xE6C0];
	v40 =	vmul.f32 $2.500000000e-01, v40  }
0x3dd: {  	v46 =	vld [tilespmem:s14+$0xA6C0]  }
0x3de: {  	v35 =	vadd.f32 v38, v35;
	v45 =	vld [tilespmem:s14+$0xF6C0];
	[tilespmem:s12+$0x136C0] =	vst v40  }
0x3df: {  	v60 =	vadd.f32 v43, v39;
	v61 =	vld [tilespmem:s14+$0xB6C0]  }
0x3e0: {  	v35 =	vadd.f32 v36, v35;
	v62 =	vadd.f32 v44, v41  }
0x3e1: {  	v38 =	vadd.f32 v59, v60  }
0x3e2: {  	v35 =	vadd.f32 v37, v35;
	v36 =	vadd.f32 v46, v62  }
0x3e3: {  	v63 =	vadd.f32 v45, v38  }
0x3e4: {  	v35 =	vmul.f32 $2.500000000e-01, v35;
	v36 =	vadd.f32 v61, v36  }
0x3e5: {  	v37 =	vmul.f32 $2.500000000e-01, v63  }
0x3e6: {  	[tilespmem:s12+$0x126C0] =	vst v35;
	v39 =	vmul.f32 $2.500000000e-01, v36  }
0x3e7: {  	[tilespmem:s14+$0x136C0] =	vst v37  }
0x3e8: {  	s15 =	rddreg [dreg:$0xf];
	[tilespmem:s14+$0x126C0] =	vst v39;
	s14 =	simm.s32 $0x0  }
0x3e9: {  	[hbm4b:s15+s14] =	stream.linear.scatter [tilespmem:s8], [sflag:$0x6], $0x2000, $0x38;
	[tilespmem:$0x146C0] =	vst v63  }
0x3ea: {  	_ =	swait.ge [sflag:s2], $0x200  }
0x3eb: {  	[sflag:s2] =	ssyncset.done $0x0  }
0x3ec: {  	[sflag:s2] =	ssyncadd.s32 $0xFFFFFE00  }
0x3ed: {  	v40 =	vld [tilespmem:$0x1C0]  }
0x3ee: {  	v41 =	vld [tilespmem:$0x1D0];
	_ =	sdelay $0x4  }
0x3ef: {  	vm0 =	vgt.s32 v28, v40;
	vm15 =	vgt.s32 v30, v41  }
0x3f0: {  	v42 =	vsel vm0, v40, v28;
	v35 =	vsel vm0, v28, v40;
	v36 =	vsel vm15, v30, v41  }
0x3f1: {  	v43 =	vsel vm15, v41, v30;
	v37 =	vshll.u32 v42, $0xA;
	v46 =	vand.u32 $0xF, v36  }
0x3f2: {  	v38 =	vshll.u32 v43, $0xA;
	v37 =	vadd.s32 v35, v37;
	v35 =	vand.u32 $0xF, v35;
	[tilespmem:$0x250] =	vst v46  }
0x3f3: {  	v44 =	vadd.s32 v36, v38;
	v37 =	vshra.s32 v37, $0x4;
	[tilespmem:$0x240] =	vst v35  }
0x3f4: {  	v45 =	vshra.s32 v44, $0x4;
	[tilespmem:$0x200] =	vst v37  }
0x3f5: {  	[tilespmem:$0x210] =	vst v45  }
0x3f6: {  	[tilespmem:s26], [sflag:$0x1] =	stream.indirect.gather [hbm4b:s17+s24], $0x10, s25, s24, $0xb8;
	[tilespmem:$0x146C0] =	vst v63  }
0x3f7: {  	v47 =	vld [tilespmem:$0x260];
	_ =	sdelay $0x4  }
0x3f8: {  	v35 =	vadd.s32 v29, v47;
	_ =	sdelay $0x3  }
0x3f9: {  	v48 =	vld [tilespmem:$0x1A0]  }
0x3fa: {  	v35 =	vld.idx.msk [tilespmem:v35+s30+$0x0], $0xffff;
	_ =	sdelay $0x4  }
0x3fb: {  	(xrf1) =	vsort.dscd.msk.f32 $0xffff, v35, v48;
	_ =	sdelay $0x5  }
0x3fc: {  	v49 =	vld [tilespmem:$0x270];
	_ =	sdelay $0x4  }
0x3fd: {  	v35 =	vadd.s32 v33, v49;
	_ =	sdelay $0x2  }
0x3fe: {  	_, v36, _ =	vpop (xrf1)  }
0x3ff: {  	v50 =	vld [tilespmem:$0x1B0];
	[tilespmem:$0x680] =	vst v36  }
0x400: {  	v35 =	vld.idx.msk [tilespmem:v35+s30+$0x0], $0xffff;
	_ =	sdelay $0x4  }
0x401: {  	(xrf1) =	vsort.dscd.msk.f32 $0xffff, v35, v50;
	_ =	sdelay $0xd  }
0x402: {  	_, v35, _ =	vpop (xrf1)  }
0x403: {  	[tilespmem:$0x690] =	vst v35  }
0x404: {  	v35 =	vld.idx.msk [tilespmem:v34+s31+$0x0], $0xffff;
	_ =	sdelay $0x4  }
0x405: {  	[tilespmem:$0x6B0] =	vst v35  }
0x406: {  	[tilespmem:s4], [sflag:$0x4] =	stream.indirect.gather [hbm4b:s19+s18], $0x1000, s3, s18, $0xb8;
	[tilespmem:$0x146C0] =	vst v63  }
0x407: {  	_ =	swait.ge [sflag:s5], $0x8000  }
0x408: {  	[sflag:s5] =	ssyncset.done $0x0  }
0x409: {  	[sflag:s5] =	ssyncadd.s32 $0xFFFF8000  }
0x40a: {  	_ =	swait.ge [sflag:s9], $0x2000  }
0x40b: {  	[sflag:s9] =	ssyncset.done $0x0  }
0x40c: {  	s13 =	simm.s32 $0x0;
	[sflag:s9] =	ssyncadd.s32 $0xFFFFE000  }
0x40d: {  	v51 =	vld [tilespmem:s13+$0x46C0]  }
0x40e: {  	v52 =	vld [tilespmem:s13+$0x56C0]  }
0x40f: {  	v53 =	vld [tilespmem:s13+$0x6C0]  }
0x410: {  	v54 =	vld [tilespmem:s13+$0x66C0]  }
0x411: {  	v55 =	vld [tilespmem:s13+$0x16C0]  }
0x412: {  	v56 =	vld [tilespmem:s13+$0x76C0]  }
0x413: {  	v57 =	vld [tilespmem:s13+$0x26C0];
	v35 =	vadd.f32 v52, v51  }
0x414: {  	s12 =	simm.s32 $0x10;
	v58 =	vld [tilespmem:s13+$0x36C0]  }
0x415: {  	v59 =	vld [tilespmem:s12+$0x46C0];
	v36 =	vadd.f32 v54, v35  }
0x416: {  	v60 =	vld [tilespmem:s12+$0x56C0];
	v37 =	vadd.f32 v55, v53  }
0x417: {  	v61 =	vld [tilespmem:s12+$0x66C0];
	v36 =	vadd.f32 v56, v36  }
0x418: {  	v38 =	vld [tilespmem:s12+$0x16C0];
	v37 =	vadd.f32 v57, v37  }
0x419: {  	v35 =	vld [tilespmem:s12+$0x6C0];
	v62 =	vmul.f32 $2.500000000e-01, v36  }
0x41a: {  	v40 =	vld [tilespmem:s12+$0x76C0];
	v41 =	vadd.f32 v58, v37  }
0x41b: {  	v63 =	vadd.f32 v60, v59;
	v36 =	vld [tilespmem:s12+$0x26C0];
	[tilespmem:s13+$0x116C0] =	vst v62  }
0x41c: {  	s14 =	simm.s32 $0x20;
	v41 =	vmul.f32 $2.500000000e-01, v41;
	v37 =	vld [tilespmem:s12+$0x36C0]  }
0x41d: {  	s15 =	simm.s32 $0xC0;
	v42 =	vadd.f32 v61, v63;
	v39 =	vld [tilespmem:s14+$0x46C0]  }
.LBB2_26:
0x41e: {  	p0 =	sne.s32 s15, $0x3FC0;
	v43 =	vld [tilespmem:s14+$0x56C0];
	v38 =	vadd.f32 v38, v35;
	[tilespmem:s13+$0x106C0] =	vst v41;
	s13 =	smov.u32 s12;
	s12 =	smov.u32 s14  }
0x41f: {  	v35 =	vld [tilespmem:s12+$0x6C0];
	v40 =	vadd.f32 v40, v42  }
0x420: {  	v42 =	vld [tilespmem:s12+$0x66C0];
	v36 =	vadd.f32 v36, v38  }
.Ltmp12:
0x421: {  	v38 =	vld [tilespmem:s12+$0x16C0];
	v41 =	vmul.f32 $2.500000000e-01, v40;
	(pc) =	sbr.rel @p0 .LBB2_26-.Ltmp12, $4  }
0x422: {  	v40 =	vld [tilespmem:s12+$0x76C0];
	v44 =	vadd.f32 v37, v36  }
0x423: {  	v36 =	vld [tilespmem:s12+$0x26C0];
	v43 =	vadd.f32 v43, v39;
	[tilespmem:s13+$0x116C0] =	vst v41  }
0x424: {  	s14 =	sshra.s32 s15, $0x2;
	v37 =	vld [tilespmem:s12+$0x36C0];
	v41 =	vmul.f32 $2.500000000e-01, v44  }
0x425: {  	s15 =	sadd.s32 $0x40, s15;
	v39 =	vld [tilespmem:s14+$0x46C0];
	v42 =	vadd.f32 v42, v43  }
0x426: {  	v43 =	vld [tilespmem:s14+$0x56C0];
	[tilespmem:s13+$0x106C0] =	vst v41  }
0x427: {  	v41 =	vld [tilespmem:s14+$0x6C0];
	v40 =	vadd.f32 v40, v42  }
0x428: {  	v44 =	vld [tilespmem:s14+$0x16C0]  }
0x429: {  	v59 =	vld [tilespmem:s14+$0x66C0];
	v40 =	vmul.f32 $2.500000000e-01, v40  }
0x42a: {  	v46 =	vld [tilespmem:s14+$0x26C0]  }
0x42b: {  	v35 =	vadd.f32 v38, v35;
	v45 =	vld [tilespmem:s14+$0x76C0];
	[tilespmem:s12+$0x116C0] =	vst v40  }
0x42c: {  	v60 =	vadd.f32 v43, v39;
	v61 =	vld [tilespmem:s14+$0x36C0]  }
0x42d: {  	v35 =	vadd.f32 v36, v35;
	v62 =	vadd.f32 v44, v41  }
0x42e: {  	v38 =	vadd.f32 v59, v60  }
0x42f: {  	v35 =	vadd.f32 v37, v35;
	v36 =	vadd.f32 v46, v62  }
0x430: {  	v63 =	vadd.f32 v45, v38  }
0x431: {  	v35 =	vmul.f32 $2.500000000e-01, v35;
	v36 =	vadd.f32 v61, v36  }
0x432: {  	v37 =	vmul.f32 $2.500000000e-01, v63  }
0x433: {  	[tilespmem:s12+$0x106C0] =	vst v35;
	v39 =	vmul.f32 $2.500000000e-01, v36  }
0x434: {  	[tilespmem:s14+$0x116C0] =	vst v37  }
0x435: {  	s15 =	rddreg [dreg:$0x10];
	[tilespmem:s14+$0x106C0] =	vst v39;
	s14 =	simm.s32 $0x0  }
0x436: {  	[hbm4b:s15+s14] =	stream.linear.scatter [tilespmem:s6], [sflag:$0x5], $0x2000, $0x38;
	[tilespmem:$0x146C0] =	vst v63  }
0x437: {  	_ =	swait.ge [sflag:s28], $0x200  }
0x438: {  	[sflag:s28] =	ssyncset.done $0x0  }
0x439: {  	[sflag:s28] =	ssyncadd.s32 $0xFFFFFE00  }
0x43a: {  	v40 =	vld [tilespmem:$0x1E0]  }
0x43b: {  	v41 =	vld [tilespmem:$0x1F0];
	_ =	sdelay $0x4  }
0x43c: {  	vm0 =	vgt.s32 v31, v40;
	vm15 =	vgt.s32 v32, v41  }
0x43d: {  	v42 =	vsel vm0, v40, v31;
	v35 =	vsel vm0, v31, v40;
	v36 =	vsel vm15, v32, v41  }
0x43e: {  	v43 =	vsel vm15, v41, v32;
	v37 =	vshll.u32 v42, $0xA;
	v46 =	vand.u32 $0xF, v36  }
0x43f: {  	v38 =	vshll.u32 v43, $0xA;
	v37 =	vadd.s32 v35, v37;
	v35 =	vand.u32 $0xF, v35;
	[tilespmem:$0x270] =	vst v46  }
0x440: {  	v44 =	vadd.s32 v36, v38;
	v37 =	vshra.s32 v37, $0x4;
	[tilespmem:$0x260] =	vst v35  }
0x441: {  	v45 =	vshra.s32 v44, $0x4;
	[tilespmem:$0x220] =	vst v37  }
0x442: {  	[tilespmem:$0x230] =	vst v45  }
0x443: {  	[tilespmem:s30], [sflag:$0x2] =	stream.indirect.gather [hbm4b:s17+s24], $0x10, s29, s24, $0xb8;
	[tilespmem:$0x146C0] =	vst v63  }
0x444: {  	v47 =	vld [tilespmem:$0x240];
	_ =	sdelay $0x4  }
0x445: {  	v35 =	vadd.s32 v29, v47;
	_ =	sdelay $0x3  }
0x446: {  	v48 =	vld [tilespmem:$0x1C0]  }
0x447: {  	v35 =	vld.idx.msk [tilespmem:v35+s26+$0x0], $0xffff;
	_ =	sdelay $0x4  }
0x448: {  	(xrf1) =	vsort.dscd.msk.f32 $0xffff, v35, v48;
	_ =	sdelay $0x5  }
0x449: {  	v49 =	vld [tilespmem:$0x250];
	_ =	sdelay $0x4  }
0x44a: {  	v35 =	vadd.s32 v33, v49;
	_ =	sdelay $0x2  }
0x44b: {  	_, v36, _ =	vpop (xrf1)  }
0x44c: {  	v50 =	vld [tilespmem:$0x1D0];
	[tilespmem:$0x680] =	vst v36  }
0x44d: {  	v35 =	vld.idx.msk [tilespmem:v35+s26+$0x0], $0xffff;
	_ =	sdelay $0x4  }
0x44e: {  	(xrf1) =	vsort.dscd.msk.f32 $0xffff, v35, v50;
	_ =	sdelay $0xd  }
0x44f: {  	_, v35, _ =	vpop (xrf1)  }
0x450: {  	[tilespmem:$0x690] =	vst v35  }
0x451: {  	v35 =	vld.idx.msk [tilespmem:v34+s31+$0x0], $0xffff;
	_ =	sdelay $0x4  }
0x452: {  	[tilespmem:$0x6A0] =	vst v35  }
0x453: {  	[tilespmem:s1], [sflag:$0x3] =	stream.indirect.gather [hbm4b:s19+s18], $0x1000, s0, s18, $0xb8;
	[tilespmem:$0x146C0] =	vst v63  }
0x454: {  	_ =	swait.ge [sflag:s7], $0x8000  }
0x455: {  	[sflag:s7] =	ssyncset.done $0x0  }
0x456: {  	[sflag:s7] =	ssyncadd.s32 $0xFFFF8000  }
0x457: {  	_ =	swait.ge [sflag:s10], $0x2000  }
0x458: {  	[sflag:s10] =	ssyncset.done $0x0  }
0x459: {  	s13 =	simm.s32 $0x0;
	[sflag:s10] =	ssyncadd.s32 $0xFFFFE000  }
0x45a: {  	v51 =	vld [tilespmem:s13+$0xC6C0]  }
0x45b: {  	v52 =	vld [tilespmem:s13+$0xD6C0]  }
0x45c: {  	v53 =	vld [tilespmem:s13+$0x86C0]  }
0x45d: {  	v54 =	vld [tilespmem:s13+$0xE6C0]  }
0x45e: {  	v55 =	vld [tilespmem:s13+$0x96C0]  }
0x45f: {  	v56 =	vld [tilespmem:s13+$0xF6C0]  }
0x460: {  	v57 =	vld [tilespmem:s13+$0xA6C0];
	v35 =	vadd.f32 v52, v51  }
0x461: {  	s12 =	simm.s32 $0x10;
	v58 =	vld [tilespmem:s13+$0xB6C0]  }
0x462: {  	v59 =	vld [tilespmem:s12+$0xC6C0];
	v36 =	vadd.f32 v54, v35  }
0x463: {  	v60 =	vld [tilespmem:s12+$0xD6C0];
	v37 =	vadd.f32 v55, v53  }
0x464: {  	v61 =	vld [tilespmem:s12+$0xE6C0];
	v36 =	vadd.f32 v56, v36  }
0x465: {  	v38 =	vld [tilespmem:s12+$0x96C0];
	v37 =	vadd.f32 v57, v37  }
0x466: {  	v35 =	vld [tilespmem:s12+$0x86C0];
	v62 =	vmul.f32 $2.500000000e-01, v36  }
0x467: {  	v40 =	vld [tilespmem:s12+$0xF6C0];
	v41 =	vadd.f32 v58, v37  }
0x468: {  	v63 =	vadd.f32 v60, v59;
	v36 =	vld [tilespmem:s12+$0xA6C0];
	[tilespmem:s13+$0x136C0] =	vst v62  }
0x469: {  	s14 =	simm.s32 $0x20;
	v41 =	vmul.f32 $2.500000000e-01, v41;
	v37 =	vld [tilespmem:s12+$0xB6C0]  }
0x46a: {  	s15 =	simm.s32 $0xC0;
	v42 =	vadd.f32 v61, v63;
	v39 =	vld [tilespmem:s14+$0xC6C0]  }
.LBB2_28:
0x46b: {  	p0 =	sne.s32 s15, $0x3FC0;
	v43 =	vld [tilespmem:s14+$0xD6C0];
	v38 =	vadd.f32 v38, v35;
	[tilespmem:s13+$0x126C0] =	vst v41;
	s13 =	smov.u32 s12;
	s12 =	smov.u32 s14  }
0x46c: {  	v35 =	vld [tilespmem:s12+$0x86C0];
	v40 =	vadd.f32 v40, v42  }
0x46d: {  	v42 =	vld [tilespmem:s12+$0xE6C0];
	v36 =	vadd.f32 v36, v38  }
.Ltmp13:
0x46e: {  	v38 =	vld [tilespmem:s12+$0x96C0];
	v41 =	vmul.f32 $2.500000000e-01, v40;
	(pc) =	sbr.rel @p0 .LBB2_28-.Ltmp13, $4  }
0x46f: {  	v40 =	vld [tilespmem:s12+$0xF6C0];
	v44 =	vadd.f32 v37, v36  }
0x470: {  	v36 =	vld [tilespmem:s12+$0xA6C0];
	v43 =	vadd.f32 v43, v39;
	[tilespmem:s13+$0x136C0] =	vst v41  }
0x471: {  	s14 =	sshra.s32 s15, $0x2;
	v37 =	vld [tilespmem:s12+$0xB6C0];
	v41 =	vmul.f32 $2.500000000e-01, v44  }
0x472: {  	s15 =	sadd.s32 $0x40, s15;
	v39 =	vld [tilespmem:s14+$0xC6C0];
	v42 =	vadd.f32 v42, v43  }
0x473: {  	v43 =	vld [tilespmem:s14+$0xD6C0];
	[tilespmem:s13+$0x126C0] =	vst v41  }
0x474: {  	v41 =	vld [tilespmem:s14+$0x86C0];
	v40 =	vadd.f32 v40, v42  }
0x475: {  	v44 =	vld [tilespmem:s14+$0x96C0]  }
0x476: {  	v62 =	vld [tilespmem:s14+$0xE6C0];
	v40 =	vmul.f32 $2.500000000e-01, v40  }
0x477: {  	v46 =	vld [tilespmem:s14+$0xA6C0]  }
0x478: {  	v35 =	vadd.f32 v38, v35;
	v45 =	vld [tilespmem:s14+$0xF6C0];
	[tilespmem:s12+$0x136C0] =	vst v40  }
0x479: {  	v63 =	vadd.f32 v43, v39;
	v43 =	vld [tilespmem:s14+$0xB6C0]  }
0x47a: {  	v35 =	vadd.f32 v36, v35;
	v44 =	vadd.f32 v44, v41  }
0x47b: {  	v38 =	vadd.f32 v62, v63  }
0x47c: {  	v35 =	vadd.f32 v37, v35;
	v36 =	vadd.f32 v46, v44  }
0x47d: {  	v45 =	vadd.f32 v45, v38  }
0x47e: {  	v35 =	vmul.f32 $2.500000000e-01, v35;
	v36 =	vadd.f32 v43, v36  }
0x47f: {  	v37 =	vmul.f32 $2.500000000e-01, v45  }
0x480: {  	[tilespmem:s12+$0x126C0] =	vst v35;
	v46 =	vmul.f32 $2.500000000e-01, v36  }
0x481: {  	[tilespmem:s14+$0x136C0] =	vst v37  }
0x482: {  	s15 =	rddreg [dreg:$0x11];
	[tilespmem:s14+$0x126C0] =	vst v46;
	s14 =	simm.s32 $0x0  }
0x483: {  	[hbm4b:s15+s14] =	stream.linear.scatter [tilespmem:s8], [sflag:$0x6], $0x2000, $0x38;
	[tilespmem:$0x146C0] =	vst v63  }
0x484: {  	_ =	swait.ge [sflag:s2], $0x200  }
0x485: {  	[sflag:s2] =	ssyncset.done $0x0  }
0x486: {  	[sflag:s2] =	ssyncadd.s32 $0xFFFFFE00  }
0x487: {  	v47 =	vld [tilespmem:$0x260];
	_ =	sdelay $0x4  }
0x488: {  	v35 =	vadd.s32 v29, v47;
	_ =	sdelay $0x3  }
0x489: {  	v48 =	vld [tilespmem:$0x1E0]  }
0x48a: {  	v35 =	vld.idx.msk [tilespmem:v35+s30+$0x0], $0xffff;
	_ =	sdelay $0x4  }
0x48b: {  	(xrf1) =	vsort.dscd.msk.f32 $0xffff, v35, v48;
	_ =	sdelay $0x5  }
0x48c: {  	v49 =	vld [tilespmem:$0x270];
	_ =	sdelay $0x4  }
0x48d: {  	v35 =	vadd.s32 v33, v49;
	_ =	sdelay $0x2  }
0x48e: {  	_, v36, _ =	vpop (xrf1)  }
0x48f: {  	v50 =	vld [tilespmem:$0x1F0];
	[tilespmem:$0x680] =	vst v36  }
0x490: {  	v35 =	vld.idx.msk [tilespmem:v35+s30+$0x0], $0xffff;
	_ =	sdelay $0x4  }
0x491: {  	(xrf1) =	vsort.dscd.msk.f32 $0xffff, v35, v50;
	_ =	sdelay $0xd  }
0x492: {  	_, v35, _ =	vpop (xrf1)  }
0x493: {  	[tilespmem:$0x690] =	vst v35  }
0x494: {  	v35 =	vld.idx.msk [tilespmem:v34+s31+$0x0], $0xffff;
	_ =	sdelay $0x4  }
0x495: {  	[tilespmem:$0x6B0] =	vst v35  }
0x496: {  	[tilespmem:s4], [sflag:$0x4] =	stream.indirect.gather [hbm4b:s19+s18], $0x1000, s3, s18, $0xb8;
	[tilespmem:$0x146C0] =	vst v63  }
0x497: {  	_ =	swait.ge [sflag:s5], $0x8000  }
0x498: {  	[sflag:s5] =	ssyncset.done $0x0  }
0x499: {  	[sflag:s5] =	ssyncadd.s32 $0xFFFF8000  }
0x49a: {  	_ =	swait.ge [sflag:s9], $0x2000  }
0x49b: {  	[sflag:s9] =	ssyncset.done $0x0  }
0x49c: {  	s13 =	simm.s32 $0x0;
	[sflag:s9] =	ssyncadd.s32 $0xFFFFE000  }
0x49d: {  	v51 =	vld [tilespmem:s13+$0x46C0]  }
0x49e: {  	v52 =	vld [tilespmem:s13+$0x56C0]  }
0x49f: {  	v53 =	vld [tilespmem:s13+$0x6C0]  }
0x4a0: {  	v54 =	vld [tilespmem:s13+$0x66C0]  }
0x4a1: {  	v55 =	vld [tilespmem:s13+$0x16C0]  }
0x4a2: {  	v56 =	vld [tilespmem:s13+$0x76C0]  }
0x4a3: {  	v57 =	vld [tilespmem:s13+$0x26C0];
	v35 =	vadd.f32 v52, v51  }
0x4a4: {  	s12 =	simm.s32 $0x10;
	v58 =	vld [tilespmem:s13+$0x36C0]  }
0x4a5: {  	v59 =	vld [tilespmem:s12+$0x46C0];
	v36 =	vadd.f32 v54, v35  }
0x4a6: {  	v60 =	vld [tilespmem:s12+$0x56C0];
	v37 =	vadd.f32 v55, v53  }
0x4a7: {  	v61 =	vld [tilespmem:s12+$0x66C0];
	v36 =	vadd.f32 v56, v36  }
0x4a8: {  	v38 =	vld [tilespmem:s12+$0x16C0];
	v37 =	vadd.f32 v57, v37  }
0x4a9: {  	v35 =	vld [tilespmem:s12+$0x6C0];
	v62 =	vmul.f32 $2.500000000e-01, v36  }
0x4aa: {  	v40 =	vld [tilespmem:s12+$0x76C0];
	v41 =	vadd.f32 v58, v37  }
0x4ab: {  	v63 =	vadd.f32 v60, v59;
	v36 =	vld [tilespmem:s12+$0x26C0];
	[tilespmem:s13+$0x116C0] =	vst v62  }
0x4ac: {  	s14 =	simm.s32 $0x20;
	v41 =	vmul.f32 $2.500000000e-01, v41;
	v37 =	vld [tilespmem:s12+$0x36C0]  }
0x4ad: {  	s15 =	simm.s32 $0xC0;
	v42 =	vadd.f32 v61, v63;
	v39 =	vld [tilespmem:s14+$0x46C0]  }
.LBB2_30:
0x4ae: {  	p0 =	sne.s32 s15, $0x3FC0;
	v43 =	vld [tilespmem:s14+$0x56C0];
	v38 =	vadd.f32 v38, v35;
	[tilespmem:s13+$0x106C0] =	vst v41;
	s13 =	smov.u32 s12;
	s12 =	smov.u32 s14  }
0x4af: {  	v35 =	vld [tilespmem:s12+$0x6C0];
	v40 =	vadd.f32 v40, v42  }
0x4b0: {  	v42 =	vld [tilespmem:s12+$0x66C0];
	v36 =	vadd.f32 v36, v38  }
.Ltmp14:
0x4b1: {  	v38 =	vld [tilespmem:s12+$0x16C0];
	v41 =	vmul.f32 $2.500000000e-01, v40;
	(pc) =	sbr.rel @p0 .LBB2_30-.Ltmp14, $4  }
0x4b2: {  	v40 =	vld [tilespmem:s12+$0x76C0];
	v44 =	vadd.f32 v37, v36  }
0x4b3: {  	v36 =	vld [tilespmem:s12+$0x26C0];
	v43 =	vadd.f32 v43, v39;
	[tilespmem:s13+$0x116C0] =	vst v41  }
0x4b4: {  	s14 =	sshra.s32 s15, $0x2;
	v37 =	vld [tilespmem:s12+$0x36C0];
	v41 =	vmul.f32 $2.500000000e-01, v44  }
0x4b5: {  	s15 =	sadd.s32 $0x40, s15;
	v39 =	vld [tilespmem:s14+$0x46C0];
	v42 =	vadd.f32 v42, v43  }
0x4b6: {  	v43 =	vld [tilespmem:s14+$0x56C0];
	[tilespmem:s13+$0x106C0] =	vst v41  }
0x4b7: {  	v41 =	vld [tilespmem:s14+$0x6C0];
	v40 =	vadd.f32 v40, v42  }
0x4b8: {  	v44 =	vld [tilespmem:s14+$0x16C0]  }
0x4b9: {  	v63 =	vld [tilespmem:s14+$0x66C0];
	v40 =	vmul.f32 $2.500000000e-01, v40  }
0x4ba: {  	v46 =	vld [tilespmem:s14+$0x26C0]  }
0x4bb: {  	v35 =	vadd.f32 v38, v35;
	v45 =	vld [tilespmem:s14+$0x76C0];
	[tilespmem:s12+$0x116C0] =	vst v40  }
0x4bc: {  	v43 =	vadd.f32 v43, v39;
	v47 =	vld [tilespmem:s14+$0x36C0]  }
0x4bd: {  	v35 =	vadd.f32 v36, v35;
	v48 =	vadd.f32 v44, v41  }
0x4be: {  	v38 =	vadd.f32 v63, v43  }
0x4bf: {  	v35 =	vadd.f32 v37, v35;
	v36 =	vadd.f32 v46, v48  }
0x4c0: {  	v49 =	vadd.f32 v45, v38  }
0x4c1: {  	v35 =	vmul.f32 $2.500000000e-01, v35;
	v36 =	vadd.f32 v47, v36  }
0x4c2: {  	v37 =	vmul.f32 $2.500000000e-01, v49  }
0x4c3: {  	[tilespmem:s12+$0x106C0] =	vst v35;
	v50 =	vmul.f32 $2.500000000e-01, v36  }
0x4c4: {  	[tilespmem:s14+$0x116C0] =	vst v37  }
0x4c5: {  	s15 =	simm.s32 $0x0;
	[tilespmem:s14+$0x106C0] =	vst v50  }
0x4c6: {  	[hbm4b:s16+s15] =	stream.linear.scatter [tilespmem:s6], [sflag:$0x5], $0x2000, $0x38;
	[tilespmem:$0x146C0] =	vst v63  }
0x4c7: {  	_ =	swait.ge [sflag:s7], $0x8000  }
0x4c8: {  	[sflag:s7] =	ssyncset.done $0x0  }
0x4c9: {  	[sflag:s7] =	ssyncadd.s32 $0xFFFF8000  }
0x4ca: {  	_ =	swait.ge [sflag:s10], $0x2000  }
0x4cb: {  	[sflag:s10] =	ssyncset.done $0x0  }
0x4cc: {  	s13 =	simm.s32 $0x0;
	[sflag:s10] =	ssyncadd.s32 $0xFFFFE000  }
0x4cd: {  	v51 =	vld [tilespmem:s13+$0xC6C0]  }
0x4ce: {  	v52 =	vld [tilespmem:s13+$0xD6C0]  }
0x4cf: {  	v53 =	vld [tilespmem:s13+$0x86C0]  }
0x4d0: {  	v54 =	vld [tilespmem:s13+$0xE6C0]  }
0x4d1: {  	v55 =	vld [tilespmem:s13+$0x96C0]  }
0x4d2: {  	v56 =	vld [tilespmem:s13+$0xF6C0]  }
0x4d3: {  	v57 =	vld [tilespmem:s13+$0xA6C0];
	v35 =	vadd.f32 v52, v51  }
0x4d4: {  	s12 =	simm.s32 $0x10;
	v58 =	vld [tilespmem:s13+$0xB6C0]  }
0x4d5: {  	v59 =	vld [tilespmem:s12+$0xC6C0];
	v36 =	vadd.f32 v54, v35  }
0x4d6: {  	v60 =	vld [tilespmem:s12+$0xD6C0];
	v37 =	vadd.f32 v55, v53  }
0x4d7: {  	v61 =	vld [tilespmem:s12+$0xE6C0];
	v36 =	vadd.f32 v56, v36  }
0x4d8: {  	v38 =	vld [tilespmem:s12+$0x96C0];
	v37 =	vadd.f32 v57, v37  }
0x4d9: {  	v35 =	vld [tilespmem:s12+$0x86C0];
	v62 =	vmul.f32 $2.500000000e-01, v36  }
0x4da: {  	v40 =	vld [tilespmem:s12+$0xF6C0];
	v41 =	vadd.f32 v58, v37  }
0x4db: {  	v63 =	vadd.f32 v60, v59;
	v36 =	vld [tilespmem:s12+$0xA6C0];
	[tilespmem:s13+$0x136C0] =	vst v62  }
0x4dc: {  	s14 =	simm.s32 $0x20;
	v41 =	vmul.f32 $2.500000000e-01, v41;
	v37 =	vld [tilespmem:s12+$0xB6C0]  }
0x4dd: {  	s15 =	simm.s32 $0xC0;
	v42 =	vadd.f32 v61, v63;
	v39 =	vld [tilespmem:s14+$0xC6C0]  }
.LBB2_32:
0x4de: {  	p0 =	sne.s32 s15, $0x3FC0;
	v43 =	vld [tilespmem:s14+$0xD6C0];
	v38 =	vadd.f32 v38, v35;
	[tilespmem:s13+$0x126C0] =	vst v41;
	s13 =	smov.u32 s12;
	s12 =	smov.u32 s14  }
0x4df: {  	v35 =	vld [tilespmem:s12+$0x86C0];
	v40 =	vadd.f32 v40, v42  }
0x4e0: {  	v42 =	vld [tilespmem:s12+$0xE6C0];
	v36 =	vadd.f32 v36, v38  }
.Ltmp15:
0x4e1: {  	v38 =	vld [tilespmem:s12+$0x96C0];
	v41 =	vmul.f32 $2.500000000e-01, v40;
	(pc) =	sbr.rel @p0 .LBB2_32-.Ltmp15, $4  }
0x4e2: {  	v40 =	vld [tilespmem:s12+$0xF6C0];
	v44 =	vadd.f32 v37, v36  }
0x4e3: {  	v36 =	vld [tilespmem:s12+$0xA6C0];
	v43 =	vadd.f32 v43, v39;
	[tilespmem:s13+$0x136C0] =	vst v41  }
0x4e4: {  	s14 =	sshra.s32 s15, $0x2;
	v37 =	vld [tilespmem:s12+$0xB6C0];
	v41 =	vmul.f32 $2.500000000e-01, v44  }
0x4e5: {  	s15 =	sadd.s32 $0x40, s15;
	v39 =	vld [tilespmem:s14+$0xC6C0];
	v42 =	vadd.f32 v42, v43  }
0x4e6: {  	v43 =	vld [tilespmem:s14+$0xD6C0];
	[tilespmem:s13+$0x126C0] =	vst v41  }
0x4e7: {  	v41 =	vld [tilespmem:s14+$0x86C0];
	v40 =	vadd.f32 v40, v42  }
0x4e8: {  	v44 =	vld [tilespmem:s14+$0x96C0]  }
0x4e9: {  	v58 =	vld [tilespmem:s14+$0xE6C0];
	v40 =	vmul.f32 $2.500000000e-01, v40  }
0x4ea: {  	v46 =	vld [tilespmem:s14+$0xA6C0]  }
0x4eb: {  	v35 =	vadd.f32 v38, v35;
	v45 =	vld [tilespmem:s14+$0xF6C0];
	[tilespmem:s12+$0x136C0] =	vst v40  }
0x4ec: {  	v59 =	vadd.f32 v43, v39;
	v60 =	vld [tilespmem:s14+$0xB6C0]  }
0x4ed: {  	v35 =	vadd.f32 v36, v35;
	v61 =	vadd.f32 v44, v41  }
0x4ee: {  	v38 =	vadd.f32 v58, v59  }
0x4ef: {  	v35 =	vadd.f32 v37, v35;
	v36 =	vadd.f32 v46, v61  }
0x4f0: {  	v62 =	vadd.f32 v45, v38  }
0x4f1: {  	v35 =	vmul.f32 $2.500000000e-01, v35;
	v36 =	vadd.f32 v60, v36  }
0x4f2: {  	v37 =	vmul.f32 $2.500000000e-01, v62  }
0x4f3: {  	[tilespmem:s12+$0x126C0] =	vst v35;
	v63 =	vmul.f32 $2.500000000e-01, v36  }
0x4f4: {  	[tilespmem:s14+$0x136C0] =	vst v37  }
0x4f5: {  	s11 =	sadd.s32 $0x1, s11;
	s12 =	simm.s32 $0x0;
	[tilespmem:s14+$0x126C0] =	vst v63  }
0x4f6: {  	[hbm4b:s20+s12] =	stream.linear.scatter [tilespmem:s8], [sflag:$0x6], $0x2000, $0x38;
	[tilespmem:$0x146C0] =	vst v63  }
0x4f7: {  	p0 =	sne.s32 s11, s22;
	_ =	swait.ge [sflag:s9], $0x2000  }
.Ltmp16:
0x4f8: {  	[sflag:s9] =	ssyncset.done $0x0;
	(pc) =	sbr.rel @p0 .LBB2_1-.Ltmp16, $4  }
0x4f9: {  	[sflag:s9] =	ssyncadd.s32 $0xFFFFE000  }
0x4fa: {  	_ =	swait.ge [sflag:s10], $0x2000  }
0x4fb: {  	[sflag:s10] =	ssyncset.done $0x0  }
0x4fc: {  	[sflag:s10] =	ssyncadd.s32 $0xFFFFE000  }
0x4fd: {  	_ =	sfence.sel $0x180000  }
0x4fe: {  	[bflag:$0x0] =	sbarrier.arrive $0xFFFF  }
0x4ff: {  	_ =	strace $0x90000047  }
0x500: {  	s0 =	stileid.u32;
	[bflag:$0x2] =	sbarrier.arrive $0xFFFF  }
0x501: {  	p0 =	sne.s32 s0, $0x0;
	s0 =	rddreg [dreg:$0x3]  }
0x502: {  	s0 =	sadd.s32 @!p0 $0x100000, s0  }
0x503: {  	[sflag:s0] =	ssyncadd.tile.s32 @!p0 $0x1;
	_ =	shalt  }
.Lfunc_end2:
_tile_overlayer_lowered:
.L_overlay_start_2:
0x504: {  	(tag) =	ssettag $0x2  }
0x505: {  	s0 =	rddreg [dreg:$0x0];
	s2 =	stileid.u32  }
0x506: {  	s1 =	rddreg [dreg:$0x1];
	p0 =	sne.s32 s2, $0x0  }
0x507: {  	s3 =	rddreg [dreg:$0x2];
	[bflag:$0x3] =	sbarrier.arrive $0xFFFF;
	s2 =	simm.s32 @!p0 $0x1C07  }
0x508: {  	[timem:s3], [sflag:s2] =	dma.local @!p0 [hbm:s0], s1  }
0x509: {  	s0 =	simm.s32 @!p0 $0x7  }
0x50a: {  	_ =	swait.ge @!p0 [sflag:s0], s1  }
0x50b: {  	s1 =	ssub.s32 @!p0 $0x0, s1;
	[sflag:s0] =	ssyncset.done @!p0 $0x0  }
0x50c: {  	[sflag:s0] =	ssyncadd.s32 @!p0 s1  }
0x50d: {  	[bflag:$0x3] =	sbarrier.arrive $0xFFFF  }
0x50e: {  	_ =	shalt  }

</sc_bundles>
